<compile_context>
chip_gen: v7x
topology: tpu7x:2x2x1
jax: 0.10.2.dev20260603
libtpu: 0.0.44.dev20260713+nightly
codegen_flags: <defaults>
</compile_context>

<pallas_src>
import functools

import jax
import jax.numpy as jnp
from jax import lax
from jax.experimental import pallas as pl
from jax.experimental.pallas import tpu as pltpu
from jax.experimental.pallas import tpu_sc as plsc

_NC = 2
_NS = 16
_K = 125


def _make_segsum(n, e, dw, with_deg=False):
    nw = _NC * _NS
    epw = e // nw
    nch = epw // _K
    assert nch % 4 == 0 and nch >= 8
    nps = (n // _NS) & ~7
    rem = n - nps * _NS
    mesh = plsc.VectorSubcoreMesh(core_axis_name="c", subcore_axis_name="s")

    out_type = [jax.ShapeDtypeStruct((_NC, n, dw), jnp.float32)]
    scratch = [
        [pltpu.VMEM((2, _K), jnp.int32)] * 4,
        [pltpu.VMEM((_K, dw), jnp.float32)] * 2,
        pltpu.VMEM_SHARED((n, dw), jnp.float32),
        [pltpu.SemaphoreType.DMA] * 4,
        [pltpu.SemaphoreType.DMA] * 2,
        [pltpu.SemaphoreType.DMA] * 2,
    ]
    if with_deg:
        out_type.append(jax.ShapeDtypeStruct((_NC, n, 16), jnp.float32))
        scratch += [
            pltpu.VMEM((_K, 16), jnp.float32),
            pltpu.VMEM((_K, 16), jnp.float32),
            pltpu.VMEM_SHARED((n, 16), jnp.float32),
            [pltpu.SemaphoreType.DMA] * 2,
        ]

    @functools.partial(
        pl.kernel,
        mesh=mesh,
        out_type=out_type,
        scratch_types=scratch,
        compiler_params=pltpu.CompilerParams(use_tc_tiling_on_sc=False),
    )
    def segsum(*args):
        if with_deg:
            (tab, eidx, out, outd, ebufs, rows, acc,
             isems, gsems, ssems, ones, z16, dacc, dsems) = args
        else:
            (tab, eidx, out, ebufs, rows, acc,
             isems, gsems, ssems) = args
            outd = ones = z16 = dacc = dsems = None
        cid = lax.axis_index("c")
        sid = lax.axis_index("s")
        wid = sid * _NC + cid

        def fill_zero(i, carry):
            for c in range(dw // 16):
                rows[0][i, pl.ds(c * 16, 16)] = jnp.zeros((16,), jnp.float32)
            return carry

        lax.fori_loop(0, _K, fill_zero, 0)
        if with_deg:
            def fill_ones(i, carry):
                ones[i, :] = jnp.ones((16,), jnp.float32)
                z16[i, :] = jnp.zeros((16,), jnp.float32)
                return carry

            lax.fori_loop(0, _K, fill_ones, 0)

        zb = (_K // 8) * 8

        def clear(base, count):
            off = 0
            while count > 0:
                step = min(zb, count)
                pltpu.sync_copy(rows[0].at[pl.ds(0, step)],
                                acc.at[pl.ds(base + off, step)])
                if with_deg:
                    pltpu.sync_copy(z16.at[pl.ds(0, step)],
                                    dacc.at[pl.ds(base + off, step)])
                off += step
                count -= step

        clear(sid * nps, nps)
        if rem:
            @pl.when(sid == _NS - 1)
            def _():
                clear(nps * _NS, rem)
        plsc.subcore_barrier()

        def idx_start(g, j):
            pltpu.async_copy(eidx.at[0, wid, g], ebufs[j].at[0], isems[j])
            pltpu.async_copy(eidx.at[1, wid, g], ebufs[j].at[1], isems[j])

        def idx_wait(g, j):
            pltpu.make_async_copy(eidx.at[0, wid, g], ebufs[j].at[0],
                                  isems[j]).wait()
            pltpu.make_async_copy(eidx.at[1, wid, g], ebufs[j].at[1],
                                  isems[j]).wait()

        def gat_start(j, b):
            pltpu.async_copy(tab.at[ebufs[j].at[0]], rows[b], gsems[b])

        def gat_wait(j, b):
            pltpu.make_async_copy(tab.at[ebufs[j].at[0]], rows[b],
                                  gsems[b]).wait()

        def sca_start(j, b):
            pltpu.async_copy(rows[b], acc.at[ebufs[j].at[1]], ssems[b],
                             add=True)
            if with_deg:
                pltpu.async_copy(ones, dacc.at[ebufs[j].at[1]], dsems[b],
                                 add=True)

        def sca_wait(j, b):
            pltpu.make_async_copy(rows[b], acc.at[ebufs[j].at[1]],
                                  ssems[b]).wait()
            if with_deg:
                pltpu.make_async_copy(ones, dacc.at[ebufs[j].at[1]],
                                      dsems[b]).wait()

        pltpu.sync_copy(eidx.at[0, wid, 0], ebufs[0].at[0])
        pltpu.sync_copy(eidx.at[1, wid, 0], ebufs[0].at[1])
        gat_start(0, 0)
        idx_start(1, 1)
        idx_start(2, 2)
        idx_wait(1, 1)
        gat_start(1, 1)
        idx_start(3, 3)
        gat_wait(0, 0)
        sca_start(0, 0)
        idx_wait(2, 2)
        sca_wait(0, 0)
        gat_start(2, 0)
        idx_start(4, 0)
        gat_wait(1, 1)
        sca_start(1, 1)
        idx_wait(3, 3)
        sca_wait(1, 1)
        gat_start(3, 1)
        idx_start(5, 1)
        gat_wait(2, 0)
        sca_start(2, 0)

        niter = (nch - 4) // 4

        def body(i, carry):
            g0 = i * 4 + 4
            for k in range(4):
                g = g0 + k
                j = k
                b = k % 2
                jp = (k + 3) % 4
                bp = (k + 1) % 2
                idx_wait(g, j)
                sca_wait((k + 2) % 4, b)
                gat_start(j, b)
                if k < 2:
                    idx_start(g + 2, (k + 2) % 4)
                else:
                    @pl.when(i < niter - 1)
                    def _(g=g, k=k):
                        idx_start(g + 2, (k + 2) % 4)
                gat_wait(jp, bp)
                sca_start(jp, bp)
            return carry

        lax.fori_loop(0, niter, body, 0)
        sca_wait(2, 0)
        gat_wait(3, 1)
        sca_start(3, 1)
        sca_wait(3, 1)
        plsc.subcore_barrier()
        pltpu.sync_copy(acc.at[pl.ds(sid * nps, nps)],
                        out.at[cid, pl.ds(sid * nps, nps)])
        if with_deg:
            pltpu.sync_copy(dacc.at[pl.ds(sid * nps, nps)],
                            outd.at[cid, pl.ds(sid * nps, nps)])
        if rem:
            @pl.when(sid == _NS - 1)
            def _():
                pltpu.sync_copy(acc.at[pl.ds(nps * _NS, rem)],
                                out.at[cid, pl.ds(nps * _NS, rem)])
                if with_deg:
                    pltpu.sync_copy(dacc.at[pl.ds(nps * _NS, rem)],
                                    outd.at[cid, pl.ds(nps * _NS, rem)])

    return segsum


def _dense1(P, Pd, x, W1l, W1r, b1, W2l, W2r, b2, blk=2000):
    n, d = x.shape
    h_dim = W1l.shape[1]
    c_dim = W2l.shape[1]
    dw = P.shape[2]
    grid = (n // blk,)

    def body(p_ref, pd_ref, x_ref, w1l, w1r, b1r, w2l, w2r, b2r, po, ro, io):
        s = p_ref[0] + p_ref[1]
        sd = pd_ref[0] + pd_ref[1]
        deg = jnp.maximum(sd[:, :1], 1.0)
        inv = 1.0 / deg
        agg = s * inv
        h = (jnp.dot(agg, w1l[...], preferred_element_type=jnp.float32)
             + jnp.dot(x_ref[...], w1r[...], preferred_element_type=jnp.float32)
             + b1r[...][None, :])
        h = jnp.maximum(h, 0.0)
        po[...] = jnp.dot(h, w2l[...], preferred_element_type=jnp.float32)
        ro[...] = (jnp.dot(h, w2r[...], preferred_element_type=jnp.float32)
                   + b2r[...][None, :])
        io[...] = jnp.broadcast_to(inv, (blk, 8))

    return pl.pallas_call(
        body,
        grid=grid,
        in_specs=[
            pl.BlockSpec((_NC, blk, dw), lambda i: (0, i, 0)),
            pl.BlockSpec((_NC, blk, 16), lambda i: (0, i, 0)),
            pl.BlockSpec((blk, d), lambda i: (i, 0)),
            pl.BlockSpec((d, h_dim), lambda i: (0, 0)),
            pl.BlockSpec((d, h_dim), lambda i: (0, 0)),
            pl.BlockSpec((h_dim,), lambda i: (0,)),
            pl.BlockSpec((h_dim, c_dim), lambda i: (0, 0)),
            pl.BlockSpec((h_dim, c_dim), lambda i: (0, 0)),
            pl.BlockSpec((c_dim,), lambda i: (0,)),
        ],
        out_specs=[
            pl.BlockSpec((blk, c_dim), lambda i: (i, 0)),
            pl.BlockSpec((blk, c_dim), lambda i: (i, 0)),
            pl.BlockSpec((blk, 8), lambda i: (i, 0)),
        ],
        out_shape=[
            jax.ShapeDtypeStruct((n, c_dim), jnp.float32),
            jax.ShapeDtypeStruct((n, c_dim), jnp.float32),
            jax.ShapeDtypeStruct((n, 8), jnp.float32),
        ],
    )(P, Pd, x, W1l, W1r, b1, W2l, W2r, b2)


def _dense2(P2, inv, r, blk=2000):
    n, c_dim = r.shape

    def body(p_ref, inv_ref, r_ref, o_ref):
        s = p_ref[0] + p_ref[1]
        z = s * inv_ref[:, :1] + r_ref[...]
        m = jnp.max(z, axis=1, keepdims=True)
        lse = jnp.log(jnp.sum(jnp.exp(z - m), axis=1, keepdims=True)) + m
        o_ref[...] = z - lse

    return pl.pallas_call(
        body,
        grid=(n // blk,),
        in_specs=[
            pl.BlockSpec((_NC, blk, c_dim), lambda i: (0, i, 0)),
            pl.BlockSpec((blk, 8), lambda i: (i, 0)),
            pl.BlockSpec((blk, c_dim), lambda i: (i, 0)),
        ],
        out_specs=pl.BlockSpec((blk, c_dim), lambda i: (i, 0)),
        out_shape=jax.ShapeDtypeStruct((n, c_dim), jnp.float32),
    )(P2, inv, r)


def kernel(x, edge_index, W1l, W1r, b1, W2l, W2r, b2):
    n, d = x.shape
    e = edge_index.shape[1]
    c_dim = W2l.shape[1]
    nw = _NC * _NS
    nch = e // nw // _K
    eidx = jnp.reshape(edge_index, (2, nw, nch, _K))

    P1, P1d = _make_segsum(n, e, d, with_deg=True)(x, eidx)
    p, r, inv = _dense1(P1, P1d, x, W1l, W1r, b1, W2l, W2r, b2)
    (P2,) = _make_segsum(n, e, c_dim)(p, eidx)
    return _dense2(P2, inv, r)

# --- scband reference (transcript-rebuilt; emitter-appended) ---
"""Pipeline reference for scband-sage-23055384445756 (READ-ONLY COPY).

The authoritative reference and input builder live on the scoring server;
editing this copy changes nothing except your own understanding.
"""

import jax, jax.numpy as jnp
import numpy as np

N = 10000
E = 320000
D = 128
H = 128
C = 64


def sage_conv(x, src, dst, Wl, Wr, b):
    # mean aggregation of neighbor features (PyG SAGEConv, aggr='mean')
    msg = x[src]                                             # gather  [E, d]
    agg = jax.ops.segment_sum(msg, dst, num_segments=N)      # scatter-add [N, d]
    deg = jax.ops.segment_sum(jnp.ones((src.shape[0],), x.dtype), dst, num_segments=N)
    agg = agg / jnp.clip(deg, 1.0)[:, None]
    # out = lin_l(agg) + lin_r(x); bias only on lin_l (PyG default)
    return agg @ Wl + x @ Wr + b


def setup_inputs(seed: int = 0) -> dict:
    key = jax.random.key(seed)
    ks = jax.random.split(key, 8)
    x = jax.random.normal(ks[0], (N, D), dtype=jnp.float32)
    edge_index = jax.random.randint(ks[1], (2, E), 0, N, dtype=jnp.int32)
    s1 = 1.0 / np.sqrt(D)
    s2 = 1.0 / np.sqrt(H)
    W1l = jax.random.uniform(ks[2], (D, H), jnp.float32, -s1, s1)
    W1r = jax.random.uniform(ks[3], (D, H), jnp.float32, -s1, s1)
    b1 = jnp.zeros((H,), jnp.float32)
    W2l = jax.random.uniform(ks[4], (H, C), jnp.float32, -s2, s2)
    W2r = jax.random.uniform(ks[5], (H, C), jnp.float32, -s2, s2)
    b2 = jnp.zeros((C,), jnp.float32)
    return {"x": x, "edge_index": edge_index, "W1l": W1l, "W1r": W1r, "b1": b1,
            "W2l": W2l, "W2r": W2r, "b2": b2}


def reference(x, edge_index, W1l, W1r, b1, W2l, W2r, b2):
    src, dst = edge_index[0], edge_index[1]
    h = sage_conv(x, src, dst, W1l, W1r, b1)
    h = jax.nn.relu(h)
    # dropout=0.0 -> identity
    out = sage_conv(h, src, dst, W2l, W2r, b2)
    return jax.nn.log_softmax(out, axis=1)

if __name__ == "__main__":
    import jax
    _d = setup_inputs()
    print(jax.jit(kernel)(*tuple(_d.values())))

</pallas_src>

<mosaic_0001>
#map = affine_map<(d0, d1) -> (0, 0)>
#map1 = affine_map<(d0, d1) -> (0, 0, 0, 0)>
#map2 = affine_map<(d0, d1) -> (0, 0, 0)>
module attributes {stable_mosaic.version = 14 : i64} {
  func.func @segsum(%arg0: i32, %arg1: i32, %arg2: memref<10000x128xf32, #tpu.memory_space<hbm>>, %arg3: memref<2x32x80x125xi32, #tpu.memory_space<hbm>>, %arg4: memref<2x10000x128xf32, #tpu.memory_space<hbm>>, %arg5: memref<2x10000x16xf32, #tpu.memory_space<hbm>>, %arg6: memref<2x125xi32, #tpu.memory_space<vmem>>, %arg7: memref<2x125xi32, #tpu.memory_space<vmem>>, %arg8: memref<2x125xi32, #tpu.memory_space<vmem>>, %arg9: memref<2x125xi32, #tpu.memory_space<vmem>>, %arg10: memref<125x128xf32, #tpu.memory_space<vmem>>, %arg11: memref<125x128xf32, #tpu.memory_space<vmem>>, %arg12: memref<10000x128xf32, #tpu.memory_space<vmem_shared>>, %arg13: memref<!tpu.dma_semaphore, #tpu.memory_space<semaphore_mem>>, %arg14: memref<!tpu.dma_semaphore, #tpu.memory_space<semaphore_mem>>, %arg15: memref<!tpu.dma_semaphore, #tpu.memory_space<semaphore_mem>>, %arg16: memref<!tpu.dma_semaphore, #tpu.memory_space<semaphore_mem>>, %arg17: memref<!tpu.dma_semaphore, #tpu.memory_space<semaphore_mem>>, %arg18: memref<!tpu.dma_semaphore, #tpu.memory_space<semaphore_mem>>, %arg19: memref<!tpu.dma_semaphore, #tpu.memory_space<semaphore_mem>>, %arg20: memref<!tpu.dma_semaphore, #tpu.memory_space<semaphore_mem>>, %arg21: memref<125x16xf32, #tpu.memory_space<vmem>>, %arg22: memref<125x16xf32, #tpu.memory_space<vmem>>, %arg23: memref<10000x16xf32, #tpu.memory_space<vmem_shared>>, %arg24: memref<!tpu.dma_semaphore, #tpu.memory_space<semaphore_mem>>, %arg25: memref<!tpu.dma_semaphore, #tpu.memory_space<semaphore_mem>>) attributes {dimension_semantics = [#tpu.dimension_semantics<core_parallel>, #tpu.dimension_semantics<subcore_parallel>], iteration_bounds = array<i64: 2, 16>, scalar_prefetch = 0 : i64, scratch_operands = 20 : i64, tpu.core_type = #tpu.core_type<sc_vector_subcore>, window_params = [{transform_indices = #map}, {transform_indices = #map1}, {transform_indices = #map2}, {transform_indices = #map2}]} {
    %mul3A = arith.constant 2 : i32
    %mul3A_0 = arith.muli %arg1, %mul3A : i32
    %add3A = arith.addi %mul3A_0, %arg0 : i32
    %scan3A = arith.constant 0 : i32
    %scan3A_1 = arith.constant 0 : i32
    %scan3A_2 = arith.constant 125 : i32
    %scan3A_3 = arith.addi %scan3A_1, %scan3A_2 : i32
    %scan3A_4 = arith.constant 1 : i32
    scf.for %scan3A_471 = %scan3A_1 to %scan3A_3 step %scan3A_4  : i32 {
      %broadcast_in_dim3A = arith.constant 0.000000e+00 : f32
      %broadcast_in_dim3A_472 = vector.broadcast %broadcast_in_dim3A : f32 to vector<16xf32>
      %swap3A = arith.index_cast %scan3A_471 : i32 to index
      %swap3A_473 = arith.constant 0 : index
      %swap3A_474 = tpu.vector_load %arg10[%swap3A, %swap3A_473] {strides = array<i32>} : memref<125x128xf32, #tpu.memory_space<vmem>>, vector<1x16xf32>,
      %swap3A_475 = vector.shape_cast %swap3A_474 : vector<1x16xf32> to vector<16xf32>
      %swap3A_476 = vector.shape_cast %broadcast_in_dim3A_472 : vector<16xf32> to vector<1x16xf32>
      tpu.vector_store %arg10[%swap3A, %swap3A_473], %swap3A_476 {strides = array<i32>} : memref<125x128xf32, #tpu.memory_space<vmem>>, vector<1x16xf32>,
      %broadcast_in_dim3A_477 = arith.constant 0.000000e+00 : f32
      %broadcast_in_dim3A_478 = vector.broadcast %broadcast_in_dim3A_477 : f32 to vector<16xf32>
      %swap3A_479 = arith.index_cast %scan3A_471 : i32 to index
      %swap3A_480 = arith.constant 16 : index
      %swap3A_481 = tpu.vector_load %arg10[%swap3A_479, %swap3A_480] {strides = array<i32>} : memref<125x128xf32, #tpu.memory_space<vmem>>, vector<1x16xf32>,
      %swap3A_482 = vector.shape_cast %swap3A_481 : vector<1x16xf32> to vector<16xf32>
      %swap3A_483 = vector.shape_cast %broadcast_in_dim3A_478 : vector<16xf32> to vector<1x16xf32>
      tpu.vector_store %arg10[%swap3A_479, %swap3A_480], %swap3A_483 {strides = array<i32>} : memref<125x128xf32, #tpu.memory_space<vmem>>, vector<1x16xf32>,
      %broadcast_in_dim3A_484 = arith.constant 0.000000e+00 : f32
      %broadcast_in_dim3A_485 = vector.broadcast %broadcast_in_dim3A_484 : f32 to vector<16xf32>
      %swap3A_486 = arith.index_cast %scan3A_471 : i32 to index
      %swap3A_487 = arith.constant 32 : index
      %swap3A_488 = tpu.vector_load %arg10[%swap3A_486, %swap3A_487] {strides = array<i32>} : memref<125x128xf32, #tpu.memory_space<vmem>>, vector<1x16xf32>,
      %swap3A_489 = vector.shape_cast %swap3A_488 : vector<1x16xf32> to vector<16xf32>
      %swap3A_490 = vector.shape_cast %broadcast_in_dim3A_485 : vector<16xf32> to vector<1x16xf32>
      tpu.vector_store %arg10[%swap3A_486, %swap3A_487], %swap3A_490 {strides = array<i32>} : memref<125x128xf32, #tpu.memory_space<vmem>>, vector<1x16xf32>,
      %broadcast_in_dim3A_491 = arith.constant 0.000000e+00 : f32
      %broadcast_in_dim3A_492 = vector.broadcast %broadcast_in_dim3A_491 : f32 to vector<16xf32>
      %swap3A_493 = arith.index_cast %scan3A_471 : i32 to index
      %swap3A_494 = arith.constant 48 : index
      %swap3A_495 = tpu.vector_load %arg10[%swap3A_493, %swap3A_494] {strides = array<i32>} : memref<125x128xf32, #tpu.memory_space<vmem>>, vector<1x16xf32>,
      %swap3A_496 = vector.shape_cast %swap3A_495 : vector<1x16xf32> to vector<16xf32>
      %swap3A_497 = vector.shape_cast %broadcast_in_dim3A_492 : vector<16xf32> to vector<1x16xf32>
      tpu.vector_store %arg10[%swap3A_493, %swap3A_494], %swap3A_497 {strides = array<i32>} : memref<125x128xf32, #tpu.memory_space<vmem>>, vector<1x16xf32>,
      %broadcast_in_dim3A_498 = arith.constant 0.000000e+00 : f32
      %broadcast_in_dim3A_499 = vector.broadcast %broadcast_in_dim3A_498 : f32 to vector<16xf32>
      %swap3A_500 = arith.index_cast %scan3A_471 : i32 to index
      %swap3A_501 = arith.constant 64 : index
      %swap3A_502 = tpu.vector_load %arg10[%swap3A_500, %swap3A_501] {strides = array<i32>} : memref<125x128xf32, #tpu.memory_space<vmem>>, vector<1x16xf32>,
      %swap3A_503 = vector.shape_cast %swap3A_502 : vector<1x16xf32> to vector<16xf32>
      %swap3A_504 = vector.shape_cast %broadcast_in_dim3A_499 : vector<16xf32> to vector<1x16xf32>
      tpu.vector_store %arg10[%swap3A_500, %swap3A_501], %swap3A_504 {strides = array<i32>} : memref<125x128xf32, #tpu.memory_space<vmem>>, vector<1x16xf32>,
      %broadcast_in_dim3A_505 = arith.constant 0.000000e+00 : f32
      %broadcast_in_dim3A_506 = vector.broadcast %broadcast_in_dim3A_505 : f32 to vector<16xf32>
      %swap3A_507 = arith.index_cast %scan3A_471 : i32 to index
      %swap3A_508 = arith.constant 80 : index
      %swap3A_509 = tpu.vector_load %arg10[%swap3A_507, %swap3A_508] {strides = array<i32>} : memref<125x128xf32, #tpu.memory_space<vmem>>, vector<1x16xf32>,
      %swap3A_510 = vector.shape_cast %swap3A_509 : vector<1x16xf32> to vector<16xf32>
      %swap3A_511 = vector.shape_cast %broadcast_in_dim3A_506 : vector<16xf32> to vector<1x16xf32>
      tpu.vector_store %arg10[%swap3A_507, %swap3A_508], %swap3A_511 {strides = array<i32>} : memref<125x128xf32, #tpu.memory_space<vmem>>, vector<1x16xf32>,
      %broadcast_in_dim3A_512 = arith.constant 0.000000e+00 : f32
      %broadcast_in_dim3A_513 = vector.broadcast %broadcast_in_dim3A_512 : f32 to vector<16xf32>
      %swap3A_514 = arith.index_cast %scan3A_471 : i32 to index
      %swap3A_515 = arith.constant 96 : index
      %swap3A_516 = tpu.vector_load %arg10[%swap3A_514, %swap3A_515] {strides = array<i32>} : memref<125x128xf32, #tpu.memory_space<vmem>>, vector<1x16xf32>,
      %swap3A_517 = vector.shape_cast %swap3A_516 : vector<1x16xf32> to vector<16xf32>
      %swap3A_518 = vector.shape_cast %broadcast_in_dim3A_513 : vector<16xf32> to vector<1x16xf32>
      tpu.vector_store %arg10[%swap3A_514, %swap3A_515], %swap3A_518 {strides = array<i32>} : memref<125x128xf32, #tpu.memory_space<vmem>>, vector<1x16xf32>,
      %broadcast_in_dim3A_519 = arith.constant 0.000000e+00 : f32
      %broadcast_in_dim3A_520 = vector.broadcast %broadcast_in_dim3A_519 : f32 to vector<16xf32>
      %swap3A_521 = arith.index_cast %scan3A_471 : i32 to index
      %swap3A_522 = arith.constant 112 : index
      %swap3A_523 = tpu.vector_load %arg10[%swap3A_521, %swap3A_522] {strides = array<i32>} : memref<125x128xf32, #tpu.memory_space<vmem>>, vector<1x16xf32>,
      %swap3A_524 = vector.shape_cast %swap3A_523 : vector<1x16xf32> to vector<16xf32>
      %swap3A_525 = vector.shape_cast %broadcast_in_dim3A_520 : vector<16xf32> to vector<1x16xf32>
      tpu.vector_store %arg10[%swap3A_521, %swap3A_522], %swap3A_525 {strides = array<i32>} : memref<125x128xf32, #tpu.memory_space<vmem>>, vector<1x16xf32>,
    }
    %scan3A_5 = arith.constant 125 : i32
    %scan3A_6 = arith.constant 0 : i32
    %scan3A_7 = arith.constant 0 : i32
    %scan3A_8 = arith.constant 125 : i32
    %scan3A_9 = arith.addi %scan3A_7, %scan3A_8 : i32
    %scan3A_10 = arith.constant 1 : i32
    scf.for %scan3A_471 = %scan3A_7 to %scan3A_9 step %scan3A_10  : i32 {
      %broadcast_in_dim3A = arith.constant 1.000000e+00 : f32
      %broadcast_in_dim3A_472 = vector.broadcast %broadcast_in_dim3A : f32 to vector<16xf32>
      %swap3A = arith.index_cast %scan3A_471 : i32 to index
      %swap3A_473 = arith.constant 0 : index
      %swap3A_474 = tpu.vector_load %arg21[%swap3A, %swap3A_473] {strides = array<i32>} : memref<125x16xf32, #tpu.memory_space<vmem>>, vector<1x16xf32>,
      %swap3A_475 = vector.shape_cast %swap3A_474 : vector<1x16xf32> to vector<16xf32>
      %swap3A_476 = vector.shape_cast %broadcast_in_dim3A_472 : vector<16xf32> to vector<1x16xf32>
      tpu.vector_store %arg21[%swap3A, %swap3A_473], %swap3A_476 {strides = array<i32>} : memref<125x16xf32, #tpu.memory_space<vmem>>, vector<1x16xf32>,
      %broadcast_in_dim3A_477 = arith.constant 0.000000e+00 : f32
      %broadcast_in_dim3A_478 = vector.broadcast %broadcast_in_dim3A_477 : f32 to vector<16xf32>
      %swap3A_479 = arith.index_cast %scan3A_471 : i32 to index
      %swap3A_480 = arith.constant 0 : index
      %swap3A_481 = tpu.vector_load %arg22[%swap3A_479, %swap3A_480] {strides = array<i32>} : memref<125x16xf32, #tpu.memory_space<vmem>>, vector<1x16xf32>,
      %swap3A_482 = vector.shape_cast %swap3A_481 : vector<1x16xf32> to vector<16xf32>
      %swap3A_483 = vector.shape_cast %broadcast_in_dim3A_478 : vector<16xf32> to vector<1x16xf32>
      tpu.vector_store %arg22[%swap3A_479, %swap3A_480], %swap3A_483 {strides = array<i32>} : memref<125x16xf32, #tpu.memory_space<vmem>>, vector<1x16xf32>,
    }
    %scan3A_11 = arith.constant 125 : i32
    %mul3A_12 = arith.constant 624 : i32
    %mul3A_13 = arith.muli %arg1, %mul3A_12 : i32
    %add3A_14 = arith.constant 0 : i32
    %add3A_15 = arith.addi %mul3A_13, %add3A_14 : i32
    "tpu.region"() ({
      %run_scoped3A_471 = tpu.sem_alloc : memref<!tpu.dma_semaphore, #tpu.memory_space<semaphore_mem>>
      %dma_start3A_472 = arith.constant 0 : i32
      %dma_start3A_473 = arith.constant 0 : i32
      %dma_start3A_474 = tpu.memref_slice %arg10[%dma_start3A_472, %dma_start3A_473] : memref<125x128xf32, #tpu.memory_space<vmem>> -> memref<120x128xf32, #tpu.memory_space<vmem>>
      %dma_start3A_475 = arith.constant 0 : i32
      %dma_start3A_476 = tpu.memref_slice %arg12[%add3A_15, %dma_start3A_475] : memref<10000x128xf32, #tpu.memory_space<vmem_shared>> -> memref<120x128xf32, #tpu.memory_space<vmem_shared>>
      %dma_start3A_477 = arith.constant 0 : i32
      %dma_start3A_478 = tpu.memref_slice %arg12[%add3A_15, %dma_start3A_477] : memref<10000x128xf32, #tpu.memory_space<vmem_shared>> -> memref<120x128xf32, #tpu.memory_space<vmem_shared>>
      %dma_start3A_479 = arith.constant 0 : i32
      %dma_start3A_480 = arith.constant 0 : i32
      %dma_start3A_481 = tpu.memref_slice %arg10[%dma_start3A_479, %dma_start3A_480] : memref<125x128xf32, #tpu.memory_space<vmem>> -> memref<120x128xf32, #tpu.memory_space<vmem>>
      tpu.enqueue_dma source(%dma_start3A_481 : memref<120x128xf32, #tpu.memory_space<vmem>>) target(%dma_start3A_478 : memref<120x128xf32, #tpu.memory_space<vmem_shared>>) target_semaphore(%run_scoped3A_471 : memref<!tpu.dma_semaphore, #tpu.memory_space<semaphore_mem>>)
      %dma_wait3A_482 = arith.constant 0 : i32
      %dma_wait3A_483 = arith.constant 0 : i32
      %dma_wait3A_484 = tpu.memref_slice %arg10[%dma_wait3A_482, %dma_wait3A_483] : memref<125x128xf32, #tpu.memory_space<vmem>> -> memref<120x128xf32, #tpu.memory_space<vmem>>
      %dma_wait3A_485 = arith.constant 0 : i32
      %dma_wait3A_486 = tpu.memref_slice %arg12[%add3A_15, %dma_wait3A_485] : memref<10000x128xf32, #tpu.memory_space<vmem_shared>> -> memref<120x128xf32, #tpu.memory_space<vmem_shared>>
      %dma_wait3A_487 = arith.constant 0 : i32
      %dma_wait3A_488 = tpu.memref_slice %arg12[%add3A_15, %dma_wait3A_487] : memref<10000x128xf32, #tpu.memory_space<vmem_shared>> -> memref<120x128xf32, #tpu.memory_space<vmem_shared>>
      %dma_wait3A_489 = arith.constant 0 : i32
      %dma_wait3A_490 = arith.constant 0 : i32
      %dma_wait3A_491 = tpu.memref_slice %arg10[%dma_wait3A_489, %dma_wait3A_490] : memref<125x128xf32, #tpu.memory_space<vmem>> -> memref<120x128xf32, #tpu.memory_space<vmem>>
      tpu.wait_dma2 semaphore(%run_scoped3A_471 : memref<!tpu.dma_semaphore, #tpu.memory_space<semaphore_mem>>) src(%dma_wait3A_491 : memref<120x128xf32, #tpu.memory_space<vmem>>) dst(%dma_wait3A_488 : memref<120x128xf32, #tpu.memory_space<vmem_shared>>)
      tpu.yield
    }) : () -> ()
    %add3A_16 = arith.constant 0 : i32
    %add3A_17 = arith.addi %mul3A_13, %add3A_16 : i32
    "tpu.region"() ({
      %run_scoped3A_471 = tpu.sem_alloc : memref<!tpu.dma_semaphore, #tpu.memory_space<semaphore_mem>>
      %dma_start3A_472 = arith.constant 0 : i32
      %dma_start3A_473 = arith.constant 0 : i32
      %dma_start3A_474 = tpu.memref_slice %arg22[%dma_start3A_472, %dma_start3A_473] : memref<125x16xf32, #tpu.memory_space<vmem>> -> memref<120x16xf32, #tpu.memory_space<vmem>>
      %dma_start3A_475 = arith.constant 0 : i32
      %dma_start3A_476 = tpu.memref_slice %arg23[%add3A_17, %dma_start3A_475] : memref<10000x16xf32, #tpu.memory_space<vmem_shared>> -> memref<120x16xf32, #tpu.memory_space<vmem_shared>>
      %dma_start3A_477 = arith.constant 0 : i32
      %dma_start3A_478 = tpu.memref_slice %arg23[%add3A_17, %dma_start3A_477] : memref<10000x16xf32, #tpu.memory_space<vmem_shared>> -> memref<120x16xf32, #tpu.memory_space<vmem_shared>>
      %dma_start3A_479 = arith.constant 0 : i32
      %dma_start3A_480 = arith.constant 0 : i32
      %dma_start3A_481 = tpu.memref_slice %arg22[%dma_start3A_479, %dma_start3A_480] : memref<125x16xf32, #tpu.memory_space<vmem>> -> memref<120x16xf32, #tpu.memory_space<vmem>>
      tpu.enqueue_dma source(%dma_start3A_481 : memref<120x16xf32, #tpu.memory_space<vmem>>) target(%dma_start3A_478 : memref<120x16xf32, #tpu.memory_space<vmem_shared>>) target_semaphore(%run_scoped3A_471 : memref<!tpu.dma_semaphore, #tpu.memory_space<semaphore_mem>>)
      %dma_wait3A_482 = arith.constant 0 : i32
      %dma_wait3A_483 = arith.constant 0 : i32
      %dma_wait3A_484 = tpu.memref_slice %arg22[%dma_wait3A_482, %dma_wait3A_483] : memref<125x16xf32, #tpu.memory_space<vmem>> -> memref<120x16xf32, #tpu.memory_space<vmem>>
      %dma_wait3A_485 = arith.constant 0 : i32
      %dma_wait3A_486 = tpu.memref_slice %arg23[%add3A_17, %dma_wait3A_485] : memref<10000x16xf32, #tpu.memory_space<vmem_shared>> -> memref<120x16xf32, #tpu.memory_space<vmem_shared>>
      %dma_wait3A_487 = arith.constant 0 : i32
      %dma_wait3A_488 = tpu.memref_slice %arg23[%add3A_17, %dma_wait3A_487] : memref<10000x16xf32, #tpu.memory_space<vmem_shared>> -> memref<120x16xf32, #tpu.memory_space<vmem_shared>>
      %dma_wait3A_489 = arith.constant 0 : i32
      %dma_wait3A_490 = arith.constant 0 : i32
      %dma_wait3A_491 = tpu.memref_slice %arg22[%dma_wait3A_489, %dma_wait3A_490] : memref<125x16xf32, #tpu.memory_space<vmem>> -> memref<120x16xf32, #tpu.memory_space<vmem>>
      tpu.wait_dma2 semaphore(%run_scoped3A_471 : memref<!tpu.dma_semaphore, #tpu.memory_space<semaphore_mem>>) src(%dma_wait3A_491 : memref<120x16xf32, #tpu.memory_space<vmem>>) dst(%dma_wait3A_488 : memref<120x16xf32, #tpu.memory_space<vmem_shared>>)
      tpu.yield
    }) : () -> ()
    %add3A_18 = arith.constant 120 : i32
    %add3A_19 = arith.addi %mul3A_13, %add3A_18 : i32
    "tpu.region"() ({
      %run_scoped3A_471 = tpu.sem_alloc : memref<!tpu.dma_semaphore, #tpu.memory_space<semaphore_mem>>
      %dma_start3A_472 = arith.constant 0 : i32
      %dma_start3A_473 = arith.constant 0 : i32
      %dma_start3A_474 = tpu.memref_slice %arg10[%dma_start3A_472, %dma_start3A_473] : memref<125x128xf32, #tpu.memory_space<vmem>> -> memref<120x128xf32, #tpu.memory_space<vmem>>
      %dma_start3A_475 = arith.constant 0 : i32
      %dma_start3A_476 = tpu.memref_slice %arg12[%add3A_19, %dma_start3A_475] : memref<10000x128xf32, #tpu.memory_space<vmem_shared>> -> memref<120x128xf32, #tpu.memory_space<vmem_shared>>
      %dma_start3A_477 = arith.constant 0 : i32
      %dma_start3A_478 = tpu.memref_slice %arg12[%add3A_19, %dma_start3A_477] : memref<10000x128xf32, #tpu.memory_space<vmem_shared>> -> memref<120x128xf32, #tpu.memory_space<vmem_shared>>
      %dma_start3A_479 = arith.constant 0 : i32
      %dma_start3A_480 = arith.constant 0 : i32
      %dma_start3A_481 = tpu.memref_slice %arg10[%dma_start3A_479, %dma_start3A_480] : memref<125x128xf32, #tpu.memory_space<vmem>> -> memref<120x128xf32, #tpu.memory_space<vmem>>
      tpu.enqueue_dma source(%dma_start3A_481 : memref<120x128xf32, #tpu.memory_space<vmem>>) target(%dma_start3A_478 : memref<120x128xf32, #tpu.memory_space<vmem_shared>>) target_semaphore(%run_scoped3A_471 : memref<!tpu.dma_semaphore, #tpu.memory_space<semaphore_mem>>)
      %dma_wait3A_482 = arith.constant 0 : i32
      %dma_wait3A_483 = arith.constant 0 : i32
      %dma_wait3A_484 = tpu.memref_slice %arg10[%dma_wait3A_482, %dma_wait3A_483] : memref<125x128xf32, #tpu.memory_space<vmem>> -> memref<120x128xf32, #tpu.memory_space<vmem>>
      %dma_wait3A_485 = arith.constant 0 : i32
      %dma_wait3A_486 = tpu.memref_slice %arg12[%add3A_19, %dma_wait3A_485] : memref<10000x128xf32, #tpu.memory_space<vmem_shared>> -> memref<120x128xf32, #tpu.memory_space<vmem_shared>>
      %dma_wait3A_487 = arith.constant 0 : i32
      %dma_wait3A_488 = tpu.memref_slice %arg12[%add3A_19, %dma_wait3A_487] : memref<10000x128xf32, #tpu.memory_space<vmem_shared>> -> memref<120x128xf32, #tpu.memory_space<vmem_shared>>
      %dma_wait3A_489 = arith.constant 0 : i32
      %dma_wait3A_490 = arith.constant 0 : i32
      %dma_wait3A_491 = tpu.memref_slice %arg10[%dma_wait3A_489, %dma_wait3A_490] : memref<125x128xf32, #tpu.memory_space<vmem>> -> memref<120x128xf32, #tpu.memory_space<vmem>>
      tpu.wait_dma2 semaphore(%run_scoped3A_471 : memref<!tpu.dma_semaphore, #tpu.memory_space<semaphore_mem>>) src(%dma_wait3A_491 : memref<120x128xf32, #tpu.memory_space<vmem>>) dst(%dma_wait3A_488 : memref<120x128xf32, #tpu.memory_space<vmem_shared>>)
      tpu.yield
    }) : () -> ()
    %add3A_20 = arith.constant 120 : i32
    %add3A_21 = arith.addi %mul3A_13, %add3A_20 : i32
    "tpu.region"() ({
      %run_scoped3A_471 = tpu.sem_alloc : memref<!tpu.dma_semaphore, #tpu.memory_space<semaphore_mem>>
      %dma_start3A_472 = arith.constant 0 : i32
      %dma_start3A_473 = arith.constant 0 : i32
      %dma_start3A_474 = tpu.memref_slice %arg22[%dma_start3A_472, %dma_start3A_473] : memref<125x16xf32, #tpu.memory_space<vmem>> -> memref<120x16xf32, #tpu.memory_space<vmem>>
      %dma_start3A_475 = arith.constant 0 : i32
      %dma_start3A_476 = tpu.memref_slice %arg23[%add3A_21, %dma_start3A_475] : memref<10000x16xf32, #tpu.memory_space<vmem_shared>> -> memref<120x16xf32, #tpu.memory_space<vmem_shared>>
      %dma_start3A_477 = arith.constant 0 : i32
      %dma_start3A_478 = tpu.memref_slice %arg23[%add3A_21, %dma_start3A_477] : memref<10000x16xf32, #tpu.memory_space<vmem_shared>> -> memref<120x16xf32, #tpu.memory_space<vmem_shared>>
      %dma_start3A_479 = arith.constant 0 : i32
      %dma_start3A_480 = arith.constant 0 : i32
      %dma_start3A_481 = tpu.memref_slice %arg22[%dma_start3A_479, %dma_start3A_480] : memref<125x16xf32, #tpu.memory_space<vmem>> -> memref<120x16xf32, #tpu.memory_space<vmem>>
      tpu.enqueue_dma source(%dma_start3A_481 : memref<120x16xf32, #tpu.memory_space<vmem>>) target(%dma_start3A_478 : memref<120x16xf32, #tpu.memory_space<vmem_shared>>) target_semaphore(%run_scoped3A_471 : memref<!tpu.dma_semaphore, #tpu.memory_space<semaphore_mem>>)
      %dma_wait3A_482 = arith.constant 0 : i32
      %dma_wait3A_483 = arith.constant 0 : i32
      %dma_wait3A_484 = tpu.memref_slice %arg22[%dma_wait3A_482, %dma_wait3A_483] : memref<125x16xf32, #tpu.memory_space<vmem>> -> memref<120x16xf32, #tpu.memory_space<vmem>>
      %dma_wait3A_485 = arith.constant 0 : i32
      %dma_wait3A_486 = tpu.memref_slice %arg23[%add3A_21, %dma_wait3A_485] : memref<10000x16xf32, #tpu.memory_space<vmem_shared>> -> memref<120x16xf32, #tpu.memory_space<vmem_shared>>
      %dma_wait3A_487 = arith.constant 0 : i32
      %dma_wait3A_488 = tpu.memref_slice %arg23[%add3A_21, %dma_wait3A_487] : memref<10000x16xf32, #tpu.memory_space<vmem_shared>> -> memref<120x16xf32, #tpu.memory_space<vmem_shared>>
      %dma_wait3A_489 = arith.constant 0 : i32
      %dma_wait3A_490 = arith.constant 0 : i32
      %dma_wait3A_491 = tpu.memref_slice %arg22[%dma_wait3A_489, %dma_wait3A_490] : memref<125x16xf32, #tpu.memory_space<vmem>> -> memref<120x16xf32, #tpu.memory_space<vmem>>
      tpu.wait_dma2 semaphore(%run_scoped3A_471 : memref<!tpu.dma_semaphore, #tpu.memory_space<semaphore_mem>>) src(%dma_wait3A_491 : memref<120x16xf32, #tpu.memory_space<vmem>>) dst(%dma_wait3A_488 : memref<120x16xf32, #tpu.memory_space<vmem_shared>>)
      tpu.yield
    }) : () -> ()
    %add3A_22 = arith.constant 240 : i32
    %add3A_23 = arith.addi %mul3A_13, %add3A_22 : i32
    "tpu.region"() ({
      %run_scoped3A_471 = tpu.sem_alloc : memref<!tpu.dma_semaphore, #tpu.memory_space<semaphore_mem>>
      %dma_start3A_472 = arith.constant 0 : i32
      %dma_start3A_473 = arith.constant 0 : i32
      %dma_start3A_474 = tpu.memref_slice %arg10[%dma_start3A_472, %dma_start3A_473] : memref<125x128xf32, #tpu.memory_space<vmem>> -> memref<120x128xf32, #tpu.memory_space<vmem>>
      %dma_start3A_475 = arith.constant 0 : i32
      %dma_start3A_476 = tpu.memref_slice %arg12[%add3A_23, %dma_start3A_475] : memref<10000x128xf32, #tpu.memory_space<vmem_shared>> -> memref<120x128xf32, #tpu.memory_space<vmem_shared>>
      %dma_start3A_477 = arith.constant 0 : i32
      %dma_start3A_478 = tpu.memref_slice %arg12[%add3A_23, %dma_start3A_477] : memref<10000x128xf32, #tpu.memory_space<vmem_shared>> -> memref<120x128xf32, #tpu.memory_space<vmem_shared>>
      %dma_start3A_479 = arith.constant 0 : i32
      %dma_start3A_480 = arith.constant 0 : i32
      %dma_start3A_481 = tpu.memref_slice %arg10[%dma_start3A_479, %dma_start3A_480] : memref<125x128xf32, #tpu.memory_space<vmem>> -> memref<120x128xf32, #tpu.memory_space<vmem>>
      tpu.enqueue_dma source(%dma_start3A_481 : memref<120x128xf32, #tpu.memory_space<vmem>>) target(%dma_start3A_478 : memref<120x128xf32, #tpu.memory_space<vmem_shared>>) target_semaphore(%run_scoped3A_471 : memref<!tpu.dma_semaphore, #tpu.memory_space<semaphore_mem>>)
      %dma_wait3A_482 = arith.constant 0 : i32
      %dma_wait3A_483 = arith.constant 0 : i32
      %dma_wait3A_484 = tpu.memref_slice %arg10[%dma_wait3A_482, %dma_wait3A_483] : memref<125x128xf32, #tpu.memory_space<vmem>> -> memref<120x128xf32, #tpu.memory_space<vmem>>
      %dma_wait3A_485 = arith.constant 0 : i32
      %dma_wait3A_486 = tpu.memref_slice %arg12[%add3A_23, %dma_wait3A_485] : memref<10000x128xf32, #tpu.memory_space<vmem_shared>> -> memref<120x128xf32, #tpu.memory_space<vmem_shared>>
      %dma_wait3A_487 = arith.constant 0 : i32
      %dma_wait3A_488 = tpu.memref_slice %arg12[%add3A_23, %dma_wait3A_487] : memref<10000x128xf32, #tpu.memory_space<vmem_shared>> -> memref<120x128xf32, #tpu.memory_space<vmem_shared>>
      %dma_wait3A_489 = arith.constant 0 : i32
      %dma_wait3A_490 = arith.constant 0 : i32
      %dma_wait3A_491 = tpu.memref_slice %arg10[%dma_wait3A_489, %dma_wait3A_490] : memref<125x128xf32, #tpu.memory_space<vmem>> -> memref<120x128xf32, #tpu.memory_space<vmem>>
      tpu.wait_dma2 semaphore(%run_scoped3A_471 : memref<!tpu.dma_semaphore, #tpu.memory_space<semaphore_mem>>) src(%dma_wait3A_491 : memref<120x128xf32, #tpu.memory_space<vmem>>) dst(%dma_wait3A_488 : memref<120x128xf32, #tpu.memory_space<vmem_shared>>)
      tpu.yield
    }) : () -> ()
    %add3A_24 = arith.constant 240 : i32
    %add3A_25 = arith.addi %mul3A_13, %add3A_24 : i32
    "tpu.region"() ({
      %run_scoped3A_471 = tpu.sem_alloc : memref<!tpu.dma_semaphore, #tpu.memory_space<semaphore_mem>>
      %dma_start3A_472 = arith.constant 0 : i32
      %dma_start3A_473 = arith.constant 0 : i32
      %dma_start3A_474 = tpu.memref_slice %arg22[%dma_start3A_472, %dma_start3A_473] : memref<125x16xf32, #tpu.memory_space<vmem>> -> memref<120x16xf32, #tpu.memory_space<vmem>>
      %dma_start3A_475 = arith.constant 0 : i32
      %dma_start3A_476 = tpu.memref_slice %arg23[%add3A_25, %dma_start3A_475] : memref<10000x16xf32, #tpu.memory_space<vmem_shared>> -> memref<120x16xf32, #tpu.memory_space<vmem_shared>>
      %dma_start3A_477 = arith.constant 0 : i32
      %dma_start3A_478 = tpu.memref_slice %arg23[%add3A_25, %dma_start3A_477] : memref<10000x16xf32, #tpu.memory_space<vmem_shared>> -> memref<120x16xf32, #tpu.memory_space<vmem_shared>>
      %dma_start3A_479 = arith.constant 0 : i32
      %dma_start3A_480 = arith.constant 0 : i32
      %dma_start3A_481 = tpu.memref_slice %arg22[%dma_start3A_479, %dma_start3A_480] : memref<125x16xf32, #tpu.memory_space<vmem>> -> memref<120x16xf32, #tpu.memory_space<vmem>>
      tpu.enqueue_dma source(%dma_start3A_481 : memref<120x16xf32, #tpu.memory_space<vmem>>) target(%dma_start3A_478 : memref<120x16xf32, #tpu.memory_space<vmem_shared>>) target_semaphore(%run_scoped3A_471 : memref<!tpu.dma_semaphore, #tpu.memory_space<semaphore_mem>>)
      %dma_wait3A_482 = arith.constant 0 : i32
      %dma_wait3A_483 = arith.constant 0 : i32
      %dma_wait3A_484 = tpu.memref_slice %arg22[%dma_wait3A_482, %dma_wait3A_483] : memref<125x16xf32, #tpu.memory_space<vmem>> -> memref<120x16xf32, #tpu.memory_space<vmem>>
      %dma_wait3A_485 = arith.constant 0 : i32
      %dma_wait3A_486 = tpu.memref_slice %arg23[%add3A_25, %dma_wait3A_485] : memref<10000x16xf32, #tpu.memory_space<vmem_shared>> -> memref<120x16xf32, #tpu.memory_space<vmem_shared>>
      %dma_wait3A_487 = arith.constant 0 : i32
      %dma_wait3A_488 = tpu.memref_slice %arg23[%add3A_25, %dma_wait3A_487] : memref<10000x16xf32, #tpu.memory_space<vmem_shared>> -> memref<120x16xf32, #tpu.memory_space<vmem_shared>>
      %dma_wait3A_489 = arith.constant 0 : i32
      %dma_wait3A_490 = arith.constant 0 : i32
      %dma_wait3A_491 = tpu.memref_slice %arg22[%dma_wait3A_489, %dma_wait3A_490] : memref<125x16xf32, #tpu.memory_space<vmem>> -> memref<120x16xf32, #tpu.memory_space<vmem>>
      tpu.wait_dma2 semaphore(%run_scoped3A_471 : memref<!tpu.dma_semaphore, #tpu.memory_space<semaphore_mem>>) src(%dma_wait3A_491 : memref<120x16xf32, #tpu.memory_space<vmem>>) dst(%dma_wait3A_488 : memref<120x16xf32, #tpu.memory_space<vmem_shared>>)
      tpu.yield
    }) : () -> ()
    %add3A_26 = arith.constant 360 : i32
    %add3A_27 = arith.addi %mul3A_13, %add3A_26 : i32
    "tpu.region"() ({
      %run_scoped3A_471 = tpu.sem_alloc : memref<!tpu.dma_semaphore, #tpu.memory_space<semaphore_mem>>
      %dma_start3A_472 = arith.constant 0 : i32
      %dma_start3A_473 = arith.constant 0 : i32
      %dma_start3A_474 = tpu.memref_slice %arg10[%dma_start3A_472, %dma_start3A_473] : memref<125x128xf32, #tpu.memory_space<vmem>> -> memref<120x128xf32, #tpu.memory_space<vmem>>
      %dma_start3A_475 = arith.constant 0 : i32
      %dma_start3A_476 = tpu.memref_slice %arg12[%add3A_27, %dma_start3A_475] : memref<10000x128xf32, #tpu.memory_space<vmem_shared>> -> memref<120x128xf32, #tpu.memory_space<vmem_shared>>
      %dma_start3A_477 = arith.constant 0 : i32
      %dma_start3A_478 = tpu.memref_slice %arg12[%add3A_27, %dma_start3A_477] : memref<10000x128xf32, #tpu.memory_space<vmem_shared>> -> memref<120x128xf32, #tpu.memory_space<vmem_shared>>
      %dma_start3A_479 = arith.constant 0 : i32
      %dma_start3A_480 = arith.constant 0 : i32
      %dma_start3A_481 = tpu.memref_slice %arg10[%dma_start3A_479, %dma_start3A_480] : memref<125x128xf32, #tpu.memory_space<vmem>> -> memref<120x128xf32, #tpu.memory_space<vmem>>
      tpu.enqueue_dma source(%dma_start3A_481 : memref<120x128xf32, #tpu.memory_space<vmem>>) target(%dma_start3A_478 : memref<120x128xf32, #tpu.memory_space<vmem_shared>>) target_semaphore(%run_scoped3A_471 : memref<!tpu.dma_semaphore, #tpu.memory_space<semaphore_mem>>)
      %dma_wait3A_482 = arith.constant 0 : i32
      %dma_wait3A_483 = arith.constant 0 : i32
      %dma_wait3A_484 = tpu.memref_slice %arg10[%dma_wait3A_482, %dma_wait3A_483] : memref<125x128xf32, #tpu.memory_space<vmem>> -> memref<120x128xf32, #tpu.memory_space<vmem>>
      %dma_wait3A_485 = arith.constant 0 : i32
      %dma_wait3A_486 = tpu.memref_slice %arg12[%add3A_27, %dma_wait3A_485] : memref<10000x128xf32, #tpu.memory_space<vmem_shared>> -> memref<120x128xf32, #tpu.memory_space<vmem_shared>>
      %dma_wait3A_487 = arith.constant 0 : i32
      %dma_wait3A_488 = tpu.memref_slice %arg12[%add3A_27, %dma_wait3A_487] : memref<10000x128xf32, #tpu.memory_space<vmem_shared>> -> memref<120x128xf32, #tpu.memory_space<vmem_shared>>
      %dma_wait3A_489 = arith.constant 0 : i32
      %dma_wait3A_490 = arith.constant 0 : i32
      %dma_wait3A_491 = tpu.memref_slice %arg10[%dma_wait3A_489, %dma_wait3A_490] : memref<125x128xf32, #tpu.memory_space<vmem>> -> memref<120x128xf32, #tpu.memory_space<vmem>>
      tpu.wait_dma2 semaphore(%run_scoped3A_471 : memref<!tpu.dma_semaphore, #tpu.memory_space<semaphore_mem>>) src(%dma_wait3A_491 : memref<120x128xf32, #tpu.memory_space<vmem>>) dst(%dma_wait3A_488 : memref<120x128xf32, #tpu.memory_space<vmem_shared>>)
      tpu.yield
    }) : () -> ()
    %add3A_28 = arith.constant 360 : i32
    %add3A_29 = arith.addi %mul3A_13, %add3A_28 : i32
    "tpu.region"() ({
      %run_scoped3A_471 = tpu.sem_alloc : memref<!tpu.dma_semaphore, #tpu.memory_space<semaphore_mem>>
      %dma_start3A_472 = arith.constant 0 : i32
      %dma_start3A_473 = arith.constant 0 : i32
      %dma_start3A_474 = tpu.memref_slice %arg22[%dma_start3A_472, %dma_start3A_473] : memref<125x16xf32, #tpu.memory_space<vmem>> -> memref<120x16xf32, #tpu.memory_space<vmem>>
      %dma_start3A_475 = arith.constant 0 : i32
      %dma_start3A_476 = tpu.memref_slice %arg23[%add3A_29, %dma_start3A_475] : memref<10000x16xf32, #tpu.memory_space<vmem_shared>> -> memref<120x16xf32, #tpu.memory_space<vmem_shared>>
      %dma_start3A_477 = arith.constant 0 : i32
      %dma_start3A_478 = tpu.memref_slice %arg23[%add3A_29, %dma_start3A_477] : memref<10000x16xf32, #tpu.memory_space<vmem_shared>> -> memref<120x16xf32, #tpu.memory_space<vmem_shared>>
      %dma_start3A_479 = arith.constant 0 : i32
      %dma_start3A_480 = arith.constant 0 : i32
      %dma_start3A_481 = tpu.memref_slice %arg22[%dma_start3A_479, %dma_start3A_480] : memref<125x16xf32, #tpu.memory_space<vmem>> -> memref<120x16xf32, #tpu.memory_space<vmem>>
      tpu.enqueue_dma source(%dma_start3A_481 : memref<120x16xf32, #tpu.memory_space<vmem>>) target(%dma_start3A_478 : memref<120x16xf32, #tpu.memory_space<vmem_shared>>) target_semaphore(%run_scoped3A_471 : memref<!tpu.dma_semaphore, #tpu.memory_space<semaphore_mem>>)
      %dma_wait3A_482 = arith.constant 0 : i32
      %dma_wait3A_483 = arith.constant 0 : i32
      %dma_wait3A_484 = tpu.memref_slice %arg22[%dma_wait3A_482, %dma_wait3A_483] : memref<125x16xf32, #tpu.memory_space<vmem>> -> memref<120x16xf32, #tpu.memory_space<vmem>>
      %dma_wait3A_485 = arith.constant 0 : i32
      %dma_wait3A_486 = tpu.memref_slice %arg23[%add3A_29, %dma_wait3A_485] : memref<10000x16xf32, #tpu.memory_space<vmem_shared>> -> memref<120x16xf32, #tpu.memory_space<vmem_shared>>
      %dma_wait3A_487 = arith.constant 0 : i32
      %dma_wait3A_488 = tpu.memref_slice %arg23[%add3A_29, %dma_wait3A_487] : memref<10000x16xf32, #tpu.memory_space<vmem_shared>> -> memref<120x16xf32, #tpu.memory_space<vmem_shared>>
      %dma_wait3A_489 = arith.constant 0 : i32
      %dma_wait3A_490 = arith.constant 0 : i32
      %dma_wait3A_491 = tpu.memref_slice %arg22[%dma_wait3A_489, %dma_wait3A_490] : memref<125x16xf32, #tpu.memory_space<vmem>> -> memref<120x16xf32, #tpu.memory_space<vmem>>
      tpu.wait_dma2 semaphore(%run_scoped3A_471 : memref<!tpu.dma_semaphore, #tpu.memory_space<semaphore_mem>>) src(%dma_wait3A_491 : memref<120x16xf32, #tpu.memory_space<vmem>>) dst(%dma_wait3A_488 : memref<120x16xf32, #tpu.memory_space<vmem_shared>>)
      tpu.yield
    }) : () -> ()
    %add3A_30 = arith.constant 480 : i32
    %add3A_31 = arith.addi %mul3A_13, %add3A_30 : i32
    "tpu.region"() ({
      %run_scoped3A_471 = tpu.sem_alloc : memref<!tpu.dma_semaphore, #tpu.memory_space<semaphore_mem>>
      %dma_start3A_472 = arith.constant 0 : i32
      %dma_start3A_473 = arith.constant 0 : i32
      %dma_start3A_474 = tpu.memref_slice %arg10[%dma_start3A_472, %dma_start3A_473] : memref<125x128xf32, #tpu.memory_space<vmem>> -> memref<120x128xf32, #tpu.memory_space<vmem>>
      %dma_start3A_475 = arith.constant 0 : i32
      %dma_start3A_476 = tpu.memref_slice %arg12[%add3A_31, %dma_start3A_475] : memref<10000x128xf32, #tpu.memory_space<vmem_shared>> -> memref<120x128xf32, #tpu.memory_space<vmem_shared>>
      %dma_start3A_477 = arith.constant 0 : i32
      %dma_start3A_478 = tpu.memref_slice %arg12[%add3A_31, %dma_start3A_477] : memref<10000x128xf32, #tpu.memory_space<vmem_shared>> -> memref<120x128xf32, #tpu.memory_space<vmem_shared>>
      %dma_start3A_479 = arith.constant 0 : i32
      %dma_start3A_480 = arith.constant 0 : i32
      %dma_start3A_481 = tpu.memref_slice %arg10[%dma_start3A_479, %dma_start3A_480] : memref<125x128xf32, #tpu.memory_space<vmem>> -> memref<120x128xf32, #tpu.memory_space<vmem>>
      tpu.enqueue_dma source(%dma_start3A_481 : memref<120x128xf32, #tpu.memory_space<vmem>>) target(%dma_start3A_478 : memref<120x128xf32, #tpu.memory_space<vmem_shared>>) target_semaphore(%run_scoped3A_471 : memref<!tpu.dma_semaphore, #tpu.memory_space<semaphore_mem>>)
      %dma_wait3A_482 = arith.constant 0 : i32
      %dma_wait3A_483 = arith.constant 0 : i32
      %dma_wait3A_484 = tpu.memref_slice %arg10[%dma_wait3A_482, %dma_wait3A_483] : memref<125x128xf32, #tpu.memory_space<vmem>> -> memref<120x128xf32, #tpu.memory_space<vmem>>
      %dma_wait3A_485 = arith.constant 0 : i32
      %dma_wait3A_486 = tpu.memref_slice %arg12[%add3A_31, %dma_wait3A_485] : memref<10000x128xf32, #tpu.memory_space<vmem_shared>> -> memref<120x128xf32, #tpu.memory_space<vmem_shared>>
      %dma_wait3A_487 = arith.constant 0 : i32
      %dma_wait3A_488 = tpu.memref_slice %arg12[%add3A_31, %dma_wait3A_487] : memref<10000x128xf32, #tpu.memory_space<vmem_shared>> -> memref<120x128xf32, #tpu.memory_space<vmem_shared>>
      %dma_wait3A_489 = arith.constant 0 : i32
      %dma_wait3A_490 = arith.constant 0 : i32
      %dma_wait3A_491 = tpu.memref_slice %arg10[%dma_wait3A_489, %dma_wait3A_490] : memref<125x128xf32, #tpu.memory_space<vmem>> -> memref<120x128xf32, #tpu.memory_space<vmem>>
      tpu.wait_dma2 semaphore(%run_scoped3A_471 : memref<!tpu.dma_semaphore, #tpu.memory_space<semaphore_mem>>) src(%dma_wait3A_491 : memref<120x128xf32, #tpu.memory_space<vmem>>) dst(%dma_wait3A_488 : memref<120x128xf32, #tpu.memory_space<vmem_shared>>)
      tpu.yield
    }) : () -> ()
    %add3A_32 = arith.constant 480 : i32
    %add3A_33 = arith.addi %mul3A_13, %add3A_32 : i32
    "tpu.region"() ({
      %run_scoped3A_471 = tpu.sem_alloc : memref<!tpu.dma_semaphore, #tpu.memory_space<semaphore_mem>>
      %dma_start3A_472 = arith.constant 0 : i32
      %dma_start3A_473 = arith.constant 0 : i32
      %dma_start3A_474 = tpu.memref_slice %arg22[%dma_start3A_472, %dma_start3A_473] : memref<125x16xf32, #tpu.memory_space<vmem>> -> memref<120x16xf32, #tpu.memory_space<vmem>>
      %dma_start3A_475 = arith.constant 0 : i32
      %dma_start3A_476 = tpu.memref_slice %arg23[%add3A_33, %dma_start3A_475] : memref<10000x16xf32, #tpu.memory_space<vmem_shared>> -> memref<120x16xf32, #tpu.memory_space<vmem_shared>>
      %dma_start3A_477 = arith.constant 0 : i32
      %dma_start3A_478 = tpu.memref_slice %arg23[%add3A_33, %dma_start3A_477] : memref<10000x16xf32, #tpu.memory_space<vmem_shared>> -> memref<120x16xf32, #tpu.memory_space<vmem_shared>>
      %dma_start3A_479 = arith.constant 0 : i32
      %dma_start3A_480 = arith.constant 0 : i32
      %dma_start3A_481 = tpu.memref_slice %arg22[%dma_start3A_479, %dma_start3A_480] : memref<125x16xf32, #tpu.memory_space<vmem>> -> memref<120x16xf32, #tpu.memory_space<vmem>>
      tpu.enqueue_dma source(%dma_start3A_481 : memref<120x16xf32, #tpu.memory_space<vmem>>) target(%dma_start3A_478 : memref<120x16xf32, #tpu.memory_space<vmem_shared>>) target_semaphore(%run_scoped3A_471 : memref<!tpu.dma_semaphore, #tpu.memory_space<semaphore_mem>>)
      %dma_wait3A_482 = arith.constant 0 : i32
      %dma_wait3A_483 = arith.constant 0 : i32
      %dma_wait3A_484 = tpu.memref_slice %arg22[%dma_wait3A_482, %dma_wait3A_483] : memref<125x16xf32, #tpu.memory_space<vmem>> -> memref<120x16xf32, #tpu.memory_space<vmem>>
      %dma_wait3A_485 = arith.constant 0 : i32
      %dma_wait3A_486 = tpu.memref_slice %arg23[%add3A_33, %dma_wait3A_485] : memref<10000x16xf32, #tpu.memory_space<vmem_shared>> -> memref<120x16xf32, #tpu.memory_space<vmem_shared>>
      %dma_wait3A_487 = arith.constant 0 : i32
      %dma_wait3A_488 = tpu.memref_slice %arg23[%add3A_33, %dma_wait3A_487] : memref<10000x16xf32, #tpu.memory_space<vmem_shared>> -> memref<120x16xf32, #tpu.memory_space<vmem_shared>>
      %dma_wait3A_489 = arith.constant 0 : i32
      %dma_wait3A_490 = arith.constant 0 : i32
      %dma_wait3A_491 = tpu.memref_slice %arg22[%dma_wait3A_489, %dma_wait3A_490] : memref<125x16xf32, #tpu.memory_space<vmem>> -> memref<120x16xf32, #tpu.memory_space<vmem>>
      tpu.wait_dma2 semaphore(%run_scoped3A_471 : memref<!tpu.dma_semaphore, #tpu.memory_space<semaphore_mem>>) src(%dma_wait3A_491 : memref<120x16xf32, #tpu.memory_space<vmem>>) dst(%dma_wait3A_488 : memref<120x16xf32, #tpu.memory_space<vmem_shared>>)
      tpu.yield
    }) : () -> ()
    %add3A_34 = arith.constant 600 : i32
    %add3A_35 = arith.addi %mul3A_13, %add3A_34 : i32
    "tpu.region"() ({
      %run_scoped3A_471 = tpu.sem_alloc : memref<!tpu.dma_semaphore, #tpu.memory_space<semaphore_mem>>
      %dma_start3A_472 = arith.constant 0 : i32
      %dma_start3A_473 = arith.constant 0 : i32
      %dma_start3A_474 = tpu.memref_slice %arg10[%dma_start3A_472, %dma_start3A_473] : memref<125x128xf32, #tpu.memory_space<vmem>> -> memref<24x128xf32, #tpu.memory_space<vmem>>
      %dma_start3A_475 = arith.constant 0 : i32
      %dma_start3A_476 = tpu.memref_slice %arg12[%add3A_35, %dma_start3A_475] : memref<10000x128xf32, #tpu.memory_space<vmem_shared>> -> memref<24x128xf32, #tpu.memory_space<vmem_shared>>
      %dma_start3A_477 = arith.constant 0 : i32
      %dma_start3A_478 = tpu.memref_slice %arg12[%add3A_35, %dma_start3A_477] : memref<10000x128xf32, #tpu.memory_space<vmem_shared>> -> memref<24x128xf32, #tpu.memory_space<vmem_shared>>
      %dma_start3A_479 = arith.constant 0 : i32
      %dma_start3A_480 = arith.constant 0 : i32
      %dma_start3A_481 = tpu.memref_slice %arg10[%dma_start3A_479, %dma_start3A_480] : memref<125x128xf32, #tpu.memory_space<vmem>> -> memref<24x128xf32, #tpu.memory_space<vmem>>
      tpu.enqueue_dma source(%dma_start3A_481 : memref<24x128xf32, #tpu.memory_space<vmem>>) target(%dma_start3A_478 : memref<24x128xf32, #tpu.memory_space<vmem_shared>>) target_semaphore(%run_scoped3A_471 : memref<!tpu.dma_semaphore, #tpu.memory_space<semaphore_mem>>)
      %dma_wait3A_482 = arith.constant 0 : i32
      %dma_wait3A_483 = arith.constant 0 : i32
      %dma_wait3A_484 = tpu.memref_slice %arg10[%dma_wait3A_482, %dma_wait3A_483] : memref<125x128xf32, #tpu.memory_space<vmem>> -> memref<24x128xf32, #tpu.memory_space<vmem>>
      %dma_wait3A_485 = arith.constant 0 : i32
      %dma_wait3A_486 = tpu.memref_slice %arg12[%add3A_35, %dma_wait3A_485] : memref<10000x128xf32, #tpu.memory_space<vmem_shared>> -> memref<24x128xf32, #tpu.memory_space<vmem_shared>>
      %dma_wait3A_487 = arith.constant 0 : i32
      %dma_wait3A_488 = tpu.memref_slice %arg12[%add3A_35, %dma_wait3A_487] : memref<10000x128xf32, #tpu.memory_space<vmem_shared>> -> memref<24x128xf32, #tpu.memory_space<vmem_shared>>
      %dma_wait3A_489 = arith.constant 0 : i32
      %dma_wait3A_490 = arith.constant 0 : i32
      %dma_wait3A_491 = tpu.memref_slice %arg10[%dma_wait3A_489, %dma_wait3A_490] : memref<125x128xf32, #tpu.memory_space<vmem>> -> memref<24x128xf32, #tpu.memory_space<vmem>>
      tpu.wait_dma2 semaphore(%run_scoped3A_471 : memref<!tpu.dma_semaphore, #tpu.memory_space<semaphore_mem>>) src(%dma_wait3A_491 : memref<24x128xf32, #tpu.memory_space<vmem>>) dst(%dma_wait3A_488 : memref<24x128xf32, #tpu.memory_space<vmem_shared>>)
      tpu.yield
    }) : () -> ()
    %add3A_36 = arith.constant 600 : i32
    %add3A_37 = arith.addi %mul3A_13, %add3A_36 : i32
    "tpu.region"() ({
      %run_scoped3A_471 = tpu.sem_alloc : memref<!tpu.dma_semaphore, #tpu.memory_space<semaphore_mem>>
      %dma_start3A_472 = arith.constant 0 : i32
      %dma_start3A_473 = arith.constant 0 : i32
      %dma_start3A_474 = tpu.memref_slice %arg22[%dma_start3A_472, %dma_start3A_473] : memref<125x16xf32, #tpu.memory_space<vmem>> -> memref<24x16xf32, #tpu.memory_space<vmem>>
      %dma_start3A_475 = arith.constant 0 : i32
      %dma_start3A_476 = tpu.memref_slice %arg23[%add3A_37, %dma_start3A_475] : memref<10000x16xf32, #tpu.memory_space<vmem_shared>> -> memref<24x16xf32, #tpu.memory_space<vmem_shared>>
      %dma_start3A_477 = arith.constant 0 : i32
      %dma_start3A_478 = tpu.memref_slice %arg23[%add3A_37, %dma_start3A_477] : memref<10000x16xf32, #tpu.memory_space<vmem_shared>> -> memref<24x16xf32, #tpu.memory_space<vmem_shared>>
      %dma_start3A_479 = arith.constant 0 : i32
      %dma_start3A_480 = arith.constant 0 : i32
      %dma_start3A_481 = tpu.memref_slice %arg22[%dma_start3A_479, %dma_start3A_480] : memref<125x16xf32, #tpu.memory_space<vmem>> -> memref<24x16xf32, #tpu.memory_space<vmem>>
      tpu.enqueue_dma source(%dma_start3A_481 : memref<24x16xf32, #tpu.memory_space<vmem>>) target(%dma_start3A_478 : memref<24x16xf32, #tpu.memory_space<vmem_shared>>) target_semaphore(%run_scoped3A_471 : memref<!tpu.dma_semaphore, #tpu.memory_space<semaphore_mem>>)
      %dma_wait3A_482 = arith.constant 0 : i32
      %dma_wait3A_483 = arith.constant 0 : i32
      %dma_wait3A_484 = tpu.memref_slice %arg22[%dma_wait3A_482, %dma_wait3A_483] : memref<125x16xf32, #tpu.memory_space<vmem>> -> memref<24x16xf32, #tpu.memory_space<vmem>>
      %dma_wait3A_485 = arith.constant 0 : i32
      %dma_wait3A_486 = tpu.memref_slice %arg23[%add3A_37, %dma_wait3A_485] : memref<10000x16xf32, #tpu.memory_space<vmem_shared>> -> memref<24x16xf32, #tpu.memory_space<vmem_shared>>
      %dma_wait3A_487 = arith.constant 0 : i32
      %dma_wait3A_488 = tpu.memref_slice %arg23[%add3A_37, %dma_wait3A_487] : memref<10000x16xf32, #tpu.memory_space<vmem_shared>> -> memref<24x16xf32, #tpu.memory_space<vmem_shared>>
      %dma_wait3A_489 = arith.constant 0 : i32
      %dma_wait3A_490 = arith.constant 0 : i32
      %dma_wait3A_491 = tpu.memref_slice %arg22[%dma_wait3A_489, %dma_wait3A_490] : memref<125x16xf32, #tpu.memory_space<vmem>> -> memref<24x16xf32, #tpu.memory_space<vmem>>
      tpu.wait_dma2 semaphore(%run_scoped3A_471 : memref<!tpu.dma_semaphore, #tpu.memory_space<semaphore_mem>>) src(%dma_wait3A_491 : memref<24x16xf32, #tpu.memory_space<vmem>>) dst(%dma_wait3A_488 : memref<24x16xf32, #tpu.memory_space<vmem_shared>>)
      tpu.yield
    }) : () -> ()
    %eq3A = arith.constant 15 : i32
    %eq3A_38 = arith.cmpi eq, %arg1, %eq3A : i32
    %convert_element_type3A = arith.extui %eq3A_38 : i1 to i32
    %cond3A = arith.constant 0 : i32
    %cond3A_39 = arith.cmpi ne, %convert_element_type3A, %cond3A : i32
    scf.if %cond3A_39 {
      "tpu.region"() ({
        %run_scoped3A_471 = tpu.sem_alloc : memref<!tpu.dma_semaphore, #tpu.memory_space<semaphore_mem>>
        %dma_start3A_472 = arith.constant 0 : i32
        %dma_start3A_473 = arith.constant 0 : i32
        %dma_start3A_474 = tpu.memref_slice %arg10[%dma_start3A_472, %dma_start3A_473] : memref<125x128xf32, #tpu.memory_space<vmem>> -> memref<16x128xf32, #tpu.memory_space<vmem>>
        %dma_start3A_475 = arith.constant 9984 : i32
        %dma_start3A_476 = arith.constant 0 : i32
        %dma_start3A_477 = tpu.memref_slice %arg12[%dma_start3A_475, %dma_start3A_476] : memref<10000x128xf32, #tpu.memory_space<vmem_shared>> -> memref<16x128xf32, #tpu.memory_space<vmem_shared>>
        %dma_start3A_478 = arith.constant 9984 : i32
        %dma_start3A_479 = arith.constant 0 : i32
        %dma_start3A_480 = tpu.memref_slice %arg12[%dma_start3A_478, %dma_start3A_479] : memref<10000x128xf32, #tpu.memory_space<vmem_shared>> -> memref<16x128xf32, #tpu.memory_space<vmem_shared>>
        %dma_start3A_481 = arith.constant 0 : i32
        %dma_start3A_482 = arith.constant 0 : i32
        %dma_start3A_483 = tpu.memref_slice %arg10[%dma_start3A_481, %dma_start3A_482] : memref<125x128xf32, #tpu.memory_space<vmem>> -> memref<16x128xf32, #tpu.memory_space<vmem>>
        tpu.enqueue_dma source(%dma_start3A_483 : memref<16x128xf32, #tpu.memory_space<vmem>>) target(%dma_start3A_480 : memref<16x128xf32, #tpu.memory_space<vmem_shared>>) target_semaphore(%run_scoped3A_471 : memref<!tpu.dma_semaphore, #tpu.memory_space<semaphore_mem>>)
        %dma_wait3A_484 = arith.constant 0 : i32
        %dma_wait3A_485 = arith.constant 0 : i32
        %dma_wait3A_486 = tpu.memref_slice %arg10[%dma_wait3A_484, %dma_wait3A_485] : memref<125x128xf32, #tpu.memory_space<vmem>> -> memref<16x128xf32, #tpu.memory_space<vmem>>
        %dma_wait3A_487 = arith.constant 9984 : i32
        %dma_wait3A_488 = arith.constant 0 : i32
        %dma_wait3A_489 = tpu.memref_slice %arg12[%dma_wait3A_487, %dma_wait3A_488] : memref<10000x128xf32, #tpu.memory_space<vmem_shared>> -> memref<16x128xf32, #tpu.memory_space<vmem_shared>>
        %dma_wait3A_490 = arith.constant 9984 : i32
        %dma_wait3A_491 = arith.constant 0 : i32
        %dma_wait3A_492 = tpu.memref_slice %arg12[%dma_wait3A_490, %dma_wait3A_491] : memref<10000x128xf32, #tpu.memory_space<vmem_shared>> -> memref<16x128xf32, #tpu.memory_space<vmem_shared>>
        %dma_wait3A_493 = arith.constant 0 : i32
        %dma_wait3A_494 = arith.constant 0 : i32
        %dma_wait3A_495 = tpu.memref_slice %arg10[%dma_wait3A_493, %dma_wait3A_494] : memref<125x128xf32, #tpu.memory_space<vmem>> -> memref<16x128xf32, #tpu.memory_space<vmem>>
        tpu.wait_dma2 semaphore(%run_scoped3A_471 : memref<!tpu.dma_semaphore, #tpu.memory_space<semaphore_mem>>) src(%dma_wait3A_495 : memref<16x128xf32, #tpu.memory_space<vmem>>) dst(%dma_wait3A_492 : memref<16x128xf32, #tpu.memory_space<vmem_shared>>)
        tpu.yield
      }) : () -> ()
      "tpu.region"() ({
        %run_scoped3A_471 = tpu.sem_alloc : memref<!tpu.dma_semaphore, #tpu.memory_space<semaphore_mem>>
        %dma_start3A_472 = arith.constant 0 : i32
        %dma_start3A_473 = arith.constant 0 : i32
        %dma_start3A_474 = tpu.memref_slice %arg22[%dma_start3A_472, %dma_start3A_473] : memref<125x16xf32, #tpu.memory_space<vmem>> -> memref<16x16xf32, #tpu.memory_space<vmem>>
        %dma_start3A_475 = arith.constant 9984 : i32
        %dma_start3A_476 = arith.constant 0 : i32
        %dma_start3A_477 = tpu.memref_slice %arg23[%dma_start3A_475, %dma_start3A_476] : memref<10000x16xf32, #tpu.memory_space<vmem_shared>> -> memref<16x16xf32, #tpu.memory_space<vmem_shared>>
        %dma_start3A_478 = arith.constant 9984 : i32
        %dma_start3A_479 = arith.constant 0 : i32
        %dma_start3A_480 = tpu.memref_slice %arg23[%dma_start3A_478, %dma_start3A_479] : memref<10000x16xf32, #tpu.memory_space<vmem_shared>> -> memref<16x16xf32, #tpu.memory_space<vmem_shared>>
        %dma_start3A_481 = arith.constant 0 : i32
        %dma_start3A_482 = arith.constant 0 : i32
        %dma_start3A_483 = tpu.memref_slice %arg22[%dma_start3A_481, %dma_start3A_482] : memref<125x16xf32, #tpu.memory_space<vmem>> -> memref<16x16xf32, #tpu.memory_space<vmem>>
        tpu.enqueue_dma source(%dma_start3A_483 : memref<16x16xf32, #tpu.memory_space<vmem>>) target(%dma_start3A_480 : memref<16x16xf32, #tpu.memory_space<vmem_shared>>) target_semaphore(%run_scoped3A_471 : memref<!tpu.dma_semaphore, #tpu.memory_space<semaphore_mem>>)
        %dma_wait3A_484 = arith.constant 0 : i32
        %dma_wait3A_485 = arith.constant 0 : i32
        %dma_wait3A_486 = tpu.memref_slice %arg22[%dma_wait3A_484, %dma_wait3A_485] : memref<125x16xf32, #tpu.memory_space<vmem>> -> memref<16x16xf32, #tpu.memory_space<vmem>>
        %dma_wait3A_487 = arith.constant 9984 : i32
        %dma_wait3A_488 = arith.constant 0 : i32
        %dma_wait3A_489 = tpu.memref_slice %arg23[%dma_wait3A_487, %dma_wait3A_488] : memref<10000x16xf32, #tpu.memory_space<vmem_shared>> -> memref<16x16xf32, #tpu.memory_space<vmem_shared>>
        %dma_wait3A_490 = arith.constant 9984 : i32
        %dma_wait3A_491 = arith.constant 0 : i32
        %dma_wait3A_492 = tpu.memref_slice %arg23[%dma_wait3A_490, %dma_wait3A_491] : memref<10000x16xf32, #tpu.memory_space<vmem_shared>> -> memref<16x16xf32, #tpu.memory_space<vmem_shared>>
        %dma_wait3A_493 = arith.constant 0 : i32
        %dma_wait3A_494 = arith.constant 0 : i32
        %dma_wait3A_495 = tpu.memref_slice %arg22[%dma_wait3A_493, %dma_wait3A_494] : memref<125x16xf32, #tpu.memory_space<vmem>> -> memref<16x16xf32, #tpu.memory_space<vmem>>
        tpu.wait_dma2 semaphore(%run_scoped3A_471 : memref<!tpu.dma_semaphore, #tpu.memory_space<semaphore_mem>>) src(%dma_wait3A_495 : memref<16x16xf32, #tpu.memory_space<vmem>>) dst(%dma_wait3A_492 : memref<16x16xf32, #tpu.memory_space<vmem_shared>>)
        tpu.yield
      }) : () -> ()
    } else {
    }
    %barrier3A = arith.constant 0 : index
    tpu.barrier barrier_id(%barrier3A)
    %run_scoped3A = arith.constant 0 : i32
    %run_scoped3A_40 = arith.constant 0 : i32
    %run_scoped3A_41 = arith.constant 0 : i32
    "tpu.region"() ({
      %run_scoped3A_471 = tpu.sem_alloc : memref<!tpu.dma_semaphore, #tpu.memory_space<semaphore_mem>>
      %dma_start3A_472 = arith.constant 0 : i32
      %dma_start3A_473 = tpu.memref_slice %arg6[%run_scoped3A_41, %dma_start3A_472] : memref<2x125xi32, #tpu.memory_space<vmem>> -> memref<1x125xi32, #tpu.memory_space<vmem>>
      %dma_start3A_474 = tpu.memref_squeeze %dma_start3A_473 : memref<1x125xi32, #tpu.memory_space<vmem>> -> memref<125xi32, #tpu.memory_space<vmem>>
      %dma_start3A_475 = arith.constant 0 : i32
      %dma_start3A_476 = tpu.memref_slice %arg3[%run_scoped3A, %add3A, %run_scoped3A_40, %dma_start3A_475] : memref<2x32x80x125xi32, #tpu.memory_space<hbm>> -> memref<1x1x1x125xi32, #tpu.memory_space<hbm>>
      %dma_start3A_477 = tpu.memref_squeeze %dma_start3A_476 : memref<1x1x1x125xi32, #tpu.memory_space<hbm>> -> memref<125xi32, #tpu.memory_space<hbm>>
      %dma_start3A_478 = arith.constant 0 : i32
      %dma_start3A_479 = tpu.memref_slice %arg6[%run_scoped3A_41, %dma_start3A_478] : memref<2x125xi32, #tpu.memory_space<vmem>> -> memref<1x125xi32, #tpu.memory_space<vmem>>
      %dma_start3A_480 = tpu.memref_squeeze %dma_start3A_479 : memref<1x125xi32, #tpu.memory_space<vmem>> -> memref<125xi32, #tpu.memory_space<vmem>>
      %dma_start3A_481 = arith.constant 0 : i32
      %dma_start3A_482 = tpu.memref_slice %arg3[%run_scoped3A, %add3A, %run_scoped3A_40, %dma_start3A_481] : memref<2x32x80x125xi32, #tpu.memory_space<hbm>> -> memref<1x1x1x125xi32, #tpu.memory_space<hbm>>
      %dma_start3A_483 = tpu.memref_squeeze %dma_start3A_482 : memref<1x1x1x125xi32, #tpu.memory_space<hbm>> -> memref<125xi32, #tpu.memory_space<hbm>>
      tpu.enqueue_dma source(%dma_start3A_483 : memref<125xi32, #tpu.memory_space<hbm>>) target(%dma_start3A_480 : memref<125xi32, #tpu.memory_space<vmem>>) target_semaphore(%run_scoped3A_471 : memref<!tpu.dma_semaphore, #tpu.memory_space<semaphore_mem>>)
      %dma_wait3A_484 = arith.constant 0 : i32
      %dma_wait3A_485 = tpu.memref_slice %arg6[%run_scoped3A_41, %dma_wait3A_484] : memref<2x125xi32, #tpu.memory_space<vmem>> -> memref<1x125xi32, #tpu.memory_space<vmem>>
      %dma_wait3A_486 = tpu.memref_squeeze %dma_wait3A_485 : memref<1x125xi32, #tpu.memory_space<vmem>> -> memref<125xi32, #tpu.memory_space<vmem>>
      %dma_wait3A_487 = arith.constant 0 : i32
      %dma_wait3A_488 = tpu.memref_slice %arg3[%run_scoped3A, %add3A, %run_scoped3A_40, %dma_wait3A_487] : memref<2x32x80x125xi32, #tpu.memory_space<hbm>> -> memref<1x1x1x125xi32, #tpu.memory_space<hbm>>
      %dma_wait3A_489 = tpu.memref_squeeze %dma_wait3A_488 : memref<1x1x1x125xi32, #tpu.memory_space<hbm>> -> memref<125xi32, #tpu.memory_space<hbm>>
      %dma_wait3A_490 = arith.constant 0 : i32
      %dma_wait3A_491 = tpu.memref_slice %arg6[%run_scoped3A_41, %dma_wait3A_490] : memref<2x125xi32, #tpu.memory_space<vmem>> -> memref<1x125xi32, #tpu.memory_space<vmem>>
      %dma_wait3A_492 = tpu.memref_squeeze %dma_wait3A_491 : memref<1x125xi32, #tpu.memory_space<vmem>> -> memref<125xi32, #tpu.memory_space<vmem>>
      %dma_wait3A_493 = arith.constant 0 : i32
      %dma_wait3A_494 = tpu.memref_slice %arg3[%run_scoped3A, %add3A, %run_scoped3A_40, %dma_wait3A_493] : memref<2x32x80x125xi32, #tpu.memory_space<hbm>> -> memref<1x1x1x125xi32, #tpu.memory_space<hbm>>
      %dma_wait3A_495 = tpu.memref_squeeze %dma_wait3A_494 : memref<1x1x1x125xi32, #tpu.memory_space<hbm>> -> memref<125xi32, #tpu.memory_space<hbm>>
      tpu.wait_dma2 semaphore(%run_scoped3A_471 : memref<!tpu.dma_semaphore, #tpu.memory_space<semaphore_mem>>) src(%dma_wait3A_495 : memref<125xi32, #tpu.memory_space<hbm>>) dst(%dma_wait3A_492 : memref<125xi32, #tpu.memory_space<vmem>>)
      tpu.yield
    }) : () -> ()
    %run_scoped3A_42 = arith.constant 1 : i32
    %run_scoped3A_43 = arith.constant 0 : i32
    %run_scoped3A_44 = arith.constant 1 : i32
    "tpu.region"() ({
      %run_scoped3A_471 = tpu.sem_alloc : memref<!tpu.dma_semaphore, #tpu.memory_space<semaphore_mem>>
      %dma_start3A_472 = arith.constant 0 : i32
      %dma_start3A_473 = tpu.memref_slice %arg6[%run_scoped3A_44, %dma_start3A_472] : memref<2x125xi32, #tpu.memory_space<vmem>> -> memref<1x125xi32, #tpu.memory_space<vmem>>
      %dma_start3A_474 = tpu.memref_squeeze %dma_start3A_473 : memref<1x125xi32, #tpu.memory_space<vmem>> -> memref<125xi32, #tpu.memory_space<vmem>>
      %dma_start3A_475 = arith.constant 0 : i32
      %dma_start3A_476 = tpu.memref_slice %arg3[%run_scoped3A_42, %add3A, %run_scoped3A_43, %dma_start3A_475] : memref<2x32x80x125xi32, #tpu.memory_space<hbm>> -> memref<1x1x1x125xi32, #tpu.memory_space<hbm>>
      %dma_start3A_477 = tpu.memref_squeeze %dma_start3A_476 : memref<1x1x1x125xi32, #tpu.memory_space<hbm>> -> memref<125xi32, #tpu.memory_space<hbm>>
      %dma_start3A_478 = arith.constant 0 : i32
      %dma_start3A_479 = tpu.memref_slice %arg6[%run_scoped3A_44, %dma_start3A_478] : memref<2x125xi32, #tpu.memory_space<vmem>> -> memref<1x125xi32, #tpu.memory_space<vmem>>
      %dma_start3A_480 = tpu.memref_squeeze %dma_start3A_479 : memref<1x125xi32, #tpu.memory_space<vmem>> -> memref<125xi32, #tpu.memory_space<vmem>>
      %dma_start3A_481 = arith.constant 0 : i32
      %dma_start3A_482 = tpu.memref_slice %arg3[%run_scoped3A_42, %add3A, %run_scoped3A_43, %dma_start3A_481] : memref<2x32x80x125xi32, #tpu.memory_space<hbm>> -> memref<1x1x1x125xi32, #tpu.memory_space<hbm>>
      %dma_start3A_483 = tpu.memref_squeeze %dma_start3A_482 : memref<1x1x1x125xi32, #tpu.memory_space<hbm>> -> memref<125xi32, #tpu.memory_space<hbm>>
      tpu.enqueue_dma source(%dma_start3A_483 : memref<125xi32, #tpu.memory_space<hbm>>) target(%dma_start3A_480 : memref<125xi32, #tpu.memory_space<vmem>>) target_semaphore(%run_scoped3A_471 : memref<!tpu.dma_semaphore, #tpu.memory_space<semaphore_mem>>)
      %dma_wait3A_484 = arith.constant 0 : i32
      %dma_wait3A_485 = tpu.memref_slice %arg6[%run_scoped3A_44, %dma_wait3A_484] : memref<2x125xi32, #tpu.memory_space<vmem>> -> memref<1x125xi32, #tpu.memory_space<vmem>>
      %dma_wait3A_486 = tpu.memref_squeeze %dma_wait3A_485 : memref<1x125xi32, #tpu.memory_space<vmem>> -> memref<125xi32, #tpu.memory_space<vmem>>
      %dma_wait3A_487 = arith.constant 0 : i32
      %dma_wait3A_488 = tpu.memref_slice %arg3[%run_scoped3A_42, %add3A, %run_scoped3A_43, %dma_wait3A_487] : memref<2x32x80x125xi32, #tpu.memory_space<hbm>> -> memref<1x1x1x125xi32, #tpu.memory_space<hbm>>
      %dma_wait3A_489 = tpu.memref_squeeze %dma_wait3A_488 : memref<1x1x1x125xi32, #tpu.memory_space<hbm>> -> memref<125xi32, #tpu.memory_space<hbm>>
      %dma_wait3A_490 = arith.constant 0 : i32
      %dma_wait3A_491 = tpu.memref_slice %arg6[%run_scoped3A_44, %dma_wait3A_490] : memref<2x125xi32, #tpu.memory_space<vmem>> -> memref<1x125xi32, #tpu.memory_space<vmem>>
      %dma_wait3A_492 = tpu.memref_squeeze %dma_wait3A_491 : memref<1x125xi32, #tpu.memory_space<vmem>> -> memref<125xi32, #tpu.memory_space<vmem>>
      %dma_wait3A_493 = arith.constant 0 : i32
      %dma_wait3A_494 = tpu.memref_slice %arg3[%run_scoped3A_42, %add3A, %run_scoped3A_43, %dma_wait3A_493] : memref<2x32x80x125xi32, #tpu.memory_space<hbm>> -> memref<1x1x1x125xi32, #tpu.memory_space<hbm>>
      %dma_wait3A_495 = tpu.memref_squeeze %dma_wait3A_494 : memref<1x1x1x125xi32, #tpu.memory_space<hbm>> -> memref<125xi32, #tpu.memory_space<hbm>>
      tpu.wait_dma2 semaphore(%run_scoped3A_471 : memref<!tpu.dma_semaphore, #tpu.memory_space<semaphore_mem>>) src(%dma_wait3A_495 : memref<125xi32, #tpu.memory_space<hbm>>) dst(%dma_wait3A_492 : memref<125xi32, #tpu.memory_space<vmem>>)
      tpu.yield
    }) : () -> ()
    %dma_start3A = arith.constant 0 : i32
    %dma_start3A_45 = arith.constant 0 : i32
    %dma_start3A_46 = tpu.memref_slice %arg6[%dma_start3A, %dma_start3A_45] : memref<2x125xi32, #tpu.memory_space<vmem>> -> memref<1x125xi32, #tpu.memory_space<vmem>>
    %dma_start3A_47 = tpu.memref_squeeze %dma_start3A_46 : memref<1x125xi32, #tpu.memory_space<vmem>> -> memref<125xi32, #tpu.memory_space<vmem>>
    %dma_start3A_48 = arith.constant 0 : i32
    %dma_start3A_49 = arith.constant 0 : i32
    %dma_start3A_50 = tpu.memref_slice %arg2[%dma_start3A_48, %dma_start3A_49] : memref<10000x128xf32, #tpu.memory_space<hbm>> -> memref<10000x128xf32, #tpu.memory_space<hbm>>
    tpu.enqueue_indirect_dma source(%dma_start3A_50 : memref<10000x128xf32, #tpu.memory_space<hbm>>) target(%arg10 : memref<125x128xf32, #tpu.memory_space<vmem>>) offsets(%dma_start3A_47 : memref<125xi32, #tpu.memory_space<vmem>>) semaphore(%arg17 : memref<!tpu.dma_semaphore, #tpu.memory_space<semaphore_mem>>)
    %dma_start3A_51 = arith.constant 0 : i32
    %dma_start3A_52 = arith.constant 1 : i32
    %dma_start3A_53 = arith.constant 0 : i32
    %dma_start3A_54 = arith.constant 0 : i32
    %dma_start3A_55 = tpu.memref_slice %arg7[%dma_start3A_53, %dma_start3A_54] : memref<2x125xi32, #tpu.memory_space<vmem>> -> memref<1x125xi32, #tpu.memory_space<vmem>>
    %dma_start3A_56 = tpu.memref_squeeze %dma_start3A_55 : memref<1x125xi32, #tpu.memory_space<vmem>> -> memref<125xi32, #tpu.memory_space<vmem>>
    %dma_start3A_57 = arith.constant 0 : i32
    %dma_start3A_58 = tpu.memref_slice %arg3[%dma_start3A_51, %add3A, %dma_start3A_52, %dma_start3A_57] : memref<2x32x80x125xi32, #tpu.memory_space<hbm>> -> memref<1x1x1x125xi32, #tpu.memory_space<hbm>>
    %dma_start3A_59 = tpu.memref_squeeze %dma_start3A_58 : memref<1x1x1x125xi32, #tpu.memory_space<hbm>> -> memref<125xi32, #tpu.memory_space<hbm>>
    %dma_start3A_60 = arith.constant 0 : i32
    %dma_start3A_61 = tpu.memref_slice %arg7[%dma_start3A_53, %dma_start3A_60] : memref<2x125xi32, #tpu.memory_space<vmem>> -> memref<1x125xi32, #tpu.memory_space<vmem>>
    %dma_start3A_62 = tpu.memref_squeeze %dma_start3A_61 : memref<1x125xi32, #tpu.memory_space<vmem>> -> memref<125xi32, #tpu.memory_space<vmem>>
    %dma_start3A_63 = arith.constant 0 : i32
    %dma_start3A_64 = tpu.memref_slice %arg3[%dma_start3A_51, %add3A, %dma_start3A_52, %dma_start3A_63] : memref<2x32x80x125xi32, #tpu.memory_space<hbm>> -> memref<1x1x1x125xi32, #tpu.memory_space<hbm>>
    %dma_start3A_65 = tpu.memref_squeeze %dma_start3A_64 : memref<1x1x1x125xi32, #tpu.memory_space<hbm>> -> memref<125xi32, #tpu.memory_space<hbm>>
    tpu.enqueue_dma source(%dma_start3A_65 : memref<125xi32, #tpu.memory_space<hbm>>) target(%dma_start3A_62 : memref<125xi32, #tpu.memory_space<vmem>>) target_semaphore(%arg14 : memref<!tpu.dma_semaphore, #tpu.memory_space<semaphore_mem>>)
    %dma_start3A_66 = arith.constant 1 : i32
    %dma_start3A_67 = arith.constant 1 : i32
    %dma_start3A_68 = arith.constant 1 : i32
    %dma_start3A_69 = arith.constant 0 : i32
    %dma_start3A_70 = tpu.memref_slice %arg7[%dma_start3A_68, %dma_start3A_69] : memref<2x125xi32, #tpu.memory_space<vmem>> -> memref<1x125xi32, #tpu.memory_space<vmem>>
    %dma_start3A_71 = tpu.memref_squeeze %dma_start3A_70 : memref<1x125xi32, #tpu.memory_space<vmem>> -> memref<125xi32, #tpu.memory_space<vmem>>
    %dma_start3A_72 = arith.constant 0 : i32
    %dma_start3A_73 = tpu.memref_slice %arg3[%dma_start3A_66, %add3A, %dma_start3A_67, %dma_start3A_72] : memref<2x32x80x125xi32, #tpu.memory_space<hbm>> -> memref<1x1x1x125xi32, #tpu.memory_space<hbm>>
    %dma_start3A_74 = tpu.memref_squeeze %dma_start3A_73 : memref<1x1x1x125xi32, #tpu.memory_space<hbm>> -> memref<125xi32, #tpu.memory_space<hbm>>
    %dma_start3A_75 = arith.constant 0 : i32
    %dma_start3A_76 = tpu.memref_slice %arg7[%dma_start3A_68, %dma_start3A_75] : memref<2x125xi32, #tpu.memory_space<vmem>> -> memref<1x125xi32, #tpu.memory_space<vmem>>
    %dma_start3A_77 = tpu.memref_squeeze %dma_start3A_76 : memref<1x125xi32, #tpu.memory_space<vmem>> -> memref<125xi32, #tpu.memory_space<vmem>>
    %dma_start3A_78 = arith.constant 0 : i32
    %dma_start3A_79 = tpu.memref_slice %arg3[%dma_start3A_66, %add3A, %dma_start3A_67, %dma_start3A_78] : memref<2x32x80x125xi32, #tpu.memory_space<hbm>> -> memref<1x1x1x125xi32, #tpu.memory_space<hbm>>
    %dma_start3A_80 = tpu.memref_squeeze %dma_start3A_79 : memref<1x1x1x125xi32, #tpu.memory_space<hbm>> -> memref<125xi32, #tpu.memory_space<hbm>>
    tpu.enqueue_dma source(%dma_start3A_80 : memref<125xi32, #tpu.memory_space<hbm>>) target(%dma_start3A_77 : memref<125xi32, #tpu.memory_space<vmem>>) target_semaphore(%arg14 : memref<!tpu.dma_semaphore, #tpu.memory_space<semaphore_mem>>)
    %dma_start3A_81 = arith.constant 0 : i32
    %dma_start3A_82 = arith.constant 2 : i32
    %dma_start3A_83 = arith.constant 0 : i32
    %dma_start3A_84 = arith.constant 0 : i32
    %dma_start3A_85 = tpu.memref_slice %arg8[%dma_start3A_83, %dma_start3A_84] : memref<2x125xi32, #tpu.memory_space<vmem>> -> memref<1x125xi32, #tpu.memory_space<vmem>>
    %dma_start3A_86 = tpu.memref_squeeze %dma_start3A_85 : memref<1x125xi32, #tpu.memory_space<vmem>> -> memref<125xi32, #tpu.memory_space<vmem>>
    %dma_start3A_87 = arith.constant 0 : i32
    %dma_start3A_88 = tpu.memref_slice %arg3[%dma_start3A_81, %add3A, %dma_start3A_82, %dma_start3A_87] : memref<2x32x80x125xi32, #tpu.memory_space<hbm>> -> memref<1x1x1x125xi32, #tpu.memory_space<hbm>>
    %dma_start3A_89 = tpu.memref_squeeze %dma_start3A_88 : memref<1x1x1x125xi32, #tpu.memory_space<hbm>> -> memref<125xi32, #tpu.memory_space<hbm>>
    %dma_start3A_90 = arith.constant 0 : i32
    %dma_start3A_91 = tpu.memref_slice %arg8[%dma_start3A_83, %dma_start3A_90] : memref<2x125xi32, #tpu.memory_space<vmem>> -> memref<1x125xi32, #tpu.memory_space<vmem>>
    %dma_start3A_92 = tpu.memref_squeeze %dma_start3A_91 : memref<1x125xi32, #tpu.memory_space<vmem>> -> memref<125xi32, #tpu.memory_space<vmem>>
    %dma_start3A_93 = arith.constant 0 : i32
    %dma_start3A_94 = tpu.memref_slice %arg3[%dma_start3A_81, %add3A, %dma_start3A_82, %dma_start3A_93] : memref<2x32x80x125xi32, #tpu.memory_space<hbm>> -> memref<1x1x1x125xi32, #tpu.memory_space<hbm>>
    %dma_start3A_95 = tpu.memref_squeeze %dma_start3A_94 : memref<1x1x1x125xi32, #tpu.memory_space<hbm>> -> memref<125xi32, #tpu.memory_space<hbm>>
    tpu.enqueue_dma source(%dma_start3A_95 : memref<125xi32, #tpu.memory_space<hbm>>) target(%dma_start3A_92 : memref<125xi32, #tpu.memory_space<vmem>>) target_semaphore(%arg15 : memref<!tpu.dma_semaphore, #tpu.memory_space<semaphore_mem>>)
    %dma_start3A_96 = arith.constant 1 : i32
    %dma_start3A_97 = arith.constant 2 : i32
    %dma_start3A_98 = arith.constant 1 : i32
    %dma_start3A_99 = arith.constant 0 : i32
    %dma_start3A_100 = tpu.memref_slice %arg8[%dma_start3A_98, %dma_start3A_99] : memref<2x125xi32, #tpu.memory_space<vmem>> -> memref<1x125xi32, #tpu.memory_space<vmem>>
    %dma_start3A_101 = tpu.memref_squeeze %dma_start3A_100 : memref<1x125xi32, #tpu.memory_space<vmem>> -> memref<125xi32, #tpu.memory_space<vmem>>
    %dma_start3A_102 = arith.constant 0 : i32
    %dma_start3A_103 = tpu.memref_slice %arg3[%dma_start3A_96, %add3A, %dma_start3A_97, %dma_start3A_102] : memref<2x32x80x125xi32, #tpu.memory_space<hbm>> -> memref<1x1x1x125xi32, #tpu.memory_space<hbm>>
    %dma_start3A_104 = tpu.memref_squeeze %dma_start3A_103 : memref<1x1x1x125xi32, #tpu.memory_space<hbm>> -> memref<125xi32, #tpu.memory_space<hbm>>
    %dma_start3A_105 = arith.constant 0 : i32
    %dma_start3A_106 = tpu.memref_slice %arg8[%dma_start3A_98, %dma_start3A_105] : memref<2x125xi32, #tpu.memory_space<vmem>> -> memref<1x125xi32, #tpu.memory_space<vmem>>
    %dma_start3A_107 = tpu.memref_squeeze %dma_start3A_106 : memref<1x125xi32, #tpu.memory_space<vmem>> -> memref<125xi32, #tpu.memory_space<vmem>>
    %dma_start3A_108 = arith.constant 0 : i32
    %dma_start3A_109 = tpu.memref_slice %arg3[%dma_start3A_96, %add3A, %dma_start3A_97, %dma_start3A_108] : memref<2x32x80x125xi32, #tpu.memory_space<hbm>> -> memref<1x1x1x125xi32, #tpu.memory_space<hbm>>
    %dma_start3A_110 = tpu.memref_squeeze %dma_start3A_109 : memref<1x1x1x125xi32, #tpu.memory_space<hbm>> -> memref<125xi32, #tpu.memory_space<hbm>>
    tpu.enqueue_dma source(%dma_start3A_110 : memref<125xi32, #tpu.memory_space<hbm>>) target(%dma_start3A_107 : memref<125xi32, #tpu.memory_space<vmem>>) target_semaphore(%arg15 : memref<!tpu.dma_semaphore, #tpu.memory_space<semaphore_mem>>)
    %dma_wait3A = arith.constant 0 : i32
    %dma_wait3A_111 = arith.constant 1 : i32
    %dma_wait3A_112 = arith.constant 0 : i32
    %dma_wait3A_113 = arith.constant 0 : i32
    %dma_wait3A_114 = tpu.memref_slice %arg7[%dma_wait3A_112, %dma_wait3A_113] : memref<2x125xi32, #tpu.memory_space<vmem>> -> memref<1x125xi32, #tpu.memory_space<vmem>>
    %dma_wait3A_115 = tpu.memref_squeeze %dma_wait3A_114 : memref<1x125xi32, #tpu.memory_space<vmem>> -> memref<125xi32, #tpu.memory_space<vmem>>
    %dma_wait3A_116 = arith.constant 0 : i32
    %dma_wait3A_117 = tpu.memref_slice %arg3[%dma_wait3A, %add3A, %dma_wait3A_111, %dma_wait3A_116] : memref<2x32x80x125xi32, #tpu.memory_space<hbm>> -> memref<1x1x1x125xi32, #tpu.memory_space<hbm>>
    %dma_wait3A_118 = tpu.memref_squeeze %dma_wait3A_117 : memref<1x1x1x125xi32, #tpu.memory_space<hbm>> -> memref<125xi32, #tpu.memory_space<hbm>>
    %dma_wait3A_119 = arith.constant 0 : i32
    %dma_wait3A_120 = tpu.memref_slice %arg7[%dma_wait3A_112, %dma_wait3A_119] : memref<2x125xi32, #tpu.memory_space<vmem>> -> memref<1x125xi32, #tpu.memory_space<vmem>>
    %dma_wait3A_121 = tpu.memref_squeeze %dma_wait3A_120 : memref<1x125xi32, #tpu.memory_space<vmem>> -> memref<125xi32, #tpu.memory_space<vmem>>
    %dma_wait3A_122 = arith.constant 0 : i32
    %dma_wait3A_123 = tpu.memref_slice %arg3[%dma_wait3A, %add3A, %dma_wait3A_111, %dma_wait3A_122] : memref<2x32x80x125xi32, #tpu.memory_space<hbm>> -> memref<1x1x1x125xi32, #tpu.memory_space<hbm>>
    %dma_wait3A_124 = tpu.memref_squeeze %dma_wait3A_123 : memref<1x1x1x125xi32, #tpu.memory_space<hbm>> -> memref<125xi32, #tpu.memory_space<hbm>>
    tpu.wait_dma2 semaphore(%arg14 : memref<!tpu.dma_semaphore, #tpu.memory_space<semaphore_mem>>) src(%dma_wait3A_124 : memref<125xi32, #tpu.memory_space<hbm>>) dst(%dma_wait3A_121 : memref<125xi32, #tpu.memory_space<vmem>>)
    %dma_wait3A_125 = arith.constant 1 : i32
    %dma_wait3A_126 = arith.constant 1 : i32
    %dma_wait3A_127 = arith.constant 1 : i32
    %dma_wait3A_128 = arith.constant 0 : i32
    %dma_wait3A_129 = tpu.memref_slice %arg7[%dma_wait3A_127, %dma_wait3A_128] : memref<2x125xi32, #tpu.memory_space<vmem>> -> memref<1x125xi32, #tpu.memory_space<vmem>>
    %dma_wait3A_130 = tpu.memref_squeeze %dma_wait3A_129 : memref<1x125xi32, #tpu.memory_space<vmem>> -> memref<125xi32, #tpu.memory_space<vmem>>
    %dma_wait3A_131 = arith.constant 0 : i32
    %dma_wait3A_132 = tpu.memref_slice %arg3[%dma_wait3A_125, %add3A, %dma_wait3A_126, %dma_wait3A_131] : memref<2x32x80x125xi32, #tpu.memory_space<hbm>> -> memref<1x1x1x125xi32, #tpu.memory_space<hbm>>
    %dma_wait3A_133 = tpu.memref_squeeze %dma_wait3A_132 : memref<1x1x1x125xi32, #tpu.memory_space<hbm>> -> memref<125xi32, #tpu.memory_space<hbm>>
    %dma_wait3A_134 = arith.constant 0 : i32
    %dma_wait3A_135 = tpu.memref_slice %arg7[%dma_wait3A_127, %dma_wait3A_134] : memref<2x125xi32, #tpu.memory_space<vmem>> -> memref<1x125xi32, #tpu.memory_space<vmem>>
    %dma_wait3A_136 = tpu.memref_squeeze %dma_wait3A_135 : memref<1x125xi32, #tpu.memory_space<vmem>> -> memref<125xi32, #tpu.memory_space<vmem>>
    %dma_wait3A_137 = arith.constant 0 : i32
    %dma_wait3A_138 = tpu.memref_slice %arg3[%dma_wait3A_125, %add3A, %dma_wait3A_126, %dma_wait3A_137] : memref<2x32x80x125xi32, #tpu.memory_space<hbm>> -> memref<1x1x1x125xi32, #tpu.memory_space<hbm>>
    %dma_wait3A_139 = tpu.memref_squeeze %dma_wait3A_138 : memref<1x1x1x125xi32, #tpu.memory_space<hbm>> -> memref<125xi32, #tpu.memory_space<hbm>>
    tpu.wait_dma2 semaphore(%arg14 : memref<!tpu.dma_semaphore, #tpu.memory_space<semaphore_mem>>) src(%dma_wait3A_139 : memref<125xi32, #tpu.memory_space<hbm>>) dst(%dma_wait3A_136 : memref<125xi32, #tpu.memory_space<vmem>>)
    %dma_start3A_140 = arith.constant 0 : i32
    %dma_start3A_141 = arith.constant 0 : i32
    %dma_start3A_142 = tpu.memref_slice %arg7[%dma_start3A_140, %dma_start3A_141] : memref<2x125xi32, #tpu.memory_space<vmem>> -> memref<1x125xi32, #tpu.memory_space<vmem>>
    %dma_start3A_143 = tpu.memref_squeeze %dma_start3A_142 : memref<1x125xi32, #tpu.memory_space<vmem>> -> memref<125xi32, #tpu.memory_space<vmem>>
    %dma_start3A_144 = arith.constant 0 : i32
    %dma_start3A_145 = arith.constant 0 : i32
    %dma_start3A_146 = tpu.memref_slice %arg2[%dma_start3A_144, %dma_start3A_145] : memref<10000x128xf32, #tpu.memory_space<hbm>> -> memref<10000x128xf32, #tpu.memory_space<hbm>>
    tpu.enqueue_indirect_dma source(%dma_start3A_146 : memref<10000x128xf32, #tpu.memory_space<hbm>>) target(%arg11 : memref<125x128xf32, #tpu.memory_space<vmem>>) offsets(%dma_start3A_143 : memref<125xi32, #tpu.memory_space<vmem>>) semaphore(%arg18 : memref<!tpu.dma_semaphore, #tpu.memory_space<semaphore_mem>>)
    %dma_start3A_147 = arith.constant 0 : i32
    %dma_start3A_148 = arith.constant 3 : i32
    %dma_start3A_149 = arith.constant 0 : i32
    %dma_start3A_150 = arith.constant 0 : i32
    %dma_start3A_151 = tpu.memref_slice %arg9[%dma_start3A_149, %dma_start3A_150] : memref<2x125xi32, #tpu.memory_space<vmem>> -> memref<1x125xi32, #tpu.memory_space<vmem>>
    %dma_start3A_152 = tpu.memref_squeeze %dma_start3A_151 : memref<1x125xi32, #tpu.memory_space<vmem>> -> memref<125xi32, #tpu.memory_space<vmem>>
    %dma_start3A_153 = arith.constant 0 : i32
    %dma_start3A_154 = tpu.memref_slice %arg3[%dma_start3A_147, %add3A, %dma_start3A_148, %dma_start3A_153] : memref<2x32x80x125xi32, #tpu.memory_space<hbm>> -> memref<1x1x1x125xi32, #tpu.memory_space<hbm>>
    %dma_start3A_155 = tpu.memref_squeeze %dma_start3A_154 : memref<1x1x1x125xi32, #tpu.memory_space<hbm>> -> memref<125xi32, #tpu.memory_space<hbm>>
    %dma_start3A_156 = arith.constant 0 : i32
    %dma_start3A_157 = tpu.memref_slice %arg9[%dma_start3A_149, %dma_start3A_156] : memref<2x125xi32, #tpu.memory_space<vmem>> -> memref<1x125xi32, #tpu.memory_space<vmem>>
    %dma_start3A_158 = tpu.memref_squeeze %dma_start3A_157 : memref<1x125xi32, #tpu.memory_space<vmem>> -> memref<125xi32, #tpu.memory_space<vmem>>
    %dma_start3A_159 = arith.constant 0 : i32
    %dma_start3A_160 = tpu.memref_slice %arg3[%dma_start3A_147, %add3A, %dma_start3A_148, %dma_start3A_159] : memref<2x32x80x125xi32, #tpu.memory_space<hbm>> -> memref<1x1x1x125xi32, #tpu.memory_space<hbm>>
    %dma_start3A_161 = tpu.memref_squeeze %dma_start3A_160 : memref<1x1x1x125xi32, #tpu.memory_space<hbm>> -> memref<125xi32, #tpu.memory_space<hbm>>
    tpu.enqueue_dma source(%dma_start3A_161 : memref<125xi32, #tpu.memory_space<hbm>>) target(%dma_start3A_158 : memref<125xi32, #tpu.memory_space<vmem>>) target_semaphore(%arg16 : memref<!tpu.dma_semaphore, #tpu.memory_space<semaphore_mem>>)
    %dma_start3A_162 = arith.constant 1 : i32
    %dma_start3A_163 = arith.constant 3 : i32
    %dma_start3A_164 = arith.constant 1 : i32
    %dma_start3A_165 = arith.constant 0 : i32
    %dma_start3A_166 = tpu.memref_slice %arg9[%dma_start3A_164, %dma_start3A_165] : memref<2x125xi32, #tpu.memory_space<vmem>> -> memref<1x125xi32, #tpu.memory_space<vmem>>
    %dma_start3A_167 = tpu.memref_squeeze %dma_start3A_166 : memref<1x125xi32, #tpu.memory_space<vmem>> -> memref<125xi32, #tpu.memory_space<vmem>>
    %dma_start3A_168 = arith.constant 0 : i32
    %dma_start3A_169 = tpu.memref_slice %arg3[%dma_start3A_162, %add3A, %dma_start3A_163, %dma_start3A_168] : memref<2x32x80x125xi32, #tpu.memory_space<hbm>> -> memref<1x1x1x125xi32, #tpu.memory_space<hbm>>
    %dma_start3A_170 = tpu.memref_squeeze %dma_start3A_169 : memref<1x1x1x125xi32, #tpu.memory_space<hbm>> -> memref<125xi32, #tpu.memory_space<hbm>>
    %dma_start3A_171 = arith.constant 0 : i32
    %dma_start3A_172 = tpu.memref_slice %arg9[%dma_start3A_164, %dma_start3A_171] : memref<2x125xi32, #tpu.memory_space<vmem>> -> memref<1x125xi32, #tpu.memory_space<vmem>>
    %dma_start3A_173 = tpu.memref_squeeze %dma_start3A_172 : memref<1x125xi32, #tpu.memory_space<vmem>> -> memref<125xi32, #tpu.memory_space<vmem>>
    %dma_start3A_174 = arith.constant 0 : i32
    %dma_start3A_175 = tpu.memref_slice %arg3[%dma_start3A_162, %add3A, %dma_start3A_163, %dma_start3A_174] : memref<2x32x80x125xi32, #tpu.memory_space<hbm>> -> memref<1x1x1x125xi32, #tpu.memory_space<hbm>>
    %dma_start3A_176 = tpu.memref_squeeze %dma_start3A_175 : memref<1x1x1x125xi32, #tpu.memory_space<hbm>> -> memref<125xi32, #tpu.memory_space<hbm>>
    tpu.enqueue_dma source(%dma_start3A_176 : memref<125xi32, #tpu.memory_space<hbm>>) target(%dma_start3A_173 : memref<125xi32, #tpu.memory_space<vmem>>) target_semaphore(%arg16 : memref<!tpu.dma_semaphore, #tpu.memory_space<semaphore_mem>>)
    %dma_wait3A_177 = arith.constant 0 : i32
    %dma_wait3A_178 = arith.constant 0 : i32
    %dma_wait3A_179 = tpu.memref_slice %arg6[%dma_wait3A_177, %dma_wait3A_178] : memref<2x125xi32, #tpu.memory_space<vmem>> -> memref<1x125xi32, #tpu.memory_space<vmem>>
    %dma_wait3A_180 = tpu.memref_squeeze %dma_wait3A_179 : memref<1x125xi32, #tpu.memory_space<vmem>> -> memref<125xi32, #tpu.memory_space<vmem>>
    %dma_wait3A_181 = arith.constant 0 : i32
    %dma_wait3A_182 = arith.constant 0 : i32
    %dma_wait3A_183 = tpu.memref_slice %arg2[%dma_wait3A_181, %dma_wait3A_182] : memref<10000x128xf32, #tpu.memory_space<hbm>> -> memref<10000x128xf32, #tpu.memory_space<hbm>>
    tpu.wait_indirect_dma semaphore(%arg17 : memref<!tpu.dma_semaphore, #tpu.memory_space<semaphore_mem>>) src(%dma_wait3A_183 : memref<10000x128xf32, #tpu.memory_space<hbm>>) dst(%arg10 : memref<125x128xf32, #tpu.memory_space<vmem>>)
    %dma_start3A_184 = arith.constant 1 : i32
    %dma_start3A_185 = arith.constant 0 : i32
    %dma_start3A_186 = tpu.memref_slice %arg6[%dma_start3A_184, %dma_start3A_185] : memref<2x125xi32, #tpu.memory_space<vmem>> -> memref<1x125xi32, #tpu.memory_space<vmem>>
    %dma_start3A_187 = tpu.memref_squeeze %dma_start3A_186 : memref<1x125xi32, #tpu.memory_space<vmem>> -> memref<125xi32, #tpu.memory_space<vmem>>
    %dma_start3A_188 = arith.constant 0 : i32
    %dma_start3A_189 = arith.constant 0 : i32
    %dma_start3A_190 = tpu.memref_slice %arg12[%dma_start3A_188, %dma_start3A_189] : memref<10000x128xf32, #tpu.memory_space<vmem_shared>> -> memref<10000x128xf32, #tpu.memory_space<vmem_shared>>
    tpu.enqueue_indirect_dma source(%arg10 : memref<125x128xf32, #tpu.memory_space<vmem>>) target(%dma_start3A_190 : memref<10000x128xf32, #tpu.memory_space<vmem_shared>>) offsets(%dma_start3A_187 : memref<125xi32, #tpu.memory_space<vmem>>) semaphore(%arg19 : memref<!tpu.dma_semaphore, #tpu.memory_space<semaphore_mem>>) {add = true}
    %dma_start3A_191 = arith.constant 1 : i32
    %dma_start3A_192 = arith.constant 0 : i32
    %dma_start3A_193 = tpu.memref_slice %arg6[%dma_start3A_191, %dma_start3A_192] : memref<2x125xi32, #tpu.memory_space<vmem>> -> memref<1x125xi32, #tpu.memory_space<vmem>>
    %dma_start3A_194 = tpu.memref_squeeze %dma_start3A_193 : memref<1x125xi32, #tpu.memory_space<vmem>> -> memref<125xi32, #tpu.memory_space<vmem>>
    %dma_start3A_195 = arith.constant 0 : i32
    %dma_start3A_196 = arith.constant 0 : i32
    %dma_start3A_197 = tpu.memref_slice %arg23[%dma_start3A_195, %dma_start3A_196] : memref<10000x16xf32, #tpu.memory_space<vmem_shared>> -> memref<10000x16xf32, #tpu.memory_space<vmem_shared>>
    tpu.enqueue_indirect_dma source(%arg21 : memref<125x16xf32, #tpu.memory_space<vmem>>) target(%dma_start3A_197 : memref<10000x16xf32, #tpu.memory_space<vmem_shared>>) offsets(%dma_start3A_194 : memref<125xi32, #tpu.memory_space<vmem>>) semaphore(%arg24 : memref<!tpu.dma_semaphore, #tpu.memory_space<semaphore_mem>>) {add = true}
    %dma_wait3A_198 = arith.constant 0 : i32
    %dma_wait3A_199 = arith.constant 2 : i32
    %dma_wait3A_200 = arith.constant 0 : i32
    %dma_wait3A_201 = arith.constant 0 : i32
    %dma_wait3A_202 = tpu.memref_slice %arg8[%dma_wait3A_200, %dma_wait3A_201] : memref<2x125xi32, #tpu.memory_space<vmem>> -> memref<1x125xi32, #tpu.memory_space<vmem>>
    %dma_wait3A_203 = tpu.memref_squeeze %dma_wait3A_202 : memref<1x125xi32, #tpu.memory_space<vmem>> -> memref<125xi32, #tpu.memory_space<vmem>>
    %dma_wait3A_204 = arith.constant 0 : i32
    %dma_wait3A_205 = tpu.memref_slice %arg3[%dma_wait3A_198, %add3A, %dma_wait3A_199, %dma_wait3A_204] : memref<2x32x80x125xi32, #tpu.memory_space<hbm>> -> memref<1x1x1x125xi32, #tpu.memory_space<hbm>>
    %dma_wait3A_206 = tpu.memref_squeeze %dma_wait3A_205 : memref<1x1x1x125xi32, #tpu.memory_space<hbm>> -> memref<125xi32, #tpu.memory_space<hbm>>
    %dma_wait3A_207 = arith.constant 0 : i32
    %dma_wait3A_208 = tpu.memref_slice %arg8[%dma_wait3A_200, %dma_wait3A_207] : memref<2x125xi32, #tpu.memory_space<vmem>> -> memref<1x125xi32, #tpu.memory_space<vmem>>
    %dma_wait3A_209 = tpu.memref_squeeze %dma_wait3A_208 : memref<1x125xi32, #tpu.memory_space<vmem>> -> memref<125xi32, #tpu.memory_space<vmem>>
    %dma_wait3A_210 = arith.constant 0 : i32
    %dma_wait3A_211 = tpu.memref_slice %arg3[%dma_wait3A_198, %add3A, %dma_wait3A_199, %dma_wait3A_210] : memref<2x32x80x125xi32, #tpu.memory_space<hbm>> -> memref<1x1x1x125xi32, #tpu.memory_space<hbm>>
    %dma_wait3A_212 = tpu.memref_squeeze %dma_wait3A_211 : memref<1x1x1x125xi32, #tpu.memory_space<hbm>> -> memref<125xi32, #tpu.memory_space<hbm>>
    tpu.wait_dma2 semaphore(%arg15 : memref<!tpu.dma_semaphore, #tpu.memory_space<semaphore_mem>>) src(%dma_wait3A_212 : memref<125xi32, #tpu.memory_space<hbm>>) dst(%dma_wait3A_209 : memref<125xi32, #tpu.memory_space<vmem>>)
    %dma_wait3A_213 = arith.constant 1 : i32
    %dma_wait3A_214 = arith.constant 2 : i32
    %dma_wait3A_215 = arith.constant 1 : i32
    %dma_wait3A_216 = arith.constant 0 : i32
    %dma_wait3A_217 = tpu.memref_slice %arg8[%dma_wait3A_215, %dma_wait3A_216] : memref<2x125xi32, #tpu.memory_space<vmem>> -> memref<1x125xi32, #tpu.memory_space<vmem>>
    %dma_wait3A_218 = tpu.memref_squeeze %dma_wait3A_217 : memref<1x125xi32, #tpu.memory_space<vmem>> -> memref<125xi32, #tpu.memory_space<vmem>>
    %dma_wait3A_219 = arith.constant 0 : i32
    %dma_wait3A_220 = tpu.memref_slice %arg3[%dma_wait3A_213, %add3A, %dma_wait3A_214, %dma_wait3A_219] : memref<2x32x80x125xi32, #tpu.memory_space<hbm>> -> memref<1x1x1x125xi32, #tpu.memory_space<hbm>>
    %dma_wait3A_221 = tpu.memref_squeeze %dma_wait3A_220 : memref<1x1x1x125xi32, #tpu.memory_space<hbm>> -> memref<125xi32, #tpu.memory_space<hbm>>
    %dma_wait3A_222 = arith.constant 0 : i32
    %dma_wait3A_223 = tpu.memref_slice %arg8[%dma_wait3A_215, %dma_wait3A_222] : memref<2x125xi32, #tpu.memory_space<vmem>> -> memref<1x125xi32, #tpu.memory_space<vmem>>
    %dma_wait3A_224 = tpu.memref_squeeze %dma_wait3A_223 : memref<1x125xi32, #tpu.memory_space<vmem>> -> memref<125xi32, #tpu.memory_space<vmem>>
    %dma_wait3A_225 = arith.constant 0 : i32
    %dma_wait3A_226 = tpu.memref_slice %arg3[%dma_wait3A_213, %add3A, %dma_wait3A_214, %dma_wait3A_225] : memref<2x32x80x125xi32, #tpu.memory_space<hbm>> -> memref<1x1x1x125xi32, #tpu.memory_space<hbm>>
    %dma_wait3A_227 = tpu.memref_squeeze %dma_wait3A_226 : memref<1x1x1x125xi32, #tpu.memory_space<hbm>> -> memref<125xi32, #tpu.memory_space<hbm>>
    tpu.wait_dma2 semaphore(%arg15 : memref<!tpu.dma_semaphore, #tpu.memory_space<semaphore_mem>>) src(%dma_wait3A_227 : memref<125xi32, #tpu.memory_space<hbm>>) dst(%dma_wait3A_224 : memref<125xi32, #tpu.memory_space<vmem>>)
    %dma_wait3A_228 = arith.constant 1 : i32
    %dma_wait3A_229 = arith.constant 0 : i32
    %dma_wait3A_230 = tpu.memref_slice %arg6[%dma_wait3A_228, %dma_wait3A_229] : memref<2x125xi32, #tpu.memory_space<vmem>> -> memref<1x125xi32, #tpu.memory_space<vmem>>
    %dma_wait3A_231 = tpu.memref_squeeze %dma_wait3A_230 : memref<1x125xi32, #tpu.memory_space<vmem>> -> memref<125xi32, #tpu.memory_space<vmem>>
    %dma_wait3A_232 = arith.constant 0 : i32
    %dma_wait3A_233 = arith.constant 0 : i32
    %dma_wait3A_234 = tpu.memref_slice %arg12[%dma_wait3A_232, %dma_wait3A_233] : memref<10000x128xf32, #tpu.memory_space<vmem_shared>> -> memref<10000x128xf32, #tpu.memory_space<vmem_shared>>
    tpu.wait_indirect_dma semaphore(%arg19 : memref<!tpu.dma_semaphore, #tpu.memory_space<semaphore_mem>>) src(%arg10 : memref<125x128xf32, #tpu.memory_space<vmem>>) dst(%dma_wait3A_234 : memref<10000x128xf32, #tpu.memory_space<vmem_shared>>)
    %dma_wait3A_235 = arith.constant 1 : i32
    %dma_wait3A_236 = arith.constant 0 : i32
    %dma_wait3A_237 = tpu.memref_slice %arg6[%dma_wait3A_235, %dma_wait3A_236] : memref<2x125xi32, #tpu.memory_space<vmem>> -> memref<1x125xi32, #tpu.memory_space<vmem>>
    %dma_wait3A_238 = tpu.memref_squeeze %dma_wait3A_237 : memref<1x125xi32, #tpu.memory_space<vmem>> -> memref<125xi32, #tpu.memory_space<vmem>>
    %dma_wait3A_239 = arith.constant 0 : i32
    %dma_wait3A_240 = arith.constant 0 : i32
    %dma_wait3A_241 = tpu.memref_slice %arg23[%dma_wait3A_239, %dma_wait3A_240] : memref<10000x16xf32, #tpu.memory_space<vmem_shared>> -> memref<10000x16xf32, #tpu.memory_space<vmem_shared>>
    tpu.wait_indirect_dma semaphore(%arg24 : memref<!tpu.dma_semaphore, #tpu.memory_space<semaphore_mem>>) src(%arg21 : memref<125x16xf32, #tpu.memory_space<vmem>>) dst(%dma_wait3A_241 : memref<10000x16xf32, #tpu.memory_space<vmem_shared>>)
    %dma_start3A_242 = arith.constant 0 : i32
    %dma_start3A_243 = arith.constant 0 : i32
    %dma_start3A_244 = tpu.memref_slice %arg8[%dma_start3A_242, %dma_start3A_243] : memref<2x125xi32, #tpu.memory_space<vmem>> -> memref<1x125xi32, #tpu.memory_space<vmem>>
    %dma_start3A_245 = tpu.memref_squeeze %dma_start3A_244 : memref<1x125xi32, #tpu.memory_space<vmem>> -> memref<125xi32, #tpu.memory_space<vmem>>
    %dma_start3A_246 = arith.constant 0 : i32
    %dma_start3A_247 = arith.constant 0 : i32
    %dma_start3A_248 = tpu.memref_slice %arg2[%dma_start3A_246, %dma_start3A_247] : memref<10000x128xf32, #tpu.memory_space<hbm>> -> memref<10000x128xf32, #tpu.memory_space<hbm>>
    tpu.enqueue_indirect_dma source(%dma_start3A_248 : memref<10000x128xf32, #tpu.memory_space<hbm>>) target(%arg10 : memref<125x128xf32, #tpu.memory_space<vmem>>) offsets(%dma_start3A_245 : memref<125xi32, #tpu.memory_space<vmem>>) semaphore(%arg17 : memref<!tpu.dma_semaphore, #tpu.memory_space<semaphore_mem>>)
    %dma_start3A_249 = arith.constant 0 : i32
    %dma_start3A_250 = arith.constant 4 : i32
    %dma_start3A_251 = arith.constant 0 : i32
    %dma_start3A_252 = arith.constant 0 : i32
    %dma_start3A_253 = tpu.memref_slice %arg6[%dma_start3A_251, %dma_start3A_252] : memref<2x125xi32, #tpu.memory_space<vmem>> -> memref<1x125xi32, #tpu.memory_space<vmem>>
    %dma_start3A_254 = tpu.memref_squeeze %dma_start3A_253 : memref<1x125xi32, #tpu.memory_space<vmem>> -> memref<125xi32, #tpu.memory_space<vmem>>
    %dma_start3A_255 = arith.constant 0 : i32
    %dma_start3A_256 = tpu.memref_slice %arg3[%dma_start3A_249, %add3A, %dma_start3A_250, %dma_start3A_255] : memref<2x32x80x125xi32, #tpu.memory_space<hbm>> -> memref<1x1x1x125xi32, #tpu.memory_space<hbm>>
    %dma_start3A_257 = tpu.memref_squeeze %dma_start3A_256 : memref<1x1x1x125xi32, #tpu.memory_space<hbm>> -> memref<125xi32, #tpu.memory_space<hbm>>
    %dma_start3A_258 = arith.constant 0 : i32
    %dma_start3A_259 = tpu.memref_slice %arg6[%dma_start3A_251, %dma_start3A_258] : memref<2x125xi32, #tpu.memory_space<vmem>> -> memref<1x125xi32, #tpu.memory_space<vmem>>
    %dma_start3A_260 = tpu.memref_squeeze %dma_start3A_259 : memref<1x125xi32, #tpu.memory_space<vmem>> -> memref<125xi32, #tpu.memory_space<vmem>>
    %dma_start3A_261 = arith.constant 0 : i32
    %dma_start3A_262 = tpu.memref_slice %arg3[%dma_start3A_249, %add3A, %dma_start3A_250, %dma_start3A_261] : memref<2x32x80x125xi32, #tpu.memory_space<hbm>> -> memref<1x1x1x125xi32, #tpu.memory_space<hbm>>
    %dma_start3A_263 = tpu.memref_squeeze %dma_start3A_262 : memref<1x1x1x125xi32, #tpu.memory_space<hbm>> -> memref<125xi32, #tpu.memory_space<hbm>>
    tpu.enqueue_dma source(%dma_start3A_263 : memref<125xi32, #tpu.memory_space<hbm>>) target(%dma_start3A_260 : memref<125xi32, #tpu.memory_space<vmem>>) target_semaphore(%arg13 : memref<!tpu.dma_semaphore, #tpu.memory_space<semaphore_mem>>)
    %dma_start3A_264 = arith.constant 1 : i32
    %dma_start3A_265 = arith.constant 4 : i32
    %dma_start3A_266 = arith.constant 1 : i32
    %dma_start3A_267 = arith.constant 0 : i32
    %dma_start3A_268 = tpu.memref_slice %arg6[%dma_start3A_266, %dma_start3A_267] : memref<2x125xi32, #tpu.memory_space<vmem>> -> memref<1x125xi32, #tpu.memory_space<vmem>>
    %dma_start3A_269 = tpu.memref_squeeze %dma_start3A_268 : memref<1x125xi32, #tpu.memory_space<vmem>> -> memref<125xi32, #tpu.memory_space<vmem>>
    %dma_start3A_270 = arith.constant 0 : i32
    %dma_start3A_271 = tpu.memref_slice %arg3[%dma_start3A_264, %add3A, %dma_start3A_265, %dma_start3A_270] : memref<2x32x80x125xi32, #tpu.memory_space<hbm>> -> memref<1x1x1x125xi32, #tpu.memory_space<hbm>>
    %dma_start3A_272 = tpu.memref_squeeze %dma_start3A_271 : memref<1x1x1x125xi32, #tpu.memory_space<hbm>> -> memref<125xi32, #tpu.memory_space<hbm>>
    %dma_start3A_273 = arith.constant 0 : i32
    %dma_start3A_274 = tpu.memref_slice %arg6[%dma_start3A_266, %dma_start3A_273] : memref<2x125xi32, #tpu.memory_space<vmem>> -> memref<1x125xi32, #tpu.memory_space<vmem>>
    %dma_start3A_275 = tpu.memref_squeeze %dma_start3A_274 : memref<1x125xi32, #tpu.memory_space<vmem>> -> memref<125xi32, #tpu.memory_space<vmem>>
    %dma_start3A_276 = arith.constant 0 : i32
    %dma_start3A_277 = tpu.memref_slice %arg3[%dma_start3A_264, %add3A, %dma_start3A_265, %dma_start3A_276] : memref<2x32x80x125xi32, #tpu.memory_space<hbm>> -> memref<1x1x1x125xi32, #tpu.memory_space<hbm>>
    %dma_start3A_278 = tpu.memref_squeeze %dma_start3A_277 : memref<1x1x1x125xi32, #tpu.memory_space<hbm>> -> memref<125xi32, #tpu.memory_space<hbm>>
    tpu.enqueue_dma source(%dma_start3A_278 : memref<125xi32, #tpu.memory_space<hbm>>) target(%dma_start3A_275 : memref<125xi32, #tpu.memory_space<vmem>>) target_semaphore(%arg13 : memref<!tpu.dma_semaphore, #tpu.memory_space<semaphore_mem>>)
    %dma_wait3A_279 = arith.constant 0 : i32
    %dma_wait3A_280 = arith.constant 0 : i32
    %dma_wait3A_281 = tpu.memref_slice %arg7[%dma_wait3A_279, %dma_wait3A_280] : memref<2x125xi32, #tpu.memory_space<vmem>> -> memref<1x125xi32, #tpu.memory_space<vmem>>
    %dma_wait3A_282 = tpu.memref_squeeze %dma_wait3A_281 : memref<1x125xi32, #tpu.memory_space<vmem>> -> memref<125xi32, #tpu.memory_space<vmem>>
    %dma_wait3A_283 = arith.constant 0 : i32
    %dma_wait3A_284 = arith.constant 0 : i32
    %dma_wait3A_285 = tpu.memref_slice %arg2[%dma_wait3A_283, %dma_wait3A_284] : memref<10000x128xf32, #tpu.memory_space<hbm>> -> memref<10000x128xf32, #tpu.memory_space<hbm>>
    tpu.wait_indirect_dma semaphore(%arg18 : memref<!tpu.dma_semaphore, #tpu.memory_space<semaphore_mem>>) src(%dma_wait3A_285 : memref<10000x128xf32, #tpu.memory_space<hbm>>) dst(%arg11 : memref<125x128xf32, #tpu.memory_space<vmem>>)
    %dma_start3A_286 = arith.constant 1 : i32
    %dma_start3A_287 = arith.constant 0 : i32
    %dma_start3A_288 = tpu.memref_slice %arg7[%dma_start3A_286, %dma_start3A_287] : memref<2x125xi32, #tpu.memory_space<vmem>> -> memref<1x125xi32, #tpu.memory_space<vmem>>
    %dma_start3A_289 = tpu.memref_squeeze %dma_start3A_288 : memref<1x125xi32, #tpu.memory_space<vmem>> -> memref<125xi32, #tpu.memory_space<vmem>>
    %dma_start3A_290 = arith.constant 0 : i32
    %dma_start3A_291 = arith.constant 0 : i32
    %dma_start3A_292 = tpu.memref_slice %arg12[%dma_start3A_290, %dma_start3A_291] : memref<10000x128xf32, #tpu.memory_space<vmem_shared>> -> memref<10000x128xf32, #tpu.memory_space<vmem_shared>>
    tpu.enqueue_indirect_dma source(%arg11 : memref<125x128xf32, #tpu.memory_space<vmem>>) target(%dma_start3A_292 : memref<10000x128xf32, #tpu.memory_space<vmem_shared>>) offsets(%dma_start3A_289 : memref<125xi32, #tpu.memory_space<vmem>>) semaphore(%arg20 : memref<!tpu.dma_semaphore, #tpu.memory_space<semaphore_mem>>) {add = true}
    %dma_start3A_293 = arith.constant 1 : i32
    %dma_start3A_294 = arith.constant 0 : i32
    %dma_start3A_295 = tpu.memref_slice %arg7[%dma_start3A_293, %dma_start3A_294] : memref<2x125xi32, #tpu.memory_space<vmem>> -> memref<1x125xi32, #tpu.memory_space<vmem>>
    %dma_start3A_296 = tpu.memref_squeeze %dma_start3A_295 : memref<1x125xi32, #tpu.memory_space<vmem>> -> memref<125xi32, #tpu.memory_space<vmem>>
    %dma_start3A_297 = arith.constant 0 : i32
    %dma_start3A_298 = arith.constant 0 : i32
    %dma_start3A_299 = tpu.memref_slice %arg23[%dma_start3A_297, %dma_start3A_298] : memref<10000x16xf32, #tpu.memory_space<vmem_shared>> -> memref<10000x16xf32, #tpu.memory_space<vmem_shared>>
    tpu.enqueue_indirect_dma source(%arg21 : memref<125x16xf32, #tpu.memory_space<vmem>>) target(%dma_start3A_299 : memref<10000x16xf32, #tpu.memory_space<vmem_shared>>) offsets(%dma_start3A_296 : memref<125xi32, #tpu.memory_space<vmem>>) semaphore(%arg25 : memref<!tpu.dma_semaphore, #tpu.memory_space<semaphore_mem>>) {add = true}
    %dma_wait3A_300 = arith.constant 0 : i32
    %dma_wait3A_301 = arith.constant 3 : i32
    %dma_wait3A_302 = arith.constant 0 : i32
    %dma_wait3A_303 = arith.constant 0 : i32
    %dma_wait3A_304 = tpu.memref_slice %arg9[%dma_wait3A_302, %dma_wait3A_303] : memref<2x125xi32, #tpu.memory_space<vmem>> -> memref<1x125xi32, #tpu.memory_space<vmem>>
    %dma_wait3A_305 = tpu.memref_squeeze %dma_wait3A_304 : memref<1x125xi32, #tpu.memory_space<vmem>> -> memref<125xi32, #tpu.memory_space<vmem>>
    %dma_wait3A_306 = arith.constant 0 : i32
    %dma_wait3A_307 = tpu.memref_slice %arg3[%dma_wait3A_300, %add3A, %dma_wait3A_301, %dma_wait3A_306] : memref<2x32x80x125xi32, #tpu.memory_space<hbm>> -> memref<1x1x1x125xi32, #tpu.memory_space<hbm>>
    %dma_wait3A_308 = tpu.memref_squeeze %dma_wait3A_307 : memref<1x1x1x125xi32, #tpu.memory_space<hbm>> -> memref<125xi32, #tpu.memory_space<hbm>>
    %dma_wait3A_309 = arith.constant 0 : i32
    %dma_wait3A_310 = tpu.memref_slice %arg9[%dma_wait3A_302, %dma_wait3A_309] : memref<2x125xi32, #tpu.memory_space<vmem>> -> memref<1x125xi32, #tpu.memory_space<vmem>>
    %dma_wait3A_311 = tpu.memref_squeeze %dma_wait3A_310 : memref<1x125xi32, #tpu.memory_space<vmem>> -> memref<125xi32, #tpu.memory_space<vmem>>
    %dma_wait3A_312 = arith.constant 0 : i32
    %dma_wait3A_313 = tpu.memref_slice %arg3[%dma_wait3A_300, %add3A, %dma_wait3A_301, %dma_wait3A_312] : memref<2x32x80x125xi32, #tpu.memory_space<hbm>> -> memref<1x1x1x125xi32, #tpu.memory_space<hbm>>
    %dma_wait3A_314 = tpu.memref_squeeze %dma_wait3A_313 : memref<1x1x1x125xi32, #tpu.memory_space<hbm>> -> memref<125xi32, #tpu.memory_space<hbm>>
    tpu.wait_dma2 semaphore(%arg16 : memref<!tpu.dma_semaphore, #tpu.memory_space<semaphore_mem>>) src(%dma_wait3A_314 : memref<125xi32, #tpu.memory_space<hbm>>) dst(%dma_wait3A_311 : memref<125xi32, #tpu.memory_space<vmem>>)
    %dma_wait3A_315 = arith.constant 1 : i32
    %dma_wait3A_316 = arith.constant 3 : i32
    %dma_wait3A_317 = arith.constant 1 : i32
    %dma_wait3A_318 = arith.constant 0 : i32
    %dma_wait3A_319 = tpu.memref_slice %arg9[%dma_wait3A_317, %dma_wait3A_318] : memref<2x125xi32, #tpu.memory_space<vmem>> -> memref<1x125xi32, #tpu.memory_space<vmem>>
    %dma_wait3A_320 = tpu.memref_squeeze %dma_wait3A_319 : memref<1x125xi32, #tpu.memory_space<vmem>> -> memref<125xi32, #tpu.memory_space<vmem>>
    %dma_wait3A_321 = arith.constant 0 : i32
    %dma_wait3A_322 = tpu.memref_slice %arg3[%dma_wait3A_315, %add3A, %dma_wait3A_316, %dma_wait3A_321] : memref<2x32x80x125xi32, #tpu.memory_space<hbm>> -> memref<1x1x1x125xi32, #tpu.memory_space<hbm>>
    %dma_wait3A_323 = tpu.memref_squeeze %dma_wait3A_322 : memref<1x1x1x125xi32, #tpu.memory_space<hbm>> -> memref<125xi32, #tpu.memory_space<hbm>>
    %dma_wait3A_324 = arith.constant 0 : i32
    %dma_wait3A_325 = tpu.memref_slice %arg9[%dma_wait3A_317, %dma_wait3A_324] : memref<2x125xi32, #tpu.memory_space<vmem>> -> memref<1x125xi32, #tpu.memory_space<vmem>>
    %dma_wait3A_326 = tpu.memref_squeeze %dma_wait3A_325 : memref<1x125xi32, #tpu.memory_space<vmem>> -> memref<125xi32, #tpu.memory_space<vmem>>
    %dma_wait3A_327 = arith.constant 0 : i32
    %dma_wait3A_328 = tpu.memref_slice %arg3[%dma_wait3A_315, %add3A, %dma_wait3A_316, %dma_wait3A_327] : memref<2x32x80x125xi32, #tpu.memory_space<hbm>> -> memref<1x1x1x125xi32, #tpu.memory_space<hbm>>
    %dma_wait3A_329 = tpu.memref_squeeze %dma_wait3A_328 : memref<1x1x1x125xi32, #tpu.memory_space<hbm>> -> memref<125xi32, #tpu.memory_space<hbm>>
    tpu.wait_dma2 semaphore(%arg16 : memref<!tpu.dma_semaphore, #tpu.memory_space<semaphore_mem>>) src(%dma_wait3A_329 : memref<125xi32, #tpu.memory_space<hbm>>) dst(%dma_wait3A_326 : memref<125xi32, #tpu.memory_space<vmem>>)
    %dma_wait3A_330 = arith.constant 1 : i32
    %dma_wait3A_331 = arith.constant 0 : i32
    %dma_wait3A_332 = tpu.memref_slice %arg7[%dma_wait3A_330, %dma_wait3A_331] : memref<2x125xi32, #tpu.memory_space<vmem>> -> memref<1x125xi32, #tpu.memory_space<vmem>>
    %dma_wait3A_333 = tpu.memref_squeeze %dma_wait3A_332 : memref<1x125xi32, #tpu.memory_space<vmem>> -> memref<125xi32, #tpu.memory_space<vmem>>
    %dma_wait3A_334 = arith.constant 0 : i32
    %dma_wait3A_335 = arith.constant 0 : i32
    %dma_wait3A_336 = tpu.memref_slice %arg12[%dma_wait3A_334, %dma_wait3A_335] : memref<10000x128xf32, #tpu.memory_space<vmem_shared>> -> memref<10000x128xf32, #tpu.memory_space<vmem_shared>>
    tpu.wait_indirect_dma semaphore(%arg20 : memref<!tpu.dma_semaphore, #tpu.memory_space<semaphore_mem>>) src(%arg11 : memref<125x128xf32, #tpu.memory_space<vmem>>) dst(%dma_wait3A_336 : memref<10000x128xf32, #tpu.memory_space<vmem_shared>>)
    %dma_wait3A_337 = arith.constant 1 : i32
    %dma_wait3A_338 = arith.constant 0 : i32
    %dma_wait3A_339 = tpu.memref_slice %arg7[%dma_wait3A_337, %dma_wait3A_338] : memref<2x125xi32, #tpu.memory_space<vmem>> -> memref<1x125xi32, #tpu.memory_space<vmem>>
    %dma_wait3A_340 = tpu.memref_squeeze %dma_wait3A_339 : memref<1x125xi32, #tpu.memory_space<vmem>> -> memref<125xi32, #tpu.memory_space<vmem>>
    %dma_wait3A_341 = arith.constant 0 : i32
    %dma_wait3A_342 = arith.constant 0 : i32
    %dma_wait3A_343 = tpu.memref_slice %arg23[%dma_wait3A_341, %dma_wait3A_342] : memref<10000x16xf32, #tpu.memory_space<vmem_shared>> -> memref<10000x16xf32, #tpu.memory_space<vmem_shared>>
    tpu.wait_indirect_dma semaphore(%arg25 : memref<!tpu.dma_semaphore, #tpu.memory_space<semaphore_mem>>) src(%arg21 : memref<125x16xf32, #tpu.memory_space<vmem>>) dst(%dma_wait3A_343 : memref<10000x16xf32, #tpu.memory_space<vmem_shared>>)
    %dma_start3A_344 = arith.constant 0 : i32
    %dma_start3A_345 = arith.constant 0 : i32
    %dma_start3A_346 = tpu.memref_slice %arg9[%dma_start3A_344, %dma_start3A_345] : memref<2x125xi32, #tpu.memory_space<vmem>> -> memref<1x125xi32, #tpu.memory_space<vmem>>
    %dma_start3A_347 = tpu.memref_squeeze %dma_start3A_346 : memref<1x125xi32, #tpu.memory_space<vmem>> -> memref<125xi32, #tpu.memory_space<vmem>>
    %dma_start3A_348 = arith.constant 0 : i32
    %dma_start3A_349 = arith.constant 0 : i32
    %dma_start3A_350 = tpu.memref_slice %arg2[%dma_start3A_348, %dma_start3A_349] : memref<10000x128xf32, #tpu.memory_space<hbm>> -> memref<10000x128xf32, #tpu.memory_space<hbm>>
    tpu.enqueue_indirect_dma source(%dma_start3A_350 : memref<10000x128xf32, #tpu.memory_space<hbm>>) target(%arg11 : memref<125x128xf32, #tpu.memory_space<vmem>>) offsets(%dma_start3A_347 : memref<125xi32, #tpu.memory_space<vmem>>) semaphore(%arg18 : memref<!tpu.dma_semaphore, #tpu.memory_space<semaphore_mem>>)
    %dma_start3A_351 = arith.constant 0 : i32
    %dma_start3A_352 = arith.constant 5 : i32
    %dma_start3A_353 = arith.constant 0 : i32
    %dma_start3A_354 = arith.constant 0 : i32
    %dma_start3A_355 = tpu.memref_slice %arg7[%dma_start3A_353, %dma_start3A_354] : memref<2x125xi32, #tpu.memory_space<vmem>> -> memref<1x125xi32, #tpu.memory_space<vmem>>
    %dma_start3A_356 = tpu.memref_squeeze %dma_start3A_355 : memref<1x125xi32, #tpu.memory_space<vmem>> -> memref<125xi32, #tpu.memory_space<vmem>>
    %dma_start3A_357 = arith.constant 0 : i32
    %dma_start3A_358 = tpu.memref_slice %arg3[%dma_start3A_351, %add3A, %dma_start3A_352, %dma_start3A_357] : memref<2x32x80x125xi32, #tpu.memory_space<hbm>> -> memref<1x1x1x125xi32, #tpu.memory_space<hbm>>
    %dma_start3A_359 = tpu.memref_squeeze %dma_start3A_358 : memref<1x1x1x125xi32, #tpu.memory_space<hbm>> -> memref<125xi32, #tpu.memory_space<hbm>>
    %dma_start3A_360 = arith.constant 0 : i32
    %dma_start3A_361 = tpu.memref_slice %arg7[%dma_start3A_353, %dma_start3A_360] : memref<2x125xi32, #tpu.memory_space<vmem>> -> memref<1x125xi32, #tpu.memory_space<vmem>>
    %dma_start3A_362 = tpu.memref_squeeze %dma_start3A_361 : memref<1x125xi32, #tpu.memory_space<vmem>> -> memref<125xi32, #tpu.memory_space<vmem>>
    %dma_start3A_363 = arith.constant 0 : i32
    %dma_start3A_364 = tpu.memref_slice %arg3[%dma_start3A_351, %add3A, %dma_start3A_352, %dma_start3A_363] : memref<2x32x80x125xi32, #tpu.memory_space<hbm>> -> memref<1x1x1x125xi32, #tpu.memory_space<hbm>>
    %dma_start3A_365 = tpu.memref_squeeze %dma_start3A_364 : memref<1x1x1x125xi32, #tpu.memory_space<hbm>> -> memref<125xi32, #tpu.memory_space<hbm>>
    tpu.enqueue_dma source(%dma_start3A_365 : memref<125xi32, #tpu.memory_space<hbm>>) target(%dma_start3A_362 : memref<125xi32, #tpu.memory_space<vmem>>) target_semaphore(%arg14 : memref<!tpu.dma_semaphore, #tpu.memory_space<semaphore_mem>>)
    %dma_start3A_366 = arith.constant 1 : i32
    %dma_start3A_367 = arith.constant 5 : i32
    %dma_start3A_368 = arith.constant 1 : i32
    %dma_start3A_369 = arith.constant 0 : i32
    %dma_start3A_370 = tpu.memref_slice %arg7[%dma_start3A_368, %dma_start3A_369] : memref<2x125xi32, #tpu.memory_space<vmem>> -> memref<1x125xi32, #tpu.memory_space<vmem>>
    %dma_start3A_371 = tpu.memref_squeeze %dma_start3A_370 : memref<1x125xi32, #tpu.memory_space<vmem>> -> memref<125xi32, #tpu.memory_space<vmem>>
    %dma_start3A_372 = arith.constant 0 : i32
    %dma_start3A_373 = tpu.memref_slice %arg3[%dma_start3A_366, %add3A, %dma_start3A_367, %dma_start3A_372] : memref<2x32x80x125xi32, #tpu.memory_space<hbm>> -> memref<1x1x1x125xi32, #tpu.memory_space<hbm>>
    %dma_start3A_374 = tpu.memref_squeeze %dma_start3A_373 : memref<1x1x1x125xi32, #tpu.memory_space<hbm>> -> memref<125xi32, #tpu.memory_space<hbm>>
    %dma_start3A_375 = arith.constant 0 : i32
    %dma_start3A_376 = tpu.memref_slice %arg7[%dma_start3A_368, %dma_start3A_375] : memref<2x125xi32, #tpu.memory_space<vmem>> -> memref<1x125xi32, #tpu.memory_space<vmem>>
    %dma_start3A_377 = tpu.memref_squeeze %dma_start3A_376 : memref<1x125xi32, #tpu.memory_space<vmem>> -> memref<125xi32, #tpu.memory_space<vmem>>
    %dma_start3A_378 = arith.constant 0 : i32
    %dma_start3A_379 = tpu.memref_slice %arg3[%dma_start3A_366, %add3A, %dma_start3A_367, %dma_start3A_378] : memref<2x32x80x125xi32, #tpu.memory_space<hbm>> -> memref<1x1x1x125xi32, #tpu.memory_space<hbm>>
    %dma_start3A_380 = tpu.memref_squeeze %dma_start3A_379 : memref<1x1x1x125xi32, #tpu.memory_space<hbm>> -> memref<125xi32, #tpu.memory_space<hbm>>
    tpu.enqueue_dma source(%dma_start3A_380 : memref<125xi32, #tpu.memory_space<hbm>>) target(%dma_start3A_377 : memref<125xi32, #tpu.memory_space<vmem>>) target_semaphore(%arg14 : memref<!tpu.dma_semaphore, #tpu.memory_space<semaphore_mem>>)
    %dma_wait3A_381 = arith.constant 0 : i32
    %dma_wait3A_382 = arith.constant 0 : i32
    %dma_wait3A_383 = tpu.memref_slice %arg8[%dma_wait3A_381, %dma_wait3A_382] : memref<2x125xi32, #tpu.memory_space<vmem>> -> memref<1x125xi32, #tpu.memory_space<vmem>>
    %dma_wait3A_384 = tpu.memref_squeeze %dma_wait3A_383 : memref<1x125xi32, #tpu.memory_space<vmem>> -> memref<125xi32, #tpu.memory_space<vmem>>
    %dma_wait3A_385 = arith.constant 0 : i32
    %dma_wait3A_386 = arith.constant 0 : i32
    %dma_wait3A_387 = tpu.memref_slice %arg2[%dma_wait3A_385, %dma_wait3A_386] : memref<10000x128xf32, #tpu.memory_space<hbm>> -> memref<10000x128xf32, #tpu.memory_space<hbm>>
    tpu.wait_indirect_dma semaphore(%arg17 : memref<!tpu.dma_semaphore, #tpu.memory_space<semaphore_mem>>) src(%dma_wait3A_387 : memref<10000x128xf32, #tpu.memory_space<hbm>>) dst(%arg10 : memref<125x128xf32, #tpu.memory_space<vmem>>)
    %dma_start3A_388 = arith.constant 1 : i32
    %dma_start3A_389 = arith.constant 0 : i32
    %dma_start3A_390 = tpu.memref_slice %arg8[%dma_start3A_388, %dma_start3A_389] : memref<2x125xi32, #tpu.memory_space<vmem>> -> memref<1x125xi32, #tpu.memory_space<vmem>>
    %dma_start3A_391 = tpu.memref_squeeze %dma_start3A_390 : memref<1x125xi32, #tpu.memory_space<vmem>> -> memref<125xi32, #tpu.memory_space<vmem>>
    %dma_start3A_392 = arith.constant 0 : i32
    %dma_start3A_393 = arith.constant 0 : i32
    %dma_start3A_394 = tpu.memref_slice %arg12[%dma_start3A_392, %dma_start3A_393] : memref<10000x128xf32, #tpu.memory_space<vmem_shared>> -> memref<10000x128xf32, #tpu.memory_space<vmem_shared>>
    tpu.enqueue_indirect_dma source(%arg10 : memref<125x128xf32, #tpu.memory_space<vmem>>) target(%dma_start3A_394 : memref<10000x128xf32, #tpu.memory_space<vmem_shared>>) offsets(%dma_start3A_391 : memref<125xi32, #tpu.memory_space<vmem>>) semaphore(%arg19 : memref<!tpu.dma_semaphore, #tpu.memory_space<semaphore_mem>>) {add = true}
    %dma_start3A_395 = arith.constant 1 : i32
    %dma_start3A_396 = arith.constant 0 : i32
    %dma_start3A_397 = tpu.memref_slice %arg8[%dma_start3A_395, %dma_start3A_396] : memref<2x125xi32, #tpu.memory_space<vmem>> -> memref<1x125xi32, #tpu.memory_space<vmem>>
    %dma_start3A_398 = tpu.memref_squeeze %dma_start3A_397 : memref<1x125xi32, #tpu.memory_space<vmem>> -> memref<125xi32, #tpu.memory_space<vmem>>
    %dma_start3A_399 = arith.constant 0 : i32
    %dma_start3A_400 = arith.constant 0 : i32
    %dma_start3A_401 = tpu.memref_slice %arg23[%dma_start3A_399, %dma_start3A_400] : memref<10000x16xf32, #tpu.memory_space<vmem_shared>> -> memref<10000x16xf32, #tpu.memory_space<vmem_shared>>
    tpu.enqueue_indirect_dma source(%arg21 : memref<125x16xf32, #tpu.memory_space<vmem>>) target(%dma_start3A_401 : memref<10000x16xf32, #tpu.memory_space<vmem_shared>>) offsets(%dma_start3A_398 : memref<125xi32, #tpu.memory_space<vmem>>) semaphore(%arg24 : memref<!tpu.dma_semaphore, #tpu.memory_space<semaphore_mem>>) {add = true}
    %scan3A_402 = arith.constant 0 : i32
    %scan3A_403 = arith.constant 0 : i32
    %scan3A_404 = arith.constant 19 : i32
    %scan3A_405 = arith.addi %scan3A_403, %scan3A_404 : i32
    %scan3A_406 = arith.constant 1 : i32
    scf.for %scan3A_471 = %scan3A_403 to %scan3A_405 step %scan3A_406  : i32 {
      %mul3A_472 = arith.constant 4 : i32
      %mul3A_473 = arith.muli %scan3A_471, %mul3A_472 : i32
      %add3A_474 = arith.constant 4 : i32
      %add3A_475 = arith.addi %mul3A_473, %add3A_474 : i32
      %add3A_476 = arith.constant 0 : i32
      %add3A_477 = arith.addi %add3A_475, %add3A_476 : i32
      %dma_wait3A_478 = arith.constant 0 : i32
      %dma_wait3A_479 = arith.constant 0 : i32
      %dma_wait3A_480 = arith.constant 0 : i32
      %dma_wait3A_481 = tpu.memref_slice %arg6[%dma_wait3A_479, %dma_wait3A_480] : memref<2x125xi32, #tpu.memory_space<vmem>> -> memref<1x125xi32, #tpu.memory_space<vmem>>
      %dma_wait3A_482 = tpu.memref_squeeze %dma_wait3A_481 : memref<1x125xi32, #tpu.memory_space<vmem>> -> memref<125xi32, #tpu.memory_space<vmem>>
      %dma_wait3A_483 = arith.constant 0 : i32
      %dma_wait3A_484 = tpu.memref_slice %arg3[%dma_wait3A_478, %add3A, %add3A_477, %dma_wait3A_483] : memref<2x32x80x125xi32, #tpu.memory_space<hbm>> -> memref<1x1x1x125xi32, #tpu.memory_space<hbm>>
      %dma_wait3A_485 = tpu.memref_squeeze %dma_wait3A_484 : memref<1x1x1x125xi32, #tpu.memory_space<hbm>> -> memref<125xi32, #tpu.memory_space<hbm>>
      %dma_wait3A_486 = arith.constant 0 : i32
      %dma_wait3A_487 = tpu.memref_slice %arg6[%dma_wait3A_479, %dma_wait3A_486] : memref<2x125xi32, #tpu.memory_space<vmem>> -> memref<1x125xi32, #tpu.memory_space<vmem>>
      %dma_wait3A_488 = tpu.memref_squeeze %dma_wait3A_487 : memref<1x125xi32, #tpu.memory_space<vmem>> -> memref<125xi32, #tpu.memory_space<vmem>>
      %dma_wait3A_489 = arith.constant 0 : i32
      %dma_wait3A_490 = tpu.memref_slice %arg3[%dma_wait3A_478, %add3A, %add3A_477, %dma_wait3A_489] : memref<2x32x80x125xi32, #tpu.memory_space<hbm>> -> memref<1x1x1x125xi32, #tpu.memory_space<hbm>>
      %dma_wait3A_491 = tpu.memref_squeeze %dma_wait3A_490 : memref<1x1x1x125xi32, #tpu.memory_space<hbm>> -> memref<125xi32, #tpu.memory_space<hbm>>
      tpu.wait_dma2 semaphore(%arg13 : memref<!tpu.dma_semaphore, #tpu.memory_space<semaphore_mem>>) src(%dma_wait3A_491 : memref<125xi32, #tpu.memory_space<hbm>>) dst(%dma_wait3A_488 : memref<125xi32, #tpu.memory_space<vmem>>)
      %dma_wait3A_492 = arith.constant 1 : i32
      %dma_wait3A_493 = arith.constant 1 : i32
      %dma_wait3A_494 = arith.constant 0 : i32
      %dma_wait3A_495 = tpu.memref_slice %arg6[%dma_wait3A_493, %dma_wait3A_494] : memref<2x125xi32, #tpu.memory_space<vmem>> -> memref<1x125xi32, #tpu.memory_space<vmem>>
      %dma_wait3A_496 = tpu.memref_squeeze %dma_wait3A_495 : memref<1x125xi32, #tpu.memory_space<vmem>> -> memref<125xi32, #tpu.memory_space<vmem>>
      %dma_wait3A_497 = arith.constant 0 : i32
      %dma_wait3A_498 = tpu.memref_slice %arg3[%dma_wait3A_492, %add3A, %add3A_477, %dma_wait3A_497] : memref<2x32x80x125xi32, #tpu.memory_space<hbm>> -> memref<1x1x1x125xi32, #tpu.memory_space<hbm>>
      %dma_wait3A_499 = tpu.memref_squeeze %dma_wait3A_498 : memref<1x1x1x125xi32, #tpu.memory_space<hbm>> -> memref<125xi32, #tpu.memory_space<hbm>>
      %dma_wait3A_500 = arith.constant 0 : i32
      %dma_wait3A_501 = tpu.memref_slice %arg6[%dma_wait3A_493, %dma_wait3A_500] : memref<2x125xi32, #tpu.memory_space<vmem>> -> memref<1x125xi32, #tpu.memory_space<vmem>>
      %dma_wait3A_502 = tpu.memref_squeeze %dma_wait3A_501 : memref<1x125xi32, #tpu.memory_space<vmem>> -> memref<125xi32, #tpu.memory_space<vmem>>
      %dma_wait3A_503 = arith.constant 0 : i32
      %dma_wait3A_504 = tpu.memref_slice %arg3[%dma_wait3A_492, %add3A, %add3A_477, %dma_wait3A_503] : memref<2x32x80x125xi32, #tpu.memory_space<hbm>> -> memref<1x1x1x125xi32, #tpu.memory_space<hbm>>
      %dma_wait3A_505 = tpu.memref_squeeze %dma_wait3A_504 : memref<1x1x1x125xi32, #tpu.memory_space<hbm>> -> memref<125xi32, #tpu.memory_space<hbm>>
      tpu.wait_dma2 semaphore(%arg13 : memref<!tpu.dma_semaphore, #tpu.memory_space<semaphore_mem>>) src(%dma_wait3A_505 : memref<125xi32, #tpu.memory_space<hbm>>) dst(%dma_wait3A_502 : memref<125xi32, #tpu.memory_space<vmem>>)
      %dma_wait3A_506 = arith.constant 1 : i32
      %dma_wait3A_507 = arith.constant 0 : i32
      %dma_wait3A_508 = tpu.memref_slice %arg8[%dma_wait3A_506, %dma_wait3A_507] : memref<2x125xi32, #tpu.memory_space<vmem>> -> memref<1x125xi32, #tpu.memory_space<vmem>>
      %dma_wait3A_509 = tpu.memref_squeeze %dma_wait3A_508 : memref<1x125xi32, #tpu.memory_space<vmem>> -> memref<125xi32, #tpu.memory_space<vmem>>
      %dma_wait3A_510 = arith.constant 0 : i32
      %dma_wait3A_511 = arith.constant 0 : i32
      %dma_wait3A_512 = tpu.memref_slice %arg12[%dma_wait3A_510, %dma_wait3A_511] : memref<10000x128xf32, #tpu.memory_space<vmem_shared>> -> memref<10000x128xf32, #tpu.memory_space<vmem_shared>>
      tpu.wait_indirect_dma semaphore(%arg19 : memref<!tpu.dma_semaphore, #tpu.memory_space<semaphore_mem>>) src(%arg10 : memref<125x128xf32, #tpu.memory_space<vmem>>) dst(%dma_wait3A_512 : memref<10000x128xf32, #tpu.memory_space<vmem_shared>>)
      %dma_wait3A_513 = arith.constant 1 : i32
      %dma_wait3A_514 = arith.constant 0 : i32
      %dma_wait3A_515 = tpu.memref_slice %arg8[%dma_wait3A_513, %dma_wait3A_514] : memref<2x125xi32, #tpu.memory_space<vmem>> -> memref<1x125xi32, #tpu.memory_space<vmem>>
      %dma_wait3A_516 = tpu.memref_squeeze %dma_wait3A_515 : memref<1x125xi32, #tpu.memory_space<vmem>> -> memref<125xi32, #tpu.memory_space<vmem>>
      %dma_wait3A_517 = arith.constant 0 : i32
      %dma_wait3A_518 = arith.constant 0 : i32
      %dma_wait3A_519 = tpu.memref_slice %arg23[%dma_wait3A_517, %dma_wait3A_518] : memref<10000x16xf32, #tpu.memory_space<vmem_shared>> -> memref<10000x16xf32, #tpu.memory_space<vmem_shared>>
      tpu.wait_indirect_dma semaphore(%arg24 : memref<!tpu.dma_semaphore, #tpu.memory_space<semaphore_mem>>) src(%arg21 : memref<125x16xf32, #tpu.memory_space<vmem>>) dst(%dma_wait3A_519 : memref<10000x16xf32, #tpu.memory_space<vmem_shared>>)
      %dma_start3A_520 = arith.constant 0 : i32
      %dma_start3A_521 = arith.constant 0 : i32
      %dma_start3A_522 = tpu.memref_slice %arg6[%dma_start3A_520, %dma_start3A_521] : memref<2x125xi32, #tpu.memory_space<vmem>> -> memref<1x125xi32, #tpu.memory_space<vmem>>
      %dma_start3A_523 = tpu.memref_squeeze %dma_start3A_522 : memref<1x125xi32, #tpu.memory_space<vmem>> -> memref<125xi32, #tpu.memory_space<vmem>>
      %dma_start3A_524 = arith.constant 0 : i32
      %dma_start3A_525 = arith.constant 0 : i32
      %dma_start3A_526 = tpu.memref_slice %arg2[%dma_start3A_524, %dma_start3A_525] : memref<10000x128xf32, #tpu.memory_space<hbm>> -> memref<10000x128xf32, #tpu.memory_space<hbm>>
      tpu.enqueue_indirect_dma source(%dma_start3A_526 : memref<10000x128xf32, #tpu.memory_space<hbm>>) target(%arg10 : memref<125x128xf32, #tpu.memory_space<vmem>>) offsets(%dma_start3A_523 : memref<125xi32, #tpu.memory_space<vmem>>) semaphore(%arg17 : memref<!tpu.dma_semaphore, #tpu.memory_space<semaphore_mem>>)
      %add3A_527 = arith.constant 2 : i32
      %add3A_528 = arith.addi %add3A_477, %add3A_527 : i32
      %dma_start3A_529 = arith.constant 0 : i32
      %dma_start3A_530 = arith.constant 0 : i32
      %dma_start3A_531 = arith.constant 0 : i32
      %dma_start3A_532 = tpu.memref_slice %arg8[%dma_start3A_530, %dma_start3A_531] : memref<2x125xi32, #tpu.memory_space<vmem>> -> memref<1x125xi32, #tpu.memory_space<vmem>>
      %dma_start3A_533 = tpu.memref_squeeze %dma_start3A_532 : memref<1x125xi32, #tpu.memory_space<vmem>> -> memref<125xi32, #tpu.memory_space<vmem>>
      %dma_start3A_534 = arith.constant 0 : i32
      %dma_start3A_535 = tpu.memref_slice %arg3[%dma_start3A_529, %add3A, %add3A_528, %dma_start3A_534] : memref<2x32x80x125xi32, #tpu.memory_space<hbm>> -> memref<1x1x1x125xi32, #tpu.memory_space<hbm>>
      %dma_start3A_536 = tpu.memref_squeeze %dma_start3A_535 : memref<1x1x1x125xi32, #tpu.memory_space<hbm>> -> memref<125xi32, #tpu.memory_space<hbm>>
      %dma_start3A_537 = arith.constant 0 : i32
      %dma_start3A_538 = tpu.memref_slice %arg8[%dma_start3A_530, %dma_start3A_537] : memref<2x125xi32, #tpu.memory_space<vmem>> -> memref<1x125xi32, #tpu.memory_space<vmem>>
      %dma_start3A_539 = tpu.memref_squeeze %dma_start3A_538 : memref<1x125xi32, #tpu.memory_space<vmem>> -> memref<125xi32, #tpu.memory_space<vmem>>
      %dma_start3A_540 = arith.constant 0 : i32
      %dma_start3A_541 = tpu.memref_slice %arg3[%dma_start3A_529, %add3A, %add3A_528, %dma_start3A_540] : memref<2x32x80x125xi32, #tpu.memory_space<hbm>> -> memref<1x1x1x125xi32, #tpu.memory_space<hbm>>
      %dma_start3A_542 = tpu.memref_squeeze %dma_start3A_541 : memref<1x1x1x125xi32, #tpu.memory_space<hbm>> -> memref<125xi32, #tpu.memory_space<hbm>>
      tpu.enqueue_dma source(%dma_start3A_542 : memref<125xi32, #tpu.memory_space<hbm>>) target(%dma_start3A_539 : memref<125xi32, #tpu.memory_space<vmem>>) target_semaphore(%arg15 : memref<!tpu.dma_semaphore, #tpu.memory_space<semaphore_mem>>)
      %dma_start3A_543 = arith.constant 1 : i32
      %dma_start3A_544 = arith.constant 1 : i32
      %dma_start3A_545 = arith.constant 0 : i32
      %dma_start3A_546 = tpu.memref_slice %arg8[%dma_start3A_544, %dma_start3A_545] : memref<2x125xi32, #tpu.memory_space<vmem>> -> memref<1x125xi32, #tpu.memory_space<vmem>>
      %dma_start3A_547 = tpu.memref_squeeze %dma_start3A_546 : memref<1x125xi32, #tpu.memory_space<vmem>> -> memref<125xi32, #tpu.memory_space<vmem>>
      %dma_start3A_548 = arith.constant 0 : i32
      %dma_start3A_549 = tpu.memref_slice %arg3[%dma_start3A_543, %add3A, %add3A_528, %dma_start3A_548] : memref<2x32x80x125xi32, #tpu.memory_space<hbm>> -> memref<1x1x1x125xi32, #tpu.memory_space<hbm>>
      %dma_start3A_550 = tpu.memref_squeeze %dma_start3A_549 : memref<1x1x1x125xi32, #tpu.memory_space<hbm>> -> memref<125xi32, #tpu.memory_space<hbm>>
      %dma_start3A_551 = arith.constant 0 : i32
      %dma_start3A_552 = tpu.memref_slice %arg8[%dma_start3A_544, %dma_start3A_551] : memref<2x125xi32, #tpu.memory_space<vmem>> -> memref<1x125xi32, #tpu.memory_space<vmem>>
      %dma_start3A_553 = tpu.memref_squeeze %dma_start3A_552 : memref<1x125xi32, #tpu.memory_space<vmem>> -> memref<125xi32, #tpu.memory_space<vmem>>
      %dma_start3A_554 = arith.constant 0 : i32
      %dma_start3A_555 = tpu.memref_slice %arg3[%dma_start3A_543, %add3A, %add3A_528, %dma_start3A_554] : memref<2x32x80x125xi32, #tpu.memory_space<hbm>> -> memref<1x1x1x125xi32, #tpu.memory_space<hbm>>
      %dma_start3A_556 = tpu.memref_squeeze %dma_start3A_555 : memref<1x1x1x125xi32, #tpu.memory_space<hbm>> -> memref<125xi32, #tpu.memory_space<hbm>>
      tpu.enqueue_dma source(%dma_start3A_556 : memref<125xi32, #tpu.memory_space<hbm>>) target(%dma_start3A_553 : memref<125xi32, #tpu.memory_space<vmem>>) target_semaphore(%arg15 : memref<!tpu.dma_semaphore, #tpu.memory_space<semaphore_mem>>)
      %dma_wait3A_557 = arith.constant 0 : i32
      %dma_wait3A_558 = arith.constant 0 : i32
      %dma_wait3A_559 = tpu.memref_slice %arg9[%dma_wait3A_557, %dma_wait3A_558] : memref<2x125xi32, #tpu.memory_space<vmem>> -> memref<1x125xi32, #tpu.memory_space<vmem>>
      %dma_wait3A_560 = tpu.memref_squeeze %dma_wait3A_559 : memref<1x125xi32, #tpu.memory_space<vmem>> -> memref<125xi32, #tpu.memory_space<vmem>>
      %dma_wait3A_561 = arith.constant 0 : i32
      %dma_wait3A_562 = arith.constant 0 : i32
      %dma_wait3A_563 = tpu.memref_slice %arg2[%dma_wait3A_561, %dma_wait3A_562] : memref<10000x128xf32, #tpu.memory_space<hbm>> -> memref<10000x128xf32, #tpu.memory_space<hbm>>
      tpu.wait_indirect_dma semaphore(%arg18 : memref<!tpu.dma_semaphore, #tpu.memory_space<semaphore_mem>>) src(%dma_wait3A_563 : memref<10000x128xf32, #tpu.memory_space<hbm>>) dst(%arg11 : memref<125x128xf32, #tpu.memory_space<vmem>>)
      %dma_start3A_564 = arith.constant 1 : i32
      %dma_start3A_565 = arith.constant 0 : i32
      %dma_start3A_566 = tpu.memref_slice %arg9[%dma_start3A_564, %dma_start3A_565] : memref<2x125xi32, #tpu.memory_space<vmem>> -> memref<1x125xi32, #tpu.memory_space<vmem>>
      %dma_start3A_567 = tpu.memref_squeeze %dma_start3A_566 : memref<1x125xi32, #tpu.memory_space<vmem>> -> memref<125xi32, #tpu.memory_space<vmem>>
      %dma_start3A_568 = arith.constant 0 : i32
      %dma_start3A_569 = arith.constant 0 : i32
      %dma_start3A_570 = tpu.memref_slice %arg12[%dma_start3A_568, %dma_start3A_569] : memref<10000x128xf32, #tpu.memory_space<vmem_shared>> -> memref<10000x128xf32, #tpu.memory_space<vmem_shared>>
      tpu.enqueue_indirect_dma source(%arg11 : memref<125x128xf32, #tpu.memory_space<vmem>>) target(%dma_start3A_570 : memref<10000x128xf32, #tpu.memory_space<vmem_shared>>) offsets(%dma_start3A_567 : memref<125xi32, #tpu.memory_space<vmem>>) semaphore(%arg20 : memref<!tpu.dma_semaphore, #tpu.memory_space<semaphore_mem>>) {add = true}
      %dma_start3A_571 = arith.constant 1 : i32
      %dma_start3A_572 = arith.constant 0 : i32
      %dma_start3A_573 = tpu.memref_slice %arg9[%dma_start3A_571, %dma_start3A_572] : memref<2x125xi32, #tpu.memory_space<vmem>> -> memref<1x125xi32, #tpu.memory_space<vmem>>
      %dma_start3A_574 = tpu.memref_squeeze %dma_start3A_573 : memref<1x125xi32, #tpu.memory_space<vmem>> -> memref<125xi32, #tpu.memory_space<vmem>>
      %dma_start3A_575 = arith.constant 0 : i32
      %dma_start3A_576 = arith.constant 0 : i32
      %dma_start3A_577 = tpu.memref_slice %arg23[%dma_start3A_575, %dma_start3A_576] : memref<10000x16xf32, #tpu.memory_space<vmem_shared>> -> memref<10000x16xf32, #tpu.memory_space<vmem_shared>>
      tpu.enqueue_indirect_dma source(%arg21 : memref<125x16xf32, #tpu.memory_space<vmem>>) target(%dma_start3A_577 : memref<10000x16xf32, #tpu.memory_space<vmem_shared>>) offsets(%dma_start3A_574 : memref<125xi32, #tpu.memory_space<vmem>>) semaphore(%arg25 : memref<!tpu.dma_semaphore, #tpu.memory_space<semaphore_mem>>) {add = true}
      %add3A_578 = arith.constant 1 : i32
      %add3A_579 = arith.addi %add3A_475, %add3A_578 : i32
      %dma_wait3A_580 = arith.constant 0 : i32
      %dma_wait3A_581 = arith.constant 0 : i32
      %dma_wait3A_582 = arith.constant 0 : i32
      %dma_wait3A_583 = tpu.memref_slice %arg7[%dma_wait3A_581, %dma_wait3A_582] : memref<2x125xi32, #tpu.memory_space<vmem>> -> memref<1x125xi32, #tpu.memory_space<vmem>>
      %dma_wait3A_584 = tpu.memref_squeeze %dma_wait3A_583 : memref<1x125xi32, #tpu.memory_space<vmem>> -> memref<125xi32, #tpu.memory_space<vmem>>
      %dma_wait3A_585 = arith.constant 0 : i32
      %dma_wait3A_586 = tpu.memref_slice %arg3[%dma_wait3A_580, %add3A, %add3A_579, %dma_wait3A_585] : memref<2x32x80x125xi32, #tpu.memory_space<hbm>> -> memref<1x1x1x125xi32, #tpu.memory_space<hbm>>
      %dma_wait3A_587 = tpu.memref_squeeze %dma_wait3A_586 : memref<1x1x1x125xi32, #tpu.memory_space<hbm>> -> memref<125xi32, #tpu.memory_space<hbm>>
      %dma_wait3A_588 = arith.constant 0 : i32
      %dma_wait3A_589 = tpu.memref_slice %arg7[%dma_wait3A_581, %dma_wait3A_588] : memref<2x125xi32, #tpu.memory_space<vmem>> -> memref<1x125xi32, #tpu.memory_space<vmem>>
      %dma_wait3A_590 = tpu.memref_squeeze %dma_wait3A_589 : memref<1x125xi32, #tpu.memory_space<vmem>> -> memref<125xi32, #tpu.memory_space<vmem>>
      %dma_wait3A_591 = arith.constant 0 : i32
      %dma_wait3A_592 = tpu.memref_slice %arg3[%dma_wait3A_580, %add3A, %add3A_579, %dma_wait3A_591] : memref<2x32x80x125xi32, #tpu.memory_space<hbm>> -> memref<1x1x1x125xi32, #tpu.memory_space<hbm>>
      %dma_wait3A_593 = tpu.memref_squeeze %dma_wait3A_592 : memref<1x1x1x125xi32, #tpu.memory_space<hbm>> -> memref<125xi32, #tpu.memory_space<hbm>>
      tpu.wait_dma2 semaphore(%arg14 : memref<!tpu.dma_semaphore, #tpu.memory_space<semaphore_mem>>) src(%dma_wait3A_593 : memref<125xi32, #tpu.memory_space<hbm>>) dst(%dma_wait3A_590 : memref<125xi32, #tpu.memory_space<vmem>>)
      %dma_wait3A_594 = arith.constant 1 : i32
      %dma_wait3A_595 = arith.constant 1 : i32
      %dma_wait3A_596 = arith.constant 0 : i32
      %dma_wait3A_597 = tpu.memref_slice %arg7[%dma_wait3A_595, %dma_wait3A_596] : memref<2x125xi32, #tpu.memory_space<vmem>> -> memref<1x125xi32, #tpu.memory_space<vmem>>
      %dma_wait3A_598 = tpu.memref_squeeze %dma_wait3A_597 : memref<1x125xi32, #tpu.memory_space<vmem>> -> memref<125xi32, #tpu.memory_space<vmem>>
      %dma_wait3A_599 = arith.constant 0 : i32
      %dma_wait3A_600 = tpu.memref_slice %arg3[%dma_wait3A_594, %add3A, %add3A_579, %dma_wait3A_599] : memref<2x32x80x125xi32, #tpu.memory_space<hbm>> -> memref<1x1x1x125xi32, #tpu.memory_space<hbm>>
      %dma_wait3A_601 = tpu.memref_squeeze %dma_wait3A_600 : memref<1x1x1x125xi32, #tpu.memory_space<hbm>> -> memref<125xi32, #tpu.memory_space<hbm>>
      %dma_wait3A_602 = arith.constant 0 : i32
      %dma_wait3A_603 = tpu.memref_slice %arg7[%dma_wait3A_595, %dma_wait3A_602] : memref<2x125xi32, #tpu.memory_space<vmem>> -> memref<1x125xi32, #tpu.memory_space<vmem>>
      %dma_wait3A_604 = tpu.memref_squeeze %dma_wait3A_603 : memref<1x125xi32, #tpu.memory_space<vmem>> -> memref<125xi32, #tpu.memory_space<vmem>>
      %dma_wait3A_605 = arith.constant 0 : i32
      %dma_wait3A_606 = tpu.memref_slice %arg3[%dma_wait3A_594, %add3A, %add3A_579, %dma_wait3A_605] : memref<2x32x80x125xi32, #tpu.memory_space<hbm>> -> memref<1x1x1x125xi32, #tpu.memory_space<hbm>>
      %dma_wait3A_607 = tpu.memref_squeeze %dma_wait3A_606 : memref<1x1x1x125xi32, #tpu.memory_space<hbm>> -> memref<125xi32, #tpu.memory_space<hbm>>
      tpu.wait_dma2 semaphore(%arg14 : memref<!tpu.dma_semaphore, #tpu.memory_space<semaphore_mem>>) src(%dma_wait3A_607 : memref<125xi32, #tpu.memory_space<hbm>>) dst(%dma_wait3A_604 : memref<125xi32, #tpu.memory_space<vmem>>)
      %dma_wait3A_608 = arith.constant 1 : i32
      %dma_wait3A_609 = arith.constant 0 : i32
      %dma_wait3A_610 = tpu.memref_slice %arg9[%dma_wait3A_608, %dma_wait3A_609] : memref<2x125xi32, #tpu.memory_space<vmem>> -> memref<1x125xi32, #tpu.memory_space<vmem>>
      %dma_wait3A_611 = tpu.memref_squeeze %dma_wait3A_610 : memref<1x125xi32, #tpu.memory_space<vmem>> -> memref<125xi32, #tpu.memory_space<vmem>>
      %dma_wait3A_612 = arith.constant 0 : i32
      %dma_wait3A_613 = arith.constant 0 : i32
      %dma_wait3A_614 = tpu.memref_slice %arg12[%dma_wait3A_612, %dma_wait3A_613] : memref<10000x128xf32, #tpu.memory_space<vmem_shared>> -> memref<10000x128xf32, #tpu.memory_space<vmem_shared>>
      tpu.wait_indirect_dma semaphore(%arg20 : memref<!tpu.dma_semaphore, #tpu.memory_space<semaphore_mem>>) src(%arg11 : memref<125x128xf32, #tpu.memory_space<vmem>>) dst(%dma_wait3A_614 : memref<10000x128xf32, #tpu.memory_space<vmem_shared>>)
      %dma_wait3A_615 = arith.constant 1 : i32
      %dma_wait3A_616 = arith.constant 0 : i32
      %dma_wait3A_617 = tpu.memref_slice %arg9[%dma_wait3A_615, %dma_wait3A_616] : memref<2x125xi32, #tpu.memory_space<vmem>> -> memref<1x125xi32, #tpu.memory_space<vmem>>
      %dma_wait3A_618 = tpu.memref_squeeze %dma_wait3A_617 : memref<1x125xi32, #tpu.memory_space<vmem>> -> memref<125xi32, #tpu.memory_space<vmem>>
      %dma_wait3A_619 = arith.constant 0 : i32
      %dma_wait3A_620 = arith.constant 0 : i32
      %dma_wait3A_621 = tpu.memref_slice %arg23[%dma_wait3A_619, %dma_wait3A_620] : memref<10000x16xf32, #tpu.memory_space<vmem_shared>> -> memref<10000x16xf32, #tpu.memory_space<vmem_shared>>
      tpu.wait_indirect_dma semaphore(%arg25 : memref<!tpu.dma_semaphore, #tpu.memory_space<semaphore_mem>>) src(%arg21 : memref<125x16xf32, #tpu.memory_space<vmem>>) dst(%dma_wait3A_621 : memref<10000x16xf32, #tpu.memory_space<vmem_shared>>)
      %dma_start3A_622 = arith.constant 0 : i32
      %dma_start3A_623 = arith.constant 0 : i32
      %dma_start3A_624 = tpu.memref_slice %arg7[%dma_start3A_622, %dma_start3A_623] : memref<2x125xi32, #tpu.memory_space<vmem>> -> memref<1x125xi32, #tpu.memory_space<vmem>>
      %dma_start3A_625 = tpu.memref_squeeze %dma_start3A_624 : memref<1x125xi32, #tpu.memory_space<vmem>> -> memref<125xi32, #tpu.memory_space<vmem>>
      %dma_start3A_626 = arith.constant 0 : i32
      %dma_start3A_627 = arith.constant 0 : i32
      %dma_start3A_628 = tpu.memref_slice %arg2[%dma_start3A_626, %dma_start3A_627] : memref<10000x128xf32, #tpu.memory_space<hbm>> -> memref<10000x128xf32, #tpu.memory_space<hbm>>
      tpu.enqueue_indirect_dma source(%dma_start3A_628 : memref<10000x128xf32, #tpu.memory_space<hbm>>) target(%arg11 : memref<125x128xf32, #tpu.memory_space<vmem>>) offsets(%dma_start3A_625 : memref<125xi32, #tpu.memory_space<vmem>>) semaphore(%arg18 : memref<!tpu.dma_semaphore, #tpu.memory_space<semaphore_mem>>)
      %add3A_629 = arith.constant 2 : i32
      %add3A_630 = arith.addi %add3A_579, %add3A_629 : i32
      %dma_start3A_631 = arith.constant 0 : i32
      %dma_start3A_632 = arith.constant 0 : i32
      %dma_start3A_633 = arith.constant 0 : i32
      %dma_start3A_634 = tpu.memref_slice %arg9[%dma_start3A_632, %dma_start3A_633] : memref<2x125xi32, #tpu.memory_space<vmem>> -> memref<1x125xi32, #tpu.memory_space<vmem>>
      %dma_start3A_635 = tpu.memref_squeeze %dma_start3A_634 : memref<1x125xi32, #tpu.memory_space<vmem>> -> memref<125xi32, #tpu.memory_space<vmem>>
      %dma_start3A_636 = arith.constant 0 : i32
      %dma_start3A_637 = tpu.memref_slice %arg3[%dma_start3A_631, %add3A, %add3A_630, %dma_start3A_636] : memref<2x32x80x125xi32, #tpu.memory_space<hbm>> -> memref<1x1x1x125xi32, #tpu.memory_space<hbm>>
      %dma_start3A_638 = tpu.memref_squeeze %dma_start3A_637 : memref<1x1x1x125xi32, #tpu.memory_space<hbm>> -> memref<125xi32, #tpu.memory_space<hbm>>
      %dma_start3A_639 = arith.constant 0 : i32
      %dma_start3A_640 = tpu.memref_slice %arg9[%dma_start3A_632, %dma_start3A_639] : memref<2x125xi32, #tpu.memory_space<vmem>> -> memref<1x125xi32, #tpu.memory_space<vmem>>
      %dma_start3A_641 = tpu.memref_squeeze %dma_start3A_640 : memref<1x125xi32, #tpu.memory_space<vmem>> -> memref<125xi32, #tpu.memory_space<vmem>>
      %dma_start3A_642 = arith.constant 0 : i32
      %dma_start3A_643 = tpu.memref_slice %arg3[%dma_start3A_631, %add3A, %add3A_630, %dma_start3A_642] : memref<2x32x80x125xi32, #tpu.memory_space<hbm>> -> memref<1x1x1x125xi32, #tpu.memory_space<hbm>>
      %dma_start3A_644 = tpu.memref_squeeze %dma_start3A_643 : memref<1x1x1x125xi32, #tpu.memory_space<hbm>> -> memref<125xi32, #tpu.memory_space<hbm>>
      tpu.enqueue_dma source(%dma_start3A_644 : memref<125xi32, #tpu.memory_space<hbm>>) target(%dma_start3A_641 : memref<125xi32, #tpu.memory_space<vmem>>) target_semaphore(%arg16 : memref<!tpu.dma_semaphore, #tpu.memory_space<semaphore_mem>>)
      %dma_start3A_645 = arith.constant 1 : i32
      %dma_start3A_646 = arith.constant 1 : i32
      %dma_start3A_647 = arith.constant 0 : i32
      %dma_start3A_648 = tpu.memref_slice %arg9[%dma_start3A_646, %dma_start3A_647] : memref<2x125xi32, #tpu.memory_space<vmem>> -> memref<1x125xi32, #tpu.memory_space<vmem>>
      %dma_start3A_649 = tpu.memref_squeeze %dma_start3A_648 : memref<1x125xi32, #tpu.memory_space<vmem>> -> memref<125xi32, #tpu.memory_space<vmem>>
      %dma_start3A_650 = arith.constant 0 : i32
      %dma_start3A_651 = tpu.memref_slice %arg3[%dma_start3A_645, %add3A, %add3A_630, %dma_start3A_650] : memref<2x32x80x125xi32, #tpu.memory_space<hbm>> -> memref<1x1x1x125xi32, #tpu.memory_space<hbm>>
      %dma_start3A_652 = tpu.memref_squeeze %dma_start3A_651 : memref<1x1x1x125xi32, #tpu.memory_space<hbm>> -> memref<125xi32, #tpu.memory_space<hbm>>
      %dma_start3A_653 = arith.constant 0 : i32
      %dma_start3A_654 = tpu.memref_slice %arg9[%dma_start3A_646, %dma_start3A_653] : memref<2x125xi32, #tpu.memory_space<vmem>> -> memref<1x125xi32, #tpu.memory_space<vmem>>
      %dma_start3A_655 = tpu.memref_squeeze %dma_start3A_654 : memref<1x125xi32, #tpu.memory_space<vmem>> -> memref<125xi32, #tpu.memory_space<vmem>>
      %dma_start3A_656 = arith.constant 0 : i32
      %dma_start3A_657 = tpu.memref_slice %arg3[%dma_start3A_645, %add3A, %add3A_630, %dma_start3A_656] : memref<2x32x80x125xi32, #tpu.memory_space<hbm>> -> memref<1x1x1x125xi32, #tpu.memory_space<hbm>>
      %dma_start3A_658 = tpu.memref_squeeze %dma_start3A_657 : memref<1x1x1x125xi32, #tpu.memory_space<hbm>> -> memref<125xi32, #tpu.memory_space<hbm>>
      tpu.enqueue_dma source(%dma_start3A_658 : memref<125xi32, #tpu.memory_space<hbm>>) target(%dma_start3A_655 : memref<125xi32, #tpu.memory_space<vmem>>) target_semaphore(%arg16 : memref<!tpu.dma_semaphore, #tpu.memory_space<semaphore_mem>>)
      %dma_wait3A_659 = arith.constant 0 : i32
      %dma_wait3A_660 = arith.constant 0 : i32
      %dma_wait3A_661 = tpu.memref_slice %arg6[%dma_wait3A_659, %dma_wait3A_660] : memref<2x125xi32, #tpu.memory_space<vmem>> -> memref<1x125xi32, #tpu.memory_space<vmem>>
      %dma_wait3A_662 = tpu.memref_squeeze %dma_wait3A_661 : memref<1x125xi32, #tpu.memory_space<vmem>> -> memref<125xi32, #tpu.memory_space<vmem>>
      %dma_wait3A_663 = arith.constant 0 : i32
      %dma_wait3A_664 = arith.constant 0 : i32
      %dma_wait3A_665 = tpu.memref_slice %arg2[%dma_wait3A_663, %dma_wait3A_664] : memref<10000x128xf32, #tpu.memory_space<hbm>> -> memref<10000x128xf32, #tpu.memory_space<hbm>>
      tpu.wait_indirect_dma semaphore(%arg17 : memref<!tpu.dma_semaphore, #tpu.memory_space<semaphore_mem>>) src(%dma_wait3A_665 : memref<10000x128xf32, #tpu.memory_space<hbm>>) dst(%arg10 : memref<125x128xf32, #tpu.memory_space<vmem>>)
      %dma_start3A_666 = arith.constant 1 : i32
      %dma_start3A_667 = arith.constant 0 : i32
      %dma_start3A_668 = tpu.memref_slice %arg6[%dma_start3A_666, %dma_start3A_667] : memref<2x125xi32, #tpu.memory_space<vmem>> -> memref<1x125xi32, #tpu.memory_space<vmem>>
      %dma_start3A_669 = tpu.memref_squeeze %dma_start3A_668 : memref<1x125xi32, #tpu.memory_space<vmem>> -> memref<125xi32, #tpu.memory_space<vmem>>
      %dma_start3A_670 = arith.constant 0 : i32
      %dma_start3A_671 = arith.constant 0 : i32
      %dma_start3A_672 = tpu.memref_slice %arg12[%dma_start3A_670, %dma_start3A_671] : memref<10000x128xf32, #tpu.memory_space<vmem_shared>> -> memref<10000x128xf32, #tpu.memory_space<vmem_shared>>
      tpu.enqueue_indirect_dma source(%arg10 : memref<125x128xf32, #tpu.memory_space<vmem>>) target(%dma_start3A_672 : memref<10000x128xf32, #tpu.memory_space<vmem_shared>>) offsets(%dma_start3A_669 : memref<125xi32, #tpu.memory_space<vmem>>) semaphore(%arg19 : memref<!tpu.dma_semaphore, #tpu.memory_space<semaphore_mem>>) {add = true}
      %dma_start3A_673 = arith.constant 1 : i32
      %dma_start3A_674 = arith.constant 0 : i32
      %dma_start3A_675 = tpu.memref_slice %arg6[%dma_start3A_673, %dma_start3A_674] : memref<2x125xi32, #tpu.memory_space<vmem>> -> memref<1x125xi32, #tpu.memory_space<vmem>>
      %dma_start3A_676 = tpu.memref_squeeze %dma_start3A_675 : memref<1x125xi32, #tpu.memory_space<vmem>> -> memref<125xi32, #tpu.memory_space<vmem>>
      %dma_start3A_677 = arith.constant 0 : i32
      %dma_start3A_678 = arith.constant 0 : i32
      %dma_start3A_679 = tpu.memref_slice %arg23[%dma_start3A_677, %dma_start3A_678] : memref<10000x16xf32, #tpu.memory_space<vmem_shared>> -> memref<10000x16xf32, #tpu.memory_space<vmem_shared>>
      tpu.enqueue_indirect_dma source(%arg21 : memref<125x16xf32, #tpu.memory_space<vmem>>) target(%dma_start3A_679 : memref<10000x16xf32, #tpu.memory_space<vmem_shared>>) offsets(%dma_start3A_676 : memref<125xi32, #tpu.memory_space<vmem>>) semaphore(%arg24 : memref<!tpu.dma_semaphore, #tpu.memory_space<semaphore_mem>>) {add = true}
      %add3A_680 = arith.constant 2 : i32
      %add3A_681 = arith.addi %add3A_475, %add3A_680 : i32
      %dma_wait3A_682 = arith.constant 0 : i32
      %dma_wait3A_683 = arith.constant 0 : i32
      %dma_wait3A_684 = arith.constant 0 : i32
      %dma_wait3A_685 = tpu.memref_slice %arg8[%dma_wait3A_683, %dma_wait3A_684] : memref<2x125xi32, #tpu.memory_space<vmem>> -> memref<1x125xi32, #tpu.memory_space<vmem>>
      %dma_wait3A_686 = tpu.memref_squeeze %dma_wait3A_685 : memref<1x125xi32, #tpu.memory_space<vmem>> -> memref<125xi32, #tpu.memory_space<vmem>>
      %dma_wait3A_687 = arith.constant 0 : i32
      %dma_wait3A_688 = tpu.memref_slice %arg3[%dma_wait3A_682, %add3A, %add3A_681, %dma_wait3A_687] : memref<2x32x80x125xi32, #tpu.memory_space<hbm>> -> memref<1x1x1x125xi32, #tpu.memory_space<hbm>>
      %dma_wait3A_689 = tpu.memref_squeeze %dma_wait3A_688 : memref<1x1x1x125xi32, #tpu.memory_space<hbm>> -> memref<125xi32, #tpu.memory_space<hbm>>
      %dma_wait3A_690 = arith.constant 0 : i32
      %dma_wait3A_691 = tpu.memref_slice %arg8[%dma_wait3A_683, %dma_wait3A_690] : memref<2x125xi32, #tpu.memory_space<vmem>> -> memref<1x125xi32, #tpu.memory_space<vmem>>
      %dma_wait3A_692 = tpu.memref_squeeze %dma_wait3A_691 : memref<1x125xi32, #tpu.memory_space<vmem>> -> memref<125xi32, #tpu.memory_space<vmem>>
      %dma_wait3A_693 = arith.constant 0 : i32
      %dma_wait3A_694 = tpu.memref_slice %arg3[%dma_wait3A_682, %add3A, %add3A_681, %dma_wait3A_693] : memref<2x32x80x125xi32, #tpu.memory_space<hbm>> -> memref<1x1x1x125xi32, #tpu.memory_space<hbm>>
      %dma_wait3A_695 = tpu.memref_squeeze %dma_wait3A_694 : memref<1x1x1x125xi32, #tpu.memory_space<hbm>> -> memref<125xi32, #tpu.memory_space<hbm>>
      tpu.wait_dma2 semaphore(%arg15 : memref<!tpu.dma_semaphore, #tpu.memory_space<semaphore_mem>>) src(%dma_wait3A_695 : memref<125xi32, #tpu.memory_space<hbm>>) dst(%dma_wait3A_692 : memref<125xi32, #tpu.memory_space<vmem>>)
      %dma_wait3A_696 = arith.constant 1 : i32
      %dma_wait3A_697 = arith.constant 1 : i32
      %dma_wait3A_698 = arith.constant 0 : i32
      %dma_wait3A_699 = tpu.memref_slice %arg8[%dma_wait3A_697, %dma_wait3A_698] : memref<2x125xi32, #tpu.memory_space<vmem>> -> memref<1x125xi32, #tpu.memory_space<vmem>>
      %dma_wait3A_700 = tpu.memref_squeeze %dma_wait3A_699 : memref<1x125xi32, #tpu.memory_space<vmem>> -> memref<125xi32, #tpu.memory_space<vmem>>
      %dma_wait3A_701 = arith.constant 0 : i32
      %dma_wait3A_702 = tpu.memref_slice %arg3[%dma_wait3A_696, %add3A, %add3A_681, %dma_wait3A_701] : memref<2x32x80x125xi32, #tpu.memory_space<hbm>> -> memref<1x1x1x125xi32, #tpu.memory_space<hbm>>
      %dma_wait3A_703 = tpu.memref_squeeze %dma_wait3A_702 : memref<1x1x1x125xi32, #tpu.memory_space<hbm>> -> memref<125xi32, #tpu.memory_space<hbm>>
      %dma_wait3A_704 = arith.constant 0 : i32
      %dma_wait3A_705 = tpu.memref_slice %arg8[%dma_wait3A_697, %dma_wait3A_704] : memref<2x125xi32, #tpu.memory_space<vmem>> -> memref<1x125xi32, #tpu.memory_space<vmem>>
      %dma_wait3A_706 = tpu.memref_squeeze %dma_wait3A_705 : memref<1x125xi32, #tpu.memory_space<vmem>> -> memref<125xi32, #tpu.memory_space<vmem>>
      %dma_wait3A_707 = arith.constant 0 : i32
      %dma_wait3A_708 = tpu.memref_slice %arg3[%dma_wait3A_696, %add3A, %add3A_681, %dma_wait3A_707] : memref<2x32x80x125xi32, #tpu.memory_space<hbm>> -> memref<1x1x1x125xi32, #tpu.memory_space<hbm>>
      %dma_wait3A_709 = tpu.memref_squeeze %dma_wait3A_708 : memref<1x1x1x125xi32, #tpu.memory_space<hbm>> -> memref<125xi32, #tpu.memory_space<hbm>>
      tpu.wait_dma2 semaphore(%arg15 : memref<!tpu.dma_semaphore, #tpu.memory_space<semaphore_mem>>) src(%dma_wait3A_709 : memref<125xi32, #tpu.memory_space<hbm>>) dst(%dma_wait3A_706 : memref<125xi32, #tpu.memory_space<vmem>>)
      %dma_wait3A_710 = arith.constant 1 : i32
      %dma_wait3A_711 = arith.constant 0 : i32
      %dma_wait3A_712 = tpu.memref_slice %arg6[%dma_wait3A_710, %dma_wait3A_711] : memref<2x125xi32, #tpu.memory_space<vmem>> -> memref<1x125xi32, #tpu.memory_space<vmem>>
      %dma_wait3A_713 = tpu.memref_squeeze %dma_wait3A_712 : memref<1x125xi32, #tpu.memory_space<vmem>> -> memref<125xi32, #tpu.memory_space<vmem>>
      %dma_wait3A_714 = arith.constant 0 : i32
      %dma_wait3A_715 = arith.constant 0 : i32
      %dma_wait3A_716 = tpu.memref_slice %arg12[%dma_wait3A_714, %dma_wait3A_715] : memref<10000x128xf32, #tpu.memory_space<vmem_shared>> -> memref<10000x128xf32, #tpu.memory_space<vmem_shared>>
      tpu.wait_indirect_dma semaphore(%arg19 : memref<!tpu.dma_semaphore, #tpu.memory_space<semaphore_mem>>) src(%arg10 : memref<125x128xf32, #tpu.memory_space<vmem>>) dst(%dma_wait3A_716 : memref<10000x128xf32, #tpu.memory_space<vmem_shared>>)
      %dma_wait3A_717 = arith.constant 1 : i32
      %dma_wait3A_718 = arith.constant 0 : i32
      %dma_wait3A_719 = tpu.memref_slice %arg6[%dma_wait3A_717, %dma_wait3A_718] : memref<2x125xi32, #tpu.memory_space<vmem>> -> memref<1x125xi32, #tpu.memory_space<vmem>>
      %dma_wait3A_720 = tpu.memref_squeeze %dma_wait3A_719 : memref<1x125xi32, #tpu.memory_space<vmem>> -> memref<125xi32, #tpu.memory_space<vmem>>
      %dma_wait3A_721 = arith.constant 0 : i32
      %dma_wait3A_722 = arith.constant 0 : i32
      %dma_wait3A_723 = tpu.memref_slice %arg23[%dma_wait3A_721, %dma_wait3A_722] : memref<10000x16xf32, #tpu.memory_space<vmem_shared>> -> memref<10000x16xf32, #tpu.memory_space<vmem_shared>>
      tpu.wait_indirect_dma semaphore(%arg24 : memref<!tpu.dma_semaphore, #tpu.memory_space<semaphore_mem>>) src(%arg21 : memref<125x16xf32, #tpu.memory_space<vmem>>) dst(%dma_wait3A_723 : memref<10000x16xf32, #tpu.memory_space<vmem_shared>>)
      %dma_start3A_724 = arith.constant 0 : i32
      %dma_start3A_725 = arith.constant 0 : i32
      %dma_start3A_726 = tpu.memref_slice %arg8[%dma_start3A_724, %dma_start3A_725] : memref<2x125xi32, #tpu.memory_space<vmem>> -> memref<1x125xi32, #tpu.memory_space<vmem>>
      %dma_start3A_727 = tpu.memref_squeeze %dma_start3A_726 : memref<1x125xi32, #tpu.memory_space<vmem>> -> memref<125xi32, #tpu.memory_space<vmem>>
      %dma_start3A_728 = arith.constant 0 : i32
      %dma_start3A_729 = arith.constant 0 : i32
      %dma_start3A_730 = tpu.memref_slice %arg2[%dma_start3A_728, %dma_start3A_729] : memref<10000x128xf32, #tpu.memory_space<hbm>> -> memref<10000x128xf32, #tpu.memory_space<hbm>>
      tpu.enqueue_indirect_dma source(%dma_start3A_730 : memref<10000x128xf32, #tpu.memory_space<hbm>>) target(%arg10 : memref<125x128xf32, #tpu.memory_space<vmem>>) offsets(%dma_start3A_727 : memref<125xi32, #tpu.memory_space<vmem>>) semaphore(%arg17 : memref<!tpu.dma_semaphore, #tpu.memory_space<semaphore_mem>>)
      %lt3A = arith.constant 18 : i32
      %lt3A_731 = arith.cmpi slt, %scan3A_471, %lt3A : i32
      %convert_element_type3A_732 = arith.extui %lt3A_731 : i1 to i32
      %cond3A_733 = arith.constant 0 : i32
      %cond3A_734 = arith.cmpi ne, %convert_element_type3A_732, %cond3A_733 : i32
      scf.if %cond3A_734 {
        %add3A_833 = arith.constant 2 : i32
        %add3A_834 = arith.addi %add3A_681, %add3A_833 : i32
        %dma_start3A_835 = arith.constant 0 : i32
        %dma_start3A_836 = arith.constant 0 : i32
        %dma_start3A_837 = arith.constant 0 : i32
        %dma_start3A_838 = tpu.memref_slice %arg6[%dma_start3A_836, %dma_start3A_837] : memref<2x125xi32, #tpu.memory_space<vmem>> -> memref<1x125xi32, #tpu.memory_space<vmem>>
        %dma_start3A_839 = tpu.memref_squeeze %dma_start3A_838 : memref<1x125xi32, #tpu.memory_space<vmem>> -> memref<125xi32, #tpu.memory_space<vmem>>
        %dma_start3A_840 = arith.constant 0 : i32
        %dma_start3A_841 = tpu.memref_slice %arg3[%dma_start3A_835, %add3A, %add3A_834, %dma_start3A_840] : memref<2x32x80x125xi32, #tpu.memory_space<hbm>> -> memref<1x1x1x125xi32, #tpu.memory_space<hbm>>
        %dma_start3A_842 = tpu.memref_squeeze %dma_start3A_841 : memref<1x1x1x125xi32, #tpu.memory_space<hbm>> -> memref<125xi32, #tpu.memory_space<hbm>>
        %dma_start3A_843 = arith.constant 0 : i32
        %dma_start3A_844 = tpu.memref_slice %arg6[%dma_start3A_836, %dma_start3A_843] : memref<2x125xi32, #tpu.memory_space<vmem>> -> memref<1x125xi32, #tpu.memory_space<vmem>>
        %dma_start3A_845 = tpu.memref_squeeze %dma_start3A_844 : memref<1x125xi32, #tpu.memory_space<vmem>> -> memref<125xi32, #tpu.memory_space<vmem>>
        %dma_start3A_846 = arith.constant 0 : i32
        %dma_start3A_847 = tpu.memref_slice %arg3[%dma_start3A_835, %add3A, %add3A_834, %dma_start3A_846] : memref<2x32x80x125xi32, #tpu.memory_space<hbm>> -> memref<1x1x1x125xi32, #tpu.memory_space<hbm>>
        %dma_start3A_848 = tpu.memref_squeeze %dma_start3A_847 : memref<1x1x1x125xi32, #tpu.memory_space<hbm>> -> memref<125xi32, #tpu.memory_space<hbm>>
        tpu.enqueue_dma source(%dma_start3A_848 : memref<125xi32, #tpu.memory_space<hbm>>) target(%dma_start3A_845 : memref<125xi32, #tpu.memory_space<vmem>>) target_semaphore(%arg13 : memref<!tpu.dma_semaphore, #tpu.memory_space<semaphore_mem>>)
        %dma_start3A_849 = arith.constant 1 : i32
        %dma_start3A_850 = arith.constant 1 : i32
        %dma_start3A_851 = arith.constant 0 : i32
        %dma_start3A_852 = tpu.memref_slice %arg6[%dma_start3A_850, %dma_start3A_851] : memref<2x125xi32, #tpu.memory_space<vmem>> -> memref<1x125xi32, #tpu.memory_space<vmem>>
        %dma_start3A_853 = tpu.memref_squeeze %dma_start3A_852 : memref<1x125xi32, #tpu.memory_space<vmem>> -> memref<125xi32, #tpu.memory_space<vmem>>
        %dma_start3A_854 = arith.constant 0 : i32
        %dma_start3A_855 = tpu.memref_slice %arg3[%dma_start3A_849, %add3A, %add3A_834, %dma_start3A_854] : memref<2x32x80x125xi32, #tpu.memory_space<hbm>> -> memref<1x1x1x125xi32, #tpu.memory_space<hbm>>
        %dma_start3A_856 = tpu.memref_squeeze %dma_start3A_855 : memref<1x1x1x125xi32, #tpu.memory_space<hbm>> -> memref<125xi32, #tpu.memory_space<hbm>>
        %dma_start3A_857 = arith.constant 0 : i32
        %dma_start3A_858 = tpu.memref_slice %arg6[%dma_start3A_850, %dma_start3A_857] : memref<2x125xi32, #tpu.memory_space<vmem>> -> memref<1x125xi32, #tpu.memory_space<vmem>>
        %dma_start3A_859 = tpu.memref_squeeze %dma_start3A_858 : memref<1x125xi32, #tpu.memory_space<vmem>> -> memref<125xi32, #tpu.memory_space<vmem>>
        %dma_start3A_860 = arith.constant 0 : i32
        %dma_start3A_861 = tpu.memref_slice %arg3[%dma_start3A_849, %add3A, %add3A_834, %dma_start3A_860] : memref<2x32x80x125xi32, #tpu.memory_space<hbm>> -> memref<1x1x1x125xi32, #tpu.memory_space<hbm>>
        %dma_start3A_862 = tpu.memref_squeeze %dma_start3A_861 : memref<1x1x1x125xi32, #tpu.memory_space<hbm>> -> memref<125xi32, #tpu.memory_space<hbm>>
        tpu.enqueue_dma source(%dma_start3A_862 : memref<125xi32, #tpu.memory_space<hbm>>) target(%dma_start3A_859 : memref<125xi32, #tpu.memory_space<vmem>>) target_semaphore(%arg13 : memref<!tpu.dma_semaphore, #tpu.memory_space<semaphore_mem>>)
      } else {
      }
      %dma_wait3A_735 = arith.constant 0 : i32
      %dma_wait3A_736 = arith.constant 0 : i32
      %dma_wait3A_737 = tpu.memref_slice %arg7[%dma_wait3A_735, %dma_wait3A_736] : memref<2x125xi32, #tpu.memory_space<vmem>> -> memref<1x125xi32, #tpu.memory_space<vmem>>
      %dma_wait3A_738 = tpu.memref_squeeze %dma_wait3A_737 : memref<1x125xi32, #tpu.memory_space<vmem>> -> memref<125xi32, #tpu.memory_space<vmem>>
      %dma_wait3A_739 = arith.constant 0 : i32
      %dma_wait3A_740 = arith.constant 0 : i32
      %dma_wait3A_741 = tpu.memref_slice %arg2[%dma_wait3A_739, %dma_wait3A_740] : memref<10000x128xf32, #tpu.memory_space<hbm>> -> memref<10000x128xf32, #tpu.memory_space<hbm>>
      tpu.wait_indirect_dma semaphore(%arg18 : memref<!tpu.dma_semaphore, #tpu.memory_space<semaphore_mem>>) src(%dma_wait3A_741 : memref<10000x128xf32, #tpu.memory_space<hbm>>) dst(%arg11 : memref<125x128xf32, #tpu.memory_space<vmem>>)
      %dma_start3A_742 = arith.constant 1 : i32
      %dma_start3A_743 = arith.constant 0 : i32
      %dma_start3A_744 = tpu.memref_slice %arg7[%dma_start3A_742, %dma_start3A_743] : memref<2x125xi32, #tpu.memory_space<vmem>> -> memref<1x125xi32, #tpu.memory_space<vmem>>
      %dma_start3A_745 = tpu.memref_squeeze %dma_start3A_744 : memref<1x125xi32, #tpu.memory_space<vmem>> -> memref<125xi32, #tpu.memory_space<vmem>>
      %dma_start3A_746 = arith.constant 0 : i32
      %dma_start3A_747 = arith.constant 0 : i32
      %dma_start3A_748 = tpu.memref_slice %arg12[%dma_start3A_746, %dma_start3A_747] : memref<10000x128xf32, #tpu.memory_space<vmem_shared>> -> memref<10000x128xf32, #tpu.memory_space<vmem_shared>>
      tpu.enqueue_indirect_dma source(%arg11 : memref<125x128xf32, #tpu.memory_space<vmem>>) target(%dma_start3A_748 : memref<10000x128xf32, #tpu.memory_space<vmem_shared>>) offsets(%dma_start3A_745 : memref<125xi32, #tpu.memory_space<vmem>>) semaphore(%arg20 : memref<!tpu.dma_semaphore, #tpu.memory_space<semaphore_mem>>) {add = true}
      %dma_start3A_749 = arith.constant 1 : i32
      %dma_start3A_750 = arith.constant 0 : i32
      %dma_start3A_751 = tpu.memref_slice %arg7[%dma_start3A_749, %dma_start3A_750] : memref<2x125xi32, #tpu.memory_space<vmem>> -> memref<1x125xi32, #tpu.memory_space<vmem>>
      %dma_start3A_752 = tpu.memref_squeeze %dma_start3A_751 : memref<1x125xi32, #tpu.memory_space<vmem>> -> memref<125xi32, #tpu.memory_space<vmem>>
      %dma_start3A_753 = arith.constant 0 : i32
      %dma_start3A_754 = arith.constant 0 : i32
      %dma_start3A_755 = tpu.memref_slice %arg23[%dma_start3A_753, %dma_start3A_754] : memref<10000x16xf32, #tpu.memory_space<vmem_shared>> -> memref<10000x16xf32, #tpu.memory_space<vmem_shared>>
      tpu.enqueue_indirect_dma source(%arg21 : memref<125x16xf32, #tpu.memory_space<vmem>>) target(%dma_start3A_755 : memref<10000x16xf32, #tpu.memory_space<vmem_shared>>) offsets(%dma_start3A_752 : memref<125xi32, #tpu.memory_space<vmem>>) semaphore(%arg25 : memref<!tpu.dma_semaphore, #tpu.memory_space<semaphore_mem>>) {add = true}
      %add3A_756 = arith.constant 3 : i32
      %add3A_757 = arith.addi %add3A_475, %add3A_756 : i32
      %dma_wait3A_758 = arith.constant 0 : i32
      %dma_wait3A_759 = arith.constant 0 : i32
      %dma_wait3A_760 = arith.constant 0 : i32
      %dma_wait3A_761 = tpu.memref_slice %arg9[%dma_wait3A_759, %dma_wait3A_760] : memref<2x125xi32, #tpu.memory_space<vmem>> -> memref<1x125xi32, #tpu.memory_space<vmem>>
      %dma_wait3A_762 = tpu.memref_squeeze %dma_wait3A_761 : memref<1x125xi32, #tpu.memory_space<vmem>> -> memref<125xi32, #tpu.memory_space<vmem>>
      %dma_wait3A_763 = arith.constant 0 : i32
      %dma_wait3A_764 = tpu.memref_slice %arg3[%dma_wait3A_758, %add3A, %add3A_757, %dma_wait3A_763] : memref<2x32x80x125xi32, #tpu.memory_space<hbm>> -> memref<1x1x1x125xi32, #tpu.memory_space<hbm>>
      %dma_wait3A_765 = tpu.memref_squeeze %dma_wait3A_764 : memref<1x1x1x125xi32, #tpu.memory_space<hbm>> -> memref<125xi32, #tpu.memory_space<hbm>>
      %dma_wait3A_766 = arith.constant 0 : i32
      %dma_wait3A_767 = tpu.memref_slice %arg9[%dma_wait3A_759, %dma_wait3A_766] : memref<2x125xi32, #tpu.memory_space<vmem>> -> memref<1x125xi32, #tpu.memory_space<vmem>>
      %dma_wait3A_768 = tpu.memref_squeeze %dma_wait3A_767 : memref<1x125xi32, #tpu.memory_space<vmem>> -> memref<125xi32, #tpu.memory_space<vmem>>
      %dma_wait3A_769 = arith.constant 0 : i32
      %dma_wait3A_770 = tpu.memref_slice %arg3[%dma_wait3A_758, %add3A, %add3A_757, %dma_wait3A_769] : memref<2x32x80x125xi32, #tpu.memory_space<hbm>> -> memref<1x1x1x125xi32, #tpu.memory_space<hbm>>
      %dma_wait3A_771 = tpu.memref_squeeze %dma_wait3A_770 : memref<1x1x1x125xi32, #tpu.memory_space<hbm>> -> memref<125xi32, #tpu.memory_space<hbm>>
      tpu.wait_dma2 semaphore(%arg16 : memref<!tpu.dma_semaphore, #tpu.memory_space<semaphore_mem>>) src(%dma_wait3A_771 : memref<125xi32, #tpu.memory_space<hbm>>) dst(%dma_wait3A_768 : memref<125xi32, #tpu.memory_space<vmem>>)
      %dma_wait3A_772 = arith.constant 1 : i32
      %dma_wait3A_773 = arith.constant 1 : i32
      %dma_wait3A_774 = arith.constant 0 : i32
      %dma_wait3A_775 = tpu.memref_slice %arg9[%dma_wait3A_773, %dma_wait3A_774] : memref<2x125xi32, #tpu.memory_space<vmem>> -> memref<1x125xi32, #tpu.memory_space<vmem>>
      %dma_wait3A_776 = tpu.memref_squeeze %dma_wait3A_775 : memref<1x125xi32, #tpu.memory_space<vmem>> -> memref<125xi32, #tpu.memory_space<vmem>>
      %dma_wait3A_777 = arith.constant 0 : i32
      %dma_wait3A_778 = tpu.memref_slice %arg3[%dma_wait3A_772, %add3A, %add3A_757, %dma_wait3A_777] : memref<2x32x80x125xi32, #tpu.memory_space<hbm>> -> memref<1x1x1x125xi32, #tpu.memory_space<hbm>>
      %dma_wait3A_779 = tpu.memref_squeeze %dma_wait3A_778 : memref<1x1x1x125xi32, #tpu.memory_space<hbm>> -> memref<125xi32, #tpu.memory_space<hbm>>
      %dma_wait3A_780 = arith.constant 0 : i32
      %dma_wait3A_781 = tpu.memref_slice %arg9[%dma_wait3A_773, %dma_wait3A_780] : memref<2x125xi32, #tpu.memory_space<vmem>> -> memref<1x125xi32, #tpu.memory_space<vmem>>
      %dma_wait3A_782 = tpu.memref_squeeze %dma_wait3A_781 : memref<1x125xi32, #tpu.memory_space<vmem>> -> memref<125xi32, #tpu.memory_space<vmem>>
      %dma_wait3A_783 = arith.constant 0 : i32
      %dma_wait3A_784 = tpu.memref_slice %arg3[%dma_wait3A_772, %add3A, %add3A_757, %dma_wait3A_783] : memref<2x32x80x125xi32, #tpu.memory_space<hbm>> -> memref<1x1x1x125xi32, #tpu.memory_space<hbm>>
      %dma_wait3A_785 = tpu.memref_squeeze %dma_wait3A_784 : memref<1x1x1x125xi32, #tpu.memory_space<hbm>> -> memref<125xi32, #tpu.memory_space<hbm>>
      tpu.wait_dma2 semaphore(%arg16 : memref<!tpu.dma_semaphore, #tpu.memory_space<semaphore_mem>>) src(%dma_wait3A_785 : memref<125xi32, #tpu.memory_space<hbm>>) dst(%dma_wait3A_782 : memref<125xi32, #tpu.memory_space<vmem>>)
      %dma_wait3A_786 = arith.constant 1 : i32
      %dma_wait3A_787 = arith.constant 0 : i32
      %dma_wait3A_788 = tpu.memref_slice %arg7[%dma_wait3A_786, %dma_wait3A_787] : memref<2x125xi32, #tpu.memory_space<vmem>> -> memref<1x125xi32, #tpu.memory_space<vmem>>
      %dma_wait3A_789 = tpu.memref_squeeze %dma_wait3A_788 : memref<1x125xi32, #tpu.memory_space<vmem>> -> memref<125xi32, #tpu.memory_space<vmem>>
      %dma_wait3A_790 = arith.constant 0 : i32
      %dma_wait3A_791 = arith.constant 0 : i32
      %dma_wait3A_792 = tpu.memref_slice %arg12[%dma_wait3A_790, %dma_wait3A_791] : memref<10000x128xf32, #tpu.memory_space<vmem_shared>> -> memref<10000x128xf32, #tpu.memory_space<vmem_shared>>
      tpu.wait_indirect_dma semaphore(%arg20 : memref<!tpu.dma_semaphore, #tpu.memory_space<semaphore_mem>>) src(%arg11 : memref<125x128xf32, #tpu.memory_space<vmem>>) dst(%dma_wait3A_792 : memref<10000x128xf32, #tpu.memory_space<vmem_shared>>)
      %dma_wait3A_793 = arith.constant 1 : i32
      %dma_wait3A_794 = arith.constant 0 : i32
      %dma_wait3A_795 = tpu.memref_slice %arg7[%dma_wait3A_793, %dma_wait3A_794] : memref<2x125xi32, #tpu.memory_space<vmem>> -> memref<1x125xi32, #tpu.memory_space<vmem>>
      %dma_wait3A_796 = tpu.memref_squeeze %dma_wait3A_795 : memref<1x125xi32, #tpu.memory_space<vmem>> -> memref<125xi32, #tpu.memory_space<vmem>>
      %dma_wait3A_797 = arith.constant 0 : i32
      %dma_wait3A_798 = arith.constant 0 : i32
      %dma_wait3A_799 = tpu.memref_slice %arg23[%dma_wait3A_797, %dma_wait3A_798] : memref<10000x16xf32, #tpu.memory_space<vmem_shared>> -> memref<10000x16xf32, #tpu.memory_space<vmem_shared>>
      tpu.wait_indirect_dma semaphore(%arg25 : memref<!tpu.dma_semaphore, #tpu.memory_space<semaphore_mem>>) src(%arg21 : memref<125x16xf32, #tpu.memory_space<vmem>>) dst(%dma_wait3A_799 : memref<10000x16xf32, #tpu.memory_space<vmem_shared>>)
      %dma_start3A_800 = arith.constant 0 : i32
      %dma_start3A_801 = arith.constant 0 : i32
      %dma_start3A_802 = tpu.memref_slice %arg9[%dma_start3A_800, %dma_start3A_801] : memref<2x125xi32, #tpu.memory_space<vmem>> -> memref<1x125xi32, #tpu.memory_space<vmem>>
      %dma_start3A_803 = tpu.memref_squeeze %dma_start3A_802 : memref<1x125xi32, #tpu.memory_space<vmem>> -> memref<125xi32, #tpu.memory_space<vmem>>
      %dma_start3A_804 = arith.constant 0 : i32
      %dma_start3A_805 = arith.constant 0 : i32
      %dma_start3A_806 = tpu.memref_slice %arg2[%dma_start3A_804, %dma_start3A_805] : memref<10000x128xf32, #tpu.memory_space<hbm>> -> memref<10000x128xf32, #tpu.memory_space<hbm>>
      tpu.enqueue_indirect_dma source(%dma_start3A_806 : memref<10000x128xf32, #tpu.memory_space<hbm>>) target(%arg11 : memref<125x128xf32, #tpu.memory_space<vmem>>) offsets(%dma_start3A_803 : memref<125xi32, #tpu.memory_space<vmem>>) semaphore(%arg18 : memref<!tpu.dma_semaphore, #tpu.memory_space<semaphore_mem>>)
      %lt3A_807 = arith.constant 18 : i32
      %lt3A_808 = arith.cmpi slt, %scan3A_471, %lt3A_807 : i32
      %convert_element_type3A_809 = arith.extui %lt3A_808 : i1 to i32
      %cond3A_810 = arith.constant 0 : i32
      %cond3A_811 = arith.cmpi ne, %convert_element_type3A_809, %cond3A_810 : i32
      scf.if %cond3A_811 {
        %add3A_833 = arith.constant 2 : i32
        %add3A_834 = arith.addi %add3A_757, %add3A_833 : i32
        %dma_start3A_835 = arith.constant 0 : i32
        %dma_start3A_836 = arith.constant 0 : i32
        %dma_start3A_837 = arith.constant 0 : i32
        %dma_start3A_838 = tpu.memref_slice %arg7[%dma_start3A_836, %dma_start3A_837] : memref<2x125xi32, #tpu.memory_space<vmem>> -> memref<1x125xi32, #tpu.memory_space<vmem>>
        %dma_start3A_839 = tpu.memref_squeeze %dma_start3A_838 : memref<1x125xi32, #tpu.memory_space<vmem>> -> memref<125xi32, #tpu.memory_space<vmem>>
        %dma_start3A_840 = arith.constant 0 : i32
        %dma_start3A_841 = tpu.memref_slice %arg3[%dma_start3A_835, %add3A, %add3A_834, %dma_start3A_840] : memref<2x32x80x125xi32, #tpu.memory_space<hbm>> -> memref<1x1x1x125xi32, #tpu.memory_space<hbm>>
        %dma_start3A_842 = tpu.memref_squeeze %dma_start3A_841 : memref<1x1x1x125xi32, #tpu.memory_space<hbm>> -> memref<125xi32, #tpu.memory_space<hbm>>
        %dma_start3A_843 = arith.constant 0 : i32
        %dma_start3A_844 = tpu.memref_slice %arg7[%dma_start3A_836, %dma_start3A_843] : memref<2x125xi32, #tpu.memory_space<vmem>> -> memref<1x125xi32, #tpu.memory_space<vmem>>
        %dma_start3A_845 = tpu.memref_squeeze %dma_start3A_844 : memref<1x125xi32, #tpu.memory_space<vmem>> -> memref<125xi32, #tpu.memory_space<vmem>>
        %dma_start3A_846 = arith.constant 0 : i32
        %dma_start3A_847 = tpu.memref_slice %arg3[%dma_start3A_835, %add3A, %add3A_834, %dma_start3A_846] : memref<2x32x80x125xi32, #tpu.memory_space<hbm>> -> memref<1x1x1x125xi32, #tpu.memory_space<hbm>>
        %dma_start3A_848 = tpu.memref_squeeze %dma_start3A_847 : memref<1x1x1x125xi32, #tpu.memory_space<hbm>> -> memref<125xi32, #tpu.memory_space<hbm>>
        tpu.enqueue_dma source(%dma_start3A_848 : memref<125xi32, #tpu.memory_space<hbm>>) target(%dma_start3A_845 : memref<125xi32, #tpu.memory_space<vmem>>) target_semaphore(%arg14 : memref<!tpu.dma_semaphore, #tpu.memory_space<semaphore_mem>>)
        %dma_start3A_849 = arith.constant 1 : i32
        %dma_start3A_850 = arith.constant 1 : i32
        %dma_start3A_851 = arith.constant 0 : i32
        %dma_start3A_852 = tpu.memref_slice %arg7[%dma_start3A_850, %dma_start3A_851] : memref<2x125xi32, #tpu.memory_space<vmem>> -> memref<1x125xi32, #tpu.memory_space<vmem>>
        %dma_start3A_853 = tpu.memref_squeeze %dma_start3A_852 : memref<1x125xi32, #tpu.memory_space<vmem>> -> memref<125xi32, #tpu.memory_space<vmem>>
        %dma_start3A_854 = arith.constant 0 : i32
        %dma_start3A_855 = tpu.memref_slice %arg3[%dma_start3A_849, %add3A, %add3A_834, %dma_start3A_854] : memref<2x32x80x125xi32, #tpu.memory_space<hbm>> -> memref<1x1x1x125xi32, #tpu.memory_space<hbm>>
        %dma_start3A_856 = tpu.memref_squeeze %dma_start3A_855 : memref<1x1x1x125xi32, #tpu.memory_space<hbm>> -> memref<125xi32, #tpu.memory_space<hbm>>
        %dma_start3A_857 = arith.constant 0 : i32
        %dma_start3A_858 = tpu.memref_slice %arg7[%dma_start3A_850, %dma_start3A_857] : memref<2x125xi32, #tpu.memory_space<vmem>> -> memref<1x125xi32, #tpu.memory_space<vmem>>
        %dma_start3A_859 = tpu.memref_squeeze %dma_start3A_858 : memref<1x125xi32, #tpu.memory_space<vmem>> -> memref<125xi32, #tpu.memory_space<vmem>>
        %dma_start3A_860 = arith.constant 0 : i32
        %dma_start3A_861 = tpu.memref_slice %arg3[%dma_start3A_849, %add3A, %add3A_834, %dma_start3A_860] : memref<2x32x80x125xi32, #tpu.memory_space<hbm>> -> memref<1x1x1x125xi32, #tpu.memory_space<hbm>>
        %dma_start3A_862 = tpu.memref_squeeze %dma_start3A_861 : memref<1x1x1x125xi32, #tpu.memory_space<hbm>> -> memref<125xi32, #tpu.memory_space<hbm>>
        tpu.enqueue_dma source(%dma_start3A_862 : memref<125xi32, #tpu.memory_space<hbm>>) target(%dma_start3A_859 : memref<125xi32, #tpu.memory_space<vmem>>) target_semaphore(%arg14 : memref<!tpu.dma_semaphore, #tpu.memory_space<semaphore_mem>>)
      } else {
      }
      %dma_wait3A_812 = arith.constant 0 : i32
      %dma_wait3A_813 = arith.constant 0 : i32
      %dma_wait3A_814 = tpu.memref_slice %arg8[%dma_wait3A_812, %dma_wait3A_813] : memref<2x125xi32, #tpu.memory_space<vmem>> -> memref<1x125xi32, #tpu.memory_space<vmem>>
      %dma_wait3A_815 = tpu.memref_squeeze %dma_wait3A_814 : memref<1x125xi32, #tpu.memory_space<vmem>> -> memref<125xi32, #tpu.memory_space<vmem>>
      %dma_wait3A_816 = arith.constant 0 : i32
      %dma_wait3A_817 = arith.constant 0 : i32
      %dma_wait3A_818 = tpu.memref_slice %arg2[%dma_wait3A_816, %dma_wait3A_817] : memref<10000x128xf32, #tpu.memory_space<hbm>> -> memref<10000x128xf32, #tpu.memory_space<hbm>>
      tpu.wait_indirect_dma semaphore(%arg17 : memref<!tpu.dma_semaphore, #tpu.memory_space<semaphore_mem>>) src(%dma_wait3A_818 : memref<10000x128xf32, #tpu.memory_space<hbm>>) dst(%arg10 : memref<125x128xf32, #tpu.memory_space<vmem>>)
      %dma_start3A_819 = arith.constant 1 : i32
      %dma_start3A_820 = arith.constant 0 : i32
      %dma_start3A_821 = tpu.memref_slice %arg8[%dma_start3A_819, %dma_start3A_820] : memref<2x125xi32, #tpu.memory_space<vmem>> -> memref<1x125xi32, #tpu.memory_space<vmem>>
      %dma_start3A_822 = tpu.memref_squeeze %dma_start3A_821 : memref<1x125xi32, #tpu.memory_space<vmem>> -> memref<125xi32, #tpu.memory_space<vmem>>
      %dma_start3A_823 = arith.constant 0 : i32
      %dma_start3A_824 = arith.constant 0 : i32
      %dma_start3A_825 = tpu.memref_slice %arg12[%dma_start3A_823, %dma_start3A_824] : memref<10000x128xf32, #tpu.memory_space<vmem_shared>> -> memref<10000x128xf32, #tpu.memory_space<vmem_shared>>
      tpu.enqueue_indirect_dma source(%arg10 : memref<125x128xf32, #tpu.memory_space<vmem>>) target(%dma_start3A_825 : memref<10000x128xf32, #tpu.memory_space<vmem_shared>>) offsets(%dma_start3A_822 : memref<125xi32, #tpu.memory_space<vmem>>) semaphore(%arg19 : memref<!tpu.dma_semaphore, #tpu.memory_space<semaphore_mem>>) {add = true}
      %dma_start3A_826 = arith.constant 1 : i32
      %dma_start3A_827 = arith.constant 0 : i32
      %dma_start3A_828 = tpu.memref_slice %arg8[%dma_start3A_826, %dma_start3A_827] : memref<2x125xi32, #tpu.memory_space<vmem>> -> memref<1x125xi32, #tpu.memory_space<vmem>>
      %dma_start3A_829 = tpu.memref_squeeze %dma_start3A_828 : memref<1x125xi32, #tpu.memory_space<vmem>> -> memref<125xi32, #tpu.memory_space<vmem>>
      %dma_start3A_830 = arith.constant 0 : i32
      %dma_start3A_831 = arith.constant 0 : i32
      %dma_start3A_832 = tpu.memref_slice %arg23[%dma_start3A_830, %dma_start3A_831] : memref<10000x16xf32, #tpu.memory_space<vmem_shared>> -> memref<10000x16xf32, #tpu.memory_space<vmem_shared>>
      tpu.enqueue_indirect_dma source(%arg21 : memref<125x16xf32, #tpu.memory_space<vmem>>) target(%dma_start3A_832 : memref<10000x16xf32, #tpu.memory_space<vmem_shared>>) offsets(%dma_start3A_829 : memref<125xi32, #tpu.memory_space<vmem>>) semaphore(%arg24 : memref<!tpu.dma_semaphore, #tpu.memory_space<semaphore_mem>>) {add = true}
    }
    %scan3A_407 = arith.constant 19 : i32
    %dma_wait3A_408 = arith.constant 1 : i32
    %dma_wait3A_409 = arith.constant 0 : i32
    %dma_wait3A_410 = tpu.memref_slice %arg8[%dma_wait3A_408, %dma_wait3A_409] : memref<2x125xi32, #tpu.memory_space<vmem>> -> memref<1x125xi32, #tpu.memory_space<vmem>>
    %dma_wait3A_411 = tpu.memref_squeeze %dma_wait3A_410 : memref<1x125xi32, #tpu.memory_space<vmem>> -> memref<125xi32, #tpu.memory_space<vmem>>
    %dma_wait3A_412 = arith.constant 0 : i32
    %dma_wait3A_413 = arith.constant 0 : i32
    %dma_wait3A_414 = tpu.memref_slice %arg12[%dma_wait3A_412, %dma_wait3A_413] : memref<10000x128xf32, #tpu.memory_space<vmem_shared>> -> memref<10000x128xf32, #tpu.memory_space<vmem_shared>>
    tpu.wait_indirect_dma semaphore(%arg19 : memref<!tpu.dma_semaphore, #tpu.memory_space<semaphore_mem>>) src(%arg10 : memref<125x128xf32, #tpu.memory_space<vmem>>) dst(%dma_wait3A_414 : memref<10000x128xf32, #tpu.memory_space<vmem_shared>>)
    %dma_wait3A_415 = arith.constant 1 : i32
    %dma_wait3A_416 = arith.constant 0 : i32
    %dma_wait3A_417 = tpu.memref_slice %arg8[%dma_wait3A_415, %dma_wait3A_416] : memref<2x125xi32, #tpu.memory_space<vmem>> -> memref<1x125xi32, #tpu.memory_space<vmem>>
    %dma_wait3A_418 = tpu.memref_squeeze %dma_wait3A_417 : memref<1x125xi32, #tpu.memory_space<vmem>> -> memref<125xi32, #tpu.memory_space<vmem>>
    %dma_wait3A_419 = arith.constant 0 : i32
    %dma_wait3A_420 = arith.constant 0 : i32
    %dma_wait3A_421 = tpu.memref_slice %arg23[%dma_wait3A_419, %dma_wait3A_420] : memref<10000x16xf32, #tpu.memory_space<vmem_shared>> -> memref<10000x16xf32, #tpu.memory_space<vmem_shared>>
    tpu.wait_indirect_dma semaphore(%arg24 : memref<!tpu.dma_semaphore, #tpu.memory_space<semaphore_mem>>) src(%arg21 : memref<125x16xf32, #tpu.memory_space<vmem>>) dst(%dma_wait3A_421 : memref<10000x16xf32, #tpu.memory_space<vmem_shared>>)
    %dma_wait3A_422 = arith.constant 0 : i32
    %dma_wait3A_423 = arith.constant 0 : i32
    %dma_wait3A_424 = tpu.memref_slice %arg9[%dma_wait3A_422, %dma_wait3A_423] : memref<2x125xi32, #tpu.memory_space<vmem>> -> memref<1x125xi32, #tpu.memory_space<vmem>>
    %dma_wait3A_425 = tpu.memref_squeeze %dma_wait3A_424 : memref<1x125xi32, #tpu.memory_space<vmem>> -> memref<125xi32, #tpu.memory_space<vmem>>
    %dma_wait3A_426 = arith.constant 0 : i32
    %dma_wait3A_427 = arith.constant 0 : i32
    %dma_wait3A_428 = tpu.memref_slice %arg2[%dma_wait3A_426, %dma_wait3A_427] : memref<10000x128xf32, #tpu.memory_space<hbm>> -> memref<10000x128xf32, #tpu.memory_space<hbm>>
    tpu.wait_indirect_dma semaphore(%arg18 : memref<!tpu.dma_semaphore, #tpu.memory_space<semaphore_mem>>) src(%dma_wait3A_428 : memref<10000x128xf32, #tpu.memory_space<hbm>>) dst(%arg11 : memref<125x128xf32, #tpu.memory_space<vmem>>)
    %dma_start3A_429 = arith.constant 1 : i32
    %dma_start3A_430 = arith.constant 0 : i32
    %dma_start3A_431 = tpu.memref_slice %arg9[%dma_start3A_429, %dma_start3A_430] : memref<2x125xi32, #tpu.memory_space<vmem>> -> memref<1x125xi32, #tpu.memory_space<vmem>>
    %dma_start3A_432 = tpu.memref_squeeze %dma_start3A_431 : memref<1x125xi32, #tpu.memory_space<vmem>> -> memref<125xi32, #tpu.memory_space<vmem>>
    %dma_start3A_433 = arith.constant 0 : i32
    %dma_start3A_434 = arith.constant 0 : i32
    %dma_start3A_435 = tpu.memref_slice %arg12[%dma_start3A_433, %dma_start3A_434] : memref<10000x128xf32, #tpu.memory_space<vmem_shared>> -> memref<10000x128xf32, #tpu.memory_space<vmem_shared>>
    tpu.enqueue_indirect_dma source(%arg11 : memref<125x128xf32, #tpu.memory_space<vmem>>) target(%dma_start3A_435 : memref<10000x128xf32, #tpu.memory_space<vmem_shared>>) offsets(%dma_start3A_432 : memref<125xi32, #tpu.memory_space<vmem>>) semaphore(%arg20 : memref<!tpu.dma_semaphore, #tpu.memory_space<semaphore_mem>>) {add = true}
    %dma_start3A_436 = arith.constant 1 : i32
    %dma_start3A_437 = arith.constant 0 : i32
    %dma_start3A_438 = tpu.memref_slice %arg9[%dma_start3A_436, %dma_start3A_437] : memref<2x125xi32, #tpu.memory_space<vmem>> -> memref<1x125xi32, #tpu.memory_space<vmem>>
    %dma_start3A_439 = tpu.memref_squeeze %dma_start3A_438 : memref<1x125xi32, #tpu.memory_space<vmem>> -> memref<125xi32, #tpu.memory_space<vmem>>
    %dma_start3A_440 = arith.constant 0 : i32
    %dma_start3A_441 = arith.constant 0 : i32
    %dma_start3A_442 = tpu.memref_slice %arg23[%dma_start3A_440, %dma_start3A_441] : memref<10000x16xf32, #tpu.memory_space<vmem_shared>> -> memref<10000x16xf32, #tpu.memory_space<vmem_shared>>
    tpu.enqueue_indirect_dma source(%arg21 : memref<125x16xf32, #tpu.memory_space<vmem>>) target(%dma_start3A_442 : memref<10000x16xf32, #tpu.memory_space<vmem_shared>>) offsets(%dma_start3A_439 : memref<125xi32, #tpu.memory_space<vmem>>) semaphore(%arg25 : memref<!tpu.dma_semaphore, #tpu.memory_space<semaphore_mem>>) {add = true}
    %dma_wait3A_443 = arith.constant 1 : i32
    %dma_wait3A_444 = arith.constant 0 : i32
    %dma_wait3A_445 = tpu.memref_slice %arg9[%dma_wait3A_443, %dma_wait3A_444] : memref<2x125xi32, #tpu.memory_space<vmem>> -> memref<1x125xi32, #tpu.memory_space<vmem>>
    %dma_wait3A_446 = tpu.memref_squeeze %dma_wait3A_445 : memref<1x125xi32, #tpu.memory_space<vmem>> -> memref<125xi32, #tpu.memory_space<vmem>>
    %dma_wait3A_447 = arith.constant 0 : i32
    %dma_wait3A_448 = arith.constant 0 : i32
    %dma_wait3A_449 = tpu.memref_slice %arg12[%dma_wait3A_447, %dma_wait3A_448] : memref<10000x128xf32, #tpu.memory_space<vmem_shared>> -> memref<10000x128xf32, #tpu.memory_space<vmem_shared>>
    tpu.wait_indirect_dma semaphore(%arg20 : memref<!tpu.dma_semaphore, #tpu.memory_space<semaphore_mem>>) src(%arg11 : memref<125x128xf32, #tpu.memory_space<vmem>>) dst(%dma_wait3A_449 : memref<10000x128xf32, #tpu.memory_space<vmem_shared>>)
    %dma_wait3A_450 = arith.constant 1 : i32
    %dma_wait3A_451 = arith.constant 0 : i32
    %dma_wait3A_452 = tpu.memref_slice %arg9[%dma_wait3A_450, %dma_wait3A_451] : memref<2x125xi32, #tpu.memory_space<vmem>> -> memref<1x125xi32, #tpu.memory_space<vmem>>
    %dma_wait3A_453 = tpu.memref_squeeze %dma_wait3A_452 : memref<1x125xi32, #tpu.memory_space<vmem>> -> memref<125xi32, #tpu.memory_space<vmem>>
    %dma_wait3A_454 = arith.constant 0 : i32
    %dma_wait3A_455 = arith.constant 0 : i32
    %dma_wait3A_456 = tpu.memref_slice %arg23[%dma_wait3A_454, %dma_wait3A_455] : memref<10000x16xf32, #tpu.memory_space<vmem_shared>> -> memref<10000x16xf32, #tpu.memory_space<vmem_shared>>
    tpu.wait_indirect_dma semaphore(%arg25 : memref<!tpu.dma_semaphore, #tpu.memory_space<semaphore_mem>>) src(%arg21 : memref<125x16xf32, #tpu.memory_space<vmem>>) dst(%dma_wait3A_456 : memref<10000x16xf32, #tpu.memory_space<vmem_shared>>)
    %barrier3A_457 = arith.constant 0 : index
    tpu.barrier barrier_id(%barrier3A_457)
    %mul3A_458 = arith.constant 624 : i32
    %mul3A_459 = arith.muli %arg1, %mul3A_458 : i32
    %mul3A_460 = arith.constant 624 : i32
    %mul3A_461 = arith.muli %arg1, %mul3A_460 : i32
    "tpu.region"() ({
      %run_scoped3A_471 = tpu.sem_alloc : memref<!tpu.dma_semaphore, #tpu.memory_space<semaphore_mem>>
      %dma_start3A_472 = arith.constant 0 : i32
      %dma_start3A_473 = tpu.memref_slice %arg4[%arg0, %mul3A_461, %dma_start3A_472] : memref<2x10000x128xf32, #tpu.memory_space<hbm>> -> memref<1x624x128xf32, #tpu.memory_space<hbm>>
      %dma_start3A_474 = tpu.memref_squeeze %dma_start3A_473 : memref<1x624x128xf32, #tpu.memory_space<hbm>> -> memref<624x128xf32, #tpu.memory_space<hbm>>
      %dma_start3A_475 = arith.constant 0 : i32
      %dma_start3A_476 = tpu.memref_slice %arg12[%mul3A_459, %dma_start3A_475] : memref<10000x128xf32, #tpu.memory_space<vmem_shared>> -> memref<624x128xf32, #tpu.memory_space<vmem_shared>>
      tpu.enqueue_dma source(%dma_start3A_476 : memref<624x128xf32, #tpu.memory_space<vmem_shared>>) target(%dma_start3A_474 : memref<624x128xf32, #tpu.memory_space<hbm>>) target_semaphore(%run_scoped3A_471 : memref<!tpu.dma_semaphore, #tpu.memory_space<semaphore_mem>>)
      %dma_wait3A_477 = arith.constant 0 : i32
      %dma_wait3A_478 = tpu.memref_slice %arg4[%arg0, %mul3A_461, %dma_wait3A_477] : memref<2x10000x128xf32, #tpu.memory_space<hbm>> -> memref<1x624x128xf32, #tpu.memory_space<hbm>>
      %dma_wait3A_479 = tpu.memref_squeeze %dma_wait3A_478 : memref<1x624x128xf32, #tpu.memory_space<hbm>> -> memref<624x128xf32, #tpu.memory_space<hbm>>
      %dma_wait3A_480 = arith.constant 0 : i32
      %dma_wait3A_481 = tpu.memref_slice %arg12[%mul3A_459, %dma_wait3A_480] : memref<10000x128xf32, #tpu.memory_space<vmem_shared>> -> memref<624x128xf32, #tpu.memory_space<vmem_shared>>
      tpu.wait_dma2 semaphore(%run_scoped3A_471 : memref<!tpu.dma_semaphore, #tpu.memory_space<semaphore_mem>>) src(%dma_wait3A_481 : memref<624x128xf32, #tpu.memory_space<vmem_shared>>) dst(%dma_wait3A_479 : memref<624x128xf32, #tpu.memory_space<hbm>>)
      tpu.yield
    }) : () -> ()
    %mul3A_462 = arith.constant 624 : i32
    %mul3A_463 = arith.muli %arg1, %mul3A_462 : i32
    %mul3A_464 = arith.constant 624 : i32
    %mul3A_465 = arith.muli %arg1, %mul3A_464 : i32
    "tpu.region"() ({
      %run_scoped3A_471 = tpu.sem_alloc : memref<!tpu.dma_semaphore, #tpu.memory_space<semaphore_mem>>
      %dma_start3A_472 = arith.constant 0 : i32
      %dma_start3A_473 = tpu.memref_slice %arg5[%arg0, %mul3A_465, %dma_start3A_472] : memref<2x10000x16xf32, #tpu.memory_space<hbm>> -> memref<1x624x16xf32, #tpu.memory_space<hbm>>
      %dma_start3A_474 = tpu.memref_squeeze %dma_start3A_473 : memref<1x624x16xf32, #tpu.memory_space<hbm>> -> memref<624x16xf32, #tpu.memory_space<hbm>>
      %dma_start3A_475 = arith.constant 0 : i32
      %dma_start3A_476 = tpu.memref_slice %arg23[%mul3A_463, %dma_start3A_475] : memref<10000x16xf32, #tpu.memory_space<vmem_shared>> -> memref<624x16xf32, #tpu.memory_space<vmem_shared>>
      tpu.enqueue_dma source(%dma_start3A_476 : memref<624x16xf32, #tpu.memory_space<vmem_shared>>) target(%dma_start3A_474 : memref<624x16xf32, #tpu.memory_space<hbm>>) target_semaphore(%run_scoped3A_471 : memref<!tpu.dma_semaphore, #tpu.memory_space<semaphore_mem>>)
      %dma_wait3A_477 = arith.constant 0 : i32
      %dma_wait3A_478 = tpu.memref_slice %arg5[%arg0, %mul3A_465, %dma_wait3A_477] : memref<2x10000x16xf32, #tpu.memory_space<hbm>> -> memref<1x624x16xf32, #tpu.memory_space<hbm>>
      %dma_wait3A_479 = tpu.memref_squeeze %dma_wait3A_478 : memref<1x624x16xf32, #tpu.memory_space<hbm>> -> memref<624x16xf32, #tpu.memory_space<hbm>>
      %dma_wait3A_480 = arith.constant 0 : i32
      %dma_wait3A_481 = tpu.memref_slice %arg23[%mul3A_463, %dma_wait3A_480] : memref<10000x16xf32, #tpu.memory_space<vmem_shared>> -> memref<624x16xf32, #tpu.memory_space<vmem_shared>>
      tpu.wait_dma2 semaphore(%run_scoped3A_471 : memref<!tpu.dma_semaphore, #tpu.memory_space<semaphore_mem>>) src(%dma_wait3A_481 : memref<624x16xf32, #tpu.memory_space<vmem_shared>>) dst(%dma_wait3A_479 : memref<624x16xf32, #tpu.memory_space<hbm>>)
      tpu.yield
    }) : () -> ()
    %eq3A_466 = arith.constant 15 : i32
    %eq3A_467 = arith.cmpi eq, %arg1, %eq3A_466 : i32
    %convert_element_type3A_468 = arith.extui %eq3A_467 : i1 to i32
    %cond3A_469 = arith.constant 0 : i32
    %cond3A_470 = arith.cmpi ne, %convert_element_type3A_468, %cond3A_469 : i32
    scf.if %cond3A_470 {
      "tpu.region"() ({
        %run_scoped3A_471 = tpu.sem_alloc : memref<!tpu.dma_semaphore, #tpu.memory_space<semaphore_mem>>
        %dma_start3A_472 = arith.constant 9984 : i32
        %dma_start3A_473 = arith.constant 0 : i32
        %dma_start3A_474 = tpu.memref_slice %arg4[%arg0, %dma_start3A_472, %dma_start3A_473] : memref<2x10000x128xf32, #tpu.memory_space<hbm>> -> memref<1x16x128xf32, #tpu.memory_space<hbm>>
        %dma_start3A_475 = tpu.memref_squeeze %dma_start3A_474 : memref<1x16x128xf32, #tpu.memory_space<hbm>> -> memref<16x128xf32, #tpu.memory_space<hbm>>
        %dma_start3A_476 = arith.constant 9984 : i32
        %dma_start3A_477 = arith.constant 0 : i32
        %dma_start3A_478 = tpu.memref_slice %arg12[%dma_start3A_476, %dma_start3A_477] : memref<10000x128xf32, #tpu.memory_space<vmem_shared>> -> memref<16x128xf32, #tpu.memory_space<vmem_shared>>
        tpu.enqueue_dma source(%dma_start3A_478 : memref<16x128xf32, #tpu.memory_space<vmem_shared>>) target(%dma_start3A_475 : memref<16x128xf32, #tpu.memory_space<hbm>>) target_semaphore(%run_scoped3A_471 : memref<!tpu.dma_semaphore, #tpu.memory_space<semaphore_mem>>)
        %dma_wait3A_479 = arith.constant 9984 : i32
        %dma_wait3A_480 = arith.constant 0 : i32
        %dma_wait3A_481 = tpu.memref_slice %arg4[%arg0, %dma_wait3A_479, %dma_wait3A_480] : memref<2x10000x128xf32, #tpu.memory_space<hbm>> -> memref<1x16x128xf32, #tpu.memory_space<hbm>>
        %dma_wait3A_482 = tpu.memref_squeeze %dma_wait3A_481 : memref<1x16x128xf32, #tpu.memory_space<hbm>> -> memref<16x128xf32, #tpu.memory_space<hbm>>
        %dma_wait3A_483 = arith.constant 9984 : i32
        %dma_wait3A_484 = arith.constant 0 : i32
        %dma_wait3A_485 = tpu.memref_slice %arg12[%dma_wait3A_483, %dma_wait3A_484] : memref<10000x128xf32, #tpu.memory_space<vmem_shared>> -> memref<16x128xf32, #tpu.memory_space<vmem_shared>>
        tpu.wait_dma2 semaphore(%run_scoped3A_471 : memref<!tpu.dma_semaphore, #tpu.memory_space<semaphore_mem>>) src(%dma_wait3A_485 : memref<16x128xf32, #tpu.memory_space<vmem_shared>>) dst(%dma_wait3A_482 : memref<16x128xf32, #tpu.memory_space<hbm>>)
        tpu.yield
      }) : () -> ()
      "tpu.region"() ({
        %run_scoped3A_471 = tpu.sem_alloc : memref<!tpu.dma_semaphore, #tpu.memory_space<semaphore_mem>>
        %dma_start3A_472 = arith.constant 9984 : i32
        %dma_start3A_473 = arith.constant 0 : i32
        %dma_start3A_474 = tpu.memref_slice %arg5[%arg0, %dma_start3A_472, %dma_start3A_473] : memref<2x10000x16xf32, #tpu.memory_space<hbm>> -> memref<1x16x16xf32, #tpu.memory_space<hbm>>
        %dma_start3A_475 = tpu.memref_squeeze %dma_start3A_474 : memref<1x16x16xf32, #tpu.memory_space<hbm>> -> memref<16x16xf32, #tpu.memory_space<hbm>>
        %dma_start3A_476 = arith.constant 9984 : i32
        %dma_start3A_477 = arith.constant 0 : i32
        %dma_start3A_478 = tpu.memref_slice %arg23[%dma_start3A_476, %dma_start3A_477] : memref<10000x16xf32, #tpu.memory_space<vmem_shared>> -> memref<16x16xf32, #tpu.memory_space<vmem_shared>>
        tpu.enqueue_dma source(%dma_start3A_478 : memref<16x16xf32, #tpu.memory_space<vmem_shared>>) target(%dma_start3A_475 : memref<16x16xf32, #tpu.memory_space<hbm>>) target_semaphore(%run_scoped3A_471 : memref<!tpu.dma_semaphore, #tpu.memory_space<semaphore_mem>>)
        %dma_wait3A_479 = arith.constant 9984 : i32
        %dma_wait3A_480 = arith.constant 0 : i32
        %dma_wait3A_481 = tpu.memref_slice %arg5[%arg0, %dma_wait3A_479, %dma_wait3A_480] : memref<2x10000x16xf32, #tpu.memory_space<hbm>> -> memref<1x16x16xf32, #tpu.memory_space<hbm>>
        %dma_wait3A_482 = tpu.memref_squeeze %dma_wait3A_481 : memref<1x16x16xf32, #tpu.memory_space<hbm>> -> memref<16x16xf32, #tpu.memory_space<hbm>>
        %dma_wait3A_483 = arith.constant 9984 : i32
        %dma_wait3A_484 = arith.constant 0 : i32
        %dma_wait3A_485 = tpu.memref_slice %arg23[%dma_wait3A_483, %dma_wait3A_484] : memref<10000x16xf32, #tpu.memory_space<vmem_shared>> -> memref<16x16xf32, #tpu.memory_space<vmem_shared>>
        tpu.wait_dma2 semaphore(%run_scoped3A_471 : memref<!tpu.dma_semaphore, #tpu.memory_space<semaphore_mem>>) src(%dma_wait3A_485 : memref<16x16xf32, #tpu.memory_space<vmem_shared>>) dst(%dma_wait3A_482 : memref<16x16xf32, #tpu.memory_space<hbm>>)
        tpu.yield
      }) : () -> ()
    } else {
    }
    return
  }
}

#map = affine_map<(d0, d1) -> (0, 0)>
#map1 = affine_map<(d0, d1) -> (0, 0, 0, 0)>
#map2 = affine_map<(d0, d1) -> (0, 0, 0)>
module attributes {stable_mosaic.version = 14 : i64} {
  func.func @segsum(%arg0: i32, %arg1: i32, %arg2: memref<10000x64xf32, #tpu.memory_space<hbm>>, %arg3: memref<2x32x80x125xi32, #tpu.memory_space<hbm>>, %arg4: memref<2x10000x64xf32, #tpu.memory_space<hbm>>, %arg5: memref<2x125xi32, #tpu.memory_space<vmem>>, %arg6: memref<2x125xi32, #tpu.memory_space<vmem>>, %arg7: memref<2x125xi32, #tpu.memory_space<vmem>>, %arg8: memref<2x125xi32, #tpu.memory_space<vmem>>, %arg9: memref<125x64xf32, #tpu.memory_space<vmem>>, %arg10: memref<125x64xf32, #tpu.memory_space<vmem>>, %arg11: memref<10000x64xf32, #tpu.memory_space<vmem_shared>>, %arg12: memref<!tpu.dma_semaphore, #tpu.memory_space<semaphore_mem>>, %arg13: memref<!tpu.dma_semaphore, #tpu.memory_space<semaphore_mem>>, %arg14: memref<!tpu.dma_semaphore, #tpu.memory_space<semaphore_mem>>, %arg15: memref<!tpu.dma_semaphore, #tpu.memory_space<semaphore_mem>>, %arg16: memref<!tpu.dma_semaphore, #tpu.memory_space<semaphore_mem>>, %arg17: memref<!tpu.dma_semaphore, #tpu.memory_space<semaphore_mem>>, %arg18: memref<!tpu.dma_semaphore, #tpu.memory_space<semaphore_mem>>, %arg19: memref<!tpu.dma_semaphore, #tpu.memory_space<semaphore_mem>>) attributes {dimension_semantics = [#tpu.dimension_semantics<core_parallel>, #tpu.dimension_semantics<subcore_parallel>], iteration_bounds = array<i64: 2, 16>, scalar_prefetch = 0 : i64, scratch_operands = 15 : i64, tpu.core_type = #tpu.core_type<sc_vector_subcore>, window_params = [{transform_indices = #map}, {transform_indices = #map1}, {transform_indices = #map2}]} {
    %mul3A = arith.constant 2 : i32
    %mul3A_0 = arith.muli %arg1, %mul3A : i32
    %add3A = arith.addi %mul3A_0, %arg0 : i32
    %scan3A = arith.constant 0 : i32
    %scan3A_1 = arith.constant 0 : i32
    %scan3A_2 = arith.constant 125 : i32
    %scan3A_3 = arith.addi %scan3A_1, %scan3A_2 : i32
    %scan3A_4 = arith.constant 1 : i32
    scf.for %scan3A_393 = %scan3A_1 to %scan3A_3 step %scan3A_4  : i32 {
      %broadcast_in_dim3A = arith.constant 0.000000e+00 : f32
      %broadcast_in_dim3A_394 = vector.broadcast %broadcast_in_dim3A : f32 to vector<16xf32>
      %swap3A = arith.index_cast %scan3A_393 : i32 to index
      %swap3A_395 = arith.constant 0 : index
      %swap3A_396 = tpu.vector_load %arg9[%swap3A, %swap3A_395] {strides = array<i32>} : memref<125x64xf32, #tpu.memory_space<vmem>>, vector<1x16xf32>,
      %swap3A_397 = vector.shape_cast %swap3A_396 : vector<1x16xf32> to vector<16xf32>
      %swap3A_398 = vector.shape_cast %broadcast_in_dim3A_394 : vector<16xf32> to vector<1x16xf32>
      tpu.vector_store %arg9[%swap3A, %swap3A_395], %swap3A_398 {strides = array<i32>} : memref<125x64xf32, #tpu.memory_space<vmem>>, vector<1x16xf32>,
      %broadcast_in_dim3A_399 = arith.constant 0.000000e+00 : f32
      %broadcast_in_dim3A_400 = vector.broadcast %broadcast_in_dim3A_399 : f32 to vector<16xf32>
      %swap3A_401 = arith.index_cast %scan3A_393 : i32 to index
      %swap3A_402 = arith.constant 16 : index
      %swap3A_403 = tpu.vector_load %arg9[%swap3A_401, %swap3A_402] {strides = array<i32>} : memref<125x64xf32, #tpu.memory_space<vmem>>, vector<1x16xf32>,
      %swap3A_404 = vector.shape_cast %swap3A_403 : vector<1x16xf32> to vector<16xf32>
      %swap3A_405 = vector.shape_cast %broadcast_in_dim3A_400 : vector<16xf32> to vector<1x16xf32>
      tpu.vector_store %arg9[%swap3A_401, %swap3A_402], %swap3A_405 {strides = array<i32>} : memref<125x64xf32, #tpu.memory_space<vmem>>, vector<1x16xf32>,
      %broadcast_in_dim3A_406 = arith.constant 0.000000e+00 : f32
      %broadcast_in_dim3A_407 = vector.broadcast %broadcast_in_dim3A_406 : f32 to vector<16xf32>
      %swap3A_408 = arith.index_cast %scan3A_393 : i32 to index
      %swap3A_409 = arith.constant 32 : index
      %swap3A_410 = tpu.vector_load %arg9[%swap3A_408, %swap3A_409] {strides = array<i32>} : memref<125x64xf32, #tpu.memory_space<vmem>>, vector<1x16xf32>,
      %swap3A_411 = vector.shape_cast %swap3A_410 : vector<1x16xf32> to vector<16xf32>
      %swap3A_412 = vector.shape_cast %broadcast_in_dim3A_407 : vector<16xf32> to vector<1x16xf32>
      tpu.vector_store %arg9[%swap3A_408, %swap3A_409], %swap3A_412 {strides = array<i32>} : memref<125x64xf32, #tpu.memory_space<vmem>>, vector<1x16xf32>,
      %broadcast_in_dim3A_413 = arith.constant 0.000000e+00 : f32
      %broadcast_in_dim3A_414 = vector.broadcast %broadcast_in_dim3A_413 : f32 to vector<16xf32>
      %swap3A_415 = arith.index_cast %scan3A_393 : i32 to index
      %swap3A_416 = arith.constant 48 : index
      %swap3A_417 = tpu.vector_load %arg9[%swap3A_415, %swap3A_416] {strides = array<i32>} : memref<125x64xf32, #tpu.memory_space<vmem>>, vector<1x16xf32>,
      %swap3A_418 = vector.shape_cast %swap3A_417 : vector<1x16xf32> to vector<16xf32>
      %swap3A_419 = vector.shape_cast %broadcast_in_dim3A_414 : vector<16xf32> to vector<1x16xf32>
      tpu.vector_store %arg9[%swap3A_415, %swap3A_416], %swap3A_419 {strides = array<i32>} : memref<125x64xf32, #tpu.memory_space<vmem>>, vector<1x16xf32>,
    }
    %scan3A_5 = arith.constant 125 : i32
    %mul3A_6 = arith.constant 624 : i32
    %mul3A_7 = arith.muli %arg1, %mul3A_6 : i32
    %add3A_8 = arith.constant 0 : i32
    %add3A_9 = arith.addi %mul3A_7, %add3A_8 : i32
    "tpu.region"() ({
      %run_scoped3A_393 = tpu.sem_alloc : memref<!tpu.dma_semaphore, #tpu.memory_space<semaphore_mem>>
      %dma_start3A_394 = arith.constant 0 : i32
      %dma_start3A_395 = arith.constant 0 : i32
      %dma_start3A_396 = tpu.memref_slice %arg9[%dma_start3A_394, %dma_start3A_395] : memref<125x64xf32, #tpu.memory_space<vmem>> -> memref<120x64xf32, #tpu.memory_space<vmem>>
      %dma_start3A_397 = arith.constant 0 : i32
      %dma_start3A_398 = tpu.memref_slice %arg11[%add3A_9, %dma_start3A_397] : memref<10000x64xf32, #tpu.memory_space<vmem_shared>> -> memref<120x64xf32, #tpu.memory_space<vmem_shared>>
      %dma_start3A_399 = arith.constant 0 : i32
      %dma_start3A_400 = tpu.memref_slice %arg11[%add3A_9, %dma_start3A_399] : memref<10000x64xf32, #tpu.memory_space<vmem_shared>> -> memref<120x64xf32, #tpu.memory_space<vmem_shared>>
      %dma_start3A_401 = arith.constant 0 : i32
      %dma_start3A_402 = arith.constant 0 : i32
      %dma_start3A_403 = tpu.memref_slice %arg9[%dma_start3A_401, %dma_start3A_402] : memref<125x64xf32, #tpu.memory_space<vmem>> -> memref<120x64xf32, #tpu.memory_space<vmem>>
      tpu.enqueue_dma source(%dma_start3A_403 : memref<120x64xf32, #tpu.memory_space<vmem>>) target(%dma_start3A_400 : memref<120x64xf32, #tpu.memory_space<vmem_shared>>) target_semaphore(%run_scoped3A_393 : memref<!tpu.dma_semaphore, #tpu.memory_space<semaphore_mem>>)
      %dma_wait3A_404 = arith.constant 0 : i32
      %dma_wait3A_405 = arith.constant 0 : i32
      %dma_wait3A_406 = tpu.memref_slice %arg9[%dma_wait3A_404, %dma_wait3A_405] : memref<125x64xf32, #tpu.memory_space<vmem>> -> memref<120x64xf32, #tpu.memory_space<vmem>>
      %dma_wait3A_407 = arith.constant 0 : i32
      %dma_wait3A_408 = tpu.memref_slice %arg11[%add3A_9, %dma_wait3A_407] : memref<10000x64xf32, #tpu.memory_space<vmem_shared>> -> memref<120x64xf32, #tpu.memory_space<vmem_shared>>
      %dma_wait3A_409 = arith.constant 0 : i32
      %dma_wait3A_410 = tpu.memref_slice %arg11[%add3A_9, %dma_wait3A_409] : memref<10000x64xf32, #tpu.memory_space<vmem_shared>> -> memref<120x64xf32, #tpu.memory_space<vmem_shared>>
      %dma_wait3A_411 = arith.constant 0 : i32
      %dma_wait3A_412 = arith.constant 0 : i32
      %dma_wait3A_413 = tpu.memref_slice %arg9[%dma_wait3A_411, %dma_wait3A_412] : memref<125x64xf32, #tpu.memory_space<vmem>> -> memref<120x64xf32, #tpu.memory_space<vmem>>
      tpu.wait_dma2 semaphore(%run_scoped3A_393 : memref<!tpu.dma_semaphore, #tpu.memory_space<semaphore_mem>>) src(%dma_wait3A_413 : memref<120x64xf32, #tpu.memory_space<vmem>>) dst(%dma_wait3A_410 : memref<120x64xf32, #tpu.memory_space<vmem_shared>>)
      tpu.yield
    }) : () -> ()
    %add3A_10 = arith.constant 120 : i32
    %add3A_11 = arith.addi %mul3A_7, %add3A_10 : i32
    "tpu.region"() ({
      %run_scoped3A_393 = tpu.sem_alloc : memref<!tpu.dma_semaphore, #tpu.memory_space<semaphore_mem>>
      %dma_start3A_394 = arith.constant 0 : i32
      %dma_start3A_395 = arith.constant 0 : i32
      %dma_start3A_396 = tpu.memref_slice %arg9[%dma_start3A_394, %dma_start3A_395] : memref<125x64xf32, #tpu.memory_space<vmem>> -> memref<120x64xf32, #tpu.memory_space<vmem>>
      %dma_start3A_397 = arith.constant 0 : i32
      %dma_start3A_398 = tpu.memref_slice %arg11[%add3A_11, %dma_start3A_397] : memref<10000x64xf32, #tpu.memory_space<vmem_shared>> -> memref<120x64xf32, #tpu.memory_space<vmem_shared>>
      %dma_start3A_399 = arith.constant 0 : i32
      %dma_start3A_400 = tpu.memref_slice %arg11[%add3A_11, %dma_start3A_399] : memref<10000x64xf32, #tpu.memory_space<vmem_shared>> -> memref<120x64xf32, #tpu.memory_space<vmem_shared>>
      %dma_start3A_401 = arith.constant 0 : i32
      %dma_start3A_402 = arith.constant 0 : i32
      %dma_start3A_403 = tpu.memref_slice %arg9[%dma_start3A_401, %dma_start3A_402] : memref<125x64xf32, #tpu.memory_space<vmem>> -> memref<120x64xf32, #tpu.memory_space<vmem>>
      tpu.enqueue_dma source(%dma_start3A_403 : memref<120x64xf32, #tpu.memory_space<vmem>>) target(%dma_start3A_400 : memref<120x64xf32, #tpu.memory_space<vmem_shared>>) target_semaphore(%run_scoped3A_393 : memref<!tpu.dma_semaphore, #tpu.memory_space<semaphore_mem>>)
      %dma_wait3A_404 = arith.constant 0 : i32
      %dma_wait3A_405 = arith.constant 0 : i32
      %dma_wait3A_406 = tpu.memref_slice %arg9[%dma_wait3A_404, %dma_wait3A_405] : memref<125x64xf32, #tpu.memory_space<vmem>> -> memref<120x64xf32, #tpu.memory_space<vmem>>
      %dma_wait3A_407 = arith.constant 0 : i32
      %dma_wait3A_408 = tpu.memref_slice %arg11[%add3A_11, %dma_wait3A_407] : memref<10000x64xf32, #tpu.memory_space<vmem_shared>> -> memref<120x64xf32, #tpu.memory_space<vmem_shared>>
      %dma_wait3A_409 = arith.constant 0 : i32
      %dma_wait3A_410 = tpu.memref_slice %arg11[%add3A_11, %dma_wait3A_409] : memref<10000x64xf32, #tpu.memory_space<vmem_shared>> -> memref<120x64xf32, #tpu.memory_space<vmem_shared>>
      %dma_wait3A_411 = arith.constant 0 : i32
      %dma_wait3A_412 = arith.constant 0 : i32
      %dma_wait3A_413 = tpu.memref_slice %arg9[%dma_wait3A_411, %dma_wait3A_412] : memref<125x64xf32, #tpu.memory_space<vmem>> -> memref<120x64xf32, #tpu.memory_space<vmem>>
      tpu.wait_dma2 semaphore(%run_scoped3A_393 : memref<!tpu.dma_semaphore, #tpu.memory_space<semaphore_mem>>) src(%dma_wait3A_413 : memref<120x64xf32, #tpu.memory_space<vmem>>) dst(%dma_wait3A_410 : memref<120x64xf32, #tpu.memory_space<vmem_shared>>)
      tpu.yield
    }) : () -> ()
    %add3A_12 = arith.constant 240 : i32
    %add3A_13 = arith.addi %mul3A_7, %add3A_12 : i32
    "tpu.region"() ({
      %run_scoped3A_393 = tpu.sem_alloc : memref<!tpu.dma_semaphore, #tpu.memory_space<semaphore_mem>>
      %dma_start3A_394 = arith.constant 0 : i32
      %dma_start3A_395 = arith.constant 0 : i32
      %dma_start3A_396 = tpu.memref_slice %arg9[%dma_start3A_394, %dma_start3A_395] : memref<125x64xf32, #tpu.memory_space<vmem>> -> memref<120x64xf32, #tpu.memory_space<vmem>>
      %dma_start3A_397 = arith.constant 0 : i32
      %dma_start3A_398 = tpu.memref_slice %arg11[%add3A_13, %dma_start3A_397] : memref<10000x64xf32, #tpu.memory_space<vmem_shared>> -> memref<120x64xf32, #tpu.memory_space<vmem_shared>>
      %dma_start3A_399 = arith.constant 0 : i32
      %dma_start3A_400 = tpu.memref_slice %arg11[%add3A_13, %dma_start3A_399] : memref<10000x64xf32, #tpu.memory_space<vmem_shared>> -> memref<120x64xf32, #tpu.memory_space<vmem_shared>>
      %dma_start3A_401 = arith.constant 0 : i32
      %dma_start3A_402 = arith.constant 0 : i32
      %dma_start3A_403 = tpu.memref_slice %arg9[%dma_start3A_401, %dma_start3A_402] : memref<125x64xf32, #tpu.memory_space<vmem>> -> memref<120x64xf32, #tpu.memory_space<vmem>>
      tpu.enqueue_dma source(%dma_start3A_403 : memref<120x64xf32, #tpu.memory_space<vmem>>) target(%dma_start3A_400 : memref<120x64xf32, #tpu.memory_space<vmem_shared>>) target_semaphore(%run_scoped3A_393 : memref<!tpu.dma_semaphore, #tpu.memory_space<semaphore_mem>>)
      %dma_wait3A_404 = arith.constant 0 : i32
      %dma_wait3A_405 = arith.constant 0 : i32
      %dma_wait3A_406 = tpu.memref_slice %arg9[%dma_wait3A_404, %dma_wait3A_405] : memref<125x64xf32, #tpu.memory_space<vmem>> -> memref<120x64xf32, #tpu.memory_space<vmem>>
      %dma_wait3A_407 = arith.constant 0 : i32
      %dma_wait3A_408 = tpu.memref_slice %arg11[%add3A_13, %dma_wait3A_407] : memref<10000x64xf32, #tpu.memory_space<vmem_shared>> -> memref<120x64xf32, #tpu.memory_space<vmem_shared>>
      %dma_wait3A_409 = arith.constant 0 : i32
      %dma_wait3A_410 = tpu.memref_slice %arg11[%add3A_13, %dma_wait3A_409] : memref<10000x64xf32, #tpu.memory_space<vmem_shared>> -> memref<120x64xf32, #tpu.memory_space<vmem_shared>>
      %dma_wait3A_411 = arith.constant 0 : i32
      %dma_wait3A_412 = arith.constant 0 : i32
      %dma_wait3A_413 = tpu.memref_slice %arg9[%dma_wait3A_411, %dma_wait3A_412] : memref<125x64xf32, #tpu.memory_space<vmem>> -> memref<120x64xf32, #tpu.memory_space<vmem>>
      tpu.wait_dma2 semaphore(%run_scoped3A_393 : memref<!tpu.dma_semaphore, #tpu.memory_space<semaphore_mem>>) src(%dma_wait3A_413 : memref<120x64xf32, #tpu.memory_space<vmem>>) dst(%dma_wait3A_410 : memref<120x64xf32, #tpu.memory_space<vmem_shared>>)
      tpu.yield
    }) : () -> ()
    %add3A_14 = arith.constant 360 : i32
    %add3A_15 = arith.addi %mul3A_7, %add3A_14 : i32
    "tpu.region"() ({
      %run_scoped3A_393 = tpu.sem_alloc : memref<!tpu.dma_semaphore, #tpu.memory_space<semaphore_mem>>
      %dma_start3A_394 = arith.constant 0 : i32
      %dma_start3A_395 = arith.constant 0 : i32
      %dma_start3A_396 = tpu.memref_slice %arg9[%dma_start3A_394, %dma_start3A_395] : memref<125x64xf32, #tpu.memory_space<vmem>> -> memref<120x64xf32, #tpu.memory_space<vmem>>
      %dma_start3A_397 = arith.constant 0 : i32
      %dma_start3A_398 = tpu.memref_slice %arg11[%add3A_15, %dma_start3A_397] : memref<10000x64xf32, #tpu.memory_space<vmem_shared>> -> memref<120x64xf32, #tpu.memory_space<vmem_shared>>
      %dma_start3A_399 = arith.constant 0 : i32
      %dma_start3A_400 = tpu.memref_slice %arg11[%add3A_15, %dma_start3A_399] : memref<10000x64xf32, #tpu.memory_space<vmem_shared>> -> memref<120x64xf32, #tpu.memory_space<vmem_shared>>
      %dma_start3A_401 = arith.constant 0 : i32
      %dma_start3A_402 = arith.constant 0 : i32
      %dma_start3A_403 = tpu.memref_slice %arg9[%dma_start3A_401, %dma_start3A_402] : memref<125x64xf32, #tpu.memory_space<vmem>> -> memref<120x64xf32, #tpu.memory_space<vmem>>
      tpu.enqueue_dma source(%dma_start3A_403 : memref<120x64xf32, #tpu.memory_space<vmem>>) target(%dma_start3A_400 : memref<120x64xf32, #tpu.memory_space<vmem_shared>>) target_semaphore(%run_scoped3A_393 : memref<!tpu.dma_semaphore, #tpu.memory_space<semaphore_mem>>)
      %dma_wait3A_404 = arith.constant 0 : i32
      %dma_wait3A_405 = arith.constant 0 : i32
      %dma_wait3A_406 = tpu.memref_slice %arg9[%dma_wait3A_404, %dma_wait3A_405] : memref<125x64xf32, #tpu.memory_space<vmem>> -> memref<120x64xf32, #tpu.memory_space<vmem>>
      %dma_wait3A_407 = arith.constant 0 : i32
      %dma_wait3A_408 = tpu.memref_slice %arg11[%add3A_15, %dma_wait3A_407] : memref<10000x64xf32, #tpu.memory_space<vmem_shared>> -> memref<120x64xf32, #tpu.memory_space<vmem_shared>>
      %dma_wait3A_409 = arith.constant 0 : i32
      %dma_wait3A_410 = tpu.memref_slice %arg11[%add3A_15, %dma_wait3A_409] : memref<10000x64xf32, #tpu.memory_space<vmem_shared>> -> memref<120x64xf32, #tpu.memory_space<vmem_shared>>
      %dma_wait3A_411 = arith.constant 0 : i32
      %dma_wait3A_412 = arith.constant 0 : i32
      %dma_wait3A_413 = tpu.memref_slice %arg9[%dma_wait3A_411, %dma_wait3A_412] : memref<125x64xf32, #tpu.memory_space<vmem>> -> memref<120x64xf32, #tpu.memory_space<vmem>>
      tpu.wait_dma2 semaphore(%run_scoped3A_393 : memref<!tpu.dma_semaphore, #tpu.memory_space<semaphore_mem>>) src(%dma_wait3A_413 : memref<120x64xf32, #tpu.memory_space<vmem>>) dst(%dma_wait3A_410 : memref<120x64xf32, #tpu.memory_space<vmem_shared>>)
      tpu.yield
    }) : () -> ()
    %add3A_16 = arith.constant 480 : i32
    %add3A_17 = arith.addi %mul3A_7, %add3A_16 : i32
    "tpu.region"() ({
      %run_scoped3A_393 = tpu.sem_alloc : memref<!tpu.dma_semaphore, #tpu.memory_space<semaphore_mem>>
      %dma_start3A_394 = arith.constant 0 : i32
      %dma_start3A_395 = arith.constant 0 : i32
      %dma_start3A_396 = tpu.memref_slice %arg9[%dma_start3A_394, %dma_start3A_395] : memref<125x64xf32, #tpu.memory_space<vmem>> -> memref<120x64xf32, #tpu.memory_space<vmem>>
      %dma_start3A_397 = arith.constant 0 : i32
      %dma_start3A_398 = tpu.memref_slice %arg11[%add3A_17, %dma_start3A_397] : memref<10000x64xf32, #tpu.memory_space<vmem_shared>> -> memref<120x64xf32, #tpu.memory_space<vmem_shared>>
      %dma_start3A_399 = arith.constant 0 : i32
      %dma_start3A_400 = tpu.memref_slice %arg11[%add3A_17, %dma_start3A_399] : memref<10000x64xf32, #tpu.memory_space<vmem_shared>> -> memref<120x64xf32, #tpu.memory_space<vmem_shared>>
      %dma_start3A_401 = arith.constant 0 : i32
      %dma_start3A_402 = arith.constant 0 : i32
      %dma_start3A_403 = tpu.memref_slice %arg9[%dma_start3A_401, %dma_start3A_402] : memref<125x64xf32, #tpu.memory_space<vmem>> -> memref<120x64xf32, #tpu.memory_space<vmem>>
      tpu.enqueue_dma source(%dma_start3A_403 : memref<120x64xf32, #tpu.memory_space<vmem>>) target(%dma_start3A_400 : memref<120x64xf32, #tpu.memory_space<vmem_shared>>) target_semaphore(%run_scoped3A_393 : memref<!tpu.dma_semaphore, #tpu.memory_space<semaphore_mem>>)
      %dma_wait3A_404 = arith.constant 0 : i32
      %dma_wait3A_405 = arith.constant 0 : i32
      %dma_wait3A_406 = tpu.memref_slice %arg9[%dma_wait3A_404, %dma_wait3A_405] : memref<125x64xf32, #tpu.memory_space<vmem>> -> memref<120x64xf32, #tpu.memory_space<vmem>>
      %dma_wait3A_407 = arith.constant 0 : i32
      %dma_wait3A_408 = tpu.memref_slice %arg11[%add3A_17, %dma_wait3A_407] : memref<10000x64xf32, #tpu.memory_space<vmem_shared>> -> memref<120x64xf32, #tpu.memory_space<vmem_shared>>
      %dma_wait3A_409 = arith.constant 0 : i32
      %dma_wait3A_410 = tpu.memref_slice %arg11[%add3A_17, %dma_wait3A_409] : memref<10000x64xf32, #tpu.memory_space<vmem_shared>> -> memref<120x64xf32, #tpu.memory_space<vmem_shared>>
      %dma_wait3A_411 = arith.constant 0 : i32
      %dma_wait3A_412 = arith.constant 0 : i32
      %dma_wait3A_413 = tpu.memref_slice %arg9[%dma_wait3A_411, %dma_wait3A_412] : memref<125x64xf32, #tpu.memory_space<vmem>> -> memref<120x64xf32, #tpu.memory_space<vmem>>
      tpu.wait_dma2 semaphore(%run_scoped3A_393 : memref<!tpu.dma_semaphore, #tpu.memory_space<semaphore_mem>>) src(%dma_wait3A_413 : memref<120x64xf32, #tpu.memory_space<vmem>>) dst(%dma_wait3A_410 : memref<120x64xf32, #tpu.memory_space<vmem_shared>>)
      tpu.yield
    }) : () -> ()
    %add3A_18 = arith.constant 600 : i32
    %add3A_19 = arith.addi %mul3A_7, %add3A_18 : i32
    "tpu.region"() ({
      %run_scoped3A_393 = tpu.sem_alloc : memref<!tpu.dma_semaphore, #tpu.memory_space<semaphore_mem>>
      %dma_start3A_394 = arith.constant 0 : i32
      %dma_start3A_395 = arith.constant 0 : i32
      %dma_start3A_396 = tpu.memref_slice %arg9[%dma_start3A_394, %dma_start3A_395] : memref<125x64xf32, #tpu.memory_space<vmem>> -> memref<24x64xf32, #tpu.memory_space<vmem>>
      %dma_start3A_397 = arith.constant 0 : i32
      %dma_start3A_398 = tpu.memref_slice %arg11[%add3A_19, %dma_start3A_397] : memref<10000x64xf32, #tpu.memory_space<vmem_shared>> -> memref<24x64xf32, #tpu.memory_space<vmem_shared>>
      %dma_start3A_399 = arith.constant 0 : i32
      %dma_start3A_400 = tpu.memref_slice %arg11[%add3A_19, %dma_start3A_399] : memref<10000x64xf32, #tpu.memory_space<vmem_shared>> -> memref<24x64xf32, #tpu.memory_space<vmem_shared>>
      %dma_start3A_401 = arith.constant 0 : i32
      %dma_start3A_402 = arith.constant 0 : i32
      %dma_start3A_403 = tpu.memref_slice %arg9[%dma_start3A_401, %dma_start3A_402] : memref<125x64xf32, #tpu.memory_space<vmem>> -> memref<24x64xf32, #tpu.memory_space<vmem>>
      tpu.enqueue_dma source(%dma_start3A_403 : memref<24x64xf32, #tpu.memory_space<vmem>>) target(%dma_start3A_400 : memref<24x64xf32, #tpu.memory_space<vmem_shared>>) target_semaphore(%run_scoped3A_393 : memref<!tpu.dma_semaphore, #tpu.memory_space<semaphore_mem>>)
      %dma_wait3A_404 = arith.constant 0 : i32
      %dma_wait3A_405 = arith.constant 0 : i32
      %dma_wait3A_406 = tpu.memref_slice %arg9[%dma_wait3A_404, %dma_wait3A_405] : memref<125x64xf32, #tpu.memory_space<vmem>> -> memref<24x64xf32, #tpu.memory_space<vmem>>
      %dma_wait3A_407 = arith.constant 0 : i32
      %dma_wait3A_408 = tpu.memref_slice %arg11[%add3A_19, %dma_wait3A_407] : memref<10000x64xf32, #tpu.memory_space<vmem_shared>> -> memref<24x64xf32, #tpu.memory_space<vmem_shared>>
      %dma_wait3A_409 = arith.constant 0 : i32
      %dma_wait3A_410 = tpu.memref_slice %arg11[%add3A_19, %dma_wait3A_409] : memref<10000x64xf32, #tpu.memory_space<vmem_shared>> -> memref<24x64xf32, #tpu.memory_space<vmem_shared>>
      %dma_wait3A_411 = arith.constant 0 : i32
      %dma_wait3A_412 = arith.constant 0 : i32
      %dma_wait3A_413 = tpu.memref_slice %arg9[%dma_wait3A_411, %dma_wait3A_412] : memref<125x64xf32, #tpu.memory_space<vmem>> -> memref<24x64xf32, #tpu.memory_space<vmem>>
      tpu.wait_dma2 semaphore(%run_scoped3A_393 : memref<!tpu.dma_semaphore, #tpu.memory_space<semaphore_mem>>) src(%dma_wait3A_413 : memref<24x64xf32, #tpu.memory_space<vmem>>) dst(%dma_wait3A_410 : memref<24x64xf32, #tpu.memory_space<vmem_shared>>)
      tpu.yield
    }) : () -> ()
    %eq3A = arith.constant 15 : i32
    %eq3A_20 = arith.cmpi eq, %arg1, %eq3A : i32
    %convert_element_type3A = arith.extui %eq3A_20 : i1 to i32
    %cond3A = arith.constant 0 : i32
    %cond3A_21 = arith.cmpi ne, %convert_element_type3A, %cond3A : i32
    scf.if %cond3A_21 {
      "tpu.region"() ({
        %run_scoped3A_393 = tpu.sem_alloc : memref<!tpu.dma_semaphore, #tpu.memory_space<semaphore_mem>>
        %dma_start3A_394 = arith.constant 0 : i32
        %dma_start3A_395 = arith.constant 0 : i32
        %dma_start3A_396 = tpu.memref_slice %arg9[%dma_start3A_394, %dma_start3A_395] : memref<125x64xf32, #tpu.memory_space<vmem>> -> memref<16x64xf32, #tpu.memory_space<vmem>>
        %dma_start3A_397 = arith.constant 9984 : i32
        %dma_start3A_398 = arith.constant 0 : i32
        %dma_start3A_399 = tpu.memref_slice %arg11[%dma_start3A_397, %dma_start3A_398] : memref<10000x64xf32, #tpu.memory_space<vmem_shared>> -> memref<16x64xf32, #tpu.memory_space<vmem_shared>>
        %dma_start3A_400 = arith.constant 9984 : i32
        %dma_start3A_401 = arith.constant 0 : i32
        %dma_start3A_402 = tpu.memref_slice %arg11[%dma_start3A_400, %dma_start3A_401] : memref<10000x64xf32, #tpu.memory_space<vmem_shared>> -> memref<16x64xf32, #tpu.memory_space<vmem_shared>>
        %dma_start3A_403 = arith.constant 0 : i32
        %dma_start3A_404 = arith.constant 0 : i32
        %dma_start3A_405 = tpu.memref_slice %arg9[%dma_start3A_403, %dma_start3A_404] : memref<125x64xf32, #tpu.memory_space<vmem>> -> memref<16x64xf32, #tpu.memory_space<vmem>>
        tpu.enqueue_dma source(%dma_start3A_405 : memref<16x64xf32, #tpu.memory_space<vmem>>) target(%dma_start3A_402 : memref<16x64xf32, #tpu.memory_space<vmem_shared>>) target_semaphore(%run_scoped3A_393 : memref<!tpu.dma_semaphore, #tpu.memory_space<semaphore_mem>>)
        %dma_wait3A_406 = arith.constant 0 : i32
        %dma_wait3A_407 = arith.constant 0 : i32
        %dma_wait3A_408 = tpu.memref_slice %arg9[%dma_wait3A_406, %dma_wait3A_407] : memref<125x64xf32, #tpu.memory_space<vmem>> -> memref<16x64xf32, #tpu.memory_space<vmem>>
        %dma_wait3A_409 = arith.constant 9984 : i32
        %dma_wait3A_410 = arith.constant 0 : i32
        %dma_wait3A_411 = tpu.memref_slice %arg11[%dma_wait3A_409, %dma_wait3A_410] : memref<10000x64xf32, #tpu.memory_space<vmem_shared>> -> memref<16x64xf32, #tpu.memory_space<vmem_shared>>
        %dma_wait3A_412 = arith.constant 9984 : i32
        %dma_wait3A_413 = arith.constant 0 : i32
        %dma_wait3A_414 = tpu.memref_slice %arg11[%dma_wait3A_412, %dma_wait3A_413] : memref<10000x64xf32, #tpu.memory_space<vmem_shared>> -> memref<16x64xf32, #tpu.memory_space<vmem_shared>>
        %dma_wait3A_415 = arith.constant 0 : i32
        %dma_wait3A_416 = arith.constant 0 : i32
        %dma_wait3A_417 = tpu.memref_slice %arg9[%dma_wait3A_415, %dma_wait3A_416] : memref<125x64xf32, #tpu.memory_space<vmem>> -> memref<16x64xf32, #tpu.memory_space<vmem>>
        tpu.wait_dma2 semaphore(%run_scoped3A_393 : memref<!tpu.dma_semaphore, #tpu.memory_space<semaphore_mem>>) src(%dma_wait3A_417 : memref<16x64xf32, #tpu.memory_space<vmem>>) dst(%dma_wait3A_414 : memref<16x64xf32, #tpu.memory_space<vmem_shared>>)
        tpu.yield
      }) : () -> ()
    } else {
    }
    %barrier3A = arith.constant 0 : index
    tpu.barrier barrier_id(%barrier3A)
    %run_scoped3A = arith.constant 0 : i32
    %run_scoped3A_22 = arith.constant 0 : i32
    %run_scoped3A_23 = arith.constant 0 : i32
    "tpu.region"() ({
      %run_scoped3A_393 = tpu.sem_alloc : memref<!tpu.dma_semaphore, #tpu.memory_space<semaphore_mem>>
      %dma_start3A_394 = arith.constant 0 : i32
      %dma_start3A_395 = tpu.memref_slice %arg5[%run_scoped3A_23, %dma_start3A_394] : memref<2x125xi32, #tpu.memory_space<vmem>> -> memref<1x125xi32, #tpu.memory_space<vmem>>
      %dma_start3A_396 = tpu.memref_squeeze %dma_start3A_395 : memref<1x125xi32, #tpu.memory_space<vmem>> -> memref<125xi32, #tpu.memory_space<vmem>>
      %dma_start3A_397 = arith.constant 0 : i32
      %dma_start3A_398 = tpu.memref_slice %arg3[%run_scoped3A, %add3A, %run_scoped3A_22, %dma_start3A_397] : memref<2x32x80x125xi32, #tpu.memory_space<hbm>> -> memref<1x1x1x125xi32, #tpu.memory_space<hbm>>
      %dma_start3A_399 = tpu.memref_squeeze %dma_start3A_398 : memref<1x1x1x125xi32, #tpu.memory_space<hbm>> -> memref<125xi32, #tpu.memory_space<hbm>>
      %dma_start3A_400 = arith.constant 0 : i32
      %dma_start3A_401 = tpu.memref_slice %arg5[%run_scoped3A_23, %dma_start3A_400] : memref<2x125xi32, #tpu.memory_space<vmem>> -> memref<1x125xi32, #tpu.memory_space<vmem>>
      %dma_start3A_402 = tpu.memref_squeeze %dma_start3A_401 : memref<1x125xi32, #tpu.memory_space<vmem>> -> memref<125xi32, #tpu.memory_space<vmem>>
      %dma_start3A_403 = arith.constant 0 : i32
      %dma_start3A_404 = tpu.memref_slice %arg3[%run_scoped3A, %add3A, %run_scoped3A_22, %dma_start3A_403] : memref<2x32x80x125xi32, #tpu.memory_space<hbm>> -> memref<1x1x1x125xi32, #tpu.memory_space<hbm>>
      %dma_start3A_405 = tpu.memref_squeeze %dma_start3A_404 : memref<1x1x1x125xi32, #tpu.memory_space<hbm>> -> memref<125xi32, #tpu.memory_space<hbm>>
      tpu.enqueue_dma source(%dma_start3A_405 : memref<125xi32, #tpu.memory_space<hbm>>) target(%dma_start3A_402 : memref<125xi32, #tpu.memory_space<vmem>>) target_semaphore(%run_scoped3A_393 : memref<!tpu.dma_semaphore, #tpu.memory_space<semaphore_mem>>)
      %dma_wait3A_406 = arith.constant 0 : i32
      %dma_wait3A_407 = tpu.memref_slice %arg5[%run_scoped3A_23, %dma_wait3A_406] : memref<2x125xi32, #tpu.memory_space<vmem>> -> memref<1x125xi32, #tpu.memory_space<vmem>>
      %dma_wait3A_408 = tpu.memref_squeeze %dma_wait3A_407 : memref<1x125xi32, #tpu.memory_space<vmem>> -> memref<125xi32, #tpu.memory_space<vmem>>
      %dma_wait3A_409 = arith.constant 0 : i32
      %dma_wait3A_410 = tpu.memref_slice %arg3[%run_scoped3A, %add3A, %run_scoped3A_22, %dma_wait3A_409] : memref<2x32x80x125xi32, #tpu.memory_space<hbm>> -> memref<1x1x1x125xi32, #tpu.memory_space<hbm>>
      %dma_wait3A_411 = tpu.memref_squeeze %dma_wait3A_410 : memref<1x1x1x125xi32, #tpu.memory_space<hbm>> -> memref<125xi32, #tpu.memory_space<hbm>>
      %dma_wait3A_412 = arith.constant 0 : i32
      %dma_wait3A_413 = tpu.memref_slice %arg5[%run_scoped3A_23, %dma_wait3A_412] : memref<2x125xi32, #tpu.memory_space<vmem>> -> memref<1x125xi32, #tpu.memory_space<vmem>>
      %dma_wait3A_414 = tpu.memref_squeeze %dma_wait3A_413 : memref<1x125xi32, #tpu.memory_space<vmem>> -> memref<125xi32, #tpu.memory_space<vmem>>
      %dma_wait3A_415 = arith.constant 0 : i32
      %dma_wait3A_416 = tpu.memref_slice %arg3[%run_scoped3A, %add3A, %run_scoped3A_22, %dma_wait3A_415] : memref<2x32x80x125xi32, #tpu.memory_space<hbm>> -> memref<1x1x1x125xi32, #tpu.memory_space<hbm>>
      %dma_wait3A_417 = tpu.memref_squeeze %dma_wait3A_416 : memref<1x1x1x125xi32, #tpu.memory_space<hbm>> -> memref<125xi32, #tpu.memory_space<hbm>>
      tpu.wait_dma2 semaphore(%run_scoped3A_393 : memref<!tpu.dma_semaphore, #tpu.memory_space<semaphore_mem>>) src(%dma_wait3A_417 : memref<125xi32, #tpu.memory_space<hbm>>) dst(%dma_wait3A_414 : memref<125xi32, #tpu.memory_space<vmem>>)
      tpu.yield
    }) : () -> ()
    %run_scoped3A_24 = arith.constant 1 : i32
    %run_scoped3A_25 = arith.constant 0 : i32
    %run_scoped3A_26 = arith.constant 1 : i32
    "tpu.region"() ({
      %run_scoped3A_393 = tpu.sem_alloc : memref<!tpu.dma_semaphore, #tpu.memory_space<semaphore_mem>>
      %dma_start3A_394 = arith.constant 0 : i32
      %dma_start3A_395 = tpu.memref_slice %arg5[%run_scoped3A_26, %dma_start3A_394] : memref<2x125xi32, #tpu.memory_space<vmem>> -> memref<1x125xi32, #tpu.memory_space<vmem>>
      %dma_start3A_396 = tpu.memref_squeeze %dma_start3A_395 : memref<1x125xi32, #tpu.memory_space<vmem>> -> memref<125xi32, #tpu.memory_space<vmem>>
      %dma_start3A_397 = arith.constant 0 : i32
      %dma_start3A_398 = tpu.memref_slice %arg3[%run_scoped3A_24, %add3A, %run_scoped3A_25, %dma_start3A_397] : memref<2x32x80x125xi32, #tpu.memory_space<hbm>> -> memref<1x1x1x125xi32, #tpu.memory_space<hbm>>
      %dma_start3A_399 = tpu.memref_squeeze %dma_start3A_398 : memref<1x1x1x125xi32, #tpu.memory_space<hbm>> -> memref<125xi32, #tpu.memory_space<hbm>>
      %dma_start3A_400 = arith.constant 0 : i32
      %dma_start3A_401 = tpu.memref_slice %arg5[%run_scoped3A_26, %dma_start3A_400] : memref<2x125xi32, #tpu.memory_space<vmem>> -> memref<1x125xi32, #tpu.memory_space<vmem>>
      %dma_start3A_402 = tpu.memref_squeeze %dma_start3A_401 : memref<1x125xi32, #tpu.memory_space<vmem>> -> memref<125xi32, #tpu.memory_space<vmem>>
      %dma_start3A_403 = arith.constant 0 : i32
      %dma_start3A_404 = tpu.memref_slice %arg3[%run_scoped3A_24, %add3A, %run_scoped3A_25, %dma_start3A_403] : memref<2x32x80x125xi32, #tpu.memory_space<hbm>> -> memref<1x1x1x125xi32, #tpu.memory_space<hbm>>
      %dma_start3A_405 = tpu.memref_squeeze %dma_start3A_404 : memref<1x1x1x125xi32, #tpu.memory_space<hbm>> -> memref<125xi32, #tpu.memory_space<hbm>>
      tpu.enqueue_dma source(%dma_start3A_405 : memref<125xi32, #tpu.memory_space<hbm>>) target(%dma_start3A_402 : memref<125xi32, #tpu.memory_space<vmem>>) target_semaphore(%run_scoped3A_393 : memref<!tpu.dma_semaphore, #tpu.memory_space<semaphore_mem>>)
      %dma_wait3A_406 = arith.constant 0 : i32
      %dma_wait3A_407 = tpu.memref_slice %arg5[%run_scoped3A_26, %dma_wait3A_406] : memref<2x125xi32, #tpu.memory_space<vmem>> -> memref<1x125xi32, #tpu.memory_space<vmem>>
      %dma_wait3A_408 = tpu.memref_squeeze %dma_wait3A_407 : memref<1x125xi32, #tpu.memory_space<vmem>> -> memref<125xi32, #tpu.memory_space<vmem>>
      %dma_wait3A_409 = arith.constant 0 : i32
      %dma_wait3A_410 = tpu.memref_slice %arg3[%run_scoped3A_24, %add3A, %run_scoped3A_25, %dma_wait3A_409] : memref<2x32x80x125xi32, #tpu.memory_space<hbm>> -> memref<1x1x1x125xi32, #tpu.memory_space<hbm>>
      %dma_wait3A_411 = tpu.memref_squeeze %dma_wait3A_410 : memref<1x1x1x125xi32, #tpu.memory_space<hbm>> -> memref<125xi32, #tpu.memory_space<hbm>>
      %dma_wait3A_412 = arith.constant 0 : i32
      %dma_wait3A_413 = tpu.memref_slice %arg5[%run_scoped3A_26, %dma_wait3A_412] : memref<2x125xi32, #tpu.memory_space<vmem>> -> memref<1x125xi32, #tpu.memory_space<vmem>>
      %dma_wait3A_414 = tpu.memref_squeeze %dma_wait3A_413 : memref<1x125xi32, #tpu.memory_space<vmem>> -> memref<125xi32, #tpu.memory_space<vmem>>
      %dma_wait3A_415 = arith.constant 0 : i32
      %dma_wait3A_416 = tpu.memref_slice %arg3[%run_scoped3A_24, %add3A, %run_scoped3A_25, %dma_wait3A_415] : memref<2x32x80x125xi32, #tpu.memory_space<hbm>> -> memref<1x1x1x125xi32, #tpu.memory_space<hbm>>
      %dma_wait3A_417 = tpu.memref_squeeze %dma_wait3A_416 : memref<1x1x1x125xi32, #tpu.memory_space<hbm>> -> memref<125xi32, #tpu.memory_space<hbm>>
      tpu.wait_dma2 semaphore(%run_scoped3A_393 : memref<!tpu.dma_semaphore, #tpu.memory_space<semaphore_mem>>) src(%dma_wait3A_417 : memref<125xi32, #tpu.memory_space<hbm>>) dst(%dma_wait3A_414 : memref<125xi32, #tpu.memory_space<vmem>>)
      tpu.yield
    }) : () -> ()
    %dma_start3A = arith.constant 0 : i32
    %dma_start3A_27 = arith.constant 0 : i32
    %dma_start3A_28 = tpu.memref_slice %arg5[%dma_start3A, %dma_start3A_27] : memref<2x125xi32, #tpu.memory_space<vmem>> -> memref<1x125xi32, #tpu.memory_space<vmem>>
    %dma_start3A_29 = tpu.memref_squeeze %dma_start3A_28 : memref<1x125xi32, #tpu.memory_space<vmem>> -> memref<125xi32, #tpu.memory_space<vmem>>
    %dma_start3A_30 = arith.constant 0 : i32
    %dma_start3A_31 = arith.constant 0 : i32
    %dma_start3A_32 = tpu.memref_slice %arg2[%dma_start3A_30, %dma_start3A_31] : memref<10000x64xf32, #tpu.memory_space<hbm>> -> memref<10000x64xf32, #tpu.memory_space<hbm>>
    tpu.enqueue_indirect_dma source(%dma_start3A_32 : memref<10000x64xf32, #tpu.memory_space<hbm>>) target(%arg9 : memref<125x64xf32, #tpu.memory_space<vmem>>) offsets(%dma_start3A_29 : memref<125xi32, #tpu.memory_space<vmem>>) semaphore(%arg16 : memref<!tpu.dma_semaphore, #tpu.memory_space<semaphore_mem>>)
    %dma_start3A_33 = arith.constant 0 : i32
    %dma_start3A_34 = arith.constant 1 : i32
    %dma_start3A_35 = arith.constant 0 : i32
    %dma_start3A_36 = arith.constant 0 : i32
    %dma_start3A_37 = tpu.memref_slice %arg6[%dma_start3A_35, %dma_start3A_36] : memref<2x125xi32, #tpu.memory_space<vmem>> -> memref<1x125xi32, #tpu.memory_space<vmem>>
    %dma_start3A_38 = tpu.memref_squeeze %dma_start3A_37 : memref<1x125xi32, #tpu.memory_space<vmem>> -> memref<125xi32, #tpu.memory_space<vmem>>
    %dma_start3A_39 = arith.constant 0 : i32
    %dma_start3A_40 = tpu.memref_slice %arg3[%dma_start3A_33, %add3A, %dma_start3A_34, %dma_start3A_39] : memref<2x32x80x125xi32, #tpu.memory_space<hbm>> -> memref<1x1x1x125xi32, #tpu.memory_space<hbm>>
    %dma_start3A_41 = tpu.memref_squeeze %dma_start3A_40 : memref<1x1x1x125xi32, #tpu.memory_space<hbm>> -> memref<125xi32, #tpu.memory_space<hbm>>
    %dma_start3A_42 = arith.constant 0 : i32
    %dma_start3A_43 = tpu.memref_slice %arg6[%dma_start3A_35, %dma_start3A_42] : memref<2x125xi32, #tpu.memory_space<vmem>> -> memref<1x125xi32, #tpu.memory_space<vmem>>
    %dma_start3A_44 = tpu.memref_squeeze %dma_start3A_43 : memref<1x125xi32, #tpu.memory_space<vmem>> -> memref<125xi32, #tpu.memory_space<vmem>>
    %dma_start3A_45 = arith.constant 0 : i32
    %dma_start3A_46 = tpu.memref_slice %arg3[%dma_start3A_33, %add3A, %dma_start3A_34, %dma_start3A_45] : memref<2x32x80x125xi32, #tpu.memory_space<hbm>> -> memref<1x1x1x125xi32, #tpu.memory_space<hbm>>
    %dma_start3A_47 = tpu.memref_squeeze %dma_start3A_46 : memref<1x1x1x125xi32, #tpu.memory_space<hbm>> -> memref<125xi32, #tpu.memory_space<hbm>>
    tpu.enqueue_dma source(%dma_start3A_47 : memref<125xi32, #tpu.memory_space<hbm>>) target(%dma_start3A_44 : memref<125xi32, #tpu.memory_space<vmem>>) target_semaphore(%arg13 : memref<!tpu.dma_semaphore, #tpu.memory_space<semaphore_mem>>)
    %dma_start3A_48 = arith.constant 1 : i32
    %dma_start3A_49 = arith.constant 1 : i32
    %dma_start3A_50 = arith.constant 1 : i32
    %dma_start3A_51 = arith.constant 0 : i32
    %dma_start3A_52 = tpu.memref_slice %arg6[%dma_start3A_50, %dma_start3A_51] : memref<2x125xi32, #tpu.memory_space<vmem>> -> memref<1x125xi32, #tpu.memory_space<vmem>>
    %dma_start3A_53 = tpu.memref_squeeze %dma_start3A_52 : memref<1x125xi32, #tpu.memory_space<vmem>> -> memref<125xi32, #tpu.memory_space<vmem>>
    %dma_start3A_54 = arith.constant 0 : i32
    %dma_start3A_55 = tpu.memref_slice %arg3[%dma_start3A_48, %add3A, %dma_start3A_49, %dma_start3A_54] : memref<2x32x80x125xi32, #tpu.memory_space<hbm>> -> memref<1x1x1x125xi32, #tpu.memory_space<hbm>>
    %dma_start3A_56 = tpu.memref_squeeze %dma_start3A_55 : memref<1x1x1x125xi32, #tpu.memory_space<hbm>> -> memref<125xi32, #tpu.memory_space<hbm>>
    %dma_start3A_57 = arith.constant 0 : i32
    %dma_start3A_58 = tpu.memref_slice %arg6[%dma_start3A_50, %dma_start3A_57] : memref<2x125xi32, #tpu.memory_space<vmem>> -> memref<1x125xi32, #tpu.memory_space<vmem>>
    %dma_start3A_59 = tpu.memref_squeeze %dma_start3A_58 : memref<1x125xi32, #tpu.memory_space<vmem>> -> memref<125xi32, #tpu.memory_space<vmem>>
    %dma_start3A_60 = arith.constant 0 : i32
    %dma_start3A_61 = tpu.memref_slice %arg3[%dma_start3A_48, %add3A, %dma_start3A_49, %dma_start3A_60] : memref<2x32x80x125xi32, #tpu.memory_space<hbm>> -> memref<1x1x1x125xi32, #tpu.memory_space<hbm>>
    %dma_start3A_62 = tpu.memref_squeeze %dma_start3A_61 : memref<1x1x1x125xi32, #tpu.memory_space<hbm>> -> memref<125xi32, #tpu.memory_space<hbm>>
    tpu.enqueue_dma source(%dma_start3A_62 : memref<125xi32, #tpu.memory_space<hbm>>) target(%dma_start3A_59 : memref<125xi32, #tpu.memory_space<vmem>>) target_semaphore(%arg13 : memref<!tpu.dma_semaphore, #tpu.memory_space<semaphore_mem>>)
    %dma_start3A_63 = arith.constant 0 : i32
    %dma_start3A_64 = arith.constant 2 : i32
    %dma_start3A_65 = arith.constant 0 : i32
    %dma_start3A_66 = arith.constant 0 : i32
    %dma_start3A_67 = tpu.memref_slice %arg7[%dma_start3A_65, %dma_start3A_66] : memref<2x125xi32, #tpu.memory_space<vmem>> -> memref<1x125xi32, #tpu.memory_space<vmem>>
    %dma_start3A_68 = tpu.memref_squeeze %dma_start3A_67 : memref<1x125xi32, #tpu.memory_space<vmem>> -> memref<125xi32, #tpu.memory_space<vmem>>
    %dma_start3A_69 = arith.constant 0 : i32
    %dma_start3A_70 = tpu.memref_slice %arg3[%dma_start3A_63, %add3A, %dma_start3A_64, %dma_start3A_69] : memref<2x32x80x125xi32, #tpu.memory_space<hbm>> -> memref<1x1x1x125xi32, #tpu.memory_space<hbm>>
    %dma_start3A_71 = tpu.memref_squeeze %dma_start3A_70 : memref<1x1x1x125xi32, #tpu.memory_space<hbm>> -> memref<125xi32, #tpu.memory_space<hbm>>
    %dma_start3A_72 = arith.constant 0 : i32
    %dma_start3A_73 = tpu.memref_slice %arg7[%dma_start3A_65, %dma_start3A_72] : memref<2x125xi32, #tpu.memory_space<vmem>> -> memref<1x125xi32, #tpu.memory_space<vmem>>
    %dma_start3A_74 = tpu.memref_squeeze %dma_start3A_73 : memref<1x125xi32, #tpu.memory_space<vmem>> -> memref<125xi32, #tpu.memory_space<vmem>>
    %dma_start3A_75 = arith.constant 0 : i32
    %dma_start3A_76 = tpu.memref_slice %arg3[%dma_start3A_63, %add3A, %dma_start3A_64, %dma_start3A_75] : memref<2x32x80x125xi32, #tpu.memory_space<hbm>> -> memref<1x1x1x125xi32, #tpu.memory_space<hbm>>
    %dma_start3A_77 = tpu.memref_squeeze %dma_start3A_76 : memref<1x1x1x125xi32, #tpu.memory_space<hbm>> -> memref<125xi32, #tpu.memory_space<hbm>>
    tpu.enqueue_dma source(%dma_start3A_77 : memref<125xi32, #tpu.memory_space<hbm>>) target(%dma_start3A_74 : memref<125xi32, #tpu.memory_space<vmem>>) target_semaphore(%arg14 : memref<!tpu.dma_semaphore, #tpu.memory_space<semaphore_mem>>)
    %dma_start3A_78 = arith.constant 1 : i32
    %dma_start3A_79 = arith.constant 2 : i32
    %dma_start3A_80 = arith.constant 1 : i32
    %dma_start3A_81 = arith.constant 0 : i32
    %dma_start3A_82 = tpu.memref_slice %arg7[%dma_start3A_80, %dma_start3A_81] : memref<2x125xi32, #tpu.memory_space<vmem>> -> memref<1x125xi32, #tpu.memory_space<vmem>>
    %dma_start3A_83 = tpu.memref_squeeze %dma_start3A_82 : memref<1x125xi32, #tpu.memory_space<vmem>> -> memref<125xi32, #tpu.memory_space<vmem>>
    %dma_start3A_84 = arith.constant 0 : i32
    %dma_start3A_85 = tpu.memref_slice %arg3[%dma_start3A_78, %add3A, %dma_start3A_79, %dma_start3A_84] : memref<2x32x80x125xi32, #tpu.memory_space<hbm>> -> memref<1x1x1x125xi32, #tpu.memory_space<hbm>>
    %dma_start3A_86 = tpu.memref_squeeze %dma_start3A_85 : memref<1x1x1x125xi32, #tpu.memory_space<hbm>> -> memref<125xi32, #tpu.memory_space<hbm>>
    %dma_start3A_87 = arith.constant 0 : i32
    %dma_start3A_88 = tpu.memref_slice %arg7[%dma_start3A_80, %dma_start3A_87] : memref<2x125xi32, #tpu.memory_space<vmem>> -> memref<1x125xi32, #tpu.memory_space<vmem>>
    %dma_start3A_89 = tpu.memref_squeeze %dma_start3A_88 : memref<1x125xi32, #tpu.memory_space<vmem>> -> memref<125xi32, #tpu.memory_space<vmem>>
    %dma_start3A_90 = arith.constant 0 : i32
    %dma_start3A_91 = tpu.memref_slice %arg3[%dma_start3A_78, %add3A, %dma_start3A_79, %dma_start3A_90] : memref<2x32x80x125xi32, #tpu.memory_space<hbm>> -> memref<1x1x1x125xi32, #tpu.memory_space<hbm>>
    %dma_start3A_92 = tpu.memref_squeeze %dma_start3A_91 : memref<1x1x1x125xi32, #tpu.memory_space<hbm>> -> memref<125xi32, #tpu.memory_space<hbm>>
    tpu.enqueue_dma source(%dma_start3A_92 : memref<125xi32, #tpu.memory_space<hbm>>) target(%dma_start3A_89 : memref<125xi32, #tpu.memory_space<vmem>>) target_semaphore(%arg14 : memref<!tpu.dma_semaphore, #tpu.memory_space<semaphore_mem>>)
    %dma_wait3A = arith.constant 0 : i32
    %dma_wait3A_93 = arith.constant 1 : i32
    %dma_wait3A_94 = arith.constant 0 : i32
    %dma_wait3A_95 = arith.constant 0 : i32
    %dma_wait3A_96 = tpu.memref_slice %arg6[%dma_wait3A_94, %dma_wait3A_95] : memref<2x125xi32, #tpu.memory_space<vmem>> -> memref<1x125xi32, #tpu.memory_space<vmem>>
    %dma_wait3A_97 = tpu.memref_squeeze %dma_wait3A_96 : memref<1x125xi32, #tpu.memory_space<vmem>> -> memref<125xi32, #tpu.memory_space<vmem>>
    %dma_wait3A_98 = arith.constant 0 : i32
    %dma_wait3A_99 = tpu.memref_slice %arg3[%dma_wait3A, %add3A, %dma_wait3A_93, %dma_wait3A_98] : memref<2x32x80x125xi32, #tpu.memory_space<hbm>> -> memref<1x1x1x125xi32, #tpu.memory_space<hbm>>
    %dma_wait3A_100 = tpu.memref_squeeze %dma_wait3A_99 : memref<1x1x1x125xi32, #tpu.memory_space<hbm>> -> memref<125xi32, #tpu.memory_space<hbm>>
    %dma_wait3A_101 = arith.constant 0 : i32
    %dma_wait3A_102 = tpu.memref_slice %arg6[%dma_wait3A_94, %dma_wait3A_101] : memref<2x125xi32, #tpu.memory_space<vmem>> -> memref<1x125xi32, #tpu.memory_space<vmem>>
    %dma_wait3A_103 = tpu.memref_squeeze %dma_wait3A_102 : memref<1x125xi32, #tpu.memory_space<vmem>> -> memref<125xi32, #tpu.memory_space<vmem>>
    %dma_wait3A_104 = arith.constant 0 : i32
    %dma_wait3A_105 = tpu.memref_slice %arg3[%dma_wait3A, %add3A, %dma_wait3A_93, %dma_wait3A_104] : memref<2x32x80x125xi32, #tpu.memory_space<hbm>> -> memref<1x1x1x125xi32, #tpu.memory_space<hbm>>
    %dma_wait3A_106 = tpu.memref_squeeze %dma_wait3A_105 : memref<1x1x1x125xi32, #tpu.memory_space<hbm>> -> memref<125xi32, #tpu.memory_space<hbm>>
    tpu.wait_dma2 semaphore(%arg13 : memref<!tpu.dma_semaphore, #tpu.memory_space<semaphore_mem>>) src(%dma_wait3A_106 : memref<125xi32, #tpu.memory_space<hbm>>) dst(%dma_wait3A_103 : memref<125xi32, #tpu.memory_space<vmem>>)
    %dma_wait3A_107 = arith.constant 1 : i32
    %dma_wait3A_108 = arith.constant 1 : i32
    %dma_wait3A_109 = arith.constant 1 : i32
    %dma_wait3A_110 = arith.constant 0 : i32
    %dma_wait3A_111 = tpu.memref_slice %arg6[%dma_wait3A_109, %dma_wait3A_110] : memref<2x125xi32, #tpu.memory_space<vmem>> -> memref<1x125xi32, #tpu.memory_space<vmem>>
    %dma_wait3A_112 = tpu.memref_squeeze %dma_wait3A_111 : memref<1x125xi32, #tpu.memory_space<vmem>> -> memref<125xi32, #tpu.memory_space<vmem>>
    %dma_wait3A_113 = arith.constant 0 : i32
    %dma_wait3A_114 = tpu.memref_slice %arg3[%dma_wait3A_107, %add3A, %dma_wait3A_108, %dma_wait3A_113] : memref<2x32x80x125xi32, #tpu.memory_space<hbm>> -> memref<1x1x1x125xi32, #tpu.memory_space<hbm>>
    %dma_wait3A_115 = tpu.memref_squeeze %dma_wait3A_114 : memref<1x1x1x125xi32, #tpu.memory_space<hbm>> -> memref<125xi32, #tpu.memory_space<hbm>>
    %dma_wait3A_116 = arith.constant 0 : i32
    %dma_wait3A_117 = tpu.memref_slice %arg6[%dma_wait3A_109, %dma_wait3A_116] : memref<2x125xi32, #tpu.memory_space<vmem>> -> memref<1x125xi32, #tpu.memory_space<vmem>>
    %dma_wait3A_118 = tpu.memref_squeeze %dma_wait3A_117 : memref<1x125xi32, #tpu.memory_space<vmem>> -> memref<125xi32, #tpu.memory_space<vmem>>
    %dma_wait3A_119 = arith.constant 0 : i32
    %dma_wait3A_120 = tpu.memref_slice %arg3[%dma_wait3A_107, %add3A, %dma_wait3A_108, %dma_wait3A_119] : memref<2x32x80x125xi32, #tpu.memory_space<hbm>> -> memref<1x1x1x125xi32, #tpu.memory_space<hbm>>
    %dma_wait3A_121 = tpu.memref_squeeze %dma_wait3A_120 : memref<1x1x1x125xi32, #tpu.memory_space<hbm>> -> memref<125xi32, #tpu.memory_space<hbm>>
    tpu.wait_dma2 semaphore(%arg13 : memref<!tpu.dma_semaphore, #tpu.memory_space<semaphore_mem>>) src(%dma_wait3A_121 : memref<125xi32, #tpu.memory_space<hbm>>) dst(%dma_wait3A_118 : memref<125xi32, #tpu.memory_space<vmem>>)
    %dma_start3A_122 = arith.constant 0 : i32
    %dma_start3A_123 = arith.constant 0 : i32
    %dma_start3A_124 = tpu.memref_slice %arg6[%dma_start3A_122, %dma_start3A_123] : memref<2x125xi32, #tpu.memory_space<vmem>> -> memref<1x125xi32, #tpu.memory_space<vmem>>
    %dma_start3A_125 = tpu.memref_squeeze %dma_start3A_124 : memref<1x125xi32, #tpu.memory_space<vmem>> -> memref<125xi32, #tpu.memory_space<vmem>>
    %dma_start3A_126 = arith.constant 0 : i32
    %dma_start3A_127 = arith.constant 0 : i32
    %dma_start3A_128 = tpu.memref_slice %arg2[%dma_start3A_126, %dma_start3A_127] : memref<10000x64xf32, #tpu.memory_space<hbm>> -> memref<10000x64xf32, #tpu.memory_space<hbm>>
    tpu.enqueue_indirect_dma source(%dma_start3A_128 : memref<10000x64xf32, #tpu.memory_space<hbm>>) target(%arg10 : memref<125x64xf32, #tpu.memory_space<vmem>>) offsets(%dma_start3A_125 : memref<125xi32, #tpu.memory_space<vmem>>) semaphore(%arg17 : memref<!tpu.dma_semaphore, #tpu.memory_space<semaphore_mem>>)
    %dma_start3A_129 = arith.constant 0 : i32
    %dma_start3A_130 = arith.constant 3 : i32
    %dma_start3A_131 = arith.constant 0 : i32
    %dma_start3A_132 = arith.constant 0 : i32
    %dma_start3A_133 = tpu.memref_slice %arg8[%dma_start3A_131, %dma_start3A_132] : memref<2x125xi32, #tpu.memory_space<vmem>> -> memref<1x125xi32, #tpu.memory_space<vmem>>
    %dma_start3A_134 = tpu.memref_squeeze %dma_start3A_133 : memref<1x125xi32, #tpu.memory_space<vmem>> -> memref<125xi32, #tpu.memory_space<vmem>>
    %dma_start3A_135 = arith.constant 0 : i32
    %dma_start3A_136 = tpu.memref_slice %arg3[%dma_start3A_129, %add3A, %dma_start3A_130, %dma_start3A_135] : memref<2x32x80x125xi32, #tpu.memory_space<hbm>> -> memref<1x1x1x125xi32, #tpu.memory_space<hbm>>
    %dma_start3A_137 = tpu.memref_squeeze %dma_start3A_136 : memref<1x1x1x125xi32, #tpu.memory_space<hbm>> -> memref<125xi32, #tpu.memory_space<hbm>>
    %dma_start3A_138 = arith.constant 0 : i32
    %dma_start3A_139 = tpu.memref_slice %arg8[%dma_start3A_131, %dma_start3A_138] : memref<2x125xi32, #tpu.memory_space<vmem>> -> memref<1x125xi32, #tpu.memory_space<vmem>>
    %dma_start3A_140 = tpu.memref_squeeze %dma_start3A_139 : memref<1x125xi32, #tpu.memory_space<vmem>> -> memref<125xi32, #tpu.memory_space<vmem>>
    %dma_start3A_141 = arith.constant 0 : i32
    %dma_start3A_142 = tpu.memref_slice %arg3[%dma_start3A_129, %add3A, %dma_start3A_130, %dma_start3A_141] : memref<2x32x80x125xi32, #tpu.memory_space<hbm>> -> memref<1x1x1x125xi32, #tpu.memory_space<hbm>>
    %dma_start3A_143 = tpu.memref_squeeze %dma_start3A_142 : memref<1x1x1x125xi32, #tpu.memory_space<hbm>> -> memref<125xi32, #tpu.memory_space<hbm>>
    tpu.enqueue_dma source(%dma_start3A_143 : memref<125xi32, #tpu.memory_space<hbm>>) target(%dma_start3A_140 : memref<125xi32, #tpu.memory_space<vmem>>) target_semaphore(%arg15 : memref<!tpu.dma_semaphore, #tpu.memory_space<semaphore_mem>>)
    %dma_start3A_144 = arith.constant 1 : i32
    %dma_start3A_145 = arith.constant 3 : i32
    %dma_start3A_146 = arith.constant 1 : i32
    %dma_start3A_147 = arith.constant 0 : i32
    %dma_start3A_148 = tpu.memref_slice %arg8[%dma_start3A_146, %dma_start3A_147] : memref<2x125xi32, #tpu.memory_space<vmem>> -> memref<1x125xi32, #tpu.memory_space<vmem>>
    %dma_start3A_149 = tpu.memref_squeeze %dma_start3A_148 : memref<1x125xi32, #tpu.memory_space<vmem>> -> memref<125xi32, #tpu.memory_space<vmem>>
    %dma_start3A_150 = arith.constant 0 : i32
    %dma_start3A_151 = tpu.memref_slice %arg3[%dma_start3A_144, %add3A, %dma_start3A_145, %dma_start3A_150] : memref<2x32x80x125xi32, #tpu.memory_space<hbm>> -> memref<1x1x1x125xi32, #tpu.memory_space<hbm>>
    %dma_start3A_152 = tpu.memref_squeeze %dma_start3A_151 : memref<1x1x1x125xi32, #tpu.memory_space<hbm>> -> memref<125xi32, #tpu.memory_space<hbm>>
    %dma_start3A_153 = arith.constant 0 : i32
    %dma_start3A_154 = tpu.memref_slice %arg8[%dma_start3A_146, %dma_start3A_153] : memref<2x125xi32, #tpu.memory_space<vmem>> -> memref<1x125xi32, #tpu.memory_space<vmem>>
    %dma_start3A_155 = tpu.memref_squeeze %dma_start3A_154 : memref<1x125xi32, #tpu.memory_space<vmem>> -> memref<125xi32, #tpu.memory_space<vmem>>
    %dma_start3A_156 = arith.constant 0 : i32
    %dma_start3A_157 = tpu.memref_slice %arg3[%dma_start3A_144, %add3A, %dma_start3A_145, %dma_start3A_156] : memref<2x32x80x125xi32, #tpu.memory_space<hbm>> -> memref<1x1x1x125xi32, #tpu.memory_space<hbm>>
    %dma_start3A_158 = tpu.memref_squeeze %dma_start3A_157 : memref<1x1x1x125xi32, #tpu.memory_space<hbm>> -> memref<125xi32, #tpu.memory_space<hbm>>
    tpu.enqueue_dma source(%dma_start3A_158 : memref<125xi32, #tpu.memory_space<hbm>>) target(%dma_start3A_155 : memref<125xi32, #tpu.memory_space<vmem>>) target_semaphore(%arg15 : memref<!tpu.dma_semaphore, #tpu.memory_space<semaphore_mem>>)
    %dma_wait3A_159 = arith.constant 0 : i32
    %dma_wait3A_160 = arith.constant 0 : i32
    %dma_wait3A_161 = tpu.memref_slice %arg5[%dma_wait3A_159, %dma_wait3A_160] : memref<2x125xi32, #tpu.memory_space<vmem>> -> memref<1x125xi32, #tpu.memory_space<vmem>>
    %dma_wait3A_162 = tpu.memref_squeeze %dma_wait3A_161 : memref<1x125xi32, #tpu.memory_space<vmem>> -> memref<125xi32, #tpu.memory_space<vmem>>
    %dma_wait3A_163 = arith.constant 0 : i32
    %dma_wait3A_164 = arith.constant 0 : i32
    %dma_wait3A_165 = tpu.memref_slice %arg2[%dma_wait3A_163, %dma_wait3A_164] : memref<10000x64xf32, #tpu.memory_space<hbm>> -> memref<10000x64xf32, #tpu.memory_space<hbm>>
    tpu.wait_indirect_dma semaphore(%arg16 : memref<!tpu.dma_semaphore, #tpu.memory_space<semaphore_mem>>) src(%dma_wait3A_165 : memref<10000x64xf32, #tpu.memory_space<hbm>>) dst(%arg9 : memref<125x64xf32, #tpu.memory_space<vmem>>)
    %dma_start3A_166 = arith.constant 1 : i32
    %dma_start3A_167 = arith.constant 0 : i32
    %dma_start3A_168 = tpu.memref_slice %arg5[%dma_start3A_166, %dma_start3A_167] : memref<2x125xi32, #tpu.memory_space<vmem>> -> memref<1x125xi32, #tpu.memory_space<vmem>>
    %dma_start3A_169 = tpu.memref_squeeze %dma_start3A_168 : memref<1x125xi32, #tpu.memory_space<vmem>> -> memref<125xi32, #tpu.memory_space<vmem>>
    %dma_start3A_170 = arith.constant 0 : i32
    %dma_start3A_171 = arith.constant 0 : i32
    %dma_start3A_172 = tpu.memref_slice %arg11[%dma_start3A_170, %dma_start3A_171] : memref<10000x64xf32, #tpu.memory_space<vmem_shared>> -> memref<10000x64xf32, #tpu.memory_space<vmem_shared>>
    tpu.enqueue_indirect_dma source(%arg9 : memref<125x64xf32, #tpu.memory_space<vmem>>) target(%dma_start3A_172 : memref<10000x64xf32, #tpu.memory_space<vmem_shared>>) offsets(%dma_start3A_169 : memref<125xi32, #tpu.memory_space<vmem>>) semaphore(%arg18 : memref<!tpu.dma_semaphore, #tpu.memory_space<semaphore_mem>>) {add = true}
    %dma_wait3A_173 = arith.constant 0 : i32
    %dma_wait3A_174 = arith.constant 2 : i32
    %dma_wait3A_175 = arith.constant 0 : i32
    %dma_wait3A_176 = arith.constant 0 : i32
    %dma_wait3A_177 = tpu.memref_slice %arg7[%dma_wait3A_175, %dma_wait3A_176] : memref<2x125xi32, #tpu.memory_space<vmem>> -> memref<1x125xi32, #tpu.memory_space<vmem>>
    %dma_wait3A_178 = tpu.memref_squeeze %dma_wait3A_177 : memref<1x125xi32, #tpu.memory_space<vmem>> -> memref<125xi32, #tpu.memory_space<vmem>>
    %dma_wait3A_179 = arith.constant 0 : i32
    %dma_wait3A_180 = tpu.memref_slice %arg3[%dma_wait3A_173, %add3A, %dma_wait3A_174, %dma_wait3A_179] : memref<2x32x80x125xi32, #tpu.memory_space<hbm>> -> memref<1x1x1x125xi32, #tpu.memory_space<hbm>>
    %dma_wait3A_181 = tpu.memref_squeeze %dma_wait3A_180 : memref<1x1x1x125xi32, #tpu.memory_space<hbm>> -> memref<125xi32, #tpu.memory_space<hbm>>
    %dma_wait3A_182 = arith.constant 0 : i32
    %dma_wait3A_183 = tpu.memref_slice %arg7[%dma_wait3A_175, %dma_wait3A_182] : memref<2x125xi32, #tpu.memory_space<vmem>> -> memref<1x125xi32, #tpu.memory_space<vmem>>
    %dma_wait3A_184 = tpu.memref_squeeze %dma_wait3A_183 : memref<1x125xi32, #tpu.memory_space<vmem>> -> memref<125xi32, #tpu.memory_space<vmem>>
    %dma_wait3A_185 = arith.constant 0 : i32
    %dma_wait3A_186 = tpu.memref_slice %arg3[%dma_wait3A_173, %add3A, %dma_wait3A_174, %dma_wait3A_185] : memref<2x32x80x125xi32, #tpu.memory_space<hbm>> -> memref<1x1x1x125xi32, #tpu.memory_space<hbm>>
    %dma_wait3A_187 = tpu.memref_squeeze %dma_wait3A_186 : memref<1x1x1x125xi32, #tpu.memory_space<hbm>> -> memref<125xi32, #tpu.memory_space<hbm>>
    tpu.wait_dma2 semaphore(%arg14 : memref<!tpu.dma_semaphore, #tpu.memory_space<semaphore_mem>>) src(%dma_wait3A_187 : memref<125xi32, #tpu.memory_space<hbm>>) dst(%dma_wait3A_184 : memref<125xi32, #tpu.memory_space<vmem>>)
    %dma_wait3A_188 = arith.constant 1 : i32
    %dma_wait3A_189 = arith.constant 2 : i32
    %dma_wait3A_190 = arith.constant 1 : i32
    %dma_wait3A_191 = arith.constant 0 : i32
    %dma_wait3A_192 = tpu.memref_slice %arg7[%dma_wait3A_190, %dma_wait3A_191] : memref<2x125xi32, #tpu.memory_space<vmem>> -> memref<1x125xi32, #tpu.memory_space<vmem>>
    %dma_wait3A_193 = tpu.memref_squeeze %dma_wait3A_192 : memref<1x125xi32, #tpu.memory_space<vmem>> -> memref<125xi32, #tpu.memory_space<vmem>>
    %dma_wait3A_194 = arith.constant 0 : i32
    %dma_wait3A_195 = tpu.memref_slice %arg3[%dma_wait3A_188, %add3A, %dma_wait3A_189, %dma_wait3A_194] : memref<2x32x80x125xi32, #tpu.memory_space<hbm>> -> memref<1x1x1x125xi32, #tpu.memory_space<hbm>>
    %dma_wait3A_196 = tpu.memref_squeeze %dma_wait3A_195 : memref<1x1x1x125xi32, #tpu.memory_space<hbm>> -> memref<125xi32, #tpu.memory_space<hbm>>
    %dma_wait3A_197 = arith.constant 0 : i32
    %dma_wait3A_198 = tpu.memref_slice %arg7[%dma_wait3A_190, %dma_wait3A_197] : memref<2x125xi32, #tpu.memory_space<vmem>> -> memref<1x125xi32, #tpu.memory_space<vmem>>
    %dma_wait3A_199 = tpu.memref_squeeze %dma_wait3A_198 : memref<1x125xi32, #tpu.memory_space<vmem>> -> memref<125xi32, #tpu.memory_space<vmem>>
    %dma_wait3A_200 = arith.constant 0 : i32
    %dma_wait3A_201 = tpu.memref_slice %arg3[%dma_wait3A_188, %add3A, %dma_wait3A_189, %dma_wait3A_200] : memref<2x32x80x125xi32, #tpu.memory_space<hbm>> -> memref<1x1x1x125xi32, #tpu.memory_space<hbm>>
    %dma_wait3A_202 = tpu.memref_squeeze %dma_wait3A_201 : memref<1x1x1x125xi32, #tpu.memory_space<hbm>> -> memref<125xi32, #tpu.memory_space<hbm>>
    tpu.wait_dma2 semaphore(%arg14 : memref<!tpu.dma_semaphore, #tpu.memory_space<semaphore_mem>>) src(%dma_wait3A_202 : memref<125xi32, #tpu.memory_space<hbm>>) dst(%dma_wait3A_199 : memref<125xi32, #tpu.memory_space<vmem>>)
    %dma_wait3A_203 = arith.constant 1 : i32
    %dma_wait3A_204 = arith.constant 0 : i32
    %dma_wait3A_205 = tpu.memref_slice %arg5[%dma_wait3A_203, %dma_wait3A_204] : memref<2x125xi32, #tpu.memory_space<vmem>> -> memref<1x125xi32, #tpu.memory_space<vmem>>
    %dma_wait3A_206 = tpu.memref_squeeze %dma_wait3A_205 : memref<1x125xi32, #tpu.memory_space<vmem>> -> memref<125xi32, #tpu.memory_space<vmem>>
    %dma_wait3A_207 = arith.constant 0 : i32
    %dma_wait3A_208 = arith.constant 0 : i32
    %dma_wait3A_209 = tpu.memref_slice %arg11[%dma_wait3A_207, %dma_wait3A_208] : memref<10000x64xf32, #tpu.memory_space<vmem_shared>> -> memref<10000x64xf32, #tpu.memory_space<vmem_shared>>
    tpu.wait_indirect_dma semaphore(%arg18 : memref<!tpu.dma_semaphore, #tpu.memory_space<semaphore_mem>>) src(%arg9 : memref<125x64xf32, #tpu.memory_space<vmem>>) dst(%dma_wait3A_209 : memref<10000x64xf32, #tpu.memory_space<vmem_shared>>)
    %dma_start3A_210 = arith.constant 0 : i32
    %dma_start3A_211 = arith.constant 0 : i32
    %dma_start3A_212 = tpu.memref_slice %arg7[%dma_start3A_210, %dma_start3A_211] : memref<2x125xi32, #tpu.memory_space<vmem>> -> memref<1x125xi32, #tpu.memory_space<vmem>>
    %dma_start3A_213 = tpu.memref_squeeze %dma_start3A_212 : memref<1x125xi32, #tpu.memory_space<vmem>> -> memref<125xi32, #tpu.memory_space<vmem>>
    %dma_start3A_214 = arith.constant 0 : i32
    %dma_start3A_215 = arith.constant 0 : i32
    %dma_start3A_216 = tpu.memref_slice %arg2[%dma_start3A_214, %dma_start3A_215] : memref<10000x64xf32, #tpu.memory_space<hbm>> -> memref<10000x64xf32, #tpu.memory_space<hbm>>
    tpu.enqueue_indirect_dma source(%dma_start3A_216 : memref<10000x64xf32, #tpu.memory_space<hbm>>) target(%arg9 : memref<125x64xf32, #tpu.memory_space<vmem>>) offsets(%dma_start3A_213 : memref<125xi32, #tpu.memory_space<vmem>>) semaphore(%arg16 : memref<!tpu.dma_semaphore, #tpu.memory_space<semaphore_mem>>)
    %dma_start3A_217 = arith.constant 0 : i32
    %dma_start3A_218 = arith.constant 4 : i32
    %dma_start3A_219 = arith.constant 0 : i32
    %dma_start3A_220 = arith.constant 0 : i32
    %dma_start3A_221 = tpu.memref_slice %arg5[%dma_start3A_219, %dma_start3A_220] : memref<2x125xi32, #tpu.memory_space<vmem>> -> memref<1x125xi32, #tpu.memory_space<vmem>>
    %dma_start3A_222 = tpu.memref_squeeze %dma_start3A_221 : memref<1x125xi32, #tpu.memory_space<vmem>> -> memref<125xi32, #tpu.memory_space<vmem>>
    %dma_start3A_223 = arith.constant 0 : i32
    %dma_start3A_224 = tpu.memref_slice %arg3[%dma_start3A_217, %add3A, %dma_start3A_218, %dma_start3A_223] : memref<2x32x80x125xi32, #tpu.memory_space<hbm>> -> memref<1x1x1x125xi32, #tpu.memory_space<hbm>>
    %dma_start3A_225 = tpu.memref_squeeze %dma_start3A_224 : memref<1x1x1x125xi32, #tpu.memory_space<hbm>> -> memref<125xi32, #tpu.memory_space<hbm>>
    %dma_start3A_226 = arith.constant 0 : i32
    %dma_start3A_227 = tpu.memref_slice %arg5[%dma_start3A_219, %dma_start3A_226] : memref<2x125xi32, #tpu.memory_space<vmem>> -> memref<1x125xi32, #tpu.memory_space<vmem>>
    %dma_start3A_228 = tpu.memref_squeeze %dma_start3A_227 : memref<1x125xi32, #tpu.memory_space<vmem>> -> memref<125xi32, #tpu.memory_space<vmem>>
    %dma_start3A_229 = arith.constant 0 : i32
    %dma_start3A_230 = tpu.memref_slice %arg3[%dma_start3A_217, %add3A, %dma_start3A_218, %dma_start3A_229] : memref<2x32x80x125xi32, #tpu.memory_space<hbm>> -> memref<1x1x1x125xi32, #tpu.memory_space<hbm>>
    %dma_start3A_231 = tpu.memref_squeeze %dma_start3A_230 : memref<1x1x1x125xi32, #tpu.memory_space<hbm>> -> memref<125xi32, #tpu.memory_space<hbm>>
    tpu.enqueue_dma source(%dma_start3A_231 : memref<125xi32, #tpu.memory_space<hbm>>) target(%dma_start3A_228 : memref<125xi32, #tpu.memory_space<vmem>>) target_semaphore(%arg12 : memref<!tpu.dma_semaphore, #tpu.memory_space<semaphore_mem>>)
    %dma_start3A_232 = arith.constant 1 : i32
    %dma_start3A_233 = arith.constant 4 : i32
    %dma_start3A_234 = arith.constant 1 : i32
    %dma_start3A_235 = arith.constant 0 : i32
    %dma_start3A_236 = tpu.memref_slice %arg5[%dma_start3A_234, %dma_start3A_235] : memref<2x125xi32, #tpu.memory_space<vmem>> -> memref<1x125xi32, #tpu.memory_space<vmem>>
    %dma_start3A_237 = tpu.memref_squeeze %dma_start3A_236 : memref<1x125xi32, #tpu.memory_space<vmem>> -> memref<125xi32, #tpu.memory_space<vmem>>
    %dma_start3A_238 = arith.constant 0 : i32
    %dma_start3A_239 = tpu.memref_slice %arg3[%dma_start3A_232, %add3A, %dma_start3A_233, %dma_start3A_238] : memref<2x32x80x125xi32, #tpu.memory_space<hbm>> -> memref<1x1x1x125xi32, #tpu.memory_space<hbm>>
    %dma_start3A_240 = tpu.memref_squeeze %dma_start3A_239 : memref<1x1x1x125xi32, #tpu.memory_space<hbm>> -> memref<125xi32, #tpu.memory_space<hbm>>
    %dma_start3A_241 = arith.constant 0 : i32
    %dma_start3A_242 = tpu.memref_slice %arg5[%dma_start3A_234, %dma_start3A_241] : memref<2x125xi32, #tpu.memory_space<vmem>> -> memref<1x125xi32, #tpu.memory_space<vmem>>
    %dma_start3A_243 = tpu.memref_squeeze %dma_start3A_242 : memref<1x125xi32, #tpu.memory_space<vmem>> -> memref<125xi32, #tpu.memory_space<vmem>>
    %dma_start3A_244 = arith.constant 0 : i32
    %dma_start3A_245 = tpu.memref_slice %arg3[%dma_start3A_232, %add3A, %dma_start3A_233, %dma_start3A_244] : memref<2x32x80x125xi32, #tpu.memory_space<hbm>> -> memref<1x1x1x125xi32, #tpu.memory_space<hbm>>
    %dma_start3A_246 = tpu.memref_squeeze %dma_start3A_245 : memref<1x1x1x125xi32, #tpu.memory_space<hbm>> -> memref<125xi32, #tpu.memory_space<hbm>>
    tpu.enqueue_dma source(%dma_start3A_246 : memref<125xi32, #tpu.memory_space<hbm>>) target(%dma_start3A_243 : memref<125xi32, #tpu.memory_space<vmem>>) target_semaphore(%arg12 : memref<!tpu.dma_semaphore, #tpu.memory_space<semaphore_mem>>)
    %dma_wait3A_247 = arith.constant 0 : i32
    %dma_wait3A_248 = arith.constant 0 : i32
    %dma_wait3A_249 = tpu.memref_slice %arg6[%dma_wait3A_247, %dma_wait3A_248] : memref<2x125xi32, #tpu.memory_space<vmem>> -> memref<1x125xi32, #tpu.memory_space<vmem>>
    %dma_wait3A_250 = tpu.memref_squeeze %dma_wait3A_249 : memref<1x125xi32, #tpu.memory_space<vmem>> -> memref<125xi32, #tpu.memory_space<vmem>>
    %dma_wait3A_251 = arith.constant 0 : i32
    %dma_wait3A_252 = arith.constant 0 : i32
    %dma_wait3A_253 = tpu.memref_slice %arg2[%dma_wait3A_251, %dma_wait3A_252] : memref<10000x64xf32, #tpu.memory_space<hbm>> -> memref<10000x64xf32, #tpu.memory_space<hbm>>
    tpu.wait_indirect_dma semaphore(%arg17 : memref<!tpu.dma_semaphore, #tpu.memory_space<semaphore_mem>>) src(%dma_wait3A_253 : memref<10000x64xf32, #tpu.memory_space<hbm>>) dst(%arg10 : memref<125x64xf32, #tpu.memory_space<vmem>>)
    %dma_start3A_254 = arith.constant 1 : i32
    %dma_start3A_255 = arith.constant 0 : i32
    %dma_start3A_256 = tpu.memref_slice %arg6[%dma_start3A_254, %dma_start3A_255] : memref<2x125xi32, #tpu.memory_space<vmem>> -> memref<1x125xi32, #tpu.memory_space<vmem>>
    %dma_start3A_257 = tpu.memref_squeeze %dma_start3A_256 : memref<1x125xi32, #tpu.memory_space<vmem>> -> memref<125xi32, #tpu.memory_space<vmem>>
    %dma_start3A_258 = arith.constant 0 : i32
    %dma_start3A_259 = arith.constant 0 : i32
    %dma_start3A_260 = tpu.memref_slice %arg11[%dma_start3A_258, %dma_start3A_259] : memref<10000x64xf32, #tpu.memory_space<vmem_shared>> -> memref<10000x64xf32, #tpu.memory_space<vmem_shared>>
    tpu.enqueue_indirect_dma source(%arg10 : memref<125x64xf32, #tpu.memory_space<vmem>>) target(%dma_start3A_260 : memref<10000x64xf32, #tpu.memory_space<vmem_shared>>) offsets(%dma_start3A_257 : memref<125xi32, #tpu.memory_space<vmem>>) semaphore(%arg19 : memref<!tpu.dma_semaphore, #tpu.memory_space<semaphore_mem>>) {add = true}
    %dma_wait3A_261 = arith.constant 0 : i32
    %dma_wait3A_262 = arith.constant 3 : i32
    %dma_wait3A_263 = arith.constant 0 : i32
    %dma_wait3A_264 = arith.constant 0 : i32
    %dma_wait3A_265 = tpu.memref_slice %arg8[%dma_wait3A_263, %dma_wait3A_264] : memref<2x125xi32, #tpu.memory_space<vmem>> -> memref<1x125xi32, #tpu.memory_space<vmem>>
    %dma_wait3A_266 = tpu.memref_squeeze %dma_wait3A_265 : memref<1x125xi32, #tpu.memory_space<vmem>> -> memref<125xi32, #tpu.memory_space<vmem>>
    %dma_wait3A_267 = arith.constant 0 : i32
    %dma_wait3A_268 = tpu.memref_slice %arg3[%dma_wait3A_261, %add3A, %dma_wait3A_262, %dma_wait3A_267] : memref<2x32x80x125xi32, #tpu.memory_space<hbm>> -> memref<1x1x1x125xi32, #tpu.memory_space<hbm>>
    %dma_wait3A_269 = tpu.memref_squeeze %dma_wait3A_268 : memref<1x1x1x125xi32, #tpu.memory_space<hbm>> -> memref<125xi32, #tpu.memory_space<hbm>>
    %dma_wait3A_270 = arith.constant 0 : i32
    %dma_wait3A_271 = tpu.memref_slice %arg8[%dma_wait3A_263, %dma_wait3A_270] : memref<2x125xi32, #tpu.memory_space<vmem>> -> memref<1x125xi32, #tpu.memory_space<vmem>>
    %dma_wait3A_272 = tpu.memref_squeeze %dma_wait3A_271 : memref<1x125xi32, #tpu.memory_space<vmem>> -> memref<125xi32, #tpu.memory_space<vmem>>
    %dma_wait3A_273 = arith.constant 0 : i32
    %dma_wait3A_274 = tpu.memref_slice %arg3[%dma_wait3A_261, %add3A, %dma_wait3A_262, %dma_wait3A_273] : memref<2x32x80x125xi32, #tpu.memory_space<hbm>> -> memref<1x1x1x125xi32, #tpu.memory_space<hbm>>
    %dma_wait3A_275 = tpu.memref_squeeze %dma_wait3A_274 : memref<1x1x1x125xi32, #tpu.memory_space<hbm>> -> memref<125xi32, #tpu.memory_space<hbm>>
    tpu.wait_dma2 semaphore(%arg15 : memref<!tpu.dma_semaphore, #tpu.memory_space<semaphore_mem>>) src(%dma_wait3A_275 : memref<125xi32, #tpu.memory_space<hbm>>) dst(%dma_wait3A_272 : memref<125xi32, #tpu.memory_space<vmem>>)
    %dma_wait3A_276 = arith.constant 1 : i32
    %dma_wait3A_277 = arith.constant 3 : i32
    %dma_wait3A_278 = arith.constant 1 : i32
    %dma_wait3A_279 = arith.constant 0 : i32
    %dma_wait3A_280 = tpu.memref_slice %arg8[%dma_wait3A_278, %dma_wait3A_279] : memref<2x125xi32, #tpu.memory_space<vmem>> -> memref<1x125xi32, #tpu.memory_space<vmem>>
    %dma_wait3A_281 = tpu.memref_squeeze %dma_wait3A_280 : memref<1x125xi32, #tpu.memory_space<vmem>> -> memref<125xi32, #tpu.memory_space<vmem>>
    %dma_wait3A_282 = arith.constant 0 : i32
    %dma_wait3A_283 = tpu.memref_slice %arg3[%dma_wait3A_276, %add3A, %dma_wait3A_277, %dma_wait3A_282] : memref<2x32x80x125xi32, #tpu.memory_space<hbm>> -> memref<1x1x1x125xi32, #tpu.memory_space<hbm>>
    %dma_wait3A_284 = tpu.memref_squeeze %dma_wait3A_283 : memref<1x1x1x125xi32, #tpu.memory_space<hbm>> -> memref<125xi32, #tpu.memory_space<hbm>>
    %dma_wait3A_285 = arith.constant 0 : i32
    %dma_wait3A_286 = tpu.memref_slice %arg8[%dma_wait3A_278, %dma_wait3A_285] : memref<2x125xi32, #tpu.memory_space<vmem>> -> memref<1x125xi32, #tpu.memory_space<vmem>>
    %dma_wait3A_287 = tpu.memref_squeeze %dma_wait3A_286 : memref<1x125xi32, #tpu.memory_space<vmem>> -> memref<125xi32, #tpu.memory_space<vmem>>
    %dma_wait3A_288 = arith.constant 0 : i32
    %dma_wait3A_289 = tpu.memref_slice %arg3[%dma_wait3A_276, %add3A, %dma_wait3A_277, %dma_wait3A_288] : memref<2x32x80x125xi32, #tpu.memory_space<hbm>> -> memref<1x1x1x125xi32, #tpu.memory_space<hbm>>
    %dma_wait3A_290 = tpu.memref_squeeze %dma_wait3A_289 : memref<1x1x1x125xi32, #tpu.memory_space<hbm>> -> memref<125xi32, #tpu.memory_space<hbm>>
    tpu.wait_dma2 semaphore(%arg15 : memref<!tpu.dma_semaphore, #tpu.memory_space<semaphore_mem>>) src(%dma_wait3A_290 : memref<125xi32, #tpu.memory_space<hbm>>) dst(%dma_wait3A_287 : memref<125xi32, #tpu.memory_space<vmem>>)
    %dma_wait3A_291 = arith.constant 1 : i32
    %dma_wait3A_292 = arith.constant 0 : i32
    %dma_wait3A_293 = tpu.memref_slice %arg6[%dma_wait3A_291, %dma_wait3A_292] : memref<2x125xi32, #tpu.memory_space<vmem>> -> memref<1x125xi32, #tpu.memory_space<vmem>>
    %dma_wait3A_294 = tpu.memref_squeeze %dma_wait3A_293 : memref<1x125xi32, #tpu.memory_space<vmem>> -> memref<125xi32, #tpu.memory_space<vmem>>
    %dma_wait3A_295 = arith.constant 0 : i32
    %dma_wait3A_296 = arith.constant 0 : i32
    %dma_wait3A_297 = tpu.memref_slice %arg11[%dma_wait3A_295, %dma_wait3A_296] : memref<10000x64xf32, #tpu.memory_space<vmem_shared>> -> memref<10000x64xf32, #tpu.memory_space<vmem_shared>>
    tpu.wait_indirect_dma semaphore(%arg19 : memref<!tpu.dma_semaphore, #tpu.memory_space<semaphore_mem>>) src(%arg10 : memref<125x64xf32, #tpu.memory_space<vmem>>) dst(%dma_wait3A_297 : memref<10000x64xf32, #tpu.memory_space<vmem_shared>>)
    %dma_start3A_298 = arith.constant 0 : i32
    %dma_start3A_299 = arith.constant 0 : i32
    %dma_start3A_300 = tpu.memref_slice %arg8[%dma_start3A_298, %dma_start3A_299] : memref<2x125xi32, #tpu.memory_space<vmem>> -> memref<1x125xi32, #tpu.memory_space<vmem>>
    %dma_start3A_301 = tpu.memref_squeeze %dma_start3A_300 : memref<1x125xi32, #tpu.memory_space<vmem>> -> memref<125xi32, #tpu.memory_space<vmem>>
    %dma_start3A_302 = arith.constant 0 : i32
    %dma_start3A_303 = arith.constant 0 : i32
    %dma_start3A_304 = tpu.memref_slice %arg2[%dma_start3A_302, %dma_start3A_303] : memref<10000x64xf32, #tpu.memory_space<hbm>> -> memref<10000x64xf32, #tpu.memory_space<hbm>>
    tpu.enqueue_indirect_dma source(%dma_start3A_304 : memref<10000x64xf32, #tpu.memory_space<hbm>>) target(%arg10 : memref<125x64xf32, #tpu.memory_space<vmem>>) offsets(%dma_start3A_301 : memref<125xi32, #tpu.memory_space<vmem>>) semaphore(%arg17 : memref<!tpu.dma_semaphore, #tpu.memory_space<semaphore_mem>>)
    %dma_start3A_305 = arith.constant 0 : i32
    %dma_start3A_306 = arith.constant 5 : i32
    %dma_start3A_307 = arith.constant 0 : i32
    %dma_start3A_308 = arith.constant 0 : i32
    %dma_start3A_309 = tpu.memref_slice %arg6[%dma_start3A_307, %dma_start3A_308] : memref<2x125xi32, #tpu.memory_space<vmem>> -> memref<1x125xi32, #tpu.memory_space<vmem>>
    %dma_start3A_310 = tpu.memref_squeeze %dma_start3A_309 : memref<1x125xi32, #tpu.memory_space<vmem>> -> memref<125xi32, #tpu.memory_space<vmem>>
    %dma_start3A_311 = arith.constant 0 : i32
    %dma_start3A_312 = tpu.memref_slice %arg3[%dma_start3A_305, %add3A, %dma_start3A_306, %dma_start3A_311] : memref<2x32x80x125xi32, #tpu.memory_space<hbm>> -> memref<1x1x1x125xi32, #tpu.memory_space<hbm>>
    %dma_start3A_313 = tpu.memref_squeeze %dma_start3A_312 : memref<1x1x1x125xi32, #tpu.memory_space<hbm>> -> memref<125xi32, #tpu.memory_space<hbm>>
    %dma_start3A_314 = arith.constant 0 : i32
    %dma_start3A_315 = tpu.memref_slice %arg6[%dma_start3A_307, %dma_start3A_314] : memref<2x125xi32, #tpu.memory_space<vmem>> -> memref<1x125xi32, #tpu.memory_space<vmem>>
    %dma_start3A_316 = tpu.memref_squeeze %dma_start3A_315 : memref<1x125xi32, #tpu.memory_space<vmem>> -> memref<125xi32, #tpu.memory_space<vmem>>
    %dma_start3A_317 = arith.constant 0 : i32
    %dma_start3A_318 = tpu.memref_slice %arg3[%dma_start3A_305, %add3A, %dma_start3A_306, %dma_start3A_317] : memref<2x32x80x125xi32, #tpu.memory_space<hbm>> -> memref<1x1x1x125xi32, #tpu.memory_space<hbm>>
    %dma_start3A_319 = tpu.memref_squeeze %dma_start3A_318 : memref<1x1x1x125xi32, #tpu.memory_space<hbm>> -> memref<125xi32, #tpu.memory_space<hbm>>
    tpu.enqueue_dma source(%dma_start3A_319 : memref<125xi32, #tpu.memory_space<hbm>>) target(%dma_start3A_316 : memref<125xi32, #tpu.memory_space<vmem>>) target_semaphore(%arg13 : memref<!tpu.dma_semaphore, #tpu.memory_space<semaphore_mem>>)
    %dma_start3A_320 = arith.constant 1 : i32
    %dma_start3A_321 = arith.constant 5 : i32
    %dma_start3A_322 = arith.constant 1 : i32
    %dma_start3A_323 = arith.constant 0 : i32
    %dma_start3A_324 = tpu.memref_slice %arg6[%dma_start3A_322, %dma_start3A_323] : memref<2x125xi32, #tpu.memory_space<vmem>> -> memref<1x125xi32, #tpu.memory_space<vmem>>
    %dma_start3A_325 = tpu.memref_squeeze %dma_start3A_324 : memref<1x125xi32, #tpu.memory_space<vmem>> -> memref<125xi32, #tpu.memory_space<vmem>>
    %dma_start3A_326 = arith.constant 0 : i32
    %dma_start3A_327 = tpu.memref_slice %arg3[%dma_start3A_320, %add3A, %dma_start3A_321, %dma_start3A_326] : memref<2x32x80x125xi32, #tpu.memory_space<hbm>> -> memref<1x1x1x125xi32, #tpu.memory_space<hbm>>
    %dma_start3A_328 = tpu.memref_squeeze %dma_start3A_327 : memref<1x1x1x125xi32, #tpu.memory_space<hbm>> -> memref<125xi32, #tpu.memory_space<hbm>>
    %dma_start3A_329 = arith.constant 0 : i32
    %dma_start3A_330 = tpu.memref_slice %arg6[%dma_start3A_322, %dma_start3A_329] : memref<2x125xi32, #tpu.memory_space<vmem>> -> memref<1x125xi32, #tpu.memory_space<vmem>>
    %dma_start3A_331 = tpu.memref_squeeze %dma_start3A_330 : memref<1x125xi32, #tpu.memory_space<vmem>> -> memref<125xi32, #tpu.memory_space<vmem>>
    %dma_start3A_332 = arith.constant 0 : i32
    %dma_start3A_333 = tpu.memref_slice %arg3[%dma_start3A_320, %add3A, %dma_start3A_321, %dma_start3A_332] : memref<2x32x80x125xi32, #tpu.memory_space<hbm>> -> memref<1x1x1x125xi32, #tpu.memory_space<hbm>>
    %dma_start3A_334 = tpu.memref_squeeze %dma_start3A_333 : memref<1x1x1x125xi32, #tpu.memory_space<hbm>> -> memref<125xi32, #tpu.memory_space<hbm>>
    tpu.enqueue_dma source(%dma_start3A_334 : memref<125xi32, #tpu.memory_space<hbm>>) target(%dma_start3A_331 : memref<125xi32, #tpu.memory_space<vmem>>) target_semaphore(%arg13 : memref<!tpu.dma_semaphore, #tpu.memory_space<semaphore_mem>>)
    %dma_wait3A_335 = arith.constant 0 : i32
    %dma_wait3A_336 = arith.constant 0 : i32
    %dma_wait3A_337 = tpu.memref_slice %arg7[%dma_wait3A_335, %dma_wait3A_336] : memref<2x125xi32, #tpu.memory_space<vmem>> -> memref<1x125xi32, #tpu.memory_space<vmem>>
    %dma_wait3A_338 = tpu.memref_squeeze %dma_wait3A_337 : memref<1x125xi32, #tpu.memory_space<vmem>> -> memref<125xi32, #tpu.memory_space<vmem>>
    %dma_wait3A_339 = arith.constant 0 : i32
    %dma_wait3A_340 = arith.constant 0 : i32
    %dma_wait3A_341 = tpu.memref_slice %arg2[%dma_wait3A_339, %dma_wait3A_340] : memref<10000x64xf32, #tpu.memory_space<hbm>> -> memref<10000x64xf32, #tpu.memory_space<hbm>>
    tpu.wait_indirect_dma semaphore(%arg16 : memref<!tpu.dma_semaphore, #tpu.memory_space<semaphore_mem>>) src(%dma_wait3A_341 : memref<10000x64xf32, #tpu.memory_space<hbm>>) dst(%arg9 : memref<125x64xf32, #tpu.memory_space<vmem>>)
    %dma_start3A_342 = arith.constant 1 : i32
    %dma_start3A_343 = arith.constant 0 : i32
    %dma_start3A_344 = tpu.memref_slice %arg7[%dma_start3A_342, %dma_start3A_343] : memref<2x125xi32, #tpu.memory_space<vmem>> -> memref<1x125xi32, #tpu.memory_space<vmem>>
    %dma_start3A_345 = tpu.memref_squeeze %dma_start3A_344 : memref<1x125xi32, #tpu.memory_space<vmem>> -> memref<125xi32, #tpu.memory_space<vmem>>
    %dma_start3A_346 = arith.constant 0 : i32
    %dma_start3A_347 = arith.constant 0 : i32
    %dma_start3A_348 = tpu.memref_slice %arg11[%dma_start3A_346, %dma_start3A_347] : memref<10000x64xf32, #tpu.memory_space<vmem_shared>> -> memref<10000x64xf32, #tpu.memory_space<vmem_shared>>
    tpu.enqueue_indirect_dma source(%arg9 : memref<125x64xf32, #tpu.memory_space<vmem>>) target(%dma_start3A_348 : memref<10000x64xf32, #tpu.memory_space<vmem_shared>>) offsets(%dma_start3A_345 : memref<125xi32, #tpu.memory_space<vmem>>) semaphore(%arg18 : memref<!tpu.dma_semaphore, #tpu.memory_space<semaphore_mem>>) {add = true}
    %scan3A_349 = arith.constant 0 : i32
    %scan3A_350 = arith.constant 0 : i32
    %scan3A_351 = arith.constant 19 : i32
    %scan3A_352 = arith.addi %scan3A_350, %scan3A_351 : i32
    %scan3A_353 = arith.constant 1 : i32
    scf.for %scan3A_393 = %scan3A_350 to %scan3A_352 step %scan3A_353  : i32 {
      %mul3A_394 = arith.constant 4 : i32
      %mul3A_395 = arith.muli %scan3A_393, %mul3A_394 : i32
      %add3A_396 = arith.constant 4 : i32
      %add3A_397 = arith.addi %mul3A_395, %add3A_396 : i32
      %add3A_398 = arith.constant 0 : i32
      %add3A_399 = arith.addi %add3A_397, %add3A_398 : i32
      %dma_wait3A_400 = arith.constant 0 : i32
      %dma_wait3A_401 = arith.constant 0 : i32
      %dma_wait3A_402 = arith.constant 0 : i32
      %dma_wait3A_403 = tpu.memref_slice %arg5[%dma_wait3A_401, %dma_wait3A_402] : memref<2x125xi32, #tpu.memory_space<vmem>> -> memref<1x125xi32, #tpu.memory_space<vmem>>
      %dma_wait3A_404 = tpu.memref_squeeze %dma_wait3A_403 : memref<1x125xi32, #tpu.memory_space<vmem>> -> memref<125xi32, #tpu.memory_space<vmem>>
      %dma_wait3A_405 = arith.constant 0 : i32
      %dma_wait3A_406 = tpu.memref_slice %arg3[%dma_wait3A_400, %add3A, %add3A_399, %dma_wait3A_405] : memref<2x32x80x125xi32, #tpu.memory_space<hbm>> -> memref<1x1x1x125xi32, #tpu.memory_space<hbm>>
      %dma_wait3A_407 = tpu.memref_squeeze %dma_wait3A_406 : memref<1x1x1x125xi32, #tpu.memory_space<hbm>> -> memref<125xi32, #tpu.memory_space<hbm>>
      %dma_wait3A_408 = arith.constant 0 : i32
      %dma_wait3A_409 = tpu.memref_slice %arg5[%dma_wait3A_401, %dma_wait3A_408] : memref<2x125xi32, #tpu.memory_space<vmem>> -> memref<1x125xi32, #tpu.memory_space<vmem>>
      %dma_wait3A_410 = tpu.memref_squeeze %dma_wait3A_409 : memref<1x125xi32, #tpu.memory_space<vmem>> -> memref<125xi32, #tpu.memory_space<vmem>>
      %dma_wait3A_411 = arith.constant 0 : i32
      %dma_wait3A_412 = tpu.memref_slice %arg3[%dma_wait3A_400, %add3A, %add3A_399, %dma_wait3A_411] : memref<2x32x80x125xi32, #tpu.memory_space<hbm>> -> memref<1x1x1x125xi32, #tpu.memory_space<hbm>>
      %dma_wait3A_413 = tpu.memref_squeeze %dma_wait3A_412 : memref<1x1x1x125xi32, #tpu.memory_space<hbm>> -> memref<125xi32, #tpu.memory_space<hbm>>
      tpu.wait_dma2 semaphore(%arg12 : memref<!tpu.dma_semaphore, #tpu.memory_space<semaphore_mem>>) src(%dma_wait3A_413 : memref<125xi32, #tpu.memory_space<hbm>>) dst(%dma_wait3A_410 : memref<125xi32, #tpu.memory_space<vmem>>)
      %dma_wait3A_414 = arith.constant 1 : i32
      %dma_wait3A_415 = arith.constant 1 : i32
      %dma_wait3A_416 = arith.constant 0 : i32
      %dma_wait3A_417 = tpu.memref_slice %arg5[%dma_wait3A_415, %dma_wait3A_416] : memref<2x125xi32, #tpu.memory_space<vmem>> -> memref<1x125xi32, #tpu.memory_space<vmem>>
      %dma_wait3A_418 = tpu.memref_squeeze %dma_wait3A_417 : memref<1x125xi32, #tpu.memory_space<vmem>> -> memref<125xi32, #tpu.memory_space<vmem>>
      %dma_wait3A_419 = arith.constant 0 : i32
      %dma_wait3A_420 = tpu.memref_slice %arg3[%dma_wait3A_414, %add3A, %add3A_399, %dma_wait3A_419] : memref<2x32x80x125xi32, #tpu.memory_space<hbm>> -> memref<1x1x1x125xi32, #tpu.memory_space<hbm>>
      %dma_wait3A_421 = tpu.memref_squeeze %dma_wait3A_420 : memref<1x1x1x125xi32, #tpu.memory_space<hbm>> -> memref<125xi32, #tpu.memory_space<hbm>>
      %dma_wait3A_422 = arith.constant 0 : i32
      %dma_wait3A_423 = tpu.memref_slice %arg5[%dma_wait3A_415, %dma_wait3A_422] : memref<2x125xi32, #tpu.memory_space<vmem>> -> memref<1x125xi32, #tpu.memory_space<vmem>>
      %dma_wait3A_424 = tpu.memref_squeeze %dma_wait3A_423 : memref<1x125xi32, #tpu.memory_space<vmem>> -> memref<125xi32, #tpu.memory_space<vmem>>
      %dma_wait3A_425 = arith.constant 0 : i32
      %dma_wait3A_426 = tpu.memref_slice %arg3[%dma_wait3A_414, %add3A, %add3A_399, %dma_wait3A_425] : memref<2x32x80x125xi32, #tpu.memory_space<hbm>> -> memref<1x1x1x125xi32, #tpu.memory_space<hbm>>
      %dma_wait3A_427 = tpu.memref_squeeze %dma_wait3A_426 : memref<1x1x1x125xi32, #tpu.memory_space<hbm>> -> memref<125xi32, #tpu.memory_space<hbm>>
      tpu.wait_dma2 semaphore(%arg12 : memref<!tpu.dma_semaphore, #tpu.memory_space<semaphore_mem>>) src(%dma_wait3A_427 : memref<125xi32, #tpu.memory_space<hbm>>) dst(%dma_wait3A_424 : memref<125xi32, #tpu.memory_space<vmem>>)
      %dma_wait3A_428 = arith.constant 1 : i32
      %dma_wait3A_429 = arith.constant 0 : i32
      %dma_wait3A_430 = tpu.memref_slice %arg7[%dma_wait3A_428, %dma_wait3A_429] : memref<2x125xi32, #tpu.memory_space<vmem>> -> memref<1x125xi32, #tpu.memory_space<vmem>>
      %dma_wait3A_431 = tpu.memref_squeeze %dma_wait3A_430 : memref<1x125xi32, #tpu.memory_space<vmem>> -> memref<125xi32, #tpu.memory_space<vmem>>
      %dma_wait3A_432 = arith.constant 0 : i32
      %dma_wait3A_433 = arith.constant 0 : i32
      %dma_wait3A_434 = tpu.memref_slice %arg11[%dma_wait3A_432, %dma_wait3A_433] : memref<10000x64xf32, #tpu.memory_space<vmem_shared>> -> memref<10000x64xf32, #tpu.memory_space<vmem_shared>>
      tpu.wait_indirect_dma semaphore(%arg18 : memref<!tpu.dma_semaphore, #tpu.memory_space<semaphore_mem>>) src(%arg9 : memref<125x64xf32, #tpu.memory_space<vmem>>) dst(%dma_wait3A_434 : memref<10000x64xf32, #tpu.memory_space<vmem_shared>>)
      %dma_start3A_435 = arith.constant 0 : i32
      %dma_start3A_436 = arith.constant 0 : i32
      %dma_start3A_437 = tpu.memref_slice %arg5[%dma_start3A_435, %dma_start3A_436] : memref<2x125xi32, #tpu.memory_space<vmem>> -> memref<1x125xi32, #tpu.memory_space<vmem>>
      %dma_start3A_438 = tpu.memref_squeeze %dma_start3A_437 : memref<1x125xi32, #tpu.memory_space<vmem>> -> memref<125xi32, #tpu.memory_space<vmem>>
      %dma_start3A_439 = arith.constant 0 : i32
      %dma_start3A_440 = arith.constant 0 : i32
      %dma_start3A_441 = tpu.memref_slice %arg2[%dma_start3A_439, %dma_start3A_440] : memref<10000x64xf32, #tpu.memory_space<hbm>> -> memref<10000x64xf32, #tpu.memory_space<hbm>>
      tpu.enqueue_indirect_dma source(%dma_start3A_441 : memref<10000x64xf32, #tpu.memory_space<hbm>>) target(%arg9 : memref<125x64xf32, #tpu.memory_space<vmem>>) offsets(%dma_start3A_438 : memref<125xi32, #tpu.memory_space<vmem>>) semaphore(%arg16 : memref<!tpu.dma_semaphore, #tpu.memory_space<semaphore_mem>>)
      %add3A_442 = arith.constant 2 : i32
      %add3A_443 = arith.addi %add3A_399, %add3A_442 : i32
      %dma_start3A_444 = arith.constant 0 : i32
      %dma_start3A_445 = arith.constant 0 : i32
      %dma_start3A_446 = arith.constant 0 : i32
      %dma_start3A_447 = tpu.memref_slice %arg7[%dma_start3A_445, %dma_start3A_446] : memref<2x125xi32, #tpu.memory_space<vmem>> -> memref<1x125xi32, #tpu.memory_space<vmem>>
      %dma_start3A_448 = tpu.memref_squeeze %dma_start3A_447 : memref<1x125xi32, #tpu.memory_space<vmem>> -> memref<125xi32, #tpu.memory_space<vmem>>
      %dma_start3A_449 = arith.constant 0 : i32
      %dma_start3A_450 = tpu.memref_slice %arg3[%dma_start3A_444, %add3A, %add3A_443, %dma_start3A_449] : memref<2x32x80x125xi32, #tpu.memory_space<hbm>> -> memref<1x1x1x125xi32, #tpu.memory_space<hbm>>
      %dma_start3A_451 = tpu.memref_squeeze %dma_start3A_450 : memref<1x1x1x125xi32, #tpu.memory_space<hbm>> -> memref<125xi32, #tpu.memory_space<hbm>>
      %dma_start3A_452 = arith.constant 0 : i32
      %dma_start3A_453 = tpu.memref_slice %arg7[%dma_start3A_445, %dma_start3A_452] : memref<2x125xi32, #tpu.memory_space<vmem>> -> memref<1x125xi32, #tpu.memory_space<vmem>>
      %dma_start3A_454 = tpu.memref_squeeze %dma_start3A_453 : memref<1x125xi32, #tpu.memory_space<vmem>> -> memref<125xi32, #tpu.memory_space<vmem>>
      %dma_start3A_455 = arith.constant 0 : i32
      %dma_start3A_456 = tpu.memref_slice %arg3[%dma_start3A_444, %add3A, %add3A_443, %dma_start3A_455] : memref<2x32x80x125xi32, #tpu.memory_space<hbm>> -> memref<1x1x1x125xi32, #tpu.memory_space<hbm>>
      %dma_start3A_457 = tpu.memref_squeeze %dma_start3A_456 : memref<1x1x1x125xi32, #tpu.memory_space<hbm>> -> memref<125xi32, #tpu.memory_space<hbm>>
      tpu.enqueue_dma source(%dma_start3A_457 : memref<125xi32, #tpu.memory_space<hbm>>) target(%dma_start3A_454 : memref<125xi32, #tpu.memory_space<vmem>>) target_semaphore(%arg14 : memref<!tpu.dma_semaphore, #tpu.memory_space<semaphore_mem>>)
      %dma_start3A_458 = arith.constant 1 : i32
      %dma_start3A_459 = arith.constant 1 : i32
      %dma_start3A_460 = arith.constant 0 : i32
      %dma_start3A_461 = tpu.memref_slice %arg7[%dma_start3A_459, %dma_start3A_460] : memref<2x125xi32, #tpu.memory_space<vmem>> -> memref<1x125xi32, #tpu.memory_space<vmem>>
      %dma_start3A_462 = tpu.memref_squeeze %dma_start3A_461 : memref<1x125xi32, #tpu.memory_space<vmem>> -> memref<125xi32, #tpu.memory_space<vmem>>
      %dma_start3A_463 = arith.constant 0 : i32
      %dma_start3A_464 = tpu.memref_slice %arg3[%dma_start3A_458, %add3A, %add3A_443, %dma_start3A_463] : memref<2x32x80x125xi32, #tpu.memory_space<hbm>> -> memref<1x1x1x125xi32, #tpu.memory_space<hbm>>
      %dma_start3A_465 = tpu.memref_squeeze %dma_start3A_464 : memref<1x1x1x125xi32, #tpu.memory_space<hbm>> -> memref<125xi32, #tpu.memory_space<hbm>>
      %dma_start3A_466 = arith.constant 0 : i32
      %dma_start3A_467 = tpu.memref_slice %arg7[%dma_start3A_459, %dma_start3A_466] : memref<2x125xi32, #tpu.memory_space<vmem>> -> memref<1x125xi32, #tpu.memory_space<vmem>>
      %dma_start3A_468 = tpu.memref_squeeze %dma_start3A_467 : memref<1x125xi32, #tpu.memory_space<vmem>> -> memref<125xi32, #tpu.memory_space<vmem>>
      %dma_start3A_469 = arith.constant 0 : i32
      %dma_start3A_470 = tpu.memref_slice %arg3[%dma_start3A_458, %add3A, %add3A_443, %dma_start3A_469] : memref<2x32x80x125xi32, #tpu.memory_space<hbm>> -> memref<1x1x1x125xi32, #tpu.memory_space<hbm>>
      %dma_start3A_471 = tpu.memref_squeeze %dma_start3A_470 : memref<1x1x1x125xi32, #tpu.memory_space<hbm>> -> memref<125xi32, #tpu.memory_space<hbm>>
      tpu.enqueue_dma source(%dma_start3A_471 : memref<125xi32, #tpu.memory_space<hbm>>) target(%dma_start3A_468 : memref<125xi32, #tpu.memory_space<vmem>>) target_semaphore(%arg14 : memref<!tpu.dma_semaphore, #tpu.memory_space<semaphore_mem>>)
      %dma_wait3A_472 = arith.constant 0 : i32
      %dma_wait3A_473 = arith.constant 0 : i32
      %dma_wait3A_474 = tpu.memref_slice %arg8[%dma_wait3A_472, %dma_wait3A_473] : memref<2x125xi32, #tpu.memory_space<vmem>> -> memref<1x125xi32, #tpu.memory_space<vmem>>
      %dma_wait3A_475 = tpu.memref_squeeze %dma_wait3A_474 : memref<1x125xi32, #tpu.memory_space<vmem>> -> memref<125xi32, #tpu.memory_space<vmem>>
      %dma_wait3A_476 = arith.constant 0 : i32
      %dma_wait3A_477 = arith.constant 0 : i32
      %dma_wait3A_478 = tpu.memref_slice %arg2[%dma_wait3A_476, %dma_wait3A_477] : memref<10000x64xf32, #tpu.memory_space<hbm>> -> memref<10000x64xf32, #tpu.memory_space<hbm>>
      tpu.wait_indirect_dma semaphore(%arg17 : memref<!tpu.dma_semaphore, #tpu.memory_space<semaphore_mem>>) src(%dma_wait3A_478 : memref<10000x64xf32, #tpu.memory_space<hbm>>) dst(%arg10 : memref<125x64xf32, #tpu.memory_space<vmem>>)
      %dma_start3A_479 = arith.constant 1 : i32
      %dma_start3A_480 = arith.constant 0 : i32
      %dma_start3A_481 = tpu.memref_slice %arg8[%dma_start3A_479, %dma_start3A_480] : memref<2x125xi32, #tpu.memory_space<vmem>> -> memref<1x125xi32, #tpu.memory_space<vmem>>
      %dma_start3A_482 = tpu.memref_squeeze %dma_start3A_481 : memref<1x125xi32, #tpu.memory_space<vmem>> -> memref<125xi32, #tpu.memory_space<vmem>>
      %dma_start3A_483 = arith.constant 0 : i32
      %dma_start3A_484 = arith.constant 0 : i32
      %dma_start3A_485 = tpu.memref_slice %arg11[%dma_start3A_483, %dma_start3A_484] : memref<10000x64xf32, #tpu.memory_space<vmem_shared>> -> memref<10000x64xf32, #tpu.memory_space<vmem_shared>>
      tpu.enqueue_indirect_dma source(%arg10 : memref<125x64xf32, #tpu.memory_space<vmem>>) target(%dma_start3A_485 : memref<10000x64xf32, #tpu.memory_space<vmem_shared>>) offsets(%dma_start3A_482 : memref<125xi32, #tpu.memory_space<vmem>>) semaphore(%arg19 : memref<!tpu.dma_semaphore, #tpu.memory_space<semaphore_mem>>) {add = true}
      %add3A_486 = arith.constant 1 : i32
      %add3A_487 = arith.addi %add3A_397, %add3A_486 : i32
      %dma_wait3A_488 = arith.constant 0 : i32
      %dma_wait3A_489 = arith.constant 0 : i32
      %dma_wait3A_490 = arith.constant 0 : i32
      %dma_wait3A_491 = tpu.memref_slice %arg6[%dma_wait3A_489, %dma_wait3A_490] : memref<2x125xi32, #tpu.memory_space<vmem>> -> memref<1x125xi32, #tpu.memory_space<vmem>>
      %dma_wait3A_492 = tpu.memref_squeeze %dma_wait3A_491 : memref<1x125xi32, #tpu.memory_space<vmem>> -> memref<125xi32, #tpu.memory_space<vmem>>
      %dma_wait3A_493 = arith.constant 0 : i32
      %dma_wait3A_494 = tpu.memref_slice %arg3[%dma_wait3A_488, %add3A, %add3A_487, %dma_wait3A_493] : memref<2x32x80x125xi32, #tpu.memory_space<hbm>> -> memref<1x1x1x125xi32, #tpu.memory_space<hbm>>
      %dma_wait3A_495 = tpu.memref_squeeze %dma_wait3A_494 : memref<1x1x1x125xi32, #tpu.memory_space<hbm>> -> memref<125xi32, #tpu.memory_space<hbm>>
      %dma_wait3A_496 = arith.constant 0 : i32
      %dma_wait3A_497 = tpu.memref_slice %arg6[%dma_wait3A_489, %dma_wait3A_496] : memref<2x125xi32, #tpu.memory_space<vmem>> -> memref<1x125xi32, #tpu.memory_space<vmem>>
      %dma_wait3A_498 = tpu.memref_squeeze %dma_wait3A_497 : memref<1x125xi32, #tpu.memory_space<vmem>> -> memref<125xi32, #tpu.memory_space<vmem>>
      %dma_wait3A_499 = arith.constant 0 : i32
      %dma_wait3A_500 = tpu.memref_slice %arg3[%dma_wait3A_488, %add3A, %add3A_487, %dma_wait3A_499] : memref<2x32x80x125xi32, #tpu.memory_space<hbm>> -> memref<1x1x1x125xi32, #tpu.memory_space<hbm>>
      %dma_wait3A_501 = tpu.memref_squeeze %dma_wait3A_500 : memref<1x1x1x125xi32, #tpu.memory_space<hbm>> -> memref<125xi32, #tpu.memory_space<hbm>>
      tpu.wait_dma2 semaphore(%arg13 : memref<!tpu.dma_semaphore, #tpu.memory_space<semaphore_mem>>) src(%dma_wait3A_501 : memref<125xi32, #tpu.memory_space<hbm>>) dst(%dma_wait3A_498 : memref<125xi32, #tpu.memory_space<vmem>>)
      %dma_wait3A_502 = arith.constant 1 : i32
      %dma_wait3A_503 = arith.constant 1 : i32
      %dma_wait3A_504 = arith.constant 0 : i32
      %dma_wait3A_505 = tpu.memref_slice %arg6[%dma_wait3A_503, %dma_wait3A_504] : memref<2x125xi32, #tpu.memory_space<vmem>> -> memref<1x125xi32, #tpu.memory_space<vmem>>
      %dma_wait3A_506 = tpu.memref_squeeze %dma_wait3A_505 : memref<1x125xi32, #tpu.memory_space<vmem>> -> memref<125xi32, #tpu.memory_space<vmem>>
      %dma_wait3A_507 = arith.constant 0 : i32
      %dma_wait3A_508 = tpu.memref_slice %arg3[%dma_wait3A_502, %add3A, %add3A_487, %dma_wait3A_507] : memref<2x32x80x125xi32, #tpu.memory_space<hbm>> -> memref<1x1x1x125xi32, #tpu.memory_space<hbm>>
      %dma_wait3A_509 = tpu.memref_squeeze %dma_wait3A_508 : memref<1x1x1x125xi32, #tpu.memory_space<hbm>> -> memref<125xi32, #tpu.memory_space<hbm>>
      %dma_wait3A_510 = arith.constant 0 : i32
      %dma_wait3A_511 = tpu.memref_slice %arg6[%dma_wait3A_503, %dma_wait3A_510] : memref<2x125xi32, #tpu.memory_space<vmem>> -> memref<1x125xi32, #tpu.memory_space<vmem>>
      %dma_wait3A_512 = tpu.memref_squeeze %dma_wait3A_511 : memref<1x125xi32, #tpu.memory_space<vmem>> -> memref<125xi32, #tpu.memory_space<vmem>>
      %dma_wait3A_513 = arith.constant 0 : i32
      %dma_wait3A_514 = tpu.memref_slice %arg3[%dma_wait3A_502, %add3A, %add3A_487, %dma_wait3A_513] : memref<2x32x80x125xi32, #tpu.memory_space<hbm>> -> memref<1x1x1x125xi32, #tpu.memory_space<hbm>>
      %dma_wait3A_515 = tpu.memref_squeeze %dma_wait3A_514 : memref<1x1x1x125xi32, #tpu.memory_space<hbm>> -> memref<125xi32, #tpu.memory_space<hbm>>
      tpu.wait_dma2 semaphore(%arg13 : memref<!tpu.dma_semaphore, #tpu.memory_space<semaphore_mem>>) src(%dma_wait3A_515 : memref<125xi32, #tpu.memory_space<hbm>>) dst(%dma_wait3A_512 : memref<125xi32, #tpu.memory_space<vmem>>)
      %dma_wait3A_516 = arith.constant 1 : i32
      %dma_wait3A_517 = arith.constant 0 : i32
      %dma_wait3A_518 = tpu.memref_slice %arg8[%dma_wait3A_516, %dma_wait3A_517] : memref<2x125xi32, #tpu.memory_space<vmem>> -> memref<1x125xi32, #tpu.memory_space<vmem>>
      %dma_wait3A_519 = tpu.memref_squeeze %dma_wait3A_518 : memref<1x125xi32, #tpu.memory_space<vmem>> -> memref<125xi32, #tpu.memory_space<vmem>>
      %dma_wait3A_520 = arith.constant 0 : i32
      %dma_wait3A_521 = arith.constant 0 : i32
      %dma_wait3A_522 = tpu.memref_slice %arg11[%dma_wait3A_520, %dma_wait3A_521] : memref<10000x64xf32, #tpu.memory_space<vmem_shared>> -> memref<10000x64xf32, #tpu.memory_space<vmem_shared>>
      tpu.wait_indirect_dma semaphore(%arg19 : memref<!tpu.dma_semaphore, #tpu.memory_space<semaphore_mem>>) src(%arg10 : memref<125x64xf32, #tpu.memory_space<vmem>>) dst(%dma_wait3A_522 : memref<10000x64xf32, #tpu.memory_space<vmem_shared>>)
      %dma_start3A_523 = arith.constant 0 : i32
      %dma_start3A_524 = arith.constant 0 : i32
      %dma_start3A_525 = tpu.memref_slice %arg6[%dma_start3A_523, %dma_start3A_524] : memref<2x125xi32, #tpu.memory_space<vmem>> -> memref<1x125xi32, #tpu.memory_space<vmem>>
      %dma_start3A_526 = tpu.memref_squeeze %dma_start3A_525 : memref<1x125xi32, #tpu.memory_space<vmem>> -> memref<125xi32, #tpu.memory_space<vmem>>
      %dma_start3A_527 = arith.constant 0 : i32
      %dma_start3A_528 = arith.constant 0 : i32
      %dma_start3A_529 = tpu.memref_slice %arg2[%dma_start3A_527, %dma_start3A_528] : memref<10000x64xf32, #tpu.memory_space<hbm>> -> memref<10000x64xf32, #tpu.memory_space<hbm>>
      tpu.enqueue_indirect_dma source(%dma_start3A_529 : memref<10000x64xf32, #tpu.memory_space<hbm>>) target(%arg10 : memref<125x64xf32, #tpu.memory_space<vmem>>) offsets(%dma_start3A_526 : memref<125xi32, #tpu.memory_space<vmem>>) semaphore(%arg17 : memref<!tpu.dma_semaphore, #tpu.memory_space<semaphore_mem>>)
      %add3A_530 = arith.constant 2 : i32
      %add3A_531 = arith.addi %add3A_487, %add3A_530 : i32
      %dma_start3A_532 = arith.constant 0 : i32
      %dma_start3A_533 = arith.constant 0 : i32
      %dma_start3A_534 = arith.constant 0 : i32
      %dma_start3A_535 = tpu.memref_slice %arg8[%dma_start3A_533, %dma_start3A_534] : memref<2x125xi32, #tpu.memory_space<vmem>> -> memref<1x125xi32, #tpu.memory_space<vmem>>
      %dma_start3A_536 = tpu.memref_squeeze %dma_start3A_535 : memref<1x125xi32, #tpu.memory_space<vmem>> -> memref<125xi32, #tpu.memory_space<vmem>>
      %dma_start3A_537 = arith.constant 0 : i32
      %dma_start3A_538 = tpu.memref_slice %arg3[%dma_start3A_532, %add3A, %add3A_531, %dma_start3A_537] : memref<2x32x80x125xi32, #tpu.memory_space<hbm>> -> memref<1x1x1x125xi32, #tpu.memory_space<hbm>>
      %dma_start3A_539 = tpu.memref_squeeze %dma_start3A_538 : memref<1x1x1x125xi32, #tpu.memory_space<hbm>> -> memref<125xi32, #tpu.memory_space<hbm>>
      %dma_start3A_540 = arith.constant 0 : i32
      %dma_start3A_541 = tpu.memref_slice %arg8[%dma_start3A_533, %dma_start3A_540] : memref<2x125xi32, #tpu.memory_space<vmem>> -> memref<1x125xi32, #tpu.memory_space<vmem>>
      %dma_start3A_542 = tpu.memref_squeeze %dma_start3A_541 : memref<1x125xi32, #tpu.memory_space<vmem>> -> memref<125xi32, #tpu.memory_space<vmem>>
      %dma_start3A_543 = arith.constant 0 : i32
      %dma_start3A_544 = tpu.memref_slice %arg3[%dma_start3A_532, %add3A, %add3A_531, %dma_start3A_543] : memref<2x32x80x125xi32, #tpu.memory_space<hbm>> -> memref<1x1x1x125xi32, #tpu.memory_space<hbm>>
      %dma_start3A_545 = tpu.memref_squeeze %dma_start3A_544 : memref<1x1x1x125xi32, #tpu.memory_space<hbm>> -> memref<125xi32, #tpu.memory_space<hbm>>
      tpu.enqueue_dma source(%dma_start3A_545 : memref<125xi32, #tpu.memory_space<hbm>>) target(%dma_start3A_542 : memref<125xi32, #tpu.memory_space<vmem>>) target_semaphore(%arg15 : memref<!tpu.dma_semaphore, #tpu.memory_space<semaphore_mem>>)
      %dma_start3A_546 = arith.constant 1 : i32
      %dma_start3A_547 = arith.constant 1 : i32
      %dma_start3A_548 = arith.constant 0 : i32
      %dma_start3A_549 = tpu.memref_slice %arg8[%dma_start3A_547, %dma_start3A_548] : memref<2x125xi32, #tpu.memory_space<vmem>> -> memref<1x125xi32, #tpu.memory_space<vmem>>
      %dma_start3A_550 = tpu.memref_squeeze %dma_start3A_549 : memref<1x125xi32, #tpu.memory_space<vmem>> -> memref<125xi32, #tpu.memory_space<vmem>>
      %dma_start3A_551 = arith.constant 0 : i32
      %dma_start3A_552 = tpu.memref_slice %arg3[%dma_start3A_546, %add3A, %add3A_531, %dma_start3A_551] : memref<2x32x80x125xi32, #tpu.memory_space<hbm>> -> memref<1x1x1x125xi32, #tpu.memory_space<hbm>>
      %dma_start3A_553 = tpu.memref_squeeze %dma_start3A_552 : memref<1x1x1x125xi32, #tpu.memory_space<hbm>> -> memref<125xi32, #tpu.memory_space<hbm>>
      %dma_start3A_554 = arith.constant 0 : i32
      %dma_start3A_555 = tpu.memref_slice %arg8[%dma_start3A_547, %dma_start3A_554] : memref<2x125xi32, #tpu.memory_space<vmem>> -> memref<1x125xi32, #tpu.memory_space<vmem>>
      %dma_start3A_556 = tpu.memref_squeeze %dma_start3A_555 : memref<1x125xi32, #tpu.memory_space<vmem>> -> memref<125xi32, #tpu.memory_space<vmem>>
      %dma_start3A_557 = arith.constant 0 : i32
      %dma_start3A_558 = tpu.memref_slice %arg3[%dma_start3A_546, %add3A, %add3A_531, %dma_start3A_557] : memref<2x32x80x125xi32, #tpu.memory_space<hbm>> -> memref<1x1x1x125xi32, #tpu.memory_space<hbm>>
      %dma_start3A_559 = tpu.memref_squeeze %dma_start3A_558 : memref<1x1x1x125xi32, #tpu.memory_space<hbm>> -> memref<125xi32, #tpu.memory_space<hbm>>
      tpu.enqueue_dma source(%dma_start3A_559 : memref<125xi32, #tpu.memory_space<hbm>>) target(%dma_start3A_556 : memref<125xi32, #tpu.memory_space<vmem>>) target_semaphore(%arg15 : memref<!tpu.dma_semaphore, #tpu.memory_space<semaphore_mem>>)
      %dma_wait3A_560 = arith.constant 0 : i32
      %dma_wait3A_561 = arith.constant 0 : i32
      %dma_wait3A_562 = tpu.memref_slice %arg5[%dma_wait3A_560, %dma_wait3A_561] : memref<2x125xi32, #tpu.memory_space<vmem>> -> memref<1x125xi32, #tpu.memory_space<vmem>>
      %dma_wait3A_563 = tpu.memref_squeeze %dma_wait3A_562 : memref<1x125xi32, #tpu.memory_space<vmem>> -> memref<125xi32, #tpu.memory_space<vmem>>
      %dma_wait3A_564 = arith.constant 0 : i32
      %dma_wait3A_565 = arith.constant 0 : i32
      %dma_wait3A_566 = tpu.memref_slice %arg2[%dma_wait3A_564, %dma_wait3A_565] : memref<10000x64xf32, #tpu.memory_space<hbm>> -> memref<10000x64xf32, #tpu.memory_space<hbm>>
      tpu.wait_indirect_dma semaphore(%arg16 : memref<!tpu.dma_semaphore, #tpu.memory_space<semaphore_mem>>) src(%dma_wait3A_566 : memref<10000x64xf32, #tpu.memory_space<hbm>>) dst(%arg9 : memref<125x64xf32, #tpu.memory_space<vmem>>)
      %dma_start3A_567 = arith.constant 1 : i32
      %dma_start3A_568 = arith.constant 0 : i32
      %dma_start3A_569 = tpu.memref_slice %arg5[%dma_start3A_567, %dma_start3A_568] : memref<2x125xi32, #tpu.memory_space<vmem>> -> memref<1x125xi32, #tpu.memory_space<vmem>>
      %dma_start3A_570 = tpu.memref_squeeze %dma_start3A_569 : memref<1x125xi32, #tpu.memory_space<vmem>> -> memref<125xi32, #tpu.memory_space<vmem>>
      %dma_start3A_571 = arith.constant 0 : i32
      %dma_start3A_572 = arith.constant 0 : i32
      %dma_start3A_573 = tpu.memref_slice %arg11[%dma_start3A_571, %dma_start3A_572] : memref<10000x64xf32, #tpu.memory_space<vmem_shared>> -> memref<10000x64xf32, #tpu.memory_space<vmem_shared>>
      tpu.enqueue_indirect_dma source(%arg9 : memref<125x64xf32, #tpu.memory_space<vmem>>) target(%dma_start3A_573 : memref<10000x64xf32, #tpu.memory_space<vmem_shared>>) offsets(%dma_start3A_570 : memref<125xi32, #tpu.memory_space<vmem>>) semaphore(%arg18 : memref<!tpu.dma_semaphore, #tpu.memory_space<semaphore_mem>>) {add = true}
      %add3A_574 = arith.constant 2 : i32
      %add3A_575 = arith.addi %add3A_397, %add3A_574 : i32
      %dma_wait3A_576 = arith.constant 0 : i32
      %dma_wait3A_577 = arith.constant 0 : i32
      %dma_wait3A_578 = arith.constant 0 : i32
      %dma_wait3A_579 = tpu.memref_slice %arg7[%dma_wait3A_577, %dma_wait3A_578] : memref<2x125xi32, #tpu.memory_space<vmem>> -> memref<1x125xi32, #tpu.memory_space<vmem>>
      %dma_wait3A_580 = tpu.memref_squeeze %dma_wait3A_579 : memref<1x125xi32, #tpu.memory_space<vmem>> -> memref<125xi32, #tpu.memory_space<vmem>>
      %dma_wait3A_581 = arith.constant 0 : i32
      %dma_wait3A_582 = tpu.memref_slice %arg3[%dma_wait3A_576, %add3A, %add3A_575, %dma_wait3A_581] : memref<2x32x80x125xi32, #tpu.memory_space<hbm>> -> memref<1x1x1x125xi32, #tpu.memory_space<hbm>>
      %dma_wait3A_583 = tpu.memref_squeeze %dma_wait3A_582 : memref<1x1x1x125xi32, #tpu.memory_space<hbm>> -> memref<125xi32, #tpu.memory_space<hbm>>
      %dma_wait3A_584 = arith.constant 0 : i32
      %dma_wait3A_585 = tpu.memref_slice %arg7[%dma_wait3A_577, %dma_wait3A_584] : memref<2x125xi32, #tpu.memory_space<vmem>> -> memref<1x125xi32, #tpu.memory_space<vmem>>
      %dma_wait3A_586 = tpu.memref_squeeze %dma_wait3A_585 : memref<1x125xi32, #tpu.memory_space<vmem>> -> memref<125xi32, #tpu.memory_space<vmem>>
      %dma_wait3A_587 = arith.constant 0 : i32
      %dma_wait3A_588 = tpu.memref_slice %arg3[%dma_wait3A_576, %add3A, %add3A_575, %dma_wait3A_587] : memref<2x32x80x125xi32, #tpu.memory_space<hbm>> -> memref<1x1x1x125xi32, #tpu.memory_space<hbm>>
      %dma_wait3A_589 = tpu.memref_squeeze %dma_wait3A_588 : memref<1x1x1x125xi32, #tpu.memory_space<hbm>> -> memref<125xi32, #tpu.memory_space<hbm>>
      tpu.wait_dma2 semaphore(%arg14 : memref<!tpu.dma_semaphore, #tpu.memory_space<semaphore_mem>>) src(%dma_wait3A_589 : memref<125xi32, #tpu.memory_space<hbm>>) dst(%dma_wait3A_586 : memref<125xi32, #tpu.memory_space<vmem>>)
      %dma_wait3A_590 = arith.constant 1 : i32
      %dma_wait3A_591 = arith.constant 1 : i32
      %dma_wait3A_592 = arith.constant 0 : i32
      %dma_wait3A_593 = tpu.memref_slice %arg7[%dma_wait3A_591, %dma_wait3A_592] : memref<2x125xi32, #tpu.memory_space<vmem>> -> memref<1x125xi32, #tpu.memory_space<vmem>>
      %dma_wait3A_594 = tpu.memref_squeeze %dma_wait3A_593 : memref<1x125xi32, #tpu.memory_space<vmem>> -> memref<125xi32, #tpu.memory_space<vmem>>
      %dma_wait3A_595 = arith.constant 0 : i32
      %dma_wait3A_596 = tpu.memref_slice %arg3[%dma_wait3A_590, %add3A, %add3A_575, %dma_wait3A_595] : memref<2x32x80x125xi32, #tpu.memory_space<hbm>> -> memref<1x1x1x125xi32, #tpu.memory_space<hbm>>
      %dma_wait3A_597 = tpu.memref_squeeze %dma_wait3A_596 : memref<1x1x1x125xi32, #tpu.memory_space<hbm>> -> memref<125xi32, #tpu.memory_space<hbm>>
      %dma_wait3A_598 = arith.constant 0 : i32
      %dma_wait3A_599 = tpu.memref_slice %arg7[%dma_wait3A_591, %dma_wait3A_598] : memref<2x125xi32, #tpu.memory_space<vmem>> -> memref<1x125xi32, #tpu.memory_space<vmem>>
      %dma_wait3A_600 = tpu.memref_squeeze %dma_wait3A_599 : memref<1x125xi32, #tpu.memory_space<vmem>> -> memref<125xi32, #tpu.memory_space<vmem>>
      %dma_wait3A_601 = arith.constant 0 : i32
      %dma_wait3A_602 = tpu.memref_slice %arg3[%dma_wait3A_590, %add3A, %add3A_575, %dma_wait3A_601] : memref<2x32x80x125xi32, #tpu.memory_space<hbm>> -> memref<1x1x1x125xi32, #tpu.memory_space<hbm>>
      %dma_wait3A_603 = tpu.memref_squeeze %dma_wait3A_602 : memref<1x1x1x125xi32, #tpu.memory_space<hbm>> -> memref<125xi32, #tpu.memory_space<hbm>>
      tpu.wait_dma2 semaphore(%arg14 : memref<!tpu.dma_semaphore, #tpu.memory_space<semaphore_mem>>) src(%dma_wait3A_603 : memref<125xi32, #tpu.memory_space<hbm>>) dst(%dma_wait3A_600 : memref<125xi32, #tpu.memory_space<vmem>>)
      %dma_wait3A_604 = arith.constant 1 : i32
      %dma_wait3A_605 = arith.constant 0 : i32
      %dma_wait3A_606 = tpu.memref_slice %arg5[%dma_wait3A_604, %dma_wait3A_605] : memref<2x125xi32, #tpu.memory_space<vmem>> -> memref<1x125xi32, #tpu.memory_space<vmem>>
      %dma_wait3A_607 = tpu.memref_squeeze %dma_wait3A_606 : memref<1x125xi32, #tpu.memory_space<vmem>> -> memref<125xi32, #tpu.memory_space<vmem>>
      %dma_wait3A_608 = arith.constant 0 : i32
      %dma_wait3A_609 = arith.constant 0 : i32
      %dma_wait3A_610 = tpu.memref_slice %arg11[%dma_wait3A_608, %dma_wait3A_609] : memref<10000x64xf32, #tpu.memory_space<vmem_shared>> -> memref<10000x64xf32, #tpu.memory_space<vmem_shared>>
      tpu.wait_indirect_dma semaphore(%arg18 : memref<!tpu.dma_semaphore, #tpu.memory_space<semaphore_mem>>) src(%arg9 : memref<125x64xf32, #tpu.memory_space<vmem>>) dst(%dma_wait3A_610 : memref<10000x64xf32, #tpu.memory_space<vmem_shared>>)
      %dma_start3A_611 = arith.constant 0 : i32
      %dma_start3A_612 = arith.constant 0 : i32
      %dma_start3A_613 = tpu.memref_slice %arg7[%dma_start3A_611, %dma_start3A_612] : memref<2x125xi32, #tpu.memory_space<vmem>> -> memref<1x125xi32, #tpu.memory_space<vmem>>
      %dma_start3A_614 = tpu.memref_squeeze %dma_start3A_613 : memref<1x125xi32, #tpu.memory_space<vmem>> -> memref<125xi32, #tpu.memory_space<vmem>>
      %dma_start3A_615 = arith.constant 0 : i32
      %dma_start3A_616 = arith.constant 0 : i32
      %dma_start3A_617 = tpu.memref_slice %arg2[%dma_start3A_615, %dma_start3A_616] : memref<10000x64xf32, #tpu.memory_space<hbm>> -> memref<10000x64xf32, #tpu.memory_space<hbm>>
      tpu.enqueue_indirect_dma source(%dma_start3A_617 : memref<10000x64xf32, #tpu.memory_space<hbm>>) target(%arg9 : memref<125x64xf32, #tpu.memory_space<vmem>>) offsets(%dma_start3A_614 : memref<125xi32, #tpu.memory_space<vmem>>) semaphore(%arg16 : memref<!tpu.dma_semaphore, #tpu.memory_space<semaphore_mem>>)
      %lt3A = arith.constant 18 : i32
      %lt3A_618 = arith.cmpi slt, %scan3A_393, %lt3A : i32
      %convert_element_type3A_619 = arith.extui %lt3A_618 : i1 to i32
      %cond3A_620 = arith.constant 0 : i32
      %cond3A_621 = arith.cmpi ne, %convert_element_type3A_619, %cond3A_620 : i32
      scf.if %cond3A_621 {
        %add3A_699 = arith.constant 2 : i32
        %add3A_700 = arith.addi %add3A_575, %add3A_699 : i32
        %dma_start3A_701 = arith.constant 0 : i32
        %dma_start3A_702 = arith.constant 0 : i32
        %dma_start3A_703 = arith.constant 0 : i32
        %dma_start3A_704 = tpu.memref_slice %arg5[%dma_start3A_702, %dma_start3A_703] : memref<2x125xi32, #tpu.memory_space<vmem>> -> memref<1x125xi32, #tpu.memory_space<vmem>>
        %dma_start3A_705 = tpu.memref_squeeze %dma_start3A_704 : memref<1x125xi32, #tpu.memory_space<vmem>> -> memref<125xi32, #tpu.memory_space<vmem>>
        %dma_start3A_706 = arith.constant 0 : i32
        %dma_start3A_707 = tpu.memref_slice %arg3[%dma_start3A_701, %add3A, %add3A_700, %dma_start3A_706] : memref<2x32x80x125xi32, #tpu.memory_space<hbm>> -> memref<1x1x1x125xi32, #tpu.memory_space<hbm>>
        %dma_start3A_708 = tpu.memref_squeeze %dma_start3A_707 : memref<1x1x1x125xi32, #tpu.memory_space<hbm>> -> memref<125xi32, #tpu.memory_space<hbm>>
        %dma_start3A_709 = arith.constant 0 : i32
        %dma_start3A_710 = tpu.memref_slice %arg5[%dma_start3A_702, %dma_start3A_709] : memref<2x125xi32, #tpu.memory_space<vmem>> -> memref<1x125xi32, #tpu.memory_space<vmem>>
        %dma_start3A_711 = tpu.memref_squeeze %dma_start3A_710 : memref<1x125xi32, #tpu.memory_space<vmem>> -> memref<125xi32, #tpu.memory_space<vmem>>
        %dma_start3A_712 = arith.constant 0 : i32
        %dma_start3A_713 = tpu.memref_slice %arg3[%dma_start3A_701, %add3A, %add3A_700, %dma_start3A_712] : memref<2x32x80x125xi32, #tpu.memory_space<hbm>> -> memref<1x1x1x125xi32, #tpu.memory_space<hbm>>
        %dma_start3A_714 = tpu.memref_squeeze %dma_start3A_713 : memref<1x1x1x125xi32, #tpu.memory_space<hbm>> -> memref<125xi32, #tpu.memory_space<hbm>>
        tpu.enqueue_dma source(%dma_start3A_714 : memref<125xi32, #tpu.memory_space<hbm>>) target(%dma_start3A_711 : memref<125xi32, #tpu.memory_space<vmem>>) target_semaphore(%arg12 : memref<!tpu.dma_semaphore, #tpu.memory_space<semaphore_mem>>)
        %dma_start3A_715 = arith.constant 1 : i32
        %dma_start3A_716 = arith.constant 1 : i32
        %dma_start3A_717 = arith.constant 0 : i32
        %dma_start3A_718 = tpu.memref_slice %arg5[%dma_start3A_716, %dma_start3A_717] : memref<2x125xi32, #tpu.memory_space<vmem>> -> memref<1x125xi32, #tpu.memory_space<vmem>>
        %dma_start3A_719 = tpu.memref_squeeze %dma_start3A_718 : memref<1x125xi32, #tpu.memory_space<vmem>> -> memref<125xi32, #tpu.memory_space<vmem>>
        %dma_start3A_720 = arith.constant 0 : i32
        %dma_start3A_721 = tpu.memref_slice %arg3[%dma_start3A_715, %add3A, %add3A_700, %dma_start3A_720] : memref<2x32x80x125xi32, #tpu.memory_space<hbm>> -> memref<1x1x1x125xi32, #tpu.memory_space<hbm>>
        %dma_start3A_722 = tpu.memref_squeeze %dma_start3A_721 : memref<1x1x1x125xi32, #tpu.memory_space<hbm>> -> memref<125xi32, #tpu.memory_space<hbm>>
        %dma_start3A_723 = arith.constant 0 : i32
        %dma_start3A_724 = tpu.memref_slice %arg5[%dma_start3A_716, %dma_start3A_723] : memref<2x125xi32, #tpu.memory_space<vmem>> -> memref<1x125xi32, #tpu.memory_space<vmem>>
        %dma_start3A_725 = tpu.memref_squeeze %dma_start3A_724 : memref<1x125xi32, #tpu.memory_space<vmem>> -> memref<125xi32, #tpu.memory_space<vmem>>
        %dma_start3A_726 = arith.constant 0 : i32
        %dma_start3A_727 = tpu.memref_slice %arg3[%dma_start3A_715, %add3A, %add3A_700, %dma_start3A_726] : memref<2x32x80x125xi32, #tpu.memory_space<hbm>> -> memref<1x1x1x125xi32, #tpu.memory_space<hbm>>
        %dma_start3A_728 = tpu.memref_squeeze %dma_start3A_727 : memref<1x1x1x125xi32, #tpu.memory_space<hbm>> -> memref<125xi32, #tpu.memory_space<hbm>>
        tpu.enqueue_dma source(%dma_start3A_728 : memref<125xi32, #tpu.memory_space<hbm>>) target(%dma_start3A_725 : memref<125xi32, #tpu.memory_space<vmem>>) target_semaphore(%arg12 : memref<!tpu.dma_semaphore, #tpu.memory_space<semaphore_mem>>)
      } else {
      }
      %dma_wait3A_622 = arith.constant 0 : i32
      %dma_wait3A_623 = arith.constant 0 : i32
      %dma_wait3A_624 = tpu.memref_slice %arg6[%dma_wait3A_622, %dma_wait3A_623] : memref<2x125xi32, #tpu.memory_space<vmem>> -> memref<1x125xi32, #tpu.memory_space<vmem>>
      %dma_wait3A_625 = tpu.memref_squeeze %dma_wait3A_624 : memref<1x125xi32, #tpu.memory_space<vmem>> -> memref<125xi32, #tpu.memory_space<vmem>>
      %dma_wait3A_626 = arith.constant 0 : i32
      %dma_wait3A_627 = arith.constant 0 : i32
      %dma_wait3A_628 = tpu.memref_slice %arg2[%dma_wait3A_626, %dma_wait3A_627] : memref<10000x64xf32, #tpu.memory_space<hbm>> -> memref<10000x64xf32, #tpu.memory_space<hbm>>
      tpu.wait_indirect_dma semaphore(%arg17 : memref<!tpu.dma_semaphore, #tpu.memory_space<semaphore_mem>>) src(%dma_wait3A_628 : memref<10000x64xf32, #tpu.memory_space<hbm>>) dst(%arg10 : memref<125x64xf32, #tpu.memory_space<vmem>>)
      %dma_start3A_629 = arith.constant 1 : i32
      %dma_start3A_630 = arith.constant 0 : i32
      %dma_start3A_631 = tpu.memref_slice %arg6[%dma_start3A_629, %dma_start3A_630] : memref<2x125xi32, #tpu.memory_space<vmem>> -> memref<1x125xi32, #tpu.memory_space<vmem>>
      %dma_start3A_632 = tpu.memref_squeeze %dma_start3A_631 : memref<1x125xi32, #tpu.memory_space<vmem>> -> memref<125xi32, #tpu.memory_space<vmem>>
      %dma_start3A_633 = arith.constant 0 : i32
      %dma_start3A_634 = arith.constant 0 : i32
      %dma_start3A_635 = tpu.memref_slice %arg11[%dma_start3A_633, %dma_start3A_634] : memref<10000x64xf32, #tpu.memory_space<vmem_shared>> -> memref<10000x64xf32, #tpu.memory_space<vmem_shared>>
      tpu.enqueue_indirect_dma source(%arg10 : memref<125x64xf32, #tpu.memory_space<vmem>>) target(%dma_start3A_635 : memref<10000x64xf32, #tpu.memory_space<vmem_shared>>) offsets(%dma_start3A_632 : memref<125xi32, #tpu.memory_space<vmem>>) semaphore(%arg19 : memref<!tpu.dma_semaphore, #tpu.memory_space<semaphore_mem>>) {add = true}
      %add3A_636 = arith.constant 3 : i32
      %add3A_637 = arith.addi %add3A_397, %add3A_636 : i32
      %dma_wait3A_638 = arith.constant 0 : i32
      %dma_wait3A_639 = arith.constant 0 : i32
      %dma_wait3A_640 = arith.constant 0 : i32
      %dma_wait3A_641 = tpu.memref_slice %arg8[%dma_wait3A_639, %dma_wait3A_640] : memref<2x125xi32, #tpu.memory_space<vmem>> -> memref<1x125xi32, #tpu.memory_space<vmem>>
      %dma_wait3A_642 = tpu.memref_squeeze %dma_wait3A_641 : memref<1x125xi32, #tpu.memory_space<vmem>> -> memref<125xi32, #tpu.memory_space<vmem>>
      %dma_wait3A_643 = arith.constant 0 : i32
      %dma_wait3A_644 = tpu.memref_slice %arg3[%dma_wait3A_638, %add3A, %add3A_637, %dma_wait3A_643] : memref<2x32x80x125xi32, #tpu.memory_space<hbm>> -> memref<1x1x1x125xi32, #tpu.memory_space<hbm>>
      %dma_wait3A_645 = tpu.memref_squeeze %dma_wait3A_644 : memref<1x1x1x125xi32, #tpu.memory_space<hbm>> -> memref<125xi32, #tpu.memory_space<hbm>>
      %dma_wait3A_646 = arith.constant 0 : i32
      %dma_wait3A_647 = tpu.memref_slice %arg8[%dma_wait3A_639, %dma_wait3A_646] : memref<2x125xi32, #tpu.memory_space<vmem>> -> memref<1x125xi32, #tpu.memory_space<vmem>>
      %dma_wait3A_648 = tpu.memref_squeeze %dma_wait3A_647 : memref<1x125xi32, #tpu.memory_space<vmem>> -> memref<125xi32, #tpu.memory_space<vmem>>
      %dma_wait3A_649 = arith.constant 0 : i32
      %dma_wait3A_650 = tpu.memref_slice %arg3[%dma_wait3A_638, %add3A, %add3A_637, %dma_wait3A_649] : memref<2x32x80x125xi32, #tpu.memory_space<hbm>> -> memref<1x1x1x125xi32, #tpu.memory_space<hbm>>
      %dma_wait3A_651 = tpu.memref_squeeze %dma_wait3A_650 : memref<1x1x1x125xi32, #tpu.memory_space<hbm>> -> memref<125xi32, #tpu.memory_space<hbm>>
      tpu.wait_dma2 semaphore(%arg15 : memref<!tpu.dma_semaphore, #tpu.memory_space<semaphore_mem>>) src(%dma_wait3A_651 : memref<125xi32, #tpu.memory_space<hbm>>) dst(%dma_wait3A_648 : memref<125xi32, #tpu.memory_space<vmem>>)
      %dma_wait3A_652 = arith.constant 1 : i32
      %dma_wait3A_653 = arith.constant 1 : i32
      %dma_wait3A_654 = arith.constant 0 : i32
      %dma_wait3A_655 = tpu.memref_slice %arg8[%dma_wait3A_653, %dma_wait3A_654] : memref<2x125xi32, #tpu.memory_space<vmem>> -> memref<1x125xi32, #tpu.memory_space<vmem>>
      %dma_wait3A_656 = tpu.memref_squeeze %dma_wait3A_655 : memref<1x125xi32, #tpu.memory_space<vmem>> -> memref<125xi32, #tpu.memory_space<vmem>>
      %dma_wait3A_657 = arith.constant 0 : i32
      %dma_wait3A_658 = tpu.memref_slice %arg3[%dma_wait3A_652, %add3A, %add3A_637, %dma_wait3A_657] : memref<2x32x80x125xi32, #tpu.memory_space<hbm>> -> memref<1x1x1x125xi32, #tpu.memory_space<hbm>>
      %dma_wait3A_659 = tpu.memref_squeeze %dma_wait3A_658 : memref<1x1x1x125xi32, #tpu.memory_space<hbm>> -> memref<125xi32, #tpu.memory_space<hbm>>
      %dma_wait3A_660 = arith.constant 0 : i32
      %dma_wait3A_661 = tpu.memref_slice %arg8[%dma_wait3A_653, %dma_wait3A_660] : memref<2x125xi32, #tpu.memory_space<vmem>> -> memref<1x125xi32, #tpu.memory_space<vmem>>
      %dma_wait3A_662 = tpu.memref_squeeze %dma_wait3A_661 : memref<1x125xi32, #tpu.memory_space<vmem>> -> memref<125xi32, #tpu.memory_space<vmem>>
      %dma_wait3A_663 = arith.constant 0 : i32
      %dma_wait3A_664 = tpu.memref_slice %arg3[%dma_wait3A_652, %add3A, %add3A_637, %dma_wait3A_663] : memref<2x32x80x125xi32, #tpu.memory_space<hbm>> -> memref<1x1x1x125xi32, #tpu.memory_space<hbm>>
      %dma_wait3A_665 = tpu.memref_squeeze %dma_wait3A_664 : memref<1x1x1x125xi32, #tpu.memory_space<hbm>> -> memref<125xi32, #tpu.memory_space<hbm>>
      tpu.wait_dma2 semaphore(%arg15 : memref<!tpu.dma_semaphore, #tpu.memory_space<semaphore_mem>>) src(%dma_wait3A_665 : memref<125xi32, #tpu.memory_space<hbm>>) dst(%dma_wait3A_662 : memref<125xi32, #tpu.memory_space<vmem>>)
      %dma_wait3A_666 = arith.constant 1 : i32
      %dma_wait3A_667 = arith.constant 0 : i32
      %dma_wait3A_668 = tpu.memref_slice %arg6[%dma_wait3A_666, %dma_wait3A_667] : memref<2x125xi32, #tpu.memory_space<vmem>> -> memref<1x125xi32, #tpu.memory_space<vmem>>
      %dma_wait3A_669 = tpu.memref_squeeze %dma_wait3A_668 : memref<1x125xi32, #tpu.memory_space<vmem>> -> memref<125xi32, #tpu.memory_space<vmem>>
      %dma_wait3A_670 = arith.constant 0 : i32
      %dma_wait3A_671 = arith.constant 0 : i32
      %dma_wait3A_672 = tpu.memref_slice %arg11[%dma_wait3A_670, %dma_wait3A_671] : memref<10000x64xf32, #tpu.memory_space<vmem_shared>> -> memref<10000x64xf32, #tpu.memory_space<vmem_shared>>
      tpu.wait_indirect_dma semaphore(%arg19 : memref<!tpu.dma_semaphore, #tpu.memory_space<semaphore_mem>>) src(%arg10 : memref<125x64xf32, #tpu.memory_space<vmem>>) dst(%dma_wait3A_672 : memref<10000x64xf32, #tpu.memory_space<vmem_shared>>)
      %dma_start3A_673 = arith.constant 0 : i32
      %dma_start3A_674 = arith.constant 0 : i32
      %dma_start3A_675 = tpu.memref_slice %arg8[%dma_start3A_673, %dma_start3A_674] : memref<2x125xi32, #tpu.memory_space<vmem>> -> memref<1x125xi32, #tpu.memory_space<vmem>>
      %dma_start3A_676 = tpu.memref_squeeze %dma_start3A_675 : memref<1x125xi32, #tpu.memory_space<vmem>> -> memref<125xi32, #tpu.memory_space<vmem>>
      %dma_start3A_677 = arith.constant 0 : i32
      %dma_start3A_678 = arith.constant 0 : i32
      %dma_start3A_679 = tpu.memref_slice %arg2[%dma_start3A_677, %dma_start3A_678] : memref<10000x64xf32, #tpu.memory_space<hbm>> -> memref<10000x64xf32, #tpu.memory_space<hbm>>
      tpu.enqueue_indirect_dma source(%dma_start3A_679 : memref<10000x64xf32, #tpu.memory_space<hbm>>) target(%arg10 : memref<125x64xf32, #tpu.memory_space<vmem>>) offsets(%dma_start3A_676 : memref<125xi32, #tpu.memory_space<vmem>>) semaphore(%arg17 : memref<!tpu.dma_semaphore, #tpu.memory_space<semaphore_mem>>)
      %lt3A_680 = arith.constant 18 : i32
      %lt3A_681 = arith.cmpi slt, %scan3A_393, %lt3A_680 : i32
      %convert_element_type3A_682 = arith.extui %lt3A_681 : i1 to i32
      %cond3A_683 = arith.constant 0 : i32
      %cond3A_684 = arith.cmpi ne, %convert_element_type3A_682, %cond3A_683 : i32
      scf.if %cond3A_684 {
        %add3A_699 = arith.constant 2 : i32
        %add3A_700 = arith.addi %add3A_637, %add3A_699 : i32
        %dma_start3A_701 = arith.constant 0 : i32
        %dma_start3A_702 = arith.constant 0 : i32
        %dma_start3A_703 = arith.constant 0 : i32
        %dma_start3A_704 = tpu.memref_slice %arg6[%dma_start3A_702, %dma_start3A_703] : memref<2x125xi32, #tpu.memory_space<vmem>> -> memref<1x125xi32, #tpu.memory_space<vmem>>
        %dma_start3A_705 = tpu.memref_squeeze %dma_start3A_704 : memref<1x125xi32, #tpu.memory_space<vmem>> -> memref<125xi32, #tpu.memory_space<vmem>>
        %dma_start3A_706 = arith.constant 0 : i32
        %dma_start3A_707 = tpu.memref_slice %arg3[%dma_start3A_701, %add3A, %add3A_700, %dma_start3A_706] : memref<2x32x80x125xi32, #tpu.memory_space<hbm>> -> memref<1x1x1x125xi32, #tpu.memory_space<hbm>>
        %dma_start3A_708 = tpu.memref_squeeze %dma_start3A_707 : memref<1x1x1x125xi32, #tpu.memory_space<hbm>> -> memref<125xi32, #tpu.memory_space<hbm>>
        %dma_start3A_709 = arith.constant 0 : i32
        %dma_start3A_710 = tpu.memref_slice %arg6[%dma_start3A_702, %dma_start3A_709] : memref<2x125xi32, #tpu.memory_space<vmem>> -> memref<1x125xi32, #tpu.memory_space<vmem>>
        %dma_start3A_711 = tpu.memref_squeeze %dma_start3A_710 : memref<1x125xi32, #tpu.memory_space<vmem>> -> memref<125xi32, #tpu.memory_space<vmem>>
        %dma_start3A_712 = arith.constant 0 : i32
        %dma_start3A_713 = tpu.memref_slice %arg3[%dma_start3A_701, %add3A, %add3A_700, %dma_start3A_712] : memref<2x32x80x125xi32, #tpu.memory_space<hbm>> -> memref<1x1x1x125xi32, #tpu.memory_space<hbm>>
        %dma_start3A_714 = tpu.memref_squeeze %dma_start3A_713 : memref<1x1x1x125xi32, #tpu.memory_space<hbm>> -> memref<125xi32, #tpu.memory_space<hbm>>
        tpu.enqueue_dma source(%dma_start3A_714 : memref<125xi32, #tpu.memory_space<hbm>>) target(%dma_start3A_711 : memref<125xi32, #tpu.memory_space<vmem>>) target_semaphore(%arg13 : memref<!tpu.dma_semaphore, #tpu.memory_space<semaphore_mem>>)
        %dma_start3A_715 = arith.constant 1 : i32
        %dma_start3A_716 = arith.constant 1 : i32
        %dma_start3A_717 = arith.constant 0 : i32
        %dma_start3A_718 = tpu.memref_slice %arg6[%dma_start3A_716, %dma_start3A_717] : memref<2x125xi32, #tpu.memory_space<vmem>> -> memref<1x125xi32, #tpu.memory_space<vmem>>
        %dma_start3A_719 = tpu.memref_squeeze %dma_start3A_718 : memref<1x125xi32, #tpu.memory_space<vmem>> -> memref<125xi32, #tpu.memory_space<vmem>>
        %dma_start3A_720 = arith.constant 0 : i32
        %dma_start3A_721 = tpu.memref_slice %arg3[%dma_start3A_715, %add3A, %add3A_700, %dma_start3A_720] : memref<2x32x80x125xi32, #tpu.memory_space<hbm>> -> memref<1x1x1x125xi32, #tpu.memory_space<hbm>>
        %dma_start3A_722 = tpu.memref_squeeze %dma_start3A_721 : memref<1x1x1x125xi32, #tpu.memory_space<hbm>> -> memref<125xi32, #tpu.memory_space<hbm>>
        %dma_start3A_723 = arith.constant 0 : i32
        %dma_start3A_724 = tpu.memref_slice %arg6[%dma_start3A_716, %dma_start3A_723] : memref<2x125xi32, #tpu.memory_space<vmem>> -> memref<1x125xi32, #tpu.memory_space<vmem>>
        %dma_start3A_725 = tpu.memref_squeeze %dma_start3A_724 : memref<1x125xi32, #tpu.memory_space<vmem>> -> memref<125xi32, #tpu.memory_space<vmem>>
        %dma_start3A_726 = arith.constant 0 : i32
        %dma_start3A_727 = tpu.memref_slice %arg3[%dma_start3A_715, %add3A, %add3A_700, %dma_start3A_726] : memref<2x32x80x125xi32, #tpu.memory_space<hbm>> -> memref<1x1x1x125xi32, #tpu.memory_space<hbm>>
        %dma_start3A_728 = tpu.memref_squeeze %dma_start3A_727 : memref<1x1x1x125xi32, #tpu.memory_space<hbm>> -> memref<125xi32, #tpu.memory_space<hbm>>
        tpu.enqueue_dma source(%dma_start3A_728 : memref<125xi32, #tpu.memory_space<hbm>>) target(%dma_start3A_725 : memref<125xi32, #tpu.memory_space<vmem>>) target_semaphore(%arg13 : memref<!tpu.dma_semaphore, #tpu.memory_space<semaphore_mem>>)
      } else {
      }
      %dma_wait3A_685 = arith.constant 0 : i32
      %dma_wait3A_686 = arith.constant 0 : i32
      %dma_wait3A_687 = tpu.memref_slice %arg7[%dma_wait3A_685, %dma_wait3A_686] : memref<2x125xi32, #tpu.memory_space<vmem>> -> memref<1x125xi32, #tpu.memory_space<vmem>>
      %dma_wait3A_688 = tpu.memref_squeeze %dma_wait3A_687 : memref<1x125xi32, #tpu.memory_space<vmem>> -> memref<125xi32, #tpu.memory_space<vmem>>
      %dma_wait3A_689 = arith.constant 0 : i32
      %dma_wait3A_690 = arith.constant 0 : i32
      %dma_wait3A_691 = tpu.memref_slice %arg2[%dma_wait3A_689, %dma_wait3A_690] : memref<10000x64xf32, #tpu.memory_space<hbm>> -> memref<10000x64xf32, #tpu.memory_space<hbm>>
      tpu.wait_indirect_dma semaphore(%arg16 : memref<!tpu.dma_semaphore, #tpu.memory_space<semaphore_mem>>) src(%dma_wait3A_691 : memref<10000x64xf32, #tpu.memory_space<hbm>>) dst(%arg9 : memref<125x64xf32, #tpu.memory_space<vmem>>)
      %dma_start3A_692 = arith.constant 1 : i32
      %dma_start3A_693 = arith.constant 0 : i32
      %dma_start3A_694 = tpu.memref_slice %arg7[%dma_start3A_692, %dma_start3A_693] : memref<2x125xi32, #tpu.memory_space<vmem>> -> memref<1x125xi32, #tpu.memory_space<vmem>>
      %dma_start3A_695 = tpu.memref_squeeze %dma_start3A_694 : memref<1x125xi32, #tpu.memory_space<vmem>> -> memref<125xi32, #tpu.memory_space<vmem>>
      %dma_start3A_696 = arith.constant 0 : i32
      %dma_start3A_697 = arith.constant 0 : i32
      %dma_start3A_698 = tpu.memref_slice %arg11[%dma_start3A_696, %dma_start3A_697] : memref<10000x64xf32, #tpu.memory_space<vmem_shared>> -> memref<10000x64xf32, #tpu.memory_space<vmem_shared>>
      tpu.enqueue_indirect_dma source(%arg9 : memref<125x64xf32, #tpu.memory_space<vmem>>) target(%dma_start3A_698 : memref<10000x64xf32, #tpu.memory_space<vmem_shared>>) offsets(%dma_start3A_695 : memref<125xi32, #tpu.memory_space<vmem>>) semaphore(%arg18 : memref<!tpu.dma_semaphore, #tpu.memory_space<semaphore_mem>>) {add = true}
    }
    %scan3A_354 = arith.constant 19 : i32
    %dma_wait3A_355 = arith.constant 1 : i32
    %dma_wait3A_356 = arith.constant 0 : i32
    %dma_wait3A_357 = tpu.memref_slice %arg7[%dma_wait3A_355, %dma_wait3A_356] : memref<2x125xi32, #tpu.memory_space<vmem>> -> memref<1x125xi32, #tpu.memory_space<vmem>>
    %dma_wait3A_358 = tpu.memref_squeeze %dma_wait3A_357 : memref<1x125xi32, #tpu.memory_space<vmem>> -> memref<125xi32, #tpu.memory_space<vmem>>
    %dma_wait3A_359 = arith.constant 0 : i32
    %dma_wait3A_360 = arith.constant 0 : i32
    %dma_wait3A_361 = tpu.memref_slice %arg11[%dma_wait3A_359, %dma_wait3A_360] : memref<10000x64xf32, #tpu.memory_space<vmem_shared>> -> memref<10000x64xf32, #tpu.memory_space<vmem_shared>>
    tpu.wait_indirect_dma semaphore(%arg18 : memref<!tpu.dma_semaphore, #tpu.memory_space<semaphore_mem>>) src(%arg9 : memref<125x64xf32, #tpu.memory_space<vmem>>) dst(%dma_wait3A_361 : memref<10000x64xf32, #tpu.memory_space<vmem_shared>>)
    %dma_wait3A_362 = arith.constant 0 : i32
    %dma_wait3A_363 = arith.constant 0 : i32
    %dma_wait3A_364 = tpu.memref_slice %arg8[%dma_wait3A_362, %dma_wait3A_363] : memref<2x125xi32, #tpu.memory_space<vmem>> -> memref<1x125xi32, #tpu.memory_space<vmem>>
    %dma_wait3A_365 = tpu.memref_squeeze %dma_wait3A_364 : memref<1x125xi32, #tpu.memory_space<vmem>> -> memref<125xi32, #tpu.memory_space<vmem>>
    %dma_wait3A_366 = arith.constant 0 : i32
    %dma_wait3A_367 = arith.constant 0 : i32
    %dma_wait3A_368 = tpu.memref_slice %arg2[%dma_wait3A_366, %dma_wait3A_367] : memref<10000x64xf32, #tpu.memory_space<hbm>> -> memref<10000x64xf32, #tpu.memory_space<hbm>>
    tpu.wait_indirect_dma semaphore(%arg17 : memref<!tpu.dma_semaphore, #tpu.memory_space<semaphore_mem>>) src(%dma_wait3A_368 : memref<10000x64xf32, #tpu.memory_space<hbm>>) dst(%arg10 : memref<125x64xf32, #tpu.memory_space<vmem>>)
    %dma_start3A_369 = arith.constant 1 : i32
    %dma_start3A_370 = arith.constant 0 : i32
    %dma_start3A_371 = tpu.memref_slice %arg8[%dma_start3A_369, %dma_start3A_370] : memref<2x125xi32, #tpu.memory_space<vmem>> -> memref<1x125xi32, #tpu.memory_space<vmem>>
    %dma_start3A_372 = tpu.memref_squeeze %dma_start3A_371 : memref<1x125xi32, #tpu.memory_space<vmem>> -> memref<125xi32, #tpu.memory_space<vmem>>
    %dma_start3A_373 = arith.constant 0 : i32
    %dma_start3A_374 = arith.constant 0 : i32
    %dma_start3A_375 = tpu.memref_slice %arg11[%dma_start3A_373, %dma_start3A_374] : memref<10000x64xf32, #tpu.memory_space<vmem_shared>> -> memref<10000x64xf32, #tpu.memory_space<vmem_shared>>
    tpu.enqueue_indirect_dma source(%arg10 : memref<125x64xf32, #tpu.memory_space<vmem>>) target(%dma_start3A_375 : memref<10000x64xf32, #tpu.memory_space<vmem_shared>>) offsets(%dma_start3A_372 : memref<125xi32, #tpu.memory_space<vmem>>) semaphore(%arg19 : memref<!tpu.dma_semaphore, #tpu.memory_space<semaphore_mem>>) {add = true}
    %dma_wait3A_376 = arith.constant 1 : i32
    %dma_wait3A_377 = arith.constant 0 : i32
    %dma_wait3A_378 = tpu.memref_slice %arg8[%dma_wait3A_376, %dma_wait3A_377] : memref<2x125xi32, #tpu.memory_space<vmem>> -> memref<1x125xi32, #tpu.memory_space<vmem>>
    %dma_wait3A_379 = tpu.memref_squeeze %dma_wait3A_378 : memref<1x125xi32, #tpu.memory_space<vmem>> -> memref<125xi32, #tpu.memory_space<vmem>>
    %dma_wait3A_380 = arith.constant 0 : i32
    %dma_wait3A_381 = arith.constant 0 : i32
    %dma_wait3A_382 = tpu.memref_slice %arg11[%dma_wait3A_380, %dma_wait3A_381] : memref<10000x64xf32, #tpu.memory_space<vmem_shared>> -> memref<10000x64xf32, #tpu.memory_space<vmem_shared>>
    tpu.wait_indirect_dma semaphore(%arg19 : memref<!tpu.dma_semaphore, #tpu.memory_space<semaphore_mem>>) src(%arg10 : memref<125x64xf32, #tpu.memory_space<vmem>>) dst(%dma_wait3A_382 : memref<10000x64xf32, #tpu.memory_space<vmem_shared>>)
    %barrier3A_383 = arith.constant 0 : index
    tpu.barrier barrier_id(%barrier3A_383)
    %mul3A_384 = arith.constant 624 : i32
    %mul3A_385 = arith.muli %arg1, %mul3A_384 : i32
    %mul3A_386 = arith.constant 624 : i32
    %mul3A_387 = arith.muli %arg1, %mul3A_386 : i32
    "tpu.region"() ({
      %run_scoped3A_393 = tpu.sem_alloc : memref<!tpu.dma_semaphore, #tpu.memory_space<semaphore_mem>>
      %dma_start3A_394 = arith.constant 0 : i32
      %dma_start3A_395 = tpu.memref_slice %arg4[%arg0, %mul3A_387, %dma_start3A_394] : memref<2x10000x64xf32, #tpu.memory_space<hbm>> -> memref<1x624x64xf32, #tpu.memory_space<hbm>>
      %dma_start3A_396 = tpu.memref_squeeze %dma_start3A_395 : memref<1x624x64xf32, #tpu.memory_space<hbm>> -> memref<624x64xf32, #tpu.memory_space<hbm>>
      %dma_start3A_397 = arith.constant 0 : i32
      %dma_start3A_398 = tpu.memref_slice %arg11[%mul3A_385, %dma_start3A_397] : memref<10000x64xf32, #tpu.memory_space<vmem_shared>> -> memref<624x64xf32, #tpu.memory_space<vmem_shared>>
      tpu.enqueue_dma source(%dma_start3A_398 : memref<624x64xf32, #tpu.memory_space<vmem_shared>>) target(%dma_start3A_396 : memref<624x64xf32, #tpu.memory_space<hbm>>) target_semaphore(%run_scoped3A_393 : memref<!tpu.dma_semaphore, #tpu.memory_space<semaphore_mem>>)
      %dma_wait3A_399 = arith.constant 0 : i32
      %dma_wait3A_400 = tpu.memref_slice %arg4[%arg0, %mul3A_387, %dma_wait3A_399] : memref<2x10000x64xf32, #tpu.memory_space<hbm>> -> memref<1x624x64xf32, #tpu.memory_space<hbm>>
      %dma_wait3A_401 = tpu.memref_squeeze %dma_wait3A_400 : memref<1x624x64xf32, #tpu.memory_space<hbm>> -> memref<624x64xf32, #tpu.memory_space<hbm>>
      %dma_wait3A_402 = arith.constant 0 : i32
      %dma_wait3A_403 = tpu.memref_slice %arg11[%mul3A_385, %dma_wait3A_402] : memref<10000x64xf32, #tpu.memory_space<vmem_shared>> -> memref<624x64xf32, #tpu.memory_space<vmem_shared>>
      tpu.wait_dma2 semaphore(%run_scoped3A_393 : memref<!tpu.dma_semaphore, #tpu.memory_space<semaphore_mem>>) src(%dma_wait3A_403 : memref<624x64xf32, #tpu.memory_space<vmem_shared>>) dst(%dma_wait3A_401 : memref<624x64xf32, #tpu.memory_space<hbm>>)
      tpu.yield
    }) : () -> ()
    %eq3A_388 = arith.constant 15 : i32
    %eq3A_389 = arith.cmpi eq, %arg1, %eq3A_388 : i32
    %convert_element_type3A_390 = arith.extui %eq3A_389 : i1 to i32
    %cond3A_391 = arith.constant 0 : i32
    %cond3A_392 = arith.cmpi ne, %convert_element_type3A_390, %cond3A_391 : i32
    scf.if %cond3A_392 {
      "tpu.region"() ({
        %run_scoped3A_393 = tpu.sem_alloc : memref<!tpu.dma_semaphore, #tpu.memory_space<semaphore_mem>>
        %dma_start3A_394 = arith.constant 9984 : i32
        %dma_start3A_395 = arith.constant 0 : i32
        %dma_start3A_396 = tpu.memref_slice %arg4[%arg0, %dma_start3A_394, %dma_start3A_395] : memref<2x10000x64xf32, #tpu.memory_space<hbm>> -> memref<1x16x64xf32, #tpu.memory_space<hbm>>
        %dma_start3A_397 = tpu.memref_squeeze %dma_start3A_396 : memref<1x16x64xf32, #tpu.memory_space<hbm>> -> memref<16x64xf32, #tpu.memory_space<hbm>>
        %dma_start3A_398 = arith.constant 9984 : i32
        %dma_start3A_399 = arith.constant 0 : i32
        %dma_start3A_400 = tpu.memref_slice %arg11[%dma_start3A_398, %dma_start3A_399] : memref<10000x64xf32, #tpu.memory_space<vmem_shared>> -> memref<16x64xf32, #tpu.memory_space<vmem_shared>>
        tpu.enqueue_dma source(%dma_start3A_400 : memref<16x64xf32, #tpu.memory_space<vmem_shared>>) target(%dma_start3A_397 : memref<16x64xf32, #tpu.memory_space<hbm>>) target_semaphore(%run_scoped3A_393 : memref<!tpu.dma_semaphore, #tpu.memory_space<semaphore_mem>>)
        %dma_wait3A_401 = arith.constant 9984 : i32
        %dma_wait3A_402 = arith.constant 0 : i32
        %dma_wait3A_403 = tpu.memref_slice %arg4[%arg0, %dma_wait3A_401, %dma_wait3A_402] : memref<2x10000x64xf32, #tpu.memory_space<hbm>> -> memref<1x16x64xf32, #tpu.memory_space<hbm>>
        %dma_wait3A_404 = tpu.memref_squeeze %dma_wait3A_403 : memref<1x16x64xf32, #tpu.memory_space<hbm>> -> memref<16x64xf32, #tpu.memory_space<hbm>>
        %dma_wait3A_405 = arith.constant 9984 : i32
        %dma_wait3A_406 = arith.constant 0 : i32
        %dma_wait3A_407 = tpu.memref_slice %arg11[%dma_wait3A_405, %dma_wait3A_406] : memref<10000x64xf32, #tpu.memory_space<vmem_shared>> -> memref<16x64xf32, #tpu.memory_space<vmem_shared>>
        tpu.wait_dma2 semaphore(%run_scoped3A_393 : memref<!tpu.dma_semaphore, #tpu.memory_space<semaphore_mem>>) src(%dma_wait3A_407 : memref<16x64xf32, #tpu.memory_space<vmem_shared>>) dst(%dma_wait3A_404 : memref<16x64xf32, #tpu.memory_space<hbm>>)
        tpu.yield
      }) : () -> ()
    } else {
    }
    return
  }
}

module attributes {stable_mosaic.version = 14 : i64} {
  func.func @body(%arg0: i32, %arg1: memref<2x2000x128xf32, #tpu.memory_space<vmem>>, %arg2: memref<2x2000x16xf32, #tpu.memory_space<vmem>>, %arg3: memref<2000x128xf32, #tpu.memory_space<vmem>>, %arg4: memref<128x128xf32, #tpu.memory_space<vmem>>, %arg5: memref<128x128xf32, #tpu.memory_space<vmem>>, %arg6: memref<128xf32, #tpu.memory_space<vmem>>, %arg7: memref<128x64xf32, #tpu.memory_space<vmem>>, %arg8: memref<128x64xf32, #tpu.memory_space<vmem>>, %arg9: memref<64xf32, #tpu.memory_space<vmem>>, %arg10: memref<2000x64xf32, #tpu.memory_space<vmem>>, %arg11: memref<2000x64xf32, #tpu.memory_space<vmem>>, %arg12: memref<2000x8xf32, #tpu.memory_space<vmem>>) attributes {dimension_semantics = [#tpu.dimension_semantics<arbitrary>], iteration_bounds = array<i64: 5>, scalar_prefetch = 0 : i64, scratch_operands = 0 : i64, tpu.core_type = #tpu.core_type<tc>, window_params = [{transform_indices = @transform_0, window_bounds = array<i64: 2, 2000, 128>}, {transform_indices = @transform_1, window_bounds = array<i64: 2, 2000, 16>}, {transform_indices = @transform_2, window_bounds = array<i64: 2000, 128>}, {pipeline_mode = #tpu.pipeline_mode<synchronous>, transform_indices = @transform_3, window_bounds = array<i64: 128, 128>}, {pipeline_mode = #tpu.pipeline_mode<synchronous>, transform_indices = @transform_4, window_bounds = array<i64: 128, 128>}, {pipeline_mode = #tpu.pipeline_mode<synchronous>, transform_indices = @transform_5, window_bounds = array<i64: 128>}, {pipeline_mode = #tpu.pipeline_mode<synchronous>, transform_indices = @transform_6, window_bounds = array<i64: 128, 64>}, {pipeline_mode = #tpu.pipeline_mode<synchronous>, transform_indices = @transform_7, window_bounds = array<i64: 128, 64>}, {pipeline_mode = #tpu.pipeline_mode<synchronous>, transform_indices = @transform_8, window_bounds = array<i64: 64>}, {transform_indices = @transform_9, window_bounds = array<i64: 2000, 64>}, {transform_indices = @transform_10, window_bounds = array<i64: 2000, 64>}, {transform_indices = @transform_11, window_bounds = array<i64: 2000, 8>}]} {
    %get3A = arith.constant 0 : index
    %get3A_0 = arith.constant 0 : index
    %get3A_1 = arith.constant 0 : index
    %get3A_2 = vector.load %arg1[%get3A, %get3A_0, %get3A_1] : memref<2x2000x128xf32, #tpu.memory_space<vmem>>, vector<1x2000x128xf32>
    %get3A_3 = vector.shape_cast %get3A_2 : vector<1x2000x128xf32> to vector<2000x128xf32>
    %get3A_4 = arith.constant 1 : index
    %get3A_5 = arith.constant 0 : index
    %get3A_6 = arith.constant 0 : index
    %get3A_7 = vector.load %arg1[%get3A_4, %get3A_5, %get3A_6] : memref<2x2000x128xf32, #tpu.memory_space<vmem>>, vector<1x2000x128xf32>
    %get3A_8 = vector.shape_cast %get3A_7 : vector<1x2000x128xf32> to vector<2000x128xf32>
    %add3A = arith.addf %get3A_3, %get3A_8 : vector<2000x128xf32>
    %get3A_9 = arith.constant 0 : index
    %get3A_10 = arith.constant 0 : index
    %get3A_11 = arith.constant 0 : index
    %get3A_12 = vector.load %arg2[%get3A_9, %get3A_10, %get3A_11] : memref<2x2000x16xf32, #tpu.memory_space<vmem>>, vector<1x2000x16xf32>
    %get3A_13 = vector.shape_cast %get3A_12 : vector<1x2000x16xf32> to vector<2000x16xf32>
    %get3A_14 = arith.constant 1 : index
    %get3A_15 = arith.constant 0 : index
    %get3A_16 = arith.constant 0 : index
    %get3A_17 = vector.load %arg2[%get3A_14, %get3A_15, %get3A_16] : memref<2x2000x16xf32, #tpu.memory_space<vmem>>, vector<1x2000x16xf32>
    %get3A_18 = vector.shape_cast %get3A_17 : vector<1x2000x16xf32> to vector<2000x16xf32>
    %add3A_19 = arith.addf %get3A_13, %get3A_18 : vector<2000x16xf32>
    %slice3A = vector.extract_strided_slice %add3A_19 {offsets = [0, 0], sizes = [2000, 1], strides = [1, 1]} : vector<2000x16xf32> to vector<2000x1xf32>
    %max3A = arith.constant 1.000000e+00 : f32
    %max3A_20 = vector.broadcast %max3A : f32 to vector<2000x1xf32>
    %max3A_21 = arith.maximumf %slice3A, %max3A_20 : vector<2000x1xf32>
    %div3A = arith.constant 1.000000e+00 : f32
    %div3A_22 = vector.broadcast %div3A : f32 to vector<2000x1xf32>
    %div3A_23 = arith.divf %div3A_22, %max3A_21 : vector<2000x1xf32>
    %mul3A = vector.broadcast %div3A_23 : vector<2000x1xf32> to vector<2000x128xf32>
    %mul3A_24 = arith.mulf %add3A, %mul3A : vector<2000x128xf32>
    %get3A_25 = arith.constant 0 : index
    %get3A_26 = arith.constant 0 : index
    %get3A_27 = vector.load %arg4[%get3A_25, %get3A_26] : memref<128x128xf32, #tpu.memory_space<vmem>>, vector<128x128xf32>
    %dot_general3A = arith.constant dense<0.000000e+00> : vector<2000x128xf32>
    %dot_general3A_28 = tpu.matmul %mul3A_24, %get3A_27, %dot_general3A {dimension_numbers = #tpu.dot_dimension_numbers<[1], [0], [0], [1], [0, 0, 1, 1], [], []>, transpose_lhs_hint = false} : vector<2000x128xf32>, vector<128x128xf32>, vector<2000x128xf32> -> vector<2000x128xf32>
    %get3A_29 = arith.constant 0 : index
    %get3A_30 = arith.constant 0 : index
    %get3A_31 = vector.load %arg3[%get3A_29, %get3A_30] : memref<2000x128xf32, #tpu.memory_space<vmem>>, vector<2000x128xf32>
    %get3A_32 = arith.constant 0 : index
    %get3A_33 = arith.constant 0 : index
    %get3A_34 = vector.load %arg5[%get3A_32, %get3A_33] : memref<128x128xf32, #tpu.memory_space<vmem>>, vector<128x128xf32>
    %dot_general3A_35 = arith.constant dense<0.000000e+00> : vector<2000x128xf32>
    %dot_general3A_36 = tpu.matmul %get3A_31, %get3A_34, %dot_general3A_35 {dimension_numbers = #tpu.dot_dimension_numbers<[1], [0], [0], [1], [0, 0, 1, 1], [], []>, transpose_lhs_hint = false} : vector<2000x128xf32>, vector<128x128xf32>, vector<2000x128xf32> -> vector<2000x128xf32>
    %add3A_37 = arith.addf %dot_general3A_28, %dot_general3A_36 : vector<2000x128xf32>
    %get3A_38 = arith.constant 0 : index
    %get3A_39 = vector.load %arg6[%get3A_38] : memref<128xf32, #tpu.memory_space<vmem>>, vector<128xf32>
    %broadcast_in_dim3A = vector.shape_cast %get3A_39 : vector<128xf32> to vector<1x128xf32>
    %add3A_40 = vector.broadcast %broadcast_in_dim3A : vector<1x128xf32> to vector<2000x128xf32>
    %add3A_41 = arith.addf %add3A_37, %add3A_40 : vector<2000x128xf32>
    %max3A_42 = arith.constant 0.000000e+00 : f32
    %max3A_43 = vector.broadcast %max3A_42 : f32 to vector<2000x128xf32>
    %max3A_44 = arith.maximumf %add3A_41, %max3A_43 : vector<2000x128xf32>
    %get3A_45 = arith.constant 0 : index
    %get3A_46 = arith.constant 0 : index
    %get3A_47 = vector.load %arg7[%get3A_45, %get3A_46] : memref<128x64xf32, #tpu.memory_space<vmem>>, vector<128x64xf32>
    %dot_general3A_48 = arith.constant dense<0.000000e+00> : vector<2000x64xf32>
    %dot_general3A_49 = tpu.matmul %max3A_44, %get3A_47, %dot_general3A_48 {dimension_numbers = #tpu.dot_dimension_numbers<[1], [0], [0], [1], [0, 0, 1, 1], [], []>, transpose_lhs_hint = false} : vector<2000x128xf32>, vector<128x64xf32>, vector<2000x64xf32> -> vector<2000x64xf32>
    %swap3A = arith.constant 0 : index
    %swap3A_50 = arith.constant 0 : index
    %swap3A_51 = vector.load %arg10[%swap3A, %swap3A_50] : memref<2000x64xf32, #tpu.memory_space<vmem>>, vector<2000x64xf32>
    tpu.vector_store %arg10[%swap3A, %swap3A_50], %dot_general3A_49 {strides = array<i32>} : memref<2000x64xf32, #tpu.memory_space<vmem>>, vector<2000x64xf32>,
    %get3A_52 = arith.constant 0 : index
    %get3A_53 = arith.constant 0 : index
    %get3A_54 = vector.load %arg8[%get3A_52, %get3A_53] : memref<128x64xf32, #tpu.memory_space<vmem>>, vector<128x64xf32>
    %dot_general3A_55 = arith.constant dense<0.000000e+00> : vector<2000x64xf32>
    %dot_general3A_56 = tpu.matmul %max3A_44, %get3A_54, %dot_general3A_55 {dimension_numbers = #tpu.dot_dimension_numbers<[1], [0], [0], [1], [0, 0, 1, 1], [], []>, transpose_lhs_hint = false} : vector<2000x128xf32>, vector<128x64xf32>, vector<2000x64xf32> -> vector<2000x64xf32>
    %get3A_57 = arith.constant 0 : index
    %get3A_58 = vector.load %arg9[%get3A_57] : memref<64xf32, #tpu.memory_space<vmem>>, vector<64xf32>
    %broadcast_in_dim3A_59 = vector.shape_cast %get3A_58 : vector<64xf32> to vector<1x64xf32>
    %add3A_60 = vector.broadcast %broadcast_in_dim3A_59 : vector<1x64xf32> to vector<2000x64xf32>
    %add3A_61 = arith.addf %dot_general3A_56, %add3A_60 : vector<2000x64xf32>
    %swap3A_62 = arith.constant 0 : index
    %swap3A_63 = arith.constant 0 : index
    %swap3A_64 = vector.load %arg11[%swap3A_62, %swap3A_63] : memref<2000x64xf32, #tpu.memory_space<vmem>>, vector<2000x64xf32>
    tpu.vector_store %arg11[%swap3A_62, %swap3A_63], %add3A_61 {strides = array<i32>} : memref<2000x64xf32, #tpu.memory_space<vmem>>, vector<2000x64xf32>,
    %broadcast_in_dim3A_65 = vector.shape_cast %div3A_23 : vector<2000x1xf32> to vector<2000x1xf32>
    %broadcast_in_dim3A_66 = vector.broadcast %broadcast_in_dim3A_65 : vector<2000x1xf32> to vector<2000x8xf32>
    %swap3A_67 = arith.constant 0 : index
    %swap3A_68 = arith.constant 0 : index
    %swap3A_69 = vector.load %arg12[%swap3A_67, %swap3A_68] : memref<2000x8xf32, #tpu.memory_space<vmem>>, vector<2000x8xf32>
    tpu.vector_store %arg12[%swap3A_67, %swap3A_68], %broadcast_in_dim3A_66 {strides = array<i32>} : memref<2000x8xf32, #tpu.memory_space<vmem>>, vector<2000x8xf32>,
    return
  }
  func.func @transform_0(%arg0: i32) -> (i32, i32, i32) {
    %c0_i32 = arith.constant 0 : i32
    %c0_i32_0 = arith.constant 0 : i32
    %c0_i32_1 = arith.constant 0 : i32
    return %c0_i32, %arg0, %c0_i32_0 : i32, i32, i32
  }
  func.func @transform_1(%arg0: i32) -> (i32, i32, i32) {
    %c0_i32 = arith.constant 0 : i32
    %c0_i32_0 = arith.constant 0 : i32
    %c0_i32_1 = arith.constant 0 : i32
    return %c0_i32, %arg0, %c0_i32_0 : i32, i32, i32
  }
  func.func @transform_2(%arg0: i32) -> (i32, i32) {
    %c0_i32 = arith.constant 0 : i32
    %c0_i32_0 = arith.constant 0 : i32
    return %arg0, %c0_i32 : i32, i32
  }
  func.func @transform_3(%arg0: i32) -> (i32, i32) {
    %c0_i32 = arith.constant 0 : i32
    %c0_i32_0 = arith.constant 0 : i32
    %c0_i32_1 = arith.constant 0 : i32
    return %c0_i32, %c0_i32_0 : i32, i32
  }
  func.func @transform_4(%arg0: i32) -> (i32, i32) {
    %c0_i32 = arith.constant 0 : i32
    %c0_i32_0 = arith.constant 0 : i32
    %c0_i32_1 = arith.constant 0 : i32
    return %c0_i32, %c0_i32_0 : i32, i32
  }
  func.func @transform_5(%arg0: i32) -> i32 {
    %c0_i32 = arith.constant 0 : i32
    %c0_i32_0 = arith.constant 0 : i32
    return %c0_i32 : i32
  }
  func.func @transform_6(%arg0: i32) -> (i32, i32) {
    %c0_i32 = arith.constant 0 : i32
    %c0_i32_0 = arith.constant 0 : i32
    %c0_i32_1 = arith.constant 0 : i32
    return %c0_i32, %c0_i32_0 : i32, i32
  }
  func.func @transform_7(%arg0: i32) -> (i32, i32) {
    %c0_i32 = arith.constant 0 : i32
    %c0_i32_0 = arith.constant 0 : i32
    %c0_i32_1 = arith.constant 0 : i32
    return %c0_i32, %c0_i32_0 : i32, i32
  }
  func.func @transform_8(%arg0: i32) -> i32 {
    %c0_i32 = arith.constant 0 : i32
    %c0_i32_0 = arith.constant 0 : i32
    return %c0_i32 : i32
  }
  func.func @transform_9(%arg0: i32) -> (i32, i32) {
    %c0_i32 = arith.constant 0 : i32
    %c0_i32_0 = arith.constant 0 : i32
    return %arg0, %c0_i32 : i32, i32
  }
  func.func @transform_10(%arg0: i32) -> (i32, i32) {
    %c0_i32 = arith.constant 0 : i32
    %c0_i32_0 = arith.constant 0 : i32
    return %arg0, %c0_i32 : i32, i32
  }
  func.func @transform_11(%arg0: i32) -> (i32, i32) {
    %c0_i32 = arith.constant 0 : i32
    %c0_i32_0 = arith.constant 0 : i32
    return %arg0, %c0_i32 : i32, i32
  }
}

module attributes {stable_mosaic.version = 14 : i64} {
  func.func @body(%arg0: i32, %arg1: memref<2x2000x64xf32, #tpu.memory_space<vmem>>, %arg2: memref<2000x8xf32, #tpu.memory_space<vmem>>, %arg3: memref<2000x64xf32, #tpu.memory_space<vmem>>, %arg4: memref<2000x64xf32, #tpu.memory_space<vmem>>) attributes {dimension_semantics = [#tpu.dimension_semantics<arbitrary>], iteration_bounds = array<i64: 5>, scalar_prefetch = 0 : i64, scratch_operands = 0 : i64, tpu.core_type = #tpu.core_type<tc>, window_params = [{transform_indices = @transform_0, window_bounds = array<i64: 2, 2000, 64>}, {transform_indices = @transform_1, window_bounds = array<i64: 2000, 8>}, {transform_indices = @transform_2, window_bounds = array<i64: 2000, 64>}, {transform_indices = @transform_3, window_bounds = array<i64: 2000, 64>}]} {
    %get3A = arith.constant 0 : index
    %get3A_0 = arith.constant 0 : index
    %get3A_1 = arith.constant 0 : index
    %get3A_2 = vector.load %arg1[%get3A, %get3A_0, %get3A_1] : memref<2x2000x64xf32, #tpu.memory_space<vmem>>, vector<1x2000x64xf32>
    %get3A_3 = vector.shape_cast %get3A_2 : vector<1x2000x64xf32> to vector<2000x64xf32>
    %get3A_4 = arith.constant 1 : index
    %get3A_5 = arith.constant 0 : index
    %get3A_6 = arith.constant 0 : index
    %get3A_7 = vector.load %arg1[%get3A_4, %get3A_5, %get3A_6] : memref<2x2000x64xf32, #tpu.memory_space<vmem>>, vector<1x2000x64xf32>
    %get3A_8 = vector.shape_cast %get3A_7 : vector<1x2000x64xf32> to vector<2000x64xf32>
    %add3A = arith.addf %get3A_3, %get3A_8 : vector<2000x64xf32>
    %get3A_9 = arith.constant 0 : index
    %get3A_10 = arith.constant 0 : index
    %get3A_11 = vector.load %arg2[%get3A_9, %get3A_10] : memref<2000x8xf32, #tpu.memory_space<vmem>>, vector<2000x1xf32>
    %mul3A = vector.broadcast %get3A_11 : vector<2000x1xf32> to vector<2000x64xf32>
    %mul3A_12 = arith.mulf %add3A, %mul3A : vector<2000x64xf32>
    %get3A_13 = arith.constant 0 : index
    %get3A_14 = arith.constant 0 : index
    %get3A_15 = vector.load %arg3[%get3A_13, %get3A_14] : memref<2000x64xf32, #tpu.memory_space<vmem>>, vector<2000x64xf32>
    %add3A_16 = arith.addf %mul3A_12, %get3A_15 : vector<2000x64xf32>
    %reduce_max3A = arith.constant dense<0xFF800000> : vector<2000xf32>
    %reduce_max3A_17 = vector.multi_reduction <maximumf>, %add3A_16, %reduce_max3A [1] : vector<2000x64xf32> to vector<2000xf32>
    %broadcast_in_dim3A = vector.shape_cast %reduce_max3A_17 : vector<2000xf32> to vector<2000x1xf32>
    %sub3A = vector.broadcast %broadcast_in_dim3A : vector<2000x1xf32> to vector<2000x64xf32>
    %sub3A_18 = arith.subf %add3A_16, %sub3A : vector<2000x64xf32>
    %exp3A = math.exp %sub3A_18 : vector<2000x64xf32>
    %reduce_sum3A = arith.constant dense<0.000000e+00> : vector<2000xf32>
    %reduce_sum3A_19 = vector.multi_reduction <add>, %exp3A, %reduce_sum3A [1] : vector<2000x64xf32> to vector<2000xf32>
    %broadcast_in_dim3A_20 = vector.shape_cast %reduce_sum3A_19 : vector<2000xf32> to vector<2000x1xf32>
    %log3A = math.log %broadcast_in_dim3A_20 : vector<2000x1xf32>
    %add3A_21 = arith.addf %log3A, %broadcast_in_dim3A : vector<2000x1xf32>
    %sub3A_22 = vector.broadcast %add3A_21 : vector<2000x1xf32> to vector<2000x64xf32>
    %sub3A_23 = arith.subf %add3A_16, %sub3A_22 : vector<2000x64xf32>
    %swap3A = arith.constant 0 : index
    %swap3A_24 = arith.constant 0 : index
    %swap3A_25 = vector.load %arg4[%swap3A, %swap3A_24] : memref<2000x64xf32, #tpu.memory_space<vmem>>, vector<2000x64xf32>
    tpu.vector_store %arg4[%swap3A, %swap3A_24], %sub3A_23 {strides = array<i32>} : memref<2000x64xf32, #tpu.memory_space<vmem>>, vector<2000x64xf32>,
    return
  }
  func.func @transform_0(%arg0: i32) -> (i32, i32, i32) {
    %c0_i32 = arith.constant 0 : i32
    %c0_i32_0 = arith.constant 0 : i32
    %c0_i32_1 = arith.constant 0 : i32
    return %c0_i32, %arg0, %c0_i32_0 : i32, i32, i32
  }
  func.func @transform_1(%arg0: i32) -> (i32, i32) {
    %c0_i32 = arith.constant 0 : i32
    %c0_i32_0 = arith.constant 0 : i32
    return %arg0, %c0_i32 : i32, i32
  }
  func.func @transform_2(%arg0: i32) -> (i32, i32) {
    %c0_i32 = arith.constant 0 : i32
    %c0_i32_0 = arith.constant 0 : i32
    return %arg0, %c0_i32 : i32, i32
  }
  func.func @transform_3(%arg0: i32) -> (i32, i32) {
    %c0_i32 = arith.constant 0 : i32
    %c0_i32_0 = arith.constant 0 : i32
    return %arg0, %c0_i32 : i32, i32
  }
}

</mosaic_0001>

<sc_bundles>
// kernel: kernel.6.cloned.1.call-start
scs
__scs_entry_jumppad:
0x0: {  	(pc) =	sbr.rel $0x88, $3  }
0x1: {  	(tag) =	ssettag $0x0;
	lr =	simm.s32 $0x1  }
0x2: {  	[smem:$0x3F99] =	sst lr;
	_ =	strace $0xD0000000  }
0x3: {  	_ = 	snop  }
0x4: {  	_ = 	snop  }
0x5: {  	_ = 	snop  }
0x6: {  	_ = 	snop  }
0x7: {  	_ = 	snop  }
__scs_overlays_trampoline_lowered:
0x8: {  	[smem:$0x3FA8] =	sst s0  }
0x9: {  	[smem:$0x3FA9] =	sst s1  }
0xa: {  	[smem:$0x3FAA] =	sst s2  }
0xb: {  	[smem:$0x3FAB] =	sst s3  }
0xc: {  	[smem:$0x3FAC] =	sst s4  }
0xd: {  	[smem:$0x3FAD] =	sst s5  }
0xe: {  	[smem:$0x3FAE] =	sst s6  }
0xf: {  	[smem:$0x3FAF] =	sst s7  }
0x10: {  	[smem:$0x3FB0] =	sst s8  }
0x11: {  	[smem:$0x3FB1] =	sst s9;
	s0 =	simm.s32 @!p0 $0x0  }
0x12: {  	s1 =	sld [smem:$0x3F97];
	s0 =	simm.s32 @p0 $0x1  }
0x13: {  	[smem:$0x3FB2] =	sst s0;
	s0 =	simm.s32 @!p1 $0x0  }
0x14: {  	s2 =	sld [smem:$0x3F96];
	s0 =	simm.s32 @p1 $0x1  }
0x15: {  	[smem:$0x3FB3] =	sst s0;
	s0 =	simm.s32 @!p2 $0x0  }
0x16: {  	s3 =	sld [smem:$0x3FDB];
	s0 =	simm.s32 @p2 $0x1  }
0x17: {  	s4 =	simm.s32 $0x1BF5;
	[smem:$0x3FB5] =	sst s0  }
0x18: {  	s0 =	sld [smem:$0x3F98];
	_ =	swait.ge [sflag:s4], $0x0  }
0x19: {  	s7 =	sld [smem:$0x3F99]  }
0x1a: {  	s8 =	sadd.s32 $0xFFFFE003, lr  }
0x1b: {  	s9 =	sadd.s32 $0xFFFFFEF7, lr;
	s5 =	simm.s32 $0xFFFFFFFF;
	p2 =	slt.u32 s8, $0xFFFFF086  }
0x1c: {  	p1 =	slt.u32 s9, $0xF7A;
	s5 =	simm.s32 @!p2 $0x0  }
0x1d: {  	s5 =	simm.s32 @p1 $0x1;
	p0 =	seq.s32 s7, s2  }
0x1e: {  	s7 =	smul.u32 @!p0 $0xF7A, s2;
	p2 =	seq.s32 @!p0 s5, $0x0  }
0x1f: {  	s9 =	smul.u32 $0xF7A, s1;
	s8 =	simm.s32 @!p0 $0x1BF5;
	p2 =	por !p2, p0  }
0x20: {  	[sflag:s8] =	ssyncset.s32 @!p0 $0xFFFFF086;
	s6 =	sadd.s32 @!p0 s3, s7;
	s7 =	simm.s32 @!p0 $0x108  }
0x21: {  	s3 =	sadd.s32 s3, s9;
	s6 =	sadd.s32 @!p0 $0x88, s6;
	s7 =	simm.s32 @p2 $0x1082  }
0x22: {  	[simem:s7], [sflag:s8] =	dma.local @!p0 [hbm:s6], $0xF7A  }
0x23: {  	s9 =	sor.u32 $0xD0000000, s2;
	s6 =	simm.s32 $0x108;
	_ =	swait.ge @!p0 [sflag:s8], $0x0  }
0x24: {  	s3 =	sadd.s32 $0x88, s3;
	s6 =	simm.s32 @!p1 $0x1082;
	[sflag:s4] =	ssyncset.s32 $0xFFFFF086  }
0x25: {  	[simem:s6], [sflag:s4] =	dma.local [hbm:s3], $0xF7A  }
0x26: {  	[smem:$0x3F99] =	sst s1;
	(tag) =	ssettag s2;
	_ =	strace s9  }
0x27: {  	s1 =	sld [smem:$0x3FA9]  }
0x28: {  	s2 =	sld [smem:$0x3FAA]  }
0x29: {  	s4 =	sld [smem:$0x3FAC]  }
0x2a: {  	p0 =	seq.s32 s5, $0x0;
	s5 =	sld [smem:$0x3FAD]  }
0x2b: {  	s6 =	sld [smem:$0x3FAE]  }
0x2c: {  	s7 =	sld [smem:$0x3FAF]  }
0x2d: {  	s3 =	simm.s32 $0x108;
	s8 =	sld [smem:$0x3FB0]  }
0x2e: {  	s3 =	simm.s32 @!p0 $0x1082;
	s9 =	sld [smem:$0x3FB1]  }
0x2f: {  	lr =	sadd.s32 s0, s3;
	s0 =	sld [smem:$0x3FA8]  }
0x30: {  	s3 =	sld [smem:$0x3FAB]  }
0x31: {  	[smem:$0x3FB4] =	sst s10  }
0x32: {  	s10 =	sld [smem:$0x3FB2];
	_ =	sdelay $0x3  }
0x33: {  	p0 =	seq.s32 s10, $0x1;
	s10 =	sld [smem:$0x3FB4];
	_ =	sdelay $0x3  }
0x34: {  	[smem:$0x3FB4] =	sst s10  }
0x35: {  	s10 =	sld [smem:$0x3FB3];
	_ =	sdelay $0x3  }
0x36: {  	p1 =	seq.s32 s10, $0x1;
	s10 =	sld [smem:$0x3FB4];
	_ =	sdelay $0x3  }
0x37: {  	[smem:$0x3FB4] =	sst s10  }
0x38: {  	s10 =	sld [smem:$0x3FB5]  }
0x39: {  	_ = 	snop;
	(pc) =	sbr.ind lr, $3  }
0x3a: {  	_ = 	snop  }
0x3b: {  	_ = 	snop  }
0x3c: {  	p2 =	seq.s32 s10, $0x1;
	s10 =	sld [smem:$0x3FB4]  }
0x3d: {  	_ =	shalt  }
0x3e: {  	_ =	shalt  }
0x3f: {  	_ =	shalt  }
0x40: {  	_ =	shalt  }
0x41: {  	_ =	shalt  }
0x42: {  	_ =	shalt  }
0x43: {  	_ =	shalt  }
0x44: {  	_ =	shalt  }
0x45: {  	_ =	shalt  }
0x46: {  	_ =	shalt  }
0x47: {  	_ =	shalt  }
0x48: {  	_ =	shalt  }
0x49: {  	_ =	shalt  }
0x4a: {  	_ =	shalt  }
0x4b: {  	_ =	shalt  }
0x4c: {  	_ =	shalt  }
0x4d: {  	_ =	shalt  }
0x4e: {  	_ =	shalt  }
0x4f: {  	_ =	shalt  }
0x50: {  	_ =	shalt  }
0x51: {  	_ =	shalt  }
0x52: {  	_ =	shalt  }
0x53: {  	_ =	shalt  }
0x54: {  	_ =	shalt  }
0x55: {  	_ =	shalt  }
0x56: {  	_ =	shalt  }
0x57: {  	_ =	shalt  }
0x58: {  	_ =	shalt  }
0x59: {  	_ =	shalt  }
0x5a: {  	_ =	shalt  }
0x5b: {  	_ =	shalt  }
0x5c: {  	_ =	shalt  }
0x5d: {  	_ =	shalt  }
0x5e: {  	_ =	shalt  }
0x5f: {  	_ =	shalt  }
0x60: {  	_ =	shalt  }
0x61: {  	_ =	shalt  }
0x62: {  	_ =	shalt  }
0x63: {  	_ =	shalt  }
0x64: {  	_ =	shalt  }
0x65: {  	_ =	shalt  }
0x66: {  	_ =	shalt  }
0x67: {  	_ =	shalt  }
0x68: {  	_ =	shalt  }
0x69: {  	_ =	shalt  }
0x6a: {  	_ =	shalt  }
0x6b: {  	_ =	shalt  }
0x6c: {  	_ =	shalt  }
0x6d: {  	_ =	shalt  }
0x6e: {  	_ =	shalt  }
0x6f: {  	_ =	shalt  }
0x70: {  	_ =	shalt  }
0x71: {  	_ =	shalt  }
0x72: {  	_ =	shalt  }
0x73: {  	_ =	shalt  }
0x74: {  	_ =	shalt  }
0x75: {  	_ =	shalt  }
0x76: {  	_ =	shalt  }
0x77: {  	_ =	shalt  }
0x78: {  	_ =	shalt  }
0x79: {  	_ =	shalt  }
0x7a: {  	_ =	shalt  }
0x7b: {  	_ =	shalt  }
0x7c: {  	_ =	shalt  }
0x7d: {  	_ =	shalt  }
0x7e: {  	_ =	shalt  }
0x7f: {  	_ =	shalt  }
0x80: {  	_ =	shalt  }
0x81: {  	_ =	shalt  }
0x82: {  	_ =	shalt  }
0x83: {  	_ =	shalt  }
0x84: {  	_ =	shalt  }
0x85: {  	_ =	shalt  }
0x86: {  	_ =	shalt  }
0x87: {  	_ =	shalt  }
.Lfunc_end0:
.L_simem_size_0:
called_computation_lowered:
.L_overlay_start_0:
0x88: {  	s2 =	sld [smem:$0x3FD9]  }
0x89: {  	s3 =	sld [smem:$0x3FFE];
	_ =	sdelay $0x1  }
0x8a: {  	s1 =	srdreg.scid  }
0x8b: {  	s0 =	sand.u32 $0x1, s1  }
0x8c: {  	s17 =	sshll.u32 s0, $0xA;
	s2 =	sadd.s32 s3, s2  }
0x8d: {  	s2 =	sadd.s32 s2, s17  }
0x8e: {  	[smem:$0x3FC0] =	sst s2  }
0x8f: {  	_ = 	snop  }
0x90: {  	s2 =	sld [smem:$0x3FC9]  }
0x91: {  	s18 =	sld [smem:$0x3FD0];
	(tm) =	ssettm $0x1  }
0x92: {  	s4 =	sld [smem:$0x3FFB];
	_ =	sdelay $0x3  }
0x93: {  	_ =	strace s4  }
0x94: {  	s4 =	sld [smem:$0x3FFC];
	_ =	sdelay $0x3  }
0x95: {  	_ =	strace s4  }
0x96: {  	s4 =	sld [smem:$0x3FFD];
	_ =	sdelay $0x3  }
0x97: {  	_ =	strace s4  }
0x98: {  	_ =	strace $0x8FFFFFFF  }
0x99: {  	s19 =	sld [smem:$0x3FDB];
	_ =	sdelay $0x1  }
0x9a: {  	s5 =	simm.s32 $_scs_section_size  }
0x9b: {  	s6 =	simm.s32 $_size__tile_overlayer_lowered;
	s7 =	simm.s32 $_tile_overlayer_lowered  }
0x9c: {  	s22 =	simm.s32 $0x1BFF;
	s21 =	sshll.u32 s7, $0x1;
	s4 =	sadd.s32 s5, s19  }
0x9d: {  	s8 =	simm.s32 $0x0;
	s20 =	sshll.u32 s6, $0x1;
	s6 =	sadd.s32 s21, s4  }
0x9e: {  	[timem:s8], [sflag:s22] =	dma.local [hbm:s6], s20  }
0x9f: {  	_ =	swait.ge [sflag:s22], s20  }
0xa0: {  	s5 =	ssub.s32 $0x0, s20;
	[sflag:s22] =	ssyncset.done $0x0  }
0xa1: {  	[sflag:s22] =	ssyncadd.s32 s5;
	_ =	sdelay $0x1  }
0xa2: {  	s23 =	simm.s32 $0x1B8B  }
0xa3: {  	_ =	swait.ge [sflag:s23], $0x1  }
0xa4: {  	[sflag:s23] =	ssyncset.done $0x0  }
0xa5: {  	s25 =	simm.s32 $0x1B8E;
	s24 =	sld [smem:$0x3FFE];
	[sflag:s23] =	ssyncadd.s32 $0xFFFFFFFF  }
0xa6: {  	s26 =	simm.s32 $execute0_lowered;
	[smem:$0x3FD2] =	sst s25  }
0xa7: {  	s6 =	sshll.u32 s26, $0x1;
	_ =	strace $0x80000046;
	[dreg:$0x1] =	wrdreg $0xFFFFFFFF  }
0xa8: {  	s28 =	simm.s32 $_size_execute0_lowered;
	s4 =	sadd.s32 s4, s6;
	[dreg:$0x0] =	wrdreg $0x0  }
0xa9: {  	s6 =	sshll.u32 s28, $0x1;
	[dreg:$0x2] =	wrdreg s4  }
0xaa: {  	[dreg:$0x3] =	wrdreg s6  }
0xab: {  	[dreg:$0x4] =	wrdreg $0xC0  }
0xac: {  	_ =	task [dreg:s8], $0x5FFFF  }
0xad: {  	[dreg:$0x1] =	wrdreg $0xFFFFFFFF  }
0xae: {  	[dreg:$0x0] =	wrdreg $0x60  }
0xaf: {  	[dreg:$0x2] =	wrdreg s2  }
0xb0: {  	[dreg:$0x3] =	wrdreg s24  }
0xb1: {  	[dreg:$0x4] =	wrdreg s18  }
0xb2: {  	[dreg:$0x5] =	wrdreg $0x81000  }
0xb3: {  	[dreg:$0x6] =	wrdreg $0x1C9200  }
0xb4: {  	[dreg:$0x7] =	wrdreg $0x9  }
0xb5: {  	_ =	task.clear_ibuf [dreg:s8], $0x8FFFF;
	_ =	strace $0x90000046  }
0xb6: {  	s29 =	simm.s32 $0x9;
	_ =	strace $0x80000048  }
0xb7: {  	_ =	swait.ge [sflag:s29], $0x1  }
0xb8: {  	[sflag:s29] =	ssyncadd.s32 $0xFFFFFFFF  }
0xb9: {  	_ =	strace $0x90000048  }
0xba: {  	_ =	sfence  }
0xbb: {  	s30 =	sld [smem:$0x0];
	_ =	sdelay $0x2  }
0xbc: {  	s31 =	sshll.u32 s1, $0xD;
	s1 =	sshrl.u32 s1, $0x2  }
0xbd: {  	s3 =	sand.u32 $0x4000, s31;
	s1 =	sadd.s32 s1, s30  }
0xbe: {  	s0 =	sor.u32 s3, s0;
	s1 =	sshll.u32 s1, $0x11  }
0xbf: {  	s0 =	sor.u32 s1, s0  }
0xc0: {  	s0 =	sadd.s32 $0x8F2B, s0  }
0xc1: {  	[sflag:s0] =	ssyncadd.remote.s32 $0x1  }
0xc2: {  	_ =	sfence.sel $0xFFFF  }
0xc3: {  	[dreg:$0x0] =	wrdreg $0xFFFFFFFF;
	(pc) =	sbr.abs _section_cstart, $3  }
0xc4: {  	[dreg:$0x1] =	wrdreg $0xFFFFFFFF  }
0xc5: {  	_ =	task.clear_ibuf [dreg:s8], $0x2FFFF;
	_ =	strace $0x9FFFFFFF  }
0xc6: {  	(tm) =	ssettm $0x7FFFFFFF  }
0xc7: {  	_ =	shalt  }
tec
execute0_lowered:
.L_overlay_start_1:
0x0: {  	(tag) =	ssettag $0x1  }
0x1: {  	s1 =	rddreg [dreg:$0x0]  }
0x2: {  	s4 =	rddreg [dreg:$0x1]  }
0x3: {  	s8 =	rddreg [dreg:$0x2]  }
0x4: {  	s2 =	rddreg [dreg:$0x3]  }
0x5: {  	s3 =	rddreg [dreg:$0x4];
	s5 =	simm.s32 $0x0  }
0x6: {  	s6 =	srdreg.scid;
	s17 =	stileid.u32;
	s28 =	simm.s32 $0x380  }
0x7: {  	s29 =	simm.s32 $0x5;
	s30 =	simm.s32 $0x1B980;
	s31 =	simm.s32 $0x3  }
0x8: {  	[smem:$0x7FF] =	sst s5;
	s9 =	sand.u32 $0x1, s6;
	s6 =	smul.u32 $0x270, s17  }
0x9: {  	s0 =	sadd.s32 $0x2200, s4;
	s10 =	sadd.s32 $0x16200, s4;
	s11 =	smul.u32 $0x13800, s17  }
0xa: {  	s12 =	sshll.u32 s17, $0x1;
	s13 =	smul.u32 $0x2700, s17;
	p0 =	sne.s32 s17, $0xF  }
0xb: {  	_ =	strace $0x80000047;
	s16 =	ssub.s32 $0x2, s9;
	s24 =	smul.u32 $0x138800, s9  }
0xc: {  	s26 =	smul.u32 $0x27100, s9;
	s7 =	sshrl.u32 s16, $0x1;
	s18 =	sadd.s32 s11, s2  }
0xd: {  	s19 =	sadd.s32 s13, s3;
	s20 =	sadd.s32 $0x78, s6;
	s14 =	sadd.s32 $0xF0, s6  }
0xe: {  	s23 =	sadd.s32 $0x168, s6;
	s4 =	ssub.s32 s16, s7;
	[dreg:$0xe] =	wrdreg s18  }
0xf: {  	s7 =	sor.u32 s9, s12;
	[dreg:$0xf] =	wrdreg s19;
	s15 =	sshll.u32 s20, $0x7  }
0x10: {  	s12 =	sshll.u32 s20, $0x4;
	s16 =	sshll.u32 s14, $0x7;
	s22 =	sshll.u32 s14, $0x4  }
0x11: {  	s25 =	sshll.u32 s23, $0x7;
	s11 =	sadd.s32 s11, s24;
	s18 =	smul.u32 $0x5000, s17  }
0x12: {  	s13 =	sadd.s32 s13, s26;
	s9 =	smul.u32 $0x2800, s9;
	s14 =	sshll.u32 s23, $0x4  }
0x13: {  	s20 =	sshrl.u32 s24, $0x3;
	s15 =	sadd.s32 s15, s2;
	s12 =	sadd.s32 s12, s3  }
0x14: {  	s21 =	sadd.s32 s16, s2;
	s11 =	sshrl.u32 s11, $0x3;
	[dreg:$0x10] =	wrdreg s15  }
0x15: {  	s19 =	sshrl.u32 s13, $0x3;
	s14 =	sadd.s32 s14, s3;
	[dreg:$0x11] =	wrdreg s12  }
0x16: {  	s7 =	smul.u32 $0x2800, s7;
	[dreg:$0x12] =	wrdreg s21;
	s12 =	sadd.s32 s22, s3  }
0x17: {  	s11 =	sadd.s32 s10, s11;
	s9 =	sadd.s32 s9, s18;
	[dreg:$0x17] =	wrdreg s14  }
0x18: {  	s10 =	sadd.s32 s10, s20;
	s21 =	sshrl.u32 s26, $0x3;
	[dreg:$0x13] =	wrdreg s12  }
0x19: {  	s14 =	sadd.s32 $0x138000, s2;
	s12 =	sadd.s32 s25, s2;
	[dreg:$0x15] =	wrdreg s11  }
0x1a: {  	s11 =	sadd.s32 s8, s19;
	s8 =	sadd.s32 s8, s21;
	s23 =	sor.u32 $0x480, s9  }
0x1b: {  	s24 =	sadd.s32 $0x50400, s9;
	s13 =	sor.u32 $0x400, s9;
	s16 =	sadd.s32 $0x50380, s9  }
0x1c: {  	s18 =	sor.u32 $0x380, s9;
	s21 =	sadd.s32 $0x1E0, s6;
	[dreg:$0x1d] =	wrdreg s14  }
0x1d: {  	s6 =	sadd.s32 $0x258, s6;
	s7 =	sshrl.u32 s7, $0x3;
	[dreg:$0x14] =	wrdreg s12  }
0x1e: {  	[dreg:$0x16] =	wrdreg s11;
	s12 =	sadd.s32 $0x50480, s9;
	s26 =	sshrl.u32 s24, $0x3  }
0x1f: {  	s15 =	sshrl.u32 s13, $0x3;
	s20 =	sshrl.u32 s18, $0x3;
	s13 =	sadd.s32 $0x4E00, s8  }
0x20: {  	s24 =	sadd.s32 $0x50300, s9;
	s7 =	sadd.s32 s0, s7;
	[smem:$0x7F1] =	sst s13  }
0x21: {  	s9 =	sor.u32 $0x300, s9;
	s17 =	sadd.s32 $0x10, s7;
	[dreg:$0x1c] =	wrdreg s7  }
0x22: {  	s22 =	sshrl.u32 s12, $0x3;
	s18 =	sadd.s32 $0xA010, s7;
	[smem:$0x7F4] =	sst s17  }
0x23: {  	s12 =	sshrl.u32 s23, $0x3;
	s11 =	sadd.s32 s22, s0;
	[smem:$0x7F5] =	sst s18  }
0x24: {  	s8 =	simm.s32 $0x6;
	s25 =	sadd.s32 s12, s0;
	[dreg:$0x6] =	wrdreg s11  }
0x25: {  	s23 =	sshll.u32 s21, $0x7;
	s12 =	sadd.s32 s26, s0;
	[dreg:$0x7] =	wrdreg s25  }
0x26: {  	s9 =	sshrl.u32 s9, $0x3;
	s22 =	sadd.s32 s20, s0;
	[dreg:$0x8] =	wrdreg s12  }
0x27: {  	s26 =	sshll.u32 s6, $0x7;
	s20 =	sadd.s32 $0xA020, s7;
	[dreg:$0xb] =	wrdreg s22  }
0x28: {  	s6 =	sshll.u32 s6, $0x4;
	s11 =	sadd.s32 s15, s0;
	[smem:$0x7F7] =	sst s20  }
0x29: {  	s13 =	simm.s32 $0x0;
	s6 =	sadd.s32 s6, s3;
	[dreg:$0x9] =	wrdreg s11  }
0x2a: {  	s17 =	simm.s32 $0x100;
	s15 =	smax.u32 s4, $0x1;
	[dreg:$0x1b] =	wrdreg s6  }
0x2b: {  	s12 =	sshrl.u32 s16, $0x3;
	s16 =	sadd.s32 $0xA000, s7;
	[smem:$0x7F2] =	sst s15  }
0x2c: {  	s25 =	sshll.u32 s21, $0x4;
	s21 =	sadd.s32 $0x30, s7;
	[smem:$0x7F3] =	sst s16  }
0x2d: {  	s18 =	simm.s32 $0x180;
	s22 =	sadd.s32 $0xA030, s7;
	[smem:$0x7F8] =	sst s21  }
0x2e: {  	s4 =	simm.s32 $0x9;
	s19 =	sadd.s32 s12, s0;
	[smem:$0x7F9] =	sst s22  }
0x2f: {  	s20 =	simm.s32 $0x1;
	s12 =	sadd.s32 s23, s2;
	[dreg:$0xa] =	wrdreg s19  }
0x30: {  	s11 =	sshrl.u32 s24, $0x3;
	s23 =	sadd.s32 $0x40, s7;
	[dreg:$0x18] =	wrdreg s12  }
0x31: {  	s24 =	sadd.s32 $0xA040, s7;
	s15 =	simm.s32 $0x80;
	[smem:$0x7FA] =	sst s23  }
0x32: {  	s16 =	simm.s32 $0x7D;
	s11 =	sadd.s32 s11, s0;
	[smem:$0x7FB] =	sst s24  }
0x33: {  	s12 =	sadd.s32 s25, s3;
	s0 =	sadd.s32 s9, s0;
	[dreg:$0xc] =	wrdreg s11  }
0x34: {  	s19 =	sadd.s32 $0x20, s7;
	s25 =	sadd.s32 $0x50, s7;
	[dreg:$0x19] =	wrdreg s12  }
0x35: {  	s23 =	simm.s32 $0x280;
	s24 =	simm.s32 $0x2;
	[dreg:$0xd] =	wrdreg s0  }
0x36: {  	s9 =	simm.s32 $0x4;
	s11 =	sadd.s32 s26, s2;
	[smem:$0x7F6] =	sst s19  }
0x37: {  	s12 =	sadd.s32 $0x27000, s10;
	[smem:$0x7FC] =	sst s25;
	s26 =	sadd.s32 $0xA050, s7  }
0x38: {  	s19 =	simm.s32 $0x200;
	s25 =	simm.s32 $0x4280;
	[dreg:$0x1a] =	wrdreg s11  }
0x39: {  	s0 =	simm.s32 $0x7;
	s10 =	simm.s32 $0x8;
	[dreg:$0x1f] =	wrdreg s12  }
0x3a: {  	s11 =	sadd.s32 $0x27000, s3;
	[smem:$0x7FD] =	sst s26;
	s12 =	simm.s32 $0x400  }
0x3b: {  	v0 =	vimm.f32 $0.0e+00;
	v1 =	vimm.f32 $1.000000000e+00;
	s26 =	simm.s32 $0x300;
	[dreg:$0x1e] =	wrdreg s11;
	s11 =	simm.s32 $0xA  }
.LBB2_1:
0x3c: {  	s7 =	simm.s32 $0x0;
	s21 =	simm.s32 $0x200  }
.LBB2_2:
0x3d: {  	p1 =	sne.s32 s21, $0xF800;
	[tilespmem:s7+$0x470] =	vst v0  }
0x3e: {  	[tilespmem:s7+$0x400] =	vst v0  }
0x3f: {  	[tilespmem:s7+$0x410] =	vst v0  }
.Ltmp0:
0x40: {  	[tilespmem:s7+$0x420] =	vst v0;
	(pc) =	sbr.rel @p1 .LBB2_2-.Ltmp0, $4  }
0x41: {  	[tilespmem:s7+$0x430] =	vst v0  }
0x42: {  	[tilespmem:s7+$0x440] =	vst v0  }
0x43: {  	[tilespmem:s7+$0x450] =	vst v0  }
0x44: {  	[tilespmem:s7+$0x460] =	vst v0;
	s7 =	sshra.s32 s21, $0x2;
	s21 =	sadd.s32 $0x200, s21  }
0x45: {  	[tilespmem:s7+$0x470] =	vst v0  }
0x46: {  	[tilespmem:s7+$0x400] =	vst v0  }
0x47: {  	[tilespmem:s7+$0x410] =	vst v0  }
0x48: {  	[tilespmem:s7+$0x420] =	vst v0  }
0x49: {  	[tilespmem:s7+$0x430] =	vst v0  }
0x4a: {  	[tilespmem:s7+$0x440] =	vst v0  }
0x4b: {  	[tilespmem:s7+$0x450] =	vst v0  }
0x4c: {  	[smem:$0x7F0] =	sst s13;
	[tilespmem:s7+$0x460] =	vst v0;
	s7 =	simm.s32 $0x40;
	s21 =	simm.s32 $0x0  }
.LBB2_4:
0x4d: {  	p1 =	sne.s32 s7, $0x1F00;
	[tilespmem:s21+$0x1B980] =	vst v1;
	s22 =	smov.u32 s7;
	s7 =	sadd.s32 $0x40, s7  }
.Ltmp1:
0x4e: {  	[tilespmem:s21+$0x1C150] =	vst v0;
	(pc) =	sbr.rel @p1 .LBB2_4-.Ltmp1, $2  }
0x4f: {  	_ =	sdelay $0x2  }
0x50: {  	s21 =	sshra.s32 s22, $0x2  }
0x51: {  	[tilespmem:s21+$0x1B980] =	vst v1  }
0x52: {  	[tilespmem:s21+$0x1C150] =	vst v0;
	s6 =	rddreg [dreg:$0xe];
	s13 =	simm.s32 $0xB  }
0x53: {  	[spmem:s6] =	stream.linear.scatter [tilespmem:s12], [sflag:$0xB], $0x3C00, $0x38;
	[tilespmem:$0x1F030] =	vst v63  }
0x54: {  	_ =	swait.ge [sflag:s13], $0x3C00  }
0x55: {  	[sflag:s13] =	ssyncset.done $0x0  }
0x56: {  	s7 =	simm.s32 $0x1C150;
	s22 =	rddreg [dreg:$0xf];
	[sflag:s13] =	ssyncadd.s32 $0xFFFFC400  }
0x57: {  	[spmem:s22] =	stream.linear.scatter [tilespmem:s7], [sflag:$0xB], $0x780, $0x38;
	[tilespmem:$0x1F030] =	vst v63  }
0x58: {  	_ =	swait.ge [sflag:s13], $0x780  }
0x59: {  	[sflag:s13] =	ssyncset.done $0x0  }
0x5a: {  	s21 =	rddreg [dreg:$0x10];
	[sflag:s13] =	ssyncadd.s32 $0xFFFFF880  }
0x5b: {  	[spmem:s21] =	stream.linear.scatter [tilespmem:s12], [sflag:$0xB], $0x3C00, $0x38;
	[tilespmem:$0x1F030] =	vst v63  }
0x5c: {  	_ =	swait.ge [sflag:s13], $0x3C00  }
0x5d: {  	[sflag:s13] =	ssyncset.done $0x0  }
0x5e: {  	s22 =	rddreg [dreg:$0x11];
	[sflag:s13] =	ssyncadd.s32 $0xFFFFC400  }
0x5f: {  	[spmem:s22] =	stream.linear.scatter [tilespmem:s7], [sflag:$0xB], $0x780, $0x38;
	[tilespmem:$0x1F030] =	vst v63  }
0x60: {  	_ =	swait.ge [sflag:s13], $0x780  }
0x61: {  	[sflag:s13] =	ssyncset.done $0x0  }
0x62: {  	s21 =	rddreg [dreg:$0x12];
	[sflag:s13] =	ssyncadd.s32 $0xFFFFF880  }
0x63: {  	[spmem:s21] =	stream.linear.scatter [tilespmem:s12], [sflag:$0xB], $0x3C00, $0x38;
	[tilespmem:$0x1F030] =	vst v63  }
0x64: {  	_ =	swait.ge [sflag:s13], $0x3C00  }
0x65: {  	[sflag:s13] =	ssyncset.done $0x0  }
0x66: {  	s22 =	rddreg [dreg:$0x13];
	[sflag:s13] =	ssyncadd.s32 $0xFFFFC400  }
0x67: {  	[spmem:s22] =	stream.linear.scatter [tilespmem:s7], [sflag:$0xB], $0x780, $0x38;
	[tilespmem:$0x1F030] =	vst v63  }
0x68: {  	_ =	swait.ge [sflag:s13], $0x780  }
0x69: {  	[sflag:s13] =	ssyncset.done $0x0  }
0x6a: {  	s21 =	rddreg [dreg:$0x14];
	[sflag:s13] =	ssyncadd.s32 $0xFFFFF880  }
0x6b: {  	[spmem:s21] =	stream.linear.scatter [tilespmem:s12], [sflag:$0xB], $0x3C00, $0x38;
	[tilespmem:$0x1F030] =	vst v63  }
0x6c: {  	_ =	swait.ge [sflag:s13], $0x3C00  }
0x6d: {  	[sflag:s13] =	ssyncset.done $0x0  }
0x6e: {  	s22 =	rddreg [dreg:$0x17];
	[sflag:s13] =	ssyncadd.s32 $0xFFFFC400  }
0x6f: {  	[spmem:s22] =	stream.linear.scatter [tilespmem:s7], [sflag:$0xB], $0x780, $0x38;
	[tilespmem:$0x1F030] =	vst v63  }
0x70: {  	_ =	swait.ge [sflag:s13], $0x780  }
0x71: {  	[sflag:s13] =	ssyncset.done $0x0  }
0x72: {  	s21 =	rddreg [dreg:$0x18];
	[sflag:s13] =	ssyncadd.s32 $0xFFFFF880  }
0x73: {  	[spmem:s21] =	stream.linear.scatter [tilespmem:s12], [sflag:$0xB], $0x3C00, $0x38;
	[tilespmem:$0x1F030] =	vst v63  }
0x74: {  	_ =	swait.ge [sflag:s13], $0x3C00  }
0x75: {  	[sflag:s13] =	ssyncset.done $0x0  }
0x76: {  	s22 =	rddreg [dreg:$0x19];
	[sflag:s13] =	ssyncadd.s32 $0xFFFFC400  }
0x77: {  	[spmem:s22] =	stream.linear.scatter [tilespmem:s7], [sflag:$0xB], $0x780, $0x38;
	[tilespmem:$0x1F030] =	vst v63  }
0x78: {  	_ =	swait.ge [sflag:s13], $0x780  }
0x79: {  	[sflag:s13] =	ssyncset.done $0x0  }
0x7a: {  	s21 =	rddreg [dreg:$0x1a];
	[sflag:s13] =	ssyncadd.s32 $0xFFFFF880  }
0x7b: {  	[spmem:s21] =	stream.linear.scatter [tilespmem:s12], [sflag:$0xB], $0xC00, $0x38;
	[tilespmem:$0x1F030] =	vst v63  }
0x7c: {  	_ =	swait.ge [sflag:s13], $0xC00  }
0x7d: {  	[sflag:s13] =	ssyncset.done $0x0  }
0x7e: {  	s22 =	rddreg [dreg:$0x1b];
	[sflag:s13] =	ssyncadd.s32 $0xFFFFF400  }
0x7f: {  	[spmem:s22] =	stream.linear.scatter [tilespmem:s7], [sflag:$0xB], $0x180, $0x38;
	[tilespmem:$0x1F030] =	vst v63  }
0x80: {  	_ =	swait.ge [sflag:s13], $0x180  }
0x81: {  	[sflag:s13] =	ssyncset.done $0x0  }
0x82: {  	s7 =	simm.s32 @!p0 $0x400;
	[sflag:s13] =	ssyncadd.s32 $0xFFFFFE80  }
0x83: {  	[spmem:s14] =	stream.linear.scatter @!p0 [tilespmem:s7], [sflag:$0xB], $0x800, $0x38;
	[tilespmem:$0x1F030] =	vst v63  }
0x84: {  	s7 =	simm.s32 @!p0 $0xB  }
0x85: {  	_ =	swait.ge @!p0 [sflag:s7], $0x800  }
0x86: {  	[sflag:s7] =	ssyncset.done @!p0 $0x0  }
0x87: {  	s21 =	simm.s32 @!p0 $0x1C150;
	s6 =	rddreg [dreg:$0x1e];
	[sflag:s7] =	ssyncadd.s32 @!p0 $0xFFFFF800  }
0x88: {  	[spmem:s6] =	stream.linear.scatter @!p0 [tilespmem:s21], [sflag:$0xB], $0x100, $0x38;
	[tilespmem:$0x1F030] =	vst v63  }
0x89: {  	_ =	swait.ge @!p0 [sflag:s7], $0x100  }
0x8a: {  	[sflag:s7] =	ssyncset.done @!p0 $0x0  }
0x8b: {  	[sflag:s7] =	ssyncadd.s32 @!p0 $0xFFFFFF00  }
0x8c: {  	[bflag:$0x0] =	sbarrier.arrive $0xFFFF  }
0x8d: {  	s7 =	simm.s32 $0x0;
	s21 =	rddreg [dreg:$0x1c]  }
0x8e: {  	[tilespmem:s7], [sflag:$0xB] =	stream.linear.gather [hbm4b:s21+s7], $0x80, $0x38;
	[tilespmem:$0x1F030] =	vst v63  }
0x8f: {  	_ =	swait.ge [sflag:s13], $0x80  }
0x90: {  	s22 =	sld [smem:$0x7F3]  }
0x91: {  	[sflag:s13] =	ssyncset.done $0x0  }
0x92: {  	[sflag:s13] =	ssyncadd.s32 $0xFFFFFF80  }
0x93: {  	[tilespmem:s15], [sflag:$0xB] =	stream.linear.gather [hbm4b:s22+s7], $0x80, $0x38;
	[tilespmem:$0x1F030] =	vst v63  }
0x94: {  	_ =	swait.ge [sflag:s13], $0x80  }
0x95: {  	[sflag:s13] =	ssyncset.done $0x0  }
0x96: {  	[sflag:s13] =	ssyncadd.s32 $0xFFFFFF80;
	s13 =	sld [smem:$0x7F4]  }
0x97: {  	[tilespmem:s12], [sflag:$0x5] =	stream.indirect.gather [hbm4b:s1+s16], $0x80, s7, s16, $0xb8;
	[tilespmem:$0x1F030] =	vst v63  }
0x98: {  	s14 =	sld [smem:$0x7F5]  }
0x99: {  	[tilespmem:s17], [sflag:$0x2] =	stream.linear.gather [hbm4b:s13+s7], $0x80, $0x38;
	[tilespmem:$0x1F030] =	vst v63  }
0x9a: {  	s21 =	sld [smem:$0x7F6]  }
0x9b: {  	[tilespmem:s18], [sflag:$0x2] =	stream.linear.gather [hbm4b:s14+s7], $0x80, $0x38;
	[tilespmem:$0x1F030] =	vst v63  }
0x9c: {  	s22 =	sld [smem:$0x7F7]  }
0x9d: {  	[tilespmem:s19], [sflag:$0x3] =	stream.linear.gather [hbm4b:s21+s7], $0x80, $0x38;
	[tilespmem:$0x1F030] =	vst v63  }
0x9e: {  	_ = 	snop  }
0x9f: {  	[tilespmem:s23], [sflag:$0x3] =	stream.linear.gather [hbm4b:s22+s7], $0x80, $0x38;
	[tilespmem:$0x1F030] =	vst v63  }
0xa0: {  	_ =	swait.ge [sflag:s24], $0x80  }
0xa1: {  	[sflag:s24] =	ssyncset.done $0x0  }
0xa2: {  	[sflag:s24] =	ssyncadd.s32 $0xFFFFFF80  }
0xa3: {  	_ =	swait.ge [sflag:s24], $0x80  }
0xa4: {  	[sflag:s24] =	ssyncset.done $0x0  }
0xa5: {  	s13 =	sld [smem:$0x7F8];
	[sflag:s24] =	ssyncadd.s32 $0xFFFFFF80  }
0xa6: {  	[tilespmem:s25], [sflag:$0x6] =	stream.indirect.gather [hbm4b:s1+s16], $0x80, s17, s16, $0xb8;
	[tilespmem:$0x1F030] =	vst v63  }
0xa7: {  	s14 =	sld [smem:$0x7F9]  }
0xa8: {  	[tilespmem:s26], [sflag:$0x4] =	stream.linear.gather [hbm4b:s13+s7], $0x80, $0x38;
	[tilespmem:$0x1F030] =	vst v63  }
0xa9: {  	_ = 	snop  }
0xaa: {  	[tilespmem:s28], [sflag:$0x4] =	stream.linear.gather [hbm4b:s14+s7], $0x80, $0x38;
	[tilespmem:$0x1F030] =	vst v63  }
0xab: {  	_ =	swait.ge [sflag:s29], $0x3E80  }
0xac: {  	[sflag:s29] =	ssyncset.done $0x0  }
0xad: {  	[sflag:s29] =	ssyncadd.s32 $0xFFFFC180  }
0xae: {  	[spmem:s2] =	stream.indirect.scatter.add.f32 [tilespmem:s12], [sflag:$0x7], $0x80, s15, s16, $0xb8;
	[tilespmem:$0x1F030] =	vst v63  }
0xaf: {  	_ = 	snop  }
0xb0: {  	[spmem:s3] =	stream.indirect.scatter.add.f32 [tilespmem:s30], [sflag:$0x9], $0x10, s15, s16, $0xb8;
	[tilespmem:$0x1F030] =	vst v63  }
0xb1: {  	_ =	swait.ge [sflag:s31], $0x80  }
0xb2: {  	[sflag:s31] =	ssyncset.done $0x0  }
0xb3: {  	[sflag:s31] =	ssyncadd.s32 $0xFFFFFF80  }
0xb4: {  	_ =	swait.ge [sflag:s31], $0x80  }
0xb5: {  	[sflag:s31] =	ssyncset.done $0x0  }
0xb6: {  	[sflag:s31] =	ssyncadd.s32 $0xFFFFFF80  }
0xb7: {  	_ =	swait.ge [sflag:s0], $0x3E80  }
0xb8: {  	[sflag:s0] =	ssyncset.done $0x0  }
0xb9: {  	[sflag:s0] =	ssyncadd.s32 $0xFFFFC180  }
0xba: {  	_ =	swait.ge [sflag:s4], $0x7D0  }
0xbb: {  	[sflag:s4] =	ssyncset.done $0x0  }
0xbc: {  	s21 =	sld [smem:$0x7FA];
	[sflag:s4] =	ssyncadd.s32 $0xFFFFF830  }
0xbd: {  	[tilespmem:s12], [sflag:$0x5] =	stream.indirect.gather [hbm4b:s1+s16], $0x80, s19, s16, $0xb8;
	[tilespmem:$0x1F030] =	vst v63  }
0xbe: {  	s22 =	sld [smem:$0x7FB]  }
0xbf: {  	[tilespmem:s7], [sflag:$0x1] =	stream.linear.gather [hbm4b:s21+s7], $0x80, $0x38;
	[tilespmem:$0x1F030] =	vst v63  }
0xc0: {  	_ = 	snop  }
0xc1: {  	[tilespmem:s15], [sflag:$0x1] =	stream.linear.gather [hbm4b:s22+s7], $0x80, $0x38;
	[tilespmem:$0x1F030] =	vst v63  }
0xc2: {  	_ =	swait.ge [sflag:s8], $0x3E80  }
0xc3: {  	[sflag:s8] =	ssyncset.done $0x0  }
0xc4: {  	[sflag:s8] =	ssyncadd.s32 $0xFFFFC180  }
0xc5: {  	[spmem:s2] =	stream.indirect.scatter.add.f32 [tilespmem:s25], [sflag:$0x8], $0x80, s18, s16, $0xb8;
	[tilespmem:$0x1F030] =	vst v63  }
0xc6: {  	_ = 	snop  }
0xc7: {  	[spmem:s3] =	stream.indirect.scatter.add.f32 [tilespmem:s30], [sflag:$0xA], $0x10, s18, s16, $0xb8;
	[tilespmem:$0x1F030] =	vst v63  }
0xc8: {  	_ =	swait.ge [sflag:s9], $0x80  }
0xc9: {  	[sflag:s9] =	ssyncset.done $0x0  }
0xca: {  	[sflag:s9] =	ssyncadd.s32 $0xFFFFFF80  }
0xcb: {  	_ =	swait.ge [sflag:s9], $0x80  }
0xcc: {  	[sflag:s9] =	ssyncset.done $0x0  }
0xcd: {  	[sflag:s9] =	ssyncadd.s32 $0xFFFFFF80  }
0xce: {  	_ =	swait.ge [sflag:s10], $0x3E80  }
0xcf: {  	[sflag:s10] =	ssyncset.done $0x0  }
0xd0: {  	[sflag:s10] =	ssyncadd.s32 $0xFFFFC180  }
0xd1: {  	_ =	swait.ge [sflag:s11], $0x7D0  }
0xd2: {  	[sflag:s11] =	ssyncset.done $0x0  }
0xd3: {  	s13 =	sld [smem:$0x7FC];
	[sflag:s11] =	ssyncadd.s32 $0xFFFFF830  }
0xd4: {  	[tilespmem:s25], [sflag:$0x6] =	stream.indirect.gather [hbm4b:s1+s16], $0x80, s26, s16, $0xb8;
	[tilespmem:$0x1F030] =	vst v63  }
0xd5: {  	s14 =	sld [smem:$0x7FD]  }
0xd6: {  	[tilespmem:s17], [sflag:$0x2] =	stream.linear.gather [hbm4b:s13+s7], $0x80, $0x38;
	[tilespmem:$0x1F030] =	vst v63  }
0xd7: {  	_ = 	snop  }
0xd8: {  	[tilespmem:s18], [sflag:$0x2] =	stream.linear.gather [hbm4b:s14+s7], $0x80, $0x38;
	[tilespmem:$0x1F030] =	vst v63  }
0xd9: {  	_ =	swait.ge [sflag:s29], $0x3E80  }
0xda: {  	[sflag:s29] =	ssyncset.done $0x0  }
0xdb: {  	[sflag:s29] =	ssyncadd.s32 $0xFFFFC180  }
0xdc: {  	[spmem:s2] =	stream.indirect.scatter.add.f32 [tilespmem:s12], [sflag:$0x7], $0x80, s23, s16, $0xb8;
	[tilespmem:$0x1F030] =	vst v63  }
0xdd: {  	_ = 	snop  }
0xde: {  	[spmem:s3] =	stream.indirect.scatter.add.f32 [tilespmem:s30], [sflag:$0x9], $0x10, s23, s16, $0xb8;
	[tilespmem:$0x1F030] =	vst v63  }
0xdf: {  	_ =	swait.ge [sflag:s20], $0x80  }
0xe0: {  	[sflag:s20] =	ssyncset.done $0x0  }
0xe1: {  	[sflag:s20] =	ssyncadd.s32 $0xFFFFFF80  }
0xe2: {  	_ =	swait.ge [sflag:s20], $0x80  }
0xe3: {  	[sflag:s20] =	ssyncset.done $0x0  }
0xe4: {  	[sflag:s20] =	ssyncadd.s32 $0xFFFFFF80  }
0xe5: {  	_ =	swait.ge [sflag:s0], $0x3E80  }
0xe6: {  	[sflag:s0] =	ssyncset.done $0x0  }
0xe7: {  	[sflag:s0] =	ssyncadd.s32 $0xFFFFC180  }
0xe8: {  	_ =	swait.ge [sflag:s4], $0x7D0  }
0xe9: {  	[sflag:s4] =	ssyncset.done $0x0  }
0xea: {  	s21 =	rddreg [dreg:$0xd];
	[sflag:s4] =	ssyncadd.s32 $0xFFFFF830  }
0xeb: {  	[tilespmem:s12], [sflag:$0x5] =	stream.indirect.gather [hbm4b:s1+s16], $0x80, s5, s16, $0xb8;
	[tilespmem:$0x1F030] =	vst v63  }
0xec: {  	s22 =	rddreg [dreg:$0xc];
	s7 =	sadd.s32 $0x0, s21  }
0xed: {  	[tilespmem:s19], [sflag:$0x3] =	stream.linear.gather [hbm4b:s7+s5], $0x80, $0x38;
	[tilespmem:$0x1F030] =	vst v63  }
0xee: {  	s6 =	sadd.s32 $0x0, s22  }
0xef: {  	[tilespmem:s23], [sflag:$0x3] =	stream.linear.gather [hbm4b:s6+s5], $0x80, $0x38;
	[tilespmem:$0x1F030] =	vst v63  }
0xf0: {  	_ =	swait.ge [sflag:s8], $0x3E80  }
0xf1: {  	[sflag:s8] =	ssyncset.done $0x0  }
0xf2: {  	[sflag:s8] =	ssyncadd.s32 $0xFFFFC180  }
0xf3: {  	[spmem:s2] =	stream.indirect.scatter.add.f32 [tilespmem:s25], [sflag:$0x8], $0x80, s28, s16, $0xb8;
	[tilespmem:$0x1F030] =	vst v63  }
0xf4: {  	_ = 	snop  }
0xf5: {  	[spmem:s3] =	stream.indirect.scatter.add.f32 [tilespmem:s30], [sflag:$0xA], $0x10, s28, s16, $0xb8;
	[tilespmem:$0x1F030] =	vst v63  }
0xf6: {  	_ =	swait.ge [sflag:s24], $0x80  }
0xf7: {  	[sflag:s24] =	ssyncset.done $0x0  }
0xf8: {  	[sflag:s24] =	ssyncadd.s32 $0xFFFFFF80  }
0xf9: {  	_ =	swait.ge [sflag:s24], $0x80  }
0xfa: {  	[sflag:s24] =	ssyncset.done $0x0  }
0xfb: {  	[sflag:s24] =	ssyncadd.s32 $0xFFFFFF80  }
0xfc: {  	_ =	swait.ge [sflag:s10], $0x3E80  }
0xfd: {  	[sflag:s10] =	ssyncset.done $0x0  }
0xfe: {  	[sflag:s10] =	ssyncadd.s32 $0xFFFFC180  }
0xff: {  	_ =	swait.ge [sflag:s11], $0x7D0  }
0x100: {  	[sflag:s11] =	ssyncset.done $0x0  }
0x101: {  	s13 =	rddreg [dreg:$0xb];
	[sflag:s11] =	ssyncadd.s32 $0xFFFFF830  }
0x102: {  	[tilespmem:s25], [sflag:$0x6] =	stream.indirect.gather [hbm4b:s1+s16], $0x80, s17, s16, $0xb8;
	[tilespmem:$0x1F030] =	vst v63  }
0x103: {  	s14 =	rddreg [dreg:$0xa];
	s7 =	sadd.s32 $0x0, s13  }
0x104: {  	[tilespmem:s26], [sflag:$0x4] =	stream.linear.gather [hbm4b:s7+s5], $0x80, $0x38;
	[tilespmem:$0x1F030] =	vst v63  }
0x105: {  	s22 =	sadd.s32 $0x0, s14  }
0x106: {  	[tilespmem:s28], [sflag:$0x4] =	stream.linear.gather [hbm4b:s22+s5], $0x80, $0x38;
	[tilespmem:$0x1F030] =	vst v63  }
0x107: {  	_ =	swait.ge [sflag:s29], $0x3E80  }
0x108: {  	[sflag:s29] =	ssyncset.done $0x0  }
0x109: {  	[sflag:s29] =	ssyncadd.s32 $0xFFFFC180  }
0x10a: {  	[spmem:s2] =	stream.indirect.scatter.add.f32 [tilespmem:s12], [sflag:$0x7], $0x80, s15, s16, $0xb8;
	[tilespmem:$0x1F030] =	vst v63  }
0x10b: {  	_ = 	snop  }
0x10c: {  	[spmem:s3] =	stream.indirect.scatter.add.f32 [tilespmem:s30], [sflag:$0x9], $0x10, s15, s16, $0xb8;
	[tilespmem:$0x1F030] =	vst v63  }
0x10d: {  	_ =	swait.ge [sflag:s31], $0x80  }
0x10e: {  	[sflag:s31] =	ssyncset.done $0x0  }
0x10f: {  	[sflag:s31] =	ssyncadd.s32 $0xFFFFFF80  }
0x110: {  	_ =	swait.ge [sflag:s31], $0x80  }
0x111: {  	[sflag:s31] =	ssyncset.done $0x0  }
0x112: {  	[sflag:s31] =	ssyncadd.s32 $0xFFFFFF80  }
0x113: {  	_ =	swait.ge [sflag:s0], $0x3E80  }
0x114: {  	[sflag:s0] =	ssyncset.done $0x0  }
0x115: {  	[sflag:s0] =	ssyncadd.s32 $0xFFFFC180  }
0x116: {  	_ =	swait.ge [sflag:s4], $0x7D0  }
0x117: {  	[sflag:s4] =	ssyncset.done $0x0  }
0x118: {  	p1 =	por $0x0, $0x0;
	s7 =	rddreg [dreg:$0x9];
	[sflag:s4] =	ssyncadd.s32 $0xFFFFF830  }
0x119: {  	[tilespmem:s12], [sflag:$0x5] =	stream.indirect.gather [hbm4b:s1+s16], $0x80, s19, s16, $0xb8;
	[tilespmem:$0x1F030] =	vst v63  }
0x11a: {  	s22 =	simm.s32 @!p1 $0x0;
	s21 =	rddreg [dreg:$0x8];
	s7 =	sadd.s32 @!p1 $0x0, s7  }
0x11b: {  	[tilespmem:s22], [sflag:$0x1] =	stream.linear.gather @!p1 [hbm4b:s7+s22], $0x80, $0x38;
	[tilespmem:$0x1F030] =	vst v63  }
0x11c: {  	s7 =	sadd.s32 @!p1 $0x0, s21;
	s21 =	simm.s32 @!p1 $0x80  }
0x11d: {  	[tilespmem:s21], [sflag:$0x1] =	stream.linear.gather @!p1 [hbm4b:s7+s22], $0x80, $0x38;
	[tilespmem:$0x1F030] =	vst v63  }
0x11e: {  	_ =	swait.ge [sflag:s8], $0x3E80  }
0x11f: {  	[sflag:s8] =	ssyncset.done $0x0  }
0x120: {  	[sflag:s8] =	ssyncadd.s32 $0xFFFFC180  }
0x121: {  	[spmem:s2] =	stream.indirect.scatter.add.f32 [tilespmem:s25], [sflag:$0x8], $0x80, s18, s16, $0xb8;
	[tilespmem:$0x1F030] =	vst v63  }
0x122: {  	_ = 	snop  }
0x123: {  	[spmem:s3] =	stream.indirect.scatter.add.f32 [tilespmem:s30], [sflag:$0xA], $0x10, s18, s16, $0xb8;
	[tilespmem:$0x1F030] =	vst v63  }
0x124: {  	_ =	swait.ge [sflag:s9], $0x80  }
0x125: {  	[sflag:s9] =	ssyncset.done $0x0  }
0x126: {  	[sflag:s9] =	ssyncadd.s32 $0xFFFFFF80  }
0x127: {  	_ =	swait.ge [sflag:s9], $0x80  }
0x128: {  	[sflag:s9] =	ssyncset.done $0x0  }
0x129: {  	[sflag:s9] =	ssyncadd.s32 $0xFFFFFF80  }
0x12a: {  	_ =	swait.ge [sflag:s10], $0x3E80  }
0x12b: {  	[sflag:s10] =	ssyncset.done $0x0  }
0x12c: {  	[sflag:s10] =	ssyncadd.s32 $0xFFFFC180  }
0x12d: {  	_ =	swait.ge [sflag:s11], $0x7D0  }
0x12e: {  	[sflag:s11] =	ssyncset.done $0x0  }
0x12f: {  	s7 =	rddreg [dreg:$0x7];
	[sflag:s11] =	ssyncadd.s32 $0xFFFFF830  }
0x130: {  	[tilespmem:s25], [sflag:$0x6] =	stream.indirect.gather [hbm4b:s1+s16], $0x80, s26, s16, $0xb8;
	[tilespmem:$0x1F030] =	vst v63  }
0x131: {  	s14 =	simm.s32 @!p1 $0x100;
	s21 =	rddreg [dreg:$0x6];
	s7 =	sadd.s32 @!p1 $0x0, s7  }
0x132: {  	[tilespmem:s14], [sflag:$0x2] =	stream.linear.gather @!p1 [hbm4b:s7+s22], $0x80, $0x38;
	[tilespmem:$0x1F030] =	vst v63  }
0x133: {  	s7 =	sadd.s32 @!p1 $0x0, s21;
	s14 =	simm.s32 @!p1 $0x180  }
0x134: {  	[tilespmem:s14], [sflag:$0x2] =	stream.linear.gather @!p1 [hbm4b:s7+s22], $0x80, $0x38;
	[tilespmem:$0x1F030] =	vst v63  }
0x135: {  	_ =	swait.ge [sflag:s29], $0x3E80  }
0x136: {  	[sflag:s29] =	ssyncset.done $0x0  }
0x137: {  	s7 =	simm.s32 $0x40;
	[sflag:s29] =	ssyncadd.s32 $0xFFFFC180  }
0x138: {  	[spmem:s2] =	stream.indirect.scatter.add.f32 [tilespmem:s12], [sflag:$0x7], $0x80, s23, s16, $0xb8;
	[tilespmem:$0x1F030] =	vst v63  }
.LBB2_6:
0x139: {  	[spmem:s3] =	stream.indirect.scatter.add.f32 [tilespmem:s30], [sflag:$0x9], $0x10, s23, s16, $0xb8;
	[tilespmem:$0x1F030] =	vst v63  }
0x13a: {  	_ =	swait.ge [sflag:s20], $0x80  }
0x13b: {  	[sflag:s20] =	ssyncset.done $0x0  }
0x13c: {  	[sflag:s20] =	ssyncadd.s32 $0xFFFFFF80  }
0x13d: {  	_ =	swait.ge [sflag:s20], $0x80  }
0x13e: {  	[sflag:s20] =	ssyncset.done $0x0  }
0x13f: {  	[sflag:s20] =	ssyncadd.s32 $0xFFFFFF80  }
0x140: {  	_ =	swait.ge [sflag:s0], $0x3E80  }
0x141: {  	[sflag:s0] =	ssyncset.done $0x0  }
0x142: {  	[sflag:s0] =	ssyncadd.s32 $0xFFFFC180  }
0x143: {  	_ =	swait.ge [sflag:s4], $0x7D0  }
0x144: {  	[sflag:s4] =	ssyncset.done $0x0  }
0x145: {  	s21 =	smov.u32 s7;
	s14 =	rddreg [dreg:$0xd];
	[sflag:s4] =	ssyncadd.s32 $0xFFFFF830  }
0x146: {  	[tilespmem:s12], [sflag:$0x5] =	stream.indirect.gather [hbm4b:s1+s16], $0x80, s5, s16, $0xb8;
	[tilespmem:$0x1F030] =	vst v63  }
0x147: {  	s22 =	rddreg [dreg:$0xc];
	s14 =	sadd.s32 s21, s14  }
0x148: {  	[tilespmem:s19], [sflag:$0x3] =	stream.linear.gather [hbm4b:s14+s5], $0x80, $0x38;
	[tilespmem:$0x1F030] =	vst v63  }
0x149: {  	s22 =	sadd.s32 s21, s22  }
0x14a: {  	[tilespmem:s23], [sflag:$0x3] =	stream.linear.gather [hbm4b:s22+s5], $0x80, $0x38;
	[tilespmem:$0x1F030] =	vst v63  }
0x14b: {  	_ =	swait.ge [sflag:s8], $0x3E80  }
0x14c: {  	[sflag:s8] =	ssyncset.done $0x0  }
0x14d: {  	[sflag:s8] =	ssyncadd.s32 $0xFFFFC180  }
0x14e: {  	[spmem:s2] =	stream.indirect.scatter.add.f32 [tilespmem:s25], [sflag:$0x8], $0x80, s28, s16, $0xb8;
	[tilespmem:$0x1F030] =	vst v63  }
0x14f: {  	_ = 	snop  }
0x150: {  	[spmem:s3] =	stream.indirect.scatter.add.f32 [tilespmem:s30], [sflag:$0xA], $0x10, s28, s16, $0xb8;
	[tilespmem:$0x1F030] =	vst v63  }
0x151: {  	_ =	swait.ge [sflag:s24], $0x80  }
0x152: {  	[sflag:s24] =	ssyncset.done $0x0  }
0x153: {  	[sflag:s24] =	ssyncadd.s32 $0xFFFFFF80  }
0x154: {  	_ =	swait.ge [sflag:s24], $0x80  }
0x155: {  	[sflag:s24] =	ssyncset.done $0x0  }
0x156: {  	[sflag:s24] =	ssyncadd.s32 $0xFFFFFF80  }
0x157: {  	_ =	swait.ge [sflag:s10], $0x3E80  }
0x158: {  	[sflag:s10] =	ssyncset.done $0x0  }
0x159: {  	[sflag:s10] =	ssyncadd.s32 $0xFFFFC180  }
0x15a: {  	_ =	swait.ge [sflag:s11], $0x7D0  }
0x15b: {  	[sflag:s11] =	ssyncset.done $0x0  }
0x15c: {  	s6 =	rddreg [dreg:$0xb];
	[sflag:s11] =	ssyncadd.s32 $0xFFFFF830  }
0x15d: {  	[tilespmem:s25], [sflag:$0x6] =	stream.indirect.gather [hbm4b:s1+s16], $0x80, s17, s16, $0xb8;
	[tilespmem:$0x1F030] =	vst v63  }
0x15e: {  	s13 =	rddreg [dreg:$0xa];
	s14 =	sadd.s32 s21, s6  }
0x15f: {  	[tilespmem:s26], [sflag:$0x4] =	stream.linear.gather [hbm4b:s14+s5], $0x80, $0x38;
	[tilespmem:$0x1F030] =	vst v63  }
0x160: {  	s22 =	sadd.s32 s21, s13  }
0x161: {  	[tilespmem:s28], [sflag:$0x4] =	stream.linear.gather [hbm4b:s22+s5], $0x80, $0x38;
	[tilespmem:$0x1F030] =	vst v63  }
0x162: {  	_ =	swait.ge [sflag:s29], $0x3E80  }
0x163: {  	[sflag:s29] =	ssyncset.done $0x0  }
0x164: {  	[sflag:s29] =	ssyncadd.s32 $0xFFFFC180  }
0x165: {  	[spmem:s2] =	stream.indirect.scatter.add.f32 [tilespmem:s12], [sflag:$0x7], $0x80, s15, s16, $0xb8;
	[tilespmem:$0x1F030] =	vst v63  }
0x166: {  	_ = 	snop  }
0x167: {  	[spmem:s3] =	stream.indirect.scatter.add.f32 [tilespmem:s30], [sflag:$0x9], $0x10, s15, s16, $0xb8;
	[tilespmem:$0x1F030] =	vst v63  }
0x168: {  	_ =	swait.ge [sflag:s31], $0x80  }
0x169: {  	[sflag:s31] =	ssyncset.done $0x0  }
0x16a: {  	[sflag:s31] =	ssyncadd.s32 $0xFFFFFF80  }
0x16b: {  	_ =	swait.ge [sflag:s31], $0x80  }
0x16c: {  	[sflag:s31] =	ssyncset.done $0x0  }
0x16d: {  	[sflag:s31] =	ssyncadd.s32 $0xFFFFFF80  }
0x16e: {  	_ =	swait.ge [sflag:s0], $0x3E80  }
0x16f: {  	[sflag:s0] =	ssyncset.done $0x0  }
0x170: {  	[sflag:s0] =	ssyncadd.s32 $0xFFFFC180  }
0x171: {  	_ =	swait.ge [sflag:s4], $0x7D0  }
0x172: {  	[sflag:s4] =	ssyncset.done $0x0  }
0x173: {  	p2 =	seq.s32 s21, $0x480;
	s14 =	rddreg [dreg:$0x9];
	[sflag:s4] =	ssyncadd.s32 $0xFFFFF830  }
0x174: {  	[tilespmem:s12], [sflag:$0x5] =	stream.indirect.gather [hbm4b:s1+s16], $0x80, s19, s16, $0xb8;
	[tilespmem:$0x1F030] =	vst v63  }
0x175: {  	s6 =	simm.s32 @!p2 $0x0;
	s22 =	rddreg [dreg:$0x8];
	s14 =	sadd.s32 @!p2 s21, s14  }
0x176: {  	[tilespmem:s6], [sflag:$0x1] =	stream.linear.gather @!p2 [hbm4b:s14+s6], $0x80, $0x38;
	[tilespmem:$0x1F030] =	vst v63  }
0x177: {  	s14 =	sadd.s32 @!p2 s21, s22;
	s22 =	simm.s32 @!p2 $0x80  }
0x178: {  	[tilespmem:s22], [sflag:$0x1] =	stream.linear.gather @!p2 [hbm4b:s14+s6], $0x80, $0x38;
	[tilespmem:$0x1F030] =	vst v63  }
0x179: {  	_ =	swait.ge [sflag:s8], $0x3E80  }
0x17a: {  	[sflag:s8] =	ssyncset.done $0x0  }
0x17b: {  	[sflag:s8] =	ssyncadd.s32 $0xFFFFC180  }
0x17c: {  	[spmem:s2] =	stream.indirect.scatter.add.f32 [tilespmem:s25], [sflag:$0x8], $0x80, s18, s16, $0xb8;
	[tilespmem:$0x1F030] =	vst v63  }
0x17d: {  	_ = 	snop  }
0x17e: {  	[spmem:s3] =	stream.indirect.scatter.add.f32 [tilespmem:s30], [sflag:$0xA], $0x10, s18, s16, $0xb8;
	[tilespmem:$0x1F030] =	vst v63  }
0x17f: {  	_ =	swait.ge [sflag:s9], $0x80  }
0x180: {  	[sflag:s9] =	ssyncset.done $0x0  }
0x181: {  	[sflag:s9] =	ssyncadd.s32 $0xFFFFFF80  }
0x182: {  	_ =	swait.ge [sflag:s9], $0x80  }
0x183: {  	[sflag:s9] =	ssyncset.done $0x0  }
0x184: {  	[sflag:s9] =	ssyncadd.s32 $0xFFFFFF80  }
0x185: {  	_ =	swait.ge [sflag:s10], $0x3E80  }
0x186: {  	[sflag:s10] =	ssyncset.done $0x0  }
0x187: {  	[sflag:s10] =	ssyncadd.s32 $0xFFFFC180  }
0x188: {  	_ =	swait.ge [sflag:s11], $0x7D0  }
0x189: {  	[sflag:s11] =	ssyncset.done $0x0  }
0x18a: {  	s7 =	sadd.s32 $0x40, s7;
	s14 =	rddreg [dreg:$0x7];
	[sflag:s11] =	ssyncadd.s32 $0xFFFFF830  }
0x18b: {  	[tilespmem:s25], [sflag:$0x6] =	stream.indirect.gather [hbm4b:s1+s16], $0x80, s26, s16, $0xb8;
	[tilespmem:$0x1F030] =	vst v63  }
0x18c: {  	s13 =	simm.s32 @!p2 $0x100;
	s22 =	rddreg [dreg:$0x6];
	s14 =	sadd.s32 @!p2 s21, s14  }
0x18d: {  	[tilespmem:s13], [sflag:$0x2] =	stream.linear.gather @!p2 [hbm4b:s14+s6], $0x80, $0x38;
	[tilespmem:$0x1F030] =	vst v63  }
0x18e: {  	p1 =	sne.s32 s7, $0x4C0;
	s13 =	sadd.s32 @!p2 s21, s22;
	s14 =	simm.s32 @!p2 $0x180  }
0x18f: {  	[tilespmem:s14], [sflag:$0x2] =	stream.linear.gather @!p2 [hbm4b:s13+s6], $0x80, $0x38;
	[tilespmem:$0x1F030] =	vst v63  }
.Ltmp2:
0x190: {  	_ = 	snop;
	(pc) =	sbr.rel @p1 .LBB2_6-.Ltmp2, $4  }
0x191: {  	_ =	swait.ge [sflag:s29], $0x3E80  }
0x192: {  	[sflag:s29] =	ssyncset.done $0x0  }
0x193: {  	[sflag:s29] =	ssyncadd.s32 $0xFFFFC180  }
0x194: {  	[spmem:s2] =	stream.indirect.scatter.add.f32 [tilespmem:s12], [sflag:$0x7], $0x80, s23, s16, $0xb8;
	[tilespmem:$0x1F030] =	vst v63  }
0x195: {  	[spmem:s3] =	stream.indirect.scatter.add.f32 [tilespmem:s30], [sflag:$0x9], $0x10, s23, s16, $0xb8;
	[tilespmem:$0x1F030] =	vst v63  }
0x196: {  	_ =	swait.ge [sflag:s0], $0x3E80  }
0x197: {  	[sflag:s0] =	ssyncset.done $0x0  }
0x198: {  	[sflag:s0] =	ssyncadd.s32 $0xFFFFC180  }
0x199: {  	_ =	swait.ge [sflag:s4], $0x7D0  }
0x19a: {  	[sflag:s4] =	ssyncset.done $0x0  }
0x19b: {  	[sflag:s4] =	ssyncadd.s32 $0xFFFFF830  }
0x19c: {  	_ =	swait.ge [sflag:s8], $0x3E80  }
0x19d: {  	[sflag:s8] =	ssyncset.done $0x0  }
0x19e: {  	[sflag:s8] =	ssyncadd.s32 $0xFFFFC180  }
0x19f: {  	[spmem:s2] =	stream.indirect.scatter.add.f32 [tilespmem:s25], [sflag:$0x8], $0x80, s28, s16, $0xb8;
	[tilespmem:$0x1F030] =	vst v63  }
0x1a0: {  	_ = 	snop  }
0x1a1: {  	[spmem:s3] =	stream.indirect.scatter.add.f32 [tilespmem:s30], [sflag:$0xA], $0x10, s28, s16, $0xb8;
	[tilespmem:$0x1F030] =	vst v63  }
0x1a2: {  	_ =	swait.ge [sflag:s10], $0x3E80  }
0x1a3: {  	[sflag:s10] =	ssyncset.done $0x0  }
0x1a4: {  	[sflag:s10] =	ssyncadd.s32 $0xFFFFC180  }
0x1a5: {  	_ =	swait.ge [sflag:s11], $0x7D0  }
0x1a6: {  	[sflag:s11] =	ssyncset.done $0x0  }
0x1a7: {  	[sflag:s11] =	ssyncadd.s32 $0xFFFFF830  }
0x1a8: {  	s6 =	stileid.u32;
	[bflag:$0x0] =	sbarrier.arrive $0xFFFF  }
0x1a9: {  	s14 =	simm.s32 $0xB;
	s6 =	sshll.u32 s6, $0x6;
	s7 =	rddreg [dreg:$0xe]  }
0x1aa: {  	s6 =	sor.u32 $0x1C0B, s6;
	s13 =	rddreg [dreg:$0x15];
	s7 =	sshrl.u32 s7, $0x3  }
0x1ab: {  	[hbm:s13], [sflag:s6] =	dma.local [spmem:s7], $0x2700  }
0x1ac: {  	_ =	swait.ge [sflag:s14], $0x2700  }
0x1ad: {  	[sflag:s14] =	ssyncset.done $0x0;
	s21 =	rddreg [dreg:$0xf]  }
0x1ae: {  	s22 =	rddreg [dreg:$0x16];
	[sflag:s14] =	ssyncadd.s32 $0xFFFFD900;
	s7 =	sshrl.u32 s21, $0x3  }
0x1af: {  	[hbm:s22], [sflag:s6] =	dma.local [spmem:s7], $0x4E0  }
0x1b0: {  	_ =	swait.ge [sflag:s14], $0x4E0  }
0x1b1: {  	[sflag:s14] =	ssyncset.done $0x0  }
0x1b2: {  	[sflag:s14] =	ssyncadd.s32 $0xFFFFFB20;
	s14 =	rddreg [dreg:$0x1d]  }
0x1b3: {  	s13 =	rddreg [dreg:$0x1f];
	s7 =	sshrl.u32 @!p0 s14, $0x3  }
0x1b4: {  	[hbm:s13], [sflag:s6] =	dma.local @!p0 [spmem:s7], $0x100  }
0x1b5: {  	s7 =	simm.s32 @!p0 $0xB  }
0x1b6: {  	_ =	swait.ge @!p0 [sflag:s7], $0x100  }
0x1b7: {  	s21 =	sld [smem:$0x7F1]  }
0x1b8: {  	[sflag:s7] =	ssyncset.done @!p0 $0x0;
	s13 =	rddreg [dreg:$0x1e]  }
0x1b9: {  	[sflag:s7] =	ssyncadd.s32 @!p0 $0xFFFFFF00;
	s13 =	sshrl.u32 @!p0 s13, $0x3  }
0x1ba: {  	[hbm:s21], [sflag:s6] =	dma.local @!p0 [spmem:s13], $0x20  }
0x1bb: {  	_ =	swait.ge @!p0 [sflag:s7], $0x20  }
0x1bc: {  	s21 =	sld [smem:$0x7F0]  }
0x1bd: {  	s22 =	sld [smem:$0x7F2];
	_ =	sdelay $0x1  }
0x1be: {  	s13 =	sadd.s32 $0x1, s21  }
0x1bf: {  	p1 =	sne.s32 s13, s22  }
.Ltmp3:
0x1c0: {  	_ = 	snop;
	(pc) =	sbr.rel @p1 .LBB2_1-.Ltmp3, $3  }
0x1c1: {  	_ =	sdelay $0x1  }
0x1c2: {  	[sflag:s7] =	ssyncset.done @!p0 $0x0  }
0x1c3: {  	[sflag:s7] =	ssyncadd.s32 @!p0 $0xFFFFFFE0  }
0x1c4: {  	_ =	sfence.sel $0x180000  }
0x1c5: {  	[bflag:$0x0] =	sbarrier.arrive $0xFFFF  }
0x1c6: {  	_ =	strace $0x90000047  }
0x1c7: {  	s0 =	stileid.u32;
	[bflag:$0x2] =	sbarrier.arrive $0xFFFF  }
0x1c8: {  	p0 =	sne.s32 s0, $0x0;
	s0 =	rddreg [dreg:$0x5]  }
0x1c9: {  	s0 =	sadd.s32 @!p0 $0x100000, s0  }
0x1ca: {  	[sflag:s0] =	ssyncadd.tile.s32 @!p0 $0x1;
	_ =	shalt  }
.Lfunc_end2:
_tile_overlayer_lowered:
.L_overlay_start_2:
0x1cb: {  	(tag) =	ssettag $0x2  }
0x1cc: {  	s0 =	rddreg [dreg:$0x0];
	s2 =	stileid.u32  }
0x1cd: {  	s1 =	rddreg [dreg:$0x1];
	p0 =	sne.s32 s2, $0x0  }
0x1ce: {  	s3 =	rddreg [dreg:$0x2];
	[bflag:$0x3] =	sbarrier.arrive $0xFFFF;
	s2 =	simm.s32 @!p0 $0x1C0B  }
0x1cf: {  	[timem:s3], [sflag:s2] =	dma.local @!p0 [hbm:s0], s1  }
0x1d0: {  	s0 =	simm.s32 @!p0 $0xB  }
0x1d1: {  	_ =	swait.ge @!p0 [sflag:s0], s1  }
0x1d2: {  	s1 =	ssub.s32 @!p0 $0x0, s1;
	[sflag:s0] =	ssyncset.done @!p0 $0x0  }
0x1d3: {  	[sflag:s0] =	ssyncadd.s32 @!p0 s1  }
0x1d4: {  	[bflag:$0x3] =	sbarrier.arrive $0xFFFF  }
0x1d5: {  	_ =	shalt  }

// kernel: kernel.9.cloned.1.call-start
scs
__scs_entry_jumppad:
0x0: {  	(pc) =	sbr.rel $0x88, $3  }
0x1: {  	(tag) =	ssettag $0x0;
	lr =	simm.s32 $0x1  }
0x2: {  	[smem:$0x3F99] =	sst lr;
	_ =	strace $0xD0000000  }
0x3: {  	_ = 	snop  }
0x4: {  	_ = 	snop  }
0x5: {  	_ = 	snop  }
0x6: {  	_ = 	snop  }
0x7: {  	_ = 	snop  }
__scs_overlays_trampoline_lowered:
0x8: {  	[smem:$0x3FA8] =	sst s0  }
0x9: {  	[smem:$0x3FA9] =	sst s1  }
0xa: {  	[smem:$0x3FAA] =	sst s2  }
0xb: {  	[smem:$0x3FAB] =	sst s3  }
0xc: {  	[smem:$0x3FAC] =	sst s4  }
0xd: {  	[smem:$0x3FAD] =	sst s5  }
0xe: {  	[smem:$0x3FAE] =	sst s6  }
0xf: {  	[smem:$0x3FAF] =	sst s7  }
0x10: {  	[smem:$0x3FB0] =	sst s8  }
0x11: {  	[smem:$0x3FB1] =	sst s9;
	s0 =	simm.s32 @!p0 $0x0  }
0x12: {  	s1 =	sld [smem:$0x3F97];
	s0 =	simm.s32 @p0 $0x1  }
0x13: {  	[smem:$0x3FB2] =	sst s0;
	s0 =	simm.s32 @!p1 $0x0  }
0x14: {  	s2 =	sld [smem:$0x3F96];
	s0 =	simm.s32 @p1 $0x1  }
0x15: {  	[smem:$0x3FB3] =	sst s0;
	s0 =	simm.s32 @!p2 $0x0  }
0x16: {  	s3 =	sld [smem:$0x3FDB];
	s0 =	simm.s32 @p2 $0x1  }
0x17: {  	s4 =	simm.s32 $0x1BF5;
	[smem:$0x3FB5] =	sst s0  }
0x18: {  	s0 =	sld [smem:$0x3F98];
	_ =	swait.ge [sflag:s4], $0x0  }
0x19: {  	s7 =	sld [smem:$0x3F99]  }
0x1a: {  	s8 =	sadd.s32 $0xFFFFE003, lr  }
0x1b: {  	s9 =	sadd.s32 $0xFFFFFEF7, lr;
	s5 =	simm.s32 $0xFFFFFFFF;
	p2 =	slt.u32 s8, $0xFFFFF086  }
0x1c: {  	p1 =	slt.u32 s9, $0xF7A;
	s5 =	simm.s32 @!p2 $0x0  }
0x1d: {  	s5 =	simm.s32 @p1 $0x1;
	p0 =	seq.s32 s7, s2  }
0x1e: {  	s7 =	smul.u32 @!p0 $0xF7A, s2;
	p2 =	seq.s32 @!p0 s5, $0x0  }
0x1f: {  	s9 =	smul.u32 $0xF7A, s1;
	s8 =	simm.s32 @!p0 $0x1BF5;
	p2 =	por !p2, p0  }
0x20: {  	[sflag:s8] =	ssyncset.s32 @!p0 $0xFFFFF086;
	s6 =	sadd.s32 @!p0 s3, s7;
	s7 =	simm.s32 @!p0 $0x108  }
0x21: {  	s3 =	sadd.s32 s3, s9;
	s6 =	sadd.s32 @!p0 $0x88, s6;
	s7 =	simm.s32 @p2 $0x1082  }
0x22: {  	[simem:s7], [sflag:s8] =	dma.local @!p0 [hbm:s6], $0xF7A  }
0x23: {  	s9 =	sor.u32 $0xD0000000, s2;
	s6 =	simm.s32 $0x108;
	_ =	swait.ge @!p0 [sflag:s8], $0x0  }
0x24: {  	s3 =	sadd.s32 $0x88, s3;
	s6 =	simm.s32 @!p1 $0x1082;
	[sflag:s4] =	ssyncset.s32 $0xFFFFF086  }
0x25: {  	[simem:s6], [sflag:s4] =	dma.local [hbm:s3], $0xF7A  }
0x26: {  	[smem:$0x3F99] =	sst s1;
	(tag) =	ssettag s2;
	_ =	strace s9  }
0x27: {  	s1 =	sld [smem:$0x3FA9]  }
0x28: {  	s2 =	sld [smem:$0x3FAA]  }
0x29: {  	s4 =	sld [smem:$0x3FAC]  }
0x2a: {  	p0 =	seq.s32 s5, $0x0;
	s5 =	sld [smem:$0x3FAD]  }
0x2b: {  	s6 =	sld [smem:$0x3FAE]  }
0x2c: {  	s7 =	sld [smem:$0x3FAF]  }
0x2d: {  	s3 =	simm.s32 $0x108;
	s8 =	sld [smem:$0x3FB0]  }
0x2e: {  	s3 =	simm.s32 @!p0 $0x1082;
	s9 =	sld [smem:$0x3FB1]  }
0x2f: {  	lr =	sadd.s32 s0, s3;
	s0 =	sld [smem:$0x3FA8]  }
0x30: {  	s3 =	sld [smem:$0x3FAB]  }
0x31: {  	[smem:$0x3FB4] =	sst s10  }
0x32: {  	s10 =	sld [smem:$0x3FB2];
	_ =	sdelay $0x3  }
0x33: {  	p0 =	seq.s32 s10, $0x1;
	s10 =	sld [smem:$0x3FB4];
	_ =	sdelay $0x3  }
0x34: {  	[smem:$0x3FB4] =	sst s10  }
0x35: {  	s10 =	sld [smem:$0x3FB3];
	_ =	sdelay $0x3  }
0x36: {  	p1 =	seq.s32 s10, $0x1;
	s10 =	sld [smem:$0x3FB4];
	_ =	sdelay $0x3  }
0x37: {  	[smem:$0x3FB4] =	sst s10  }
0x38: {  	s10 =	sld [smem:$0x3FB5]  }
0x39: {  	_ = 	snop;
	(pc) =	sbr.ind lr, $3  }
0x3a: {  	_ = 	snop  }
0x3b: {  	_ = 	snop  }
0x3c: {  	p2 =	seq.s32 s10, $0x1;
	s10 =	sld [smem:$0x3FB4]  }
0x3d: {  	_ =	shalt  }
0x3e: {  	_ =	shalt  }
0x3f: {  	_ =	shalt  }
0x40: {  	_ =	shalt  }
0x41: {  	_ =	shalt  }
0x42: {  	_ =	shalt  }
0x43: {  	_ =	shalt  }
0x44: {  	_ =	shalt  }
0x45: {  	_ =	shalt  }
0x46: {  	_ =	shalt  }
0x47: {  	_ =	shalt  }
0x48: {  	_ =	shalt  }
0x49: {  	_ =	shalt  }
0x4a: {  	_ =	shalt  }
0x4b: {  	_ =	shalt  }
0x4c: {  	_ =	shalt  }
0x4d: {  	_ =	shalt  }
0x4e: {  	_ =	shalt  }
0x4f: {  	_ =	shalt  }
0x50: {  	_ =	shalt  }
0x51: {  	_ =	shalt  }
0x52: {  	_ =	shalt  }
0x53: {  	_ =	shalt  }
0x54: {  	_ =	shalt  }
0x55: {  	_ =	shalt  }
0x56: {  	_ =	shalt  }
0x57: {  	_ =	shalt  }
0x58: {  	_ =	shalt  }
0x59: {  	_ =	shalt  }
0x5a: {  	_ =	shalt  }
0x5b: {  	_ =	shalt  }
0x5c: {  	_ =	shalt  }
0x5d: {  	_ =	shalt  }
0x5e: {  	_ =	shalt  }
0x5f: {  	_ =	shalt  }
0x60: {  	_ =	shalt  }
0x61: {  	_ =	shalt  }
0x62: {  	_ =	shalt  }
0x63: {  	_ =	shalt  }
0x64: {  	_ =	shalt  }
0x65: {  	_ =	shalt  }
0x66: {  	_ =	shalt  }
0x67: {  	_ =	shalt  }
0x68: {  	_ =	shalt  }
0x69: {  	_ =	shalt  }
0x6a: {  	_ =	shalt  }
0x6b: {  	_ =	shalt  }
0x6c: {  	_ =	shalt  }
0x6d: {  	_ =	shalt  }
0x6e: {  	_ =	shalt  }
0x6f: {  	_ =	shalt  }
0x70: {  	_ =	shalt  }
0x71: {  	_ =	shalt  }
0x72: {  	_ =	shalt  }
0x73: {  	_ =	shalt  }
0x74: {  	_ =	shalt  }
0x75: {  	_ =	shalt  }
0x76: {  	_ =	shalt  }
0x77: {  	_ =	shalt  }
0x78: {  	_ =	shalt  }
0x79: {  	_ =	shalt  }
0x7a: {  	_ =	shalt  }
0x7b: {  	_ =	shalt  }
0x7c: {  	_ =	shalt  }
0x7d: {  	_ =	shalt  }
0x7e: {  	_ =	shalt  }
0x7f: {  	_ =	shalt  }
0x80: {  	_ =	shalt  }
0x81: {  	_ =	shalt  }
0x82: {  	_ =	shalt  }
0x83: {  	_ =	shalt  }
0x84: {  	_ =	shalt  }
0x85: {  	_ =	shalt  }
0x86: {  	_ =	shalt  }
0x87: {  	_ =	shalt  }
.Lfunc_end0:
.L_simem_size_0:
called_computation.1_lowered:
.L_overlay_start_0:
0x88: {  	s2 =	sld [smem:$0x3FD9]  }
0x89: {  	s3 =	sld [smem:$0x3FFE];
	_ =	sdelay $0x1  }
0x8a: {  	s1 =	srdreg.scid  }
0x8b: {  	s0 =	sand.u32 $0x1, s1  }
0x8c: {  	s17 =	sshll.u32 s0, $0xA;
	s2 =	sadd.s32 s3, s2  }
0x8d: {  	s2 =	sadd.s32 s2, s17  }
0x8e: {  	[smem:$0x3FC0] =	sst s2  }
0x8f: {  	_ = 	snop  }
0x90: {  	s2 =	sld [smem:$0x3FD0];
	(tm) =	ssettm $0x1  }
0x91: {  	s18 =	sld [smem:$0x3FFB];
	_ =	sdelay $0x3  }
0x92: {  	_ =	strace s18  }
0x93: {  	s3 =	sld [smem:$0x3FFC];
	_ =	sdelay $0x3  }
0x94: {  	_ =	strace s3  }
0x95: {  	s3 =	sld [smem:$0x3FFD];
	_ =	sdelay $0x3  }
0x96: {  	_ =	strace s3  }
0x97: {  	_ =	strace $0x8FFFFFFF  }
0x98: {  	s19 =	sld [smem:$0x3FDB];
	_ =	sdelay $0x1  }
0x99: {  	s4 =	simm.s32 $_scs_section_size  }
0x9a: {  	s5 =	simm.s32 $_size__tile_overlayer_lowered;
	s6 =	simm.s32 $_tile_overlayer_lowered  }
0x9b: {  	s22 =	simm.s32 $0x1BFF;
	s21 =	sshll.u32 s6, $0x1;
	s3 =	sadd.s32 s4, s19  }
0x9c: {  	s7 =	simm.s32 $0x0;
	s20 =	sshll.u32 s5, $0x1;
	s5 =	sadd.s32 s21, s3  }
0x9d: {  	[timem:s7], [sflag:s22] =	dma.local [hbm:s5], s20  }
0x9e: {  	_ =	swait.ge [sflag:s22], s20  }
0x9f: {  	s4 =	ssub.s32 $0x0, s20;
	[sflag:s22] =	ssyncset.done $0x0  }
0xa0: {  	[sflag:s22] =	ssyncadd.s32 s4;
	_ =	sdelay $0x1  }
0xa1: {  	s23 =	simm.s32 $0x1B8B  }
0xa2: {  	_ =	swait.ge [sflag:s23], $0x1  }
0xa3: {  	[sflag:s23] =	ssyncset.done $0x0  }
0xa4: {  	s25 =	simm.s32 $0x1B8E;
	s24 =	sld [smem:$0x3FFE];
	[sflag:s23] =	ssyncadd.s32 $0xFFFFFFFF  }
0xa5: {  	s26 =	simm.s32 $execute0_lowered;
	[smem:$0x3FD2] =	sst s25  }
0xa6: {  	s5 =	sshll.u32 s26, $0x1;
	_ =	strace $0x80000049;
	[dreg:$0x1] =	wrdreg $0xFFFFFFFF  }
0xa7: {  	s28 =	simm.s32 $_size_execute0_lowered;
	s3 =	sadd.s32 s3, s5;
	[dreg:$0x0] =	wrdreg $0x0  }
0xa8: {  	s5 =	sshll.u32 s28, $0x1;
	[dreg:$0x2] =	wrdreg s3  }
0xa9: {  	[dreg:$0x3] =	wrdreg s5  }
0xaa: {  	[dreg:$0x4] =	wrdreg $0xC0  }
0xab: {  	_ =	task [dreg:s7], $0x5FFFF  }
0xac: {  	[dreg:$0x1] =	wrdreg $0xFFFFFFFF  }
0xad: {  	[dreg:$0x0] =	wrdreg $0x60  }
0xae: {  	[dreg:$0x2] =	wrdreg s2  }
0xaf: {  	[dreg:$0x3] =	wrdreg s24  }
0xb0: {  	[dreg:$0x4] =	wrdreg $0x42800  }
0xb1: {  	[dreg:$0x5] =	wrdreg $0x9  }
0xb2: {  	_ =	task.clear_ibuf [dreg:s7], $0x6FFFF;
	_ =	strace $0x90000049  }
0xb3: {  	s29 =	simm.s32 $0x9;
	_ =	strace $0x8000004B  }
0xb4: {  	_ =	swait.ge [sflag:s29], $0x1  }
0xb5: {  	[sflag:s29] =	ssyncadd.s32 $0xFFFFFFFF  }
0xb6: {  	_ =	strace $0x9000004B  }
0xb7: {  	_ =	sfence  }
0xb8: {  	s30 =	sld [smem:$0x0];
	_ =	sdelay $0x2  }
0xb9: {  	s31 =	sshll.u32 s1, $0xD;
	s1 =	sshrl.u32 s1, $0x2  }
0xba: {  	s3 =	sand.u32 $0x4000, s31;
	s1 =	sadd.s32 s1, s30  }
0xbb: {  	s0 =	sor.u32 s3, s0;
	s1 =	sshll.u32 s1, $0x11  }
0xbc: {  	s0 =	sor.u32 s1, s0  }
0xbd: {  	s0 =	sadd.s32 $0x8F2B, s0  }
0xbe: {  	[sflag:s0] =	ssyncadd.remote.s32 $0x1  }
0xbf: {  	_ =	sfence.sel $0xFFFF  }
0xc0: {  	[dreg:$0x0] =	wrdreg $0xFFFFFFFF;
	(pc) =	sbr.abs _section_cstart, $3  }
0xc1: {  	[dreg:$0x1] =	wrdreg $0xFFFFFFFF  }
0xc2: {  	_ =	task.clear_ibuf [dreg:s7], $0x2FFFF;
	_ =	strace $0x9FFFFFFF  }
0xc3: {  	(tm) =	ssettm $0x7FFFFFFF  }
tec
execute0_lowered:
.L_overlay_start_1:
0x0: {  	(tag) =	ssettag $0x1  }
0x1: {  	s1 =	rddreg [dreg:$0x0]  }
0x2: {  	s3 =	rddreg [dreg:$0x1]  }
0x3: {  	s2 =	rddreg [dreg:$0x2];
	s4 =	simm.s32 $0x0;
	s0 =	srdreg.scid  }
0x4: {  	s12 =	stileid.u32;
	s28 =	simm.s32 $0x400;
	s29 =	simm.s32 $0x9  }
0x5: {  	s30 =	simm.s32 $0x80;
	s31 =	simm.s32 $0x7D;
	[smem:$0x7FF] =	sst s4  }
0x6: {  	s6 =	sand.u32 $0x1, s0;
	s0 =	sadd.s32 $0x2200, s3;
	s7 =	smul.u32 $0x27000, s12  }
0x7: {  	s8 =	sadd.s32 $0x16200, s3;
	s9 =	smul.u32 $0x9C00, s12;
	s20 =	sshll.u32 s12, $0x1  }
0x8: {  	s25 =	smul.u32 $0x5000, s12;
	p0 =	sne.s32 s12, $0xF;
	_ =	strace $0x8000004A  }
0x9: {  	s5 =	ssub.s32 $0x2, s6;
	s10 =	sor.u32 s6, s20;
	s13 =	smul.u32 $0x9C400, s6  }
0xa: {  	s6 =	smul.u32 $0x2800, s6;
	s19 =	sshrl.u32 s5, $0x1;
	s7 =	sshrl.u32 s7, $0x2  }
0xb: {  	s10 =	smul.u32 $0x2800, s10;
	s3 =	ssub.s32 s5, s19;
	s7 =	sadd.s32 s7, s2  }
0xc: {  	s5 =	sadd.s32 s9, s2;
	s17 =	sadd.s32 s9, s13;
	s11 =	sadd.s32 $0x1E00, s7  }
0xd: {  	s6 =	sadd.s32 s6, s25;
	s21 =	sadd.s32 $0x3C00, s7;
	[dreg:$0xc] =	wrdreg s11  }
0xe: {  	s20 =	sshrl.u32 s13, $0x3;
	s22 =	sadd.s32 $0x5A00, s7;
	[dreg:$0xd] =	wrdreg s21  }
0xf: {  	s23 =	sadd.s32 $0x7800, s7;
	s7 =	sadd.s32 $0x9600, s7;
	[dreg:$0xe] =	wrdreg s22  }
0x10: {  	s24 =	sshrl.u32 s10, $0x3;
	s19 =	sadd.s32 $0x50480, s6;
	[dreg:$0xf] =	wrdreg s23  }
0x11: {  	s10 =	sor.u32 $0x400, s6;
	[dreg:$0x10] =	wrdreg s7;
	s14 =	sadd.s32 s0, s24  }
0x12: {  	s11 =	sadd.s32 $0x9C000, s2;
	s7 =	sadd.s32 $0xA000, s14;
	[dreg:$0x11] =	wrdreg s14  }
0x13: {  	s9 =	sshrl.u32 s19, $0x3;
	s26 =	sadd.s32 $0x10, s14;
	[dreg:$0x12] =	wrdreg s7  }
0x14: {  	s22 =	sor.u32 $0x480, s6;
	s15 =	sadd.s32 $0xA010, s14;
	[dreg:$0x13] =	wrdreg s26  }
0x15: {  	s24 =	sadd.s32 $0x50400, s6;
	s16 =	sadd.s32 $0x20, s14;
	[dreg:$0x14] =	wrdreg s15  }
0x16: {  	s18 =	sadd.s32 $0xA020, s14;
	s21 =	sadd.s32 s9, s0;
	[dreg:$0x15] =	wrdreg s16  }
0x17: {  	s23 =	sshrl.u32 s22, $0x3;
	s9 =	sshrl.u32 s24, $0x3;
	[dreg:$0x16] =	wrdreg s18  }
0x18: {  	s22 =	sadd.s32 $0xA040, s14;
	s7 =	sshrl.u32 s17, $0x3;
	[dreg:$0x4] =	wrdreg s21  }
0x19: {  	s25 =	sadd.s32 s9, s0;
	s26 =	sshrl.u32 s10, $0x3;
	s10 =	sadd.s32 $0x50380, s6  }
0x1a: {  	s15 =	sor.u32 $0x380, s6;
	s16 =	sadd.s32 $0x30, s14;
	s18 =	sadd.s32 $0x50300, s6  }
0x1b: {  	s6 =	sor.u32 $0x300, s6;
	s21 =	sadd.s32 $0x40, s14;
	[dreg:$0x1b] =	wrdreg s22  }
0x1c: {  	s7 =	sadd.s32 s8, s7;
	[dreg:$0x6] =	wrdreg s25;
	s9 =	sadd.s32 s26, s0  }
0x1d: {  	s13 =	sshrl.u32 s10, $0x3;
	[dreg:$0x18] =	wrdreg s16;
	s19 =	sshrl.u32 s18, $0x3  }
0x1e: {  	s6 =	sshrl.u32 s6, $0x3;
	[dreg:$0x1a] =	wrdreg s21;
	s25 =	smax.u32 s3, $0x1  }
0x1f: {  	s26 =	sadd.s32 $0xA050, s14;
	s3 =	simm.s32 $0x180;
	s10 =	simm.s32 $0x300  }
0x20: {  	s16 =	simm.s32 $0x7;
	s18 =	simm.s32 $0x4;
	[dreg:$0x17] =	wrdreg s7  }
0x21: {  	s21 =	simm.s32 $0x0;
	s7 =	sadd.s32 s8, s20;
	[dreg:$0x7] =	wrdreg s9  }
0x22: {  	s8 =	sadd.s32 s23, s0;
	s9 =	sshrl.u32 s15, $0x3;
	[dreg:$0x1e] =	wrdreg s25  }
0x23: {  	s20 =	sadd.s32 $0xA030, s14;
	s23 =	sadd.s32 $0x50, s14;
	[dreg:$0x1f] =	wrdreg s26  }
0x24: {  	s14 =	simm.s32 $0x5;
	s15 =	simm.s32 $0x3;
	[dreg:$0x5] =	wrdreg s8  }
0x25: {  	s8 =	sadd.s32 s13, s0;
	s17 =	sadd.s32 s9, s0;
	[dreg:$0x19] =	wrdreg s20  }
0x26: {  	[dreg:$0x1c] =	wrdreg s23;
	s24 =	sadd.s32 $0x13800, s7;
	s7 =	simm.s32 $0x280  }
0x27: {  	s9 =	simm.s32 $0x2340;
	s13 =	simm.s32 $0x380;
	[dreg:$0x8] =	wrdreg s8  }
0x28: {  	s20 =	simm.s32 $0x1;
	[dreg:$0x9] =	wrdreg s17;
	s8 =	sadd.s32 s19, s0  }
0x29: {  	s0 =	sadd.s32 s6, s0;
	[dreg:$0x1d] =	wrdreg s24;
	s6 =	simm.s32 $0x200  }
0x2a: {  	s17 =	simm.s32 $0x6;
	s19 =	simm.s32 $0x8;
	[dreg:$0xa] =	wrdreg s8  }
0x2b: {  	v0 =	vimm.f32 $0.0e+00;
	[dreg:$0xb] =	wrdreg s0;
	s0 =	simm.s32 $0x100;
	s8 =	simm.s32 $0x2  }
.LBB2_1:
0x2c: {  	s23 =	simm.s32 $0x100;
	s22 =	simm.s32 $0x0  }
.LBB2_2:
0x2d: {  	p1 =	sne.s32 s23, $0x7C00;
	[tilespmem:s22+$0x430] =	vst v0;
	s24 =	smov.u32 s23;
	s23 =	sadd.s32 $0x100, s23  }
.Ltmp0:
0x2e: {  	[tilespmem:s22+$0x420] =	vst v0;
	(pc) =	sbr.rel @p1 .LBB2_2-.Ltmp0, $3  }
0x2f: {  	[tilespmem:s22+$0x400] =	vst v0  }
0x30: {  	[tilespmem:s22+$0x410] =	vst v0;
	_ =	sdelay $0x1  }
0x31: {  	s22 =	sshra.s32 s24, $0x2  }
0x32: {  	[tilespmem:s22+$0x430] =	vst v0  }
0x33: {  	[tilespmem:s22+$0x420] =	vst v0  }
0x34: {  	[tilespmem:s22+$0x400] =	vst v0  }
0x35: {  	[tilespmem:s22+$0x410] =	vst v0  }
0x36: {  	[spmem:s5] =	stream.linear.scatter [tilespmem:s28], [sflag:$0x9], $0x1E00, $0x38;
	[tilespmem:$0xDEC0] =	vst v63  }
0x37: {  	_ =	swait.ge [sflag:s29], $0x1E00  }
0x38: {  	[sflag:s29] =	ssyncset.done $0x0  }
0x39: {  	s12 =	rddreg [dreg:$0xc];
	[sflag:s29] =	ssyncadd.s32 $0xFFFFE200  }
0x3a: {  	[spmem:s12] =	stream.linear.scatter [tilespmem:s28], [sflag:$0x9], $0x1E00, $0x38;
	[tilespmem:$0xDEC0] =	vst v63  }
0x3b: {  	_ =	swait.ge [sflag:s29], $0x1E00  }
0x3c: {  	[sflag:s29] =	ssyncset.done $0x0  }
0x3d: {  	s24 =	rddreg [dreg:$0xd];
	[sflag:s29] =	ssyncadd.s32 $0xFFFFE200  }
0x3e: {  	[spmem:s24] =	stream.linear.scatter [tilespmem:s28], [sflag:$0x9], $0x1E00, $0x38;
	[tilespmem:$0xDEC0] =	vst v63  }
0x3f: {  	_ =	swait.ge [sflag:s29], $0x1E00  }
0x40: {  	[sflag:s29] =	ssyncset.done $0x0  }
0x41: {  	s25 =	rddreg [dreg:$0xe];
	[sflag:s29] =	ssyncadd.s32 $0xFFFFE200  }
0x42: {  	[spmem:s25] =	stream.linear.scatter [tilespmem:s28], [sflag:$0x9], $0x1E00, $0x38;
	[tilespmem:$0xDEC0] =	vst v63  }
0x43: {  	_ =	swait.ge [sflag:s29], $0x1E00  }
0x44: {  	[sflag:s29] =	ssyncset.done $0x0  }
0x45: {  	s26 =	rddreg [dreg:$0xf];
	[sflag:s29] =	ssyncadd.s32 $0xFFFFE200  }
0x46: {  	[spmem:s26] =	stream.linear.scatter [tilespmem:s28], [sflag:$0x9], $0x1E00, $0x38;
	[tilespmem:$0xDEC0] =	vst v63  }
0x47: {  	_ =	swait.ge [sflag:s29], $0x1E00  }
0x48: {  	[sflag:s29] =	ssyncset.done $0x0  }
0x49: {  	s22 =	rddreg [dreg:$0x10];
	[sflag:s29] =	ssyncadd.s32 $0xFFFFE200  }
0x4a: {  	[spmem:s22] =	stream.linear.scatter [tilespmem:s28], [sflag:$0x9], $0x600, $0x38;
	[tilespmem:$0xDEC0] =	vst v63  }
0x4b: {  	_ =	swait.ge [sflag:s29], $0x600  }
0x4c: {  	[sflag:s29] =	ssyncset.done $0x0  }
0x4d: {  	s22 =	simm.s32 @!p0 $0x400;
	[sflag:s29] =	ssyncadd.s32 $0xFFFFFA00  }
0x4e: {  	[spmem:s11] =	stream.linear.scatter @!p0 [tilespmem:s22], [sflag:$0x9], $0x400, $0x38;
	[tilespmem:$0xDEC0] =	vst v63  }
0x4f: {  	s22 =	simm.s32 @!p0 $0x9  }
0x50: {  	_ =	swait.ge @!p0 [sflag:s22], $0x400  }
0x51: {  	[sflag:s22] =	ssyncset.done @!p0 $0x0  }
0x52: {  	[sflag:s22] =	ssyncadd.s32 @!p0 $0xFFFFFC00  }
0x53: {  	[bflag:$0x0] =	sbarrier.arrive $0xFFFF  }
0x54: {  	s22 =	simm.s32 $0x0;
	s23 =	rddreg [dreg:$0x11]  }
0x55: {  	[tilespmem:s22], [sflag:$0x9] =	stream.linear.gather [hbm4b:s23+s22], $0x80, $0x38;
	[tilespmem:$0xDEC0] =	vst v63  }
0x56: {  	_ =	swait.ge [sflag:s29], $0x80  }
0x57: {  	[sflag:s29] =	ssyncset.done $0x0  }
0x58: {  	s24 =	rddreg [dreg:$0x12];
	[sflag:s29] =	ssyncadd.s32 $0xFFFFFF80  }
0x59: {  	[tilespmem:s30], [sflag:$0x9] =	stream.linear.gather [hbm4b:s24+s22], $0x80, $0x38;
	[tilespmem:$0xDEC0] =	vst v63  }
0x5a: {  	_ =	swait.ge [sflag:s29], $0x80  }
0x5b: {  	[sflag:s29] =	ssyncset.done $0x0  }
0x5c: {  	[sflag:s29] =	ssyncadd.s32 $0xFFFFFF80  }
0x5d: {  	[tilespmem:s28], [sflag:$0x5] =	stream.indirect.gather [hbm4b:s1+s31], $0x40, s22, s31, $0xb8;
	[tilespmem:$0xDEC0] =	vst v63  }
0x5e: {  	s25 =	rddreg [dreg:$0x13]  }
0x5f: {  	[tilespmem:s0], [sflag:$0x2] =	stream.linear.gather [hbm4b:s25+s22], $0x80, $0x38;
	[tilespmem:$0xDEC0] =	vst v63  }
0x60: {  	s26 =	rddreg [dreg:$0x14]  }
0x61: {  	[tilespmem:s3], [sflag:$0x2] =	stream.linear.gather [hbm4b:s26+s22], $0x80, $0x38;
	[tilespmem:$0xDEC0] =	vst v63  }
0x62: {  	s23 =	rddreg [dreg:$0x15]  }
0x63: {  	[tilespmem:s6], [sflag:$0x3] =	stream.linear.gather [hbm4b:s23+s22], $0x80, $0x38;
	[tilespmem:$0xDEC0] =	vst v63  }
0x64: {  	s24 =	rddreg [dreg:$0x16]  }
0x65: {  	[tilespmem:s7], [sflag:$0x3] =	stream.linear.gather [hbm4b:s24+s22], $0x80, $0x38;
	[tilespmem:$0xDEC0] =	vst v63  }
0x66: {  	_ =	swait.ge [sflag:s8], $0x80  }
0x67: {  	[sflag:s8] =	ssyncset.done $0x0  }
0x68: {  	[sflag:s8] =	ssyncadd.s32 $0xFFFFFF80  }
0x69: {  	_ =	swait.ge [sflag:s8], $0x80  }
0x6a: {  	[sflag:s8] =	ssyncset.done $0x0  }
0x6b: {  	[sflag:s8] =	ssyncadd.s32 $0xFFFFFF80  }
0x6c: {  	[tilespmem:s9], [sflag:$0x6] =	stream.indirect.gather [hbm4b:s1+s31], $0x40, s0, s31, $0xb8;
	[tilespmem:$0xDEC0] =	vst v63  }
0x6d: {  	s25 =	rddreg [dreg:$0x18]  }
0x6e: {  	[tilespmem:s10], [sflag:$0x4] =	stream.linear.gather [hbm4b:s25+s22], $0x80, $0x38;
	[tilespmem:$0xDEC0] =	vst v63  }
0x6f: {  	s26 =	rddreg [dreg:$0x19]  }
0x70: {  	[tilespmem:s13], [sflag:$0x4] =	stream.linear.gather [hbm4b:s26+s22], $0x80, $0x38;
	[tilespmem:$0xDEC0] =	vst v63  }
0x71: {  	_ =	swait.ge [sflag:s14], $0x1F40  }
0x72: {  	[sflag:s14] =	ssyncset.done $0x0  }
0x73: {  	[sflag:s14] =	ssyncadd.s32 $0xFFFFE0C0  }
0x74: {  	[spmem:s2] =	stream.indirect.scatter.add.f32 [tilespmem:s28], [sflag:$0x7], $0x40, s30, s31, $0xb8;
	[tilespmem:$0xDEC0] =	vst v63  }
0x75: {  	_ =	swait.ge [sflag:s15], $0x80  }
0x76: {  	[sflag:s15] =	ssyncset.done $0x0  }
0x77: {  	[sflag:s15] =	ssyncadd.s32 $0xFFFFFF80  }
0x78: {  	_ =	swait.ge [sflag:s15], $0x80  }
0x79: {  	[sflag:s15] =	ssyncset.done $0x0  }
0x7a: {  	[sflag:s15] =	ssyncadd.s32 $0xFFFFFF80  }
0x7b: {  	_ =	swait.ge [sflag:s16], $0x1F40  }
0x7c: {  	[sflag:s16] =	ssyncset.done $0x0  }
0x7d: {  	[sflag:s16] =	ssyncadd.s32 $0xFFFFE0C0  }
0x7e: {  	[tilespmem:s28], [sflag:$0x5] =	stream.indirect.gather [hbm4b:s1+s31], $0x40, s6, s31, $0xb8;
	[tilespmem:$0xDEC0] =	vst v63  }
0x7f: {  	s23 =	rddreg [dreg:$0x1a]  }
0x80: {  	[tilespmem:s22], [sflag:$0x1] =	stream.linear.gather [hbm4b:s23+s22], $0x80, $0x38;
	[tilespmem:$0xDEC0] =	vst v63  }
0x81: {  	s24 =	rddreg [dreg:$0x1b]  }
0x82: {  	[tilespmem:s30], [sflag:$0x1] =	stream.linear.gather [hbm4b:s24+s22], $0x80, $0x38;
	[tilespmem:$0xDEC0] =	vst v63  }
0x83: {  	_ =	swait.ge [sflag:s17], $0x1F40  }
0x84: {  	[sflag:s17] =	ssyncset.done $0x0  }
0x85: {  	[sflag:s17] =	ssyncadd.s32 $0xFFFFE0C0  }
0x86: {  	[spmem:s2] =	stream.indirect.scatter.add.f32 [tilespmem:s9], [sflag:$0x8], $0x40, s3, s31, $0xb8;
	[tilespmem:$0xDEC0] =	vst v63  }
0x87: {  	_ =	swait.ge [sflag:s18], $0x80  }
0x88: {  	[sflag:s18] =	ssyncset.done $0x0  }
0x89: {  	[sflag:s18] =	ssyncadd.s32 $0xFFFFFF80  }
0x8a: {  	_ =	swait.ge [sflag:s18], $0x80  }
0x8b: {  	[sflag:s18] =	ssyncset.done $0x0  }
0x8c: {  	[sflag:s18] =	ssyncadd.s32 $0xFFFFFF80  }
0x8d: {  	_ =	swait.ge [sflag:s19], $0x1F40  }
0x8e: {  	[sflag:s19] =	ssyncset.done $0x0  }
0x8f: {  	[sflag:s19] =	ssyncadd.s32 $0xFFFFE0C0  }
0x90: {  	[tilespmem:s9], [sflag:$0x6] =	stream.indirect.gather [hbm4b:s1+s31], $0x40, s10, s31, $0xb8;
	[tilespmem:$0xDEC0] =	vst v63  }
0x91: {  	s25 =	rddreg [dreg:$0x1c]  }
0x92: {  	[tilespmem:s0], [sflag:$0x2] =	stream.linear.gather [hbm4b:s25+s22], $0x80, $0x38;
	[tilespmem:$0xDEC0] =	vst v63  }
0x93: {  	s26 =	rddreg [dreg:$0x1f]  }
0x94: {  	[tilespmem:s3], [sflag:$0x2] =	stream.linear.gather [hbm4b:s26+s22], $0x80, $0x38;
	[tilespmem:$0xDEC0] =	vst v63  }
0x95: {  	_ =	swait.ge [sflag:s14], $0x1F40  }
0x96: {  	[sflag:s14] =	ssyncset.done $0x0  }
0x97: {  	[sflag:s14] =	ssyncadd.s32 $0xFFFFE0C0  }
0x98: {  	[spmem:s2] =	stream.indirect.scatter.add.f32 [tilespmem:s28], [sflag:$0x7], $0x40, s7, s31, $0xb8;
	[tilespmem:$0xDEC0] =	vst v63  }
0x99: {  	_ =	swait.ge [sflag:s20], $0x80  }
0x9a: {  	[sflag:s20] =	ssyncset.done $0x0  }
0x9b: {  	[sflag:s20] =	ssyncadd.s32 $0xFFFFFF80  }
0x9c: {  	_ =	swait.ge [sflag:s20], $0x80  }
0x9d: {  	[sflag:s20] =	ssyncset.done $0x0  }
0x9e: {  	[sflag:s20] =	ssyncadd.s32 $0xFFFFFF80  }
0x9f: {  	_ =	swait.ge [sflag:s16], $0x1F40  }
0xa0: {  	[sflag:s16] =	ssyncset.done $0x0  }
0xa1: {  	s12 =	rddreg [dreg:$0xb];
	[sflag:s16] =	ssyncadd.s32 $0xFFFFE0C0  }
0xa2: {  	[tilespmem:s28], [sflag:$0x5] =	stream.indirect.gather [hbm4b:s1+s31], $0x40, s4, s31, $0xb8;
	[tilespmem:$0xDEC0] =	vst v63  }
0xa3: {  	s23 =	rddreg [dreg:$0xa];
	s22 =	sadd.s32 $0x0, s12  }
0xa4: {  	[tilespmem:s6], [sflag:$0x3] =	stream.linear.gather [hbm4b:s22+s4], $0x80, $0x38;
	[tilespmem:$0xDEC0] =	vst v63  }
0xa5: {  	s23 =	sadd.s32 $0x0, s23  }
0xa6: {  	[tilespmem:s7], [sflag:$0x3] =	stream.linear.gather [hbm4b:s23+s4], $0x80, $0x38;
	[tilespmem:$0xDEC0] =	vst v63  }
0xa7: {  	_ =	swait.ge [sflag:s17], $0x1F40  }
0xa8: {  	[sflag:s17] =	ssyncset.done $0x0  }
0xa9: {  	[sflag:s17] =	ssyncadd.s32 $0xFFFFE0C0  }
0xaa: {  	[spmem:s2] =	stream.indirect.scatter.add.f32 [tilespmem:s9], [sflag:$0x8], $0x40, s13, s31, $0xb8;
	[tilespmem:$0xDEC0] =	vst v63  }
0xab: {  	_ =	swait.ge [sflag:s8], $0x80  }
0xac: {  	[sflag:s8] =	ssyncset.done $0x0  }
0xad: {  	[sflag:s8] =	ssyncadd.s32 $0xFFFFFF80  }
0xae: {  	_ =	swait.ge [sflag:s8], $0x80  }
0xaf: {  	[sflag:s8] =	ssyncset.done $0x0  }
0xb0: {  	[sflag:s8] =	ssyncadd.s32 $0xFFFFFF80  }
0xb1: {  	_ =	swait.ge [sflag:s19], $0x1F40  }
0xb2: {  	[sflag:s19] =	ssyncset.done $0x0  }
0xb3: {  	s24 =	rddreg [dreg:$0x9];
	[sflag:s19] =	ssyncadd.s32 $0xFFFFE0C0  }
0xb4: {  	[tilespmem:s9], [sflag:$0x6] =	stream.indirect.gather [hbm4b:s1+s31], $0x40, s0, s31, $0xb8;
	[tilespmem:$0xDEC0] =	vst v63  }
0xb5: {  	s25 =	rddreg [dreg:$0x8];
	s22 =	sadd.s32 $0x0, s24  }
0xb6: {  	[tilespmem:s10], [sflag:$0x4] =	stream.linear.gather [hbm4b:s22+s4], $0x80, $0x38;
	[tilespmem:$0xDEC0] =	vst v63  }
0xb7: {  	s26 =	sadd.s32 $0x0, s25  }
0xb8: {  	[tilespmem:s13], [sflag:$0x4] =	stream.linear.gather [hbm4b:s26+s4], $0x80, $0x38;
	[tilespmem:$0xDEC0] =	vst v63  }
0xb9: {  	_ =	swait.ge [sflag:s14], $0x1F40  }
0xba: {  	[sflag:s14] =	ssyncset.done $0x0  }
0xbb: {  	[sflag:s14] =	ssyncadd.s32 $0xFFFFE0C0  }
0xbc: {  	[spmem:s2] =	stream.indirect.scatter.add.f32 [tilespmem:s28], [sflag:$0x7], $0x40, s30, s31, $0xb8;
	[tilespmem:$0xDEC0] =	vst v63  }
0xbd: {  	_ =	swait.ge [sflag:s15], $0x80  }
0xbe: {  	[sflag:s15] =	ssyncset.done $0x0  }
0xbf: {  	[sflag:s15] =	ssyncadd.s32 $0xFFFFFF80  }
0xc0: {  	_ =	swait.ge [sflag:s15], $0x80  }
0xc1: {  	[sflag:s15] =	ssyncset.done $0x0  }
0xc2: {  	[sflag:s15] =	ssyncadd.s32 $0xFFFFFF80  }
0xc3: {  	_ =	swait.ge [sflag:s16], $0x1F40  }
0xc4: {  	[sflag:s16] =	ssyncset.done $0x0  }
0xc5: {  	p1 =	por $0x0, $0x0;
	s22 =	rddreg [dreg:$0x7];
	[sflag:s16] =	ssyncadd.s32 $0xFFFFE0C0  }
0xc6: {  	[tilespmem:s28], [sflag:$0x5] =	stream.indirect.gather [hbm4b:s1+s31], $0x40, s6, s31, $0xb8;
	[tilespmem:$0xDEC0] =	vst v63  }
0xc7: {  	s24 =	simm.s32 @!p1 $0x0;
	s23 =	rddreg [dreg:$0x6];
	s22 =	sadd.s32 @!p1 $0x0, s22  }
0xc8: {  	[tilespmem:s24], [sflag:$0x1] =	stream.linear.gather @!p1 [hbm4b:s22+s24], $0x80, $0x38;
	[tilespmem:$0xDEC0] =	vst v63  }
0xc9: {  	s22 =	sadd.s32 @!p1 $0x0, s23;
	s23 =	simm.s32 @!p1 $0x80  }
0xca: {  	[tilespmem:s23], [sflag:$0x1] =	stream.linear.gather @!p1 [hbm4b:s22+s24], $0x80, $0x38;
	[tilespmem:$0xDEC0] =	vst v63  }
0xcb: {  	_ =	swait.ge [sflag:s17], $0x1F40  }
0xcc: {  	[sflag:s17] =	ssyncset.done $0x0  }
0xcd: {  	[sflag:s17] =	ssyncadd.s32 $0xFFFFE0C0  }
0xce: {  	[spmem:s2] =	stream.indirect.scatter.add.f32 [tilespmem:s9], [sflag:$0x8], $0x40, s3, s31, $0xb8;
	[tilespmem:$0xDEC0] =	vst v63  }
0xcf: {  	_ =	swait.ge [sflag:s18], $0x80  }
0xd0: {  	[sflag:s18] =	ssyncset.done $0x0  }
0xd1: {  	[sflag:s18] =	ssyncadd.s32 $0xFFFFFF80  }
0xd2: {  	_ =	swait.ge [sflag:s18], $0x80  }
0xd3: {  	[sflag:s18] =	ssyncset.done $0x0  }
0xd4: {  	[sflag:s18] =	ssyncadd.s32 $0xFFFFFF80  }
0xd5: {  	_ =	swait.ge [sflag:s19], $0x1F40  }
0xd6: {  	[sflag:s19] =	ssyncset.done $0x0  }
0xd7: {  	s22 =	rddreg [dreg:$0x5];
	[sflag:s19] =	ssyncadd.s32 $0xFFFFE0C0  }
0xd8: {  	[tilespmem:s9], [sflag:$0x6] =	stream.indirect.gather [hbm4b:s1+s31], $0x40, s10, s31, $0xb8;
	[tilespmem:$0xDEC0] =	vst v63  }
0xd9: {  	s25 =	simm.s32 @!p1 $0x100;
	s23 =	rddreg [dreg:$0x4];
	s22 =	sadd.s32 @!p1 $0x0, s22  }
0xda: {  	[tilespmem:s25], [sflag:$0x2] =	stream.linear.gather @!p1 [hbm4b:s22+s24], $0x80, $0x38;
	[tilespmem:$0xDEC0] =	vst v63  }
0xdb: {  	s22 =	sadd.s32 @!p1 $0x0, s23;
	s23 =	simm.s32 @!p1 $0x180  }
0xdc: {  	[tilespmem:s23], [sflag:$0x2] =	stream.linear.gather @!p1 [hbm4b:s22+s24], $0x80, $0x38;
	[tilespmem:$0xDEC0] =	vst v63  }
0xdd: {  	_ =	swait.ge [sflag:s14], $0x1F40  }
0xde: {  	[sflag:s14] =	ssyncset.done $0x0  }
0xdf: {  	s22 =	simm.s32 $0x40;
	[sflag:s14] =	ssyncadd.s32 $0xFFFFE0C0  }
.LBB2_4:
0xe0: {  	[spmem:s2] =	stream.indirect.scatter.add.f32 [tilespmem:s28], [sflag:$0x7], $0x40, s7, s31, $0xb8;
	[tilespmem:$0xDEC0] =	vst v63  }
0xe1: {  	_ =	swait.ge [sflag:s20], $0x80  }
0xe2: {  	[sflag:s20] =	ssyncset.done $0x0  }
0xe3: {  	[sflag:s20] =	ssyncadd.s32 $0xFFFFFF80  }
0xe4: {  	_ =	swait.ge [sflag:s20], $0x80  }
0xe5: {  	[sflag:s20] =	ssyncset.done $0x0  }
0xe6: {  	[sflag:s20] =	ssyncadd.s32 $0xFFFFFF80  }
0xe7: {  	_ =	swait.ge [sflag:s16], $0x1F40  }
0xe8: {  	[sflag:s16] =	ssyncset.done $0x0  }
0xe9: {  	s23 =	smov.u32 s22;
	s24 =	rddreg [dreg:$0xb];
	[sflag:s16] =	ssyncadd.s32 $0xFFFFE0C0  }
0xea: {  	[tilespmem:s28], [sflag:$0x5] =	stream.indirect.gather [hbm4b:s1+s31], $0x40, s4, s31, $0xb8;
	[tilespmem:$0xDEC0] =	vst v63  }
0xeb: {  	s25 =	rddreg [dreg:$0xa];
	s24 =	sadd.s32 s23, s24  }
0xec: {  	[tilespmem:s6], [sflag:$0x3] =	stream.linear.gather [hbm4b:s24+s4], $0x80, $0x38;
	[tilespmem:$0xDEC0] =	vst v63  }
0xed: {  	s25 =	sadd.s32 s23, s25  }
0xee: {  	[tilespmem:s7], [sflag:$0x3] =	stream.linear.gather [hbm4b:s25+s4], $0x80, $0x38;
	[tilespmem:$0xDEC0] =	vst v63  }
0xef: {  	_ =	swait.ge [sflag:s17], $0x1F40  }
0xf0: {  	[sflag:s17] =	ssyncset.done $0x0  }
0xf1: {  	[sflag:s17] =	ssyncadd.s32 $0xFFFFE0C0  }
0xf2: {  	[spmem:s2] =	stream.indirect.scatter.add.f32 [tilespmem:s9], [sflag:$0x8], $0x40, s13, s31, $0xb8;
	[tilespmem:$0xDEC0] =	vst v63  }
0xf3: {  	_ =	swait.ge [sflag:s8], $0x80  }
0xf4: {  	[sflag:s8] =	ssyncset.done $0x0  }
0xf5: {  	[sflag:s8] =	ssyncadd.s32 $0xFFFFFF80  }
0xf6: {  	_ =	swait.ge [sflag:s8], $0x80  }
0xf7: {  	[sflag:s8] =	ssyncset.done $0x0  }
0xf8: {  	[sflag:s8] =	ssyncadd.s32 $0xFFFFFF80  }
0xf9: {  	_ =	swait.ge [sflag:s19], $0x1F40  }
0xfa: {  	[sflag:s19] =	ssyncset.done $0x0  }
0xfb: {  	s26 =	rddreg [dreg:$0x9];
	[sflag:s19] =	ssyncadd.s32 $0xFFFFE0C0  }
0xfc: {  	[tilespmem:s9], [sflag:$0x6] =	stream.indirect.gather [hbm4b:s1+s31], $0x40, s0, s31, $0xb8;
	[tilespmem:$0xDEC0] =	vst v63  }
0xfd: {  	s12 =	rddreg [dreg:$0x8];
	s24 =	sadd.s32 s23, s26  }
0xfe: {  	[tilespmem:s10], [sflag:$0x4] =	stream.linear.gather [hbm4b:s24+s4], $0x80, $0x38;
	[tilespmem:$0xDEC0] =	vst v63  }
0xff: {  	s26 =	sadd.s32 s23, s12  }
0x100: {  	[tilespmem:s13], [sflag:$0x4] =	stream.linear.gather [hbm4b:s26+s4], $0x80, $0x38;
	[tilespmem:$0xDEC0] =	vst v63  }
0x101: {  	_ =	swait.ge [sflag:s14], $0x1F40  }
0x102: {  	[sflag:s14] =	ssyncset.done $0x0  }
0x103: {  	[sflag:s14] =	ssyncadd.s32 $0xFFFFE0C0  }
0x104: {  	[spmem:s2] =	stream.indirect.scatter.add.f32 [tilespmem:s28], [sflag:$0x7], $0x40, s30, s31, $0xb8;
	[tilespmem:$0xDEC0] =	vst v63  }
0x105: {  	_ =	swait.ge [sflag:s15], $0x80  }
0x106: {  	[sflag:s15] =	ssyncset.done $0x0  }
0x107: {  	[sflag:s15] =	ssyncadd.s32 $0xFFFFFF80  }
0x108: {  	_ =	swait.ge [sflag:s15], $0x80  }
0x109: {  	[sflag:s15] =	ssyncset.done $0x0  }
0x10a: {  	[sflag:s15] =	ssyncadd.s32 $0xFFFFFF80  }
0x10b: {  	_ =	swait.ge [sflag:s16], $0x1F40  }
0x10c: {  	[sflag:s16] =	ssyncset.done $0x0  }
0x10d: {  	p2 =	seq.s32 s23, $0x480;
	s24 =	rddreg [dreg:$0x7];
	[sflag:s16] =	ssyncadd.s32 $0xFFFFE0C0  }
0x10e: {  	[tilespmem:s28], [sflag:$0x5] =	stream.indirect.gather [hbm4b:s1+s31], $0x40, s6, s31, $0xb8;
	[tilespmem:$0xDEC0] =	vst v63  }
0x10f: {  	s26 =	simm.s32 @!p2 $0x0;
	s25 =	rddreg [dreg:$0x6];
	s24 =	sadd.s32 @!p2 s23, s24  }
0x110: {  	[tilespmem:s26], [sflag:$0x1] =	stream.linear.gather @!p2 [hbm4b:s24+s26], $0x80, $0x38;
	[tilespmem:$0xDEC0] =	vst v63  }
0x111: {  	s24 =	sadd.s32 @!p2 s23, s25;
	s25 =	simm.s32 @!p2 $0x80  }
0x112: {  	[tilespmem:s25], [sflag:$0x1] =	stream.linear.gather @!p2 [hbm4b:s24+s26], $0x80, $0x38;
	[tilespmem:$0xDEC0] =	vst v63  }
0x113: {  	_ =	swait.ge [sflag:s17], $0x1F40  }
0x114: {  	[sflag:s17] =	ssyncset.done $0x0  }
0x115: {  	[sflag:s17] =	ssyncadd.s32 $0xFFFFE0C0  }
0x116: {  	[spmem:s2] =	stream.indirect.scatter.add.f32 [tilespmem:s9], [sflag:$0x8], $0x40, s3, s31, $0xb8;
	[tilespmem:$0xDEC0] =	vst v63  }
0x117: {  	_ =	swait.ge [sflag:s18], $0x80  }
0x118: {  	[sflag:s18] =	ssyncset.done $0x0  }
0x119: {  	[sflag:s18] =	ssyncadd.s32 $0xFFFFFF80  }
0x11a: {  	_ =	swait.ge [sflag:s18], $0x80  }
0x11b: {  	[sflag:s18] =	ssyncset.done $0x0  }
0x11c: {  	[sflag:s18] =	ssyncadd.s32 $0xFFFFFF80  }
0x11d: {  	_ =	swait.ge [sflag:s19], $0x1F40  }
0x11e: {  	s22 =	sadd.s32 $0x40, s22;
	[sflag:s19] =	ssyncset.done $0x0  }
0x11f: {  	p1 =	sne.s32 s22, $0x4C0;
	s24 =	rddreg [dreg:$0x5];
	[sflag:s19] =	ssyncadd.s32 $0xFFFFE0C0  }
0x120: {  	[tilespmem:s9], [sflag:$0x6] =	stream.indirect.gather [hbm4b:s1+s31], $0x40, s10, s31, $0xb8;
	[tilespmem:$0xDEC0] =	vst v63  }
0x121: {  	s12 =	simm.s32 @!p2 $0x100;
	s25 =	rddreg [dreg:$0x4];
	s24 =	sadd.s32 @!p2 s23, s24  }
0x122: {  	[tilespmem:s12], [sflag:$0x2] =	stream.linear.gather @!p2 [hbm4b:s24+s26], $0x80, $0x38;
	[tilespmem:$0xDEC0] =	vst v63  }
.Ltmp1:
0x123: {  	s12 =	sadd.s32 @!p2 s23, s25;
	s23 =	simm.s32 @!p2 $0x180;
	(pc) =	sbr.rel @p1 .LBB2_4-.Ltmp1, $4  }
0x124: {  	[tilespmem:s23], [sflag:$0x2] =	stream.linear.gather @!p2 [hbm4b:s12+s26], $0x80, $0x38;
	[tilespmem:$0xDEC0] =	vst v63  }
0x125: {  	_ =	swait.ge [sflag:s14], $0x1F40  }
0x126: {  	[sflag:s14] =	ssyncset.done $0x0  }
0x127: {  	[sflag:s14] =	ssyncadd.s32 $0xFFFFE0C0  }
0x128: {  	[spmem:s2] =	stream.indirect.scatter.add.f32 [tilespmem:s28], [sflag:$0x7], $0x40, s7, s31, $0xb8;
	[tilespmem:$0xDEC0] =	vst v63  }
0x129: {  	_ =	swait.ge [sflag:s16], $0x1F40  }
0x12a: {  	[sflag:s16] =	ssyncset.done $0x0  }
0x12b: {  	[sflag:s16] =	ssyncadd.s32 $0xFFFFE0C0  }
0x12c: {  	_ =	swait.ge [sflag:s17], $0x1F40  }
0x12d: {  	[sflag:s17] =	ssyncset.done $0x0  }
0x12e: {  	[sflag:s17] =	ssyncadd.s32 $0xFFFFE0C0  }
0x12f: {  	[spmem:s2] =	stream.indirect.scatter.add.f32 [tilespmem:s9], [sflag:$0x8], $0x40, s13, s31, $0xb8;
	[tilespmem:$0xDEC0] =	vst v63  }
0x130: {  	_ =	swait.ge [sflag:s19], $0x1F40  }
0x131: {  	[sflag:s19] =	ssyncset.done $0x0  }
0x132: {  	s12 =	stileid.u32;
	[sflag:s19] =	ssyncadd.s32 $0xFFFFE0C0  }
0x133: {  	s12 =	sshll.u32 s12, $0x6;
	[bflag:$0x0] =	sbarrier.arrive $0xFFFF  }
0x134: {  	s22 =	sshrl.u32 s5, $0x3;
	s12 =	sor.u32 $0x1C09, s12;
	s23 =	rddreg [dreg:$0x17]  }
0x135: {  	[hbm:s23], [sflag:s12] =	dma.local [spmem:s22], $0x1380  }
0x136: {  	_ =	swait.ge [sflag:s29], $0x1380  }
0x137: {  	[sflag:s29] =	ssyncset.done $0x0  }
0x138: {  	s22 =	sshrl.u32 @!p0 s11, $0x3;
	s23 =	rddreg [dreg:$0x1d];
	[sflag:s29] =	ssyncadd.s32 $0xFFFFEC80  }
0x139: {  	[hbm:s23], [sflag:s12] =	dma.local @!p0 [spmem:s22], $0x80  }
0x13a: {  	s12 =	simm.s32 @!p0 $0x9  }
0x13b: {  	_ =	swait.ge @!p0 [sflag:s12], $0x80  }
0x13c: {  	s21 =	sadd.s32 $0x1, s21;
	s26 =	rddreg [dreg:$0x1e]  }
0x13d: {  	p1 =	sne.s32 s21, s26  }
.Ltmp2:
0x13e: {  	_ = 	snop;
	(pc) =	sbr.rel @p1 .LBB2_1-.Ltmp2, $3  }
0x13f: {  	_ =	sdelay $0x1  }
0x140: {  	[sflag:s12] =	ssyncset.done @!p0 $0x0  }
0x141: {  	[sflag:s12] =	ssyncadd.s32 @!p0 $0xFFFFFF80  }
0x142: {  	_ =	sfence.sel $0x180000  }
0x143: {  	[bflag:$0x0] =	sbarrier.arrive $0xFFFF  }
0x144: {  	_ =	strace $0x9000004A  }
0x145: {  	s0 =	stileid.u32;
	[bflag:$0x2] =	sbarrier.arrive $0xFFFF  }
0x146: {  	p0 =	sne.s32 s0, $0x0;
	s0 =	rddreg [dreg:$0x3]  }
0x147: {  	s0 =	sadd.s32 @!p0 $0x100000, s0  }
0x148: {  	[sflag:s0] =	ssyncadd.tile.s32 @!p0 $0x1;
	_ =	shalt  }
.Lfunc_end2:
_tile_overlayer_lowered:
.L_overlay_start_2:
0x149: {  	(tag) =	ssettag $0x2  }
0x14a: {  	s0 =	rddreg [dreg:$0x0];
	s2 =	stileid.u32  }
0x14b: {  	s1 =	rddreg [dreg:$0x1];
	p0 =	sne.s32 s2, $0x0  }
0x14c: {  	s3 =	rddreg [dreg:$0x2];
	[bflag:$0x3] =	sbarrier.arrive $0xFFFF;
	s2 =	simm.s32 @!p0 $0x1C09  }
0x14d: {  	[timem:s3], [sflag:s2] =	dma.local @!p0 [hbm:s0], s1  }
0x14e: {  	s0 =	simm.s32 @!p0 $0x9  }
0x14f: {  	_ =	swait.ge @!p0 [sflag:s0], s1  }
0x150: {  	s1 =	ssub.s32 @!p0 $0x0, s1;
	[sflag:s0] =	ssyncset.done @!p0 $0x0  }
0x151: {  	[sflag:s0] =	ssyncadd.s32 @!p0 s1  }
0x152: {  	[bflag:$0x3] =	sbarrier.arrive $0xFFFF  }
0x153: {  	_ =	shalt  }

</sc_bundles>
